<compile_context>
chip_gen: v7x
topology: tpu7x:2x2x1
jax: 0.10.2.dev20260603
libtpu: 0.0.44.dev20260713+nightly
codegen_flags: <defaults>
</compile_context>

<pallas_src>
import functools

import jax
import jax.numpy as jnp
from jax import lax
from jax.experimental import pallas as pl
from jax.experimental.pallas import tpu as pltpu
from jax.experimental.pallas import tpu_sc as plsc

_N = 10000
_E = 320000
_D = 128
_NC, _NS = 2, 16
_NW = _NC * _NS
_NPAD = 10240
_CHUNK = 128
_NCHUNK = 2560
_BLK = 16
_CPT0 = 152
_CPT1 = _NCHUNK // _NS - _CPT0
_EPAD = _NCHUNK * _CHUNK
_NCHUNK_ALLOC = _NCHUNK + _BLK
_EPT = _EPAD // _NW
_RPT = _NPAD // _NS
_NSUB = 2
_BM = 1024



def _deg_body(dst_hbm, out_hbm, dst_v, deg_v):
    cid = lax.axis_index("c")
    sid = lax.axis_index("s")
    wid = sid * _NC + cid
    pltpu.sync_copy(dst_hbm.at[wid], dst_v)

    def zero(i, carry):
        deg_v[i, :] = jnp.zeros((_NS,), jnp.float32)
        return carry

    lax.fori_loop(0, _RPT, zero, 0)

    ones = jnp.ones((16,), jnp.float32)

    def accum(i, carry):
        idx = dst_v[pl.ds(i * 16, 16)]
        plsc.addupdate_scatter(deg_v, [idx >> 4, idx & 15], ones)
        return carry

    lax.fori_loop(0, _EPT // 16, accum, 0)
    pltpu.sync_copy(deg_v, out_hbm.at[wid])


def _scatter_body(
    y_hbm, src_hbm, dst_hbm, out_hbm, src_ring, dst_ring, buf0, buf1, acc, sem0, sem1
):
    cid = lax.axis_index("c")
    sid = lax.axis_index("s")
    cpt = jnp.where(cid == 0, _CPT0, _CPT1)
    base = jnp.where(cid == 0, sid * _CPT0, _NS * _CPT0 + sid * _CPT1)

    zeros16 = jnp.zeros((16,), jnp.float32)

    def zrow(k, carry):
        buf0[k // 8, pl.ds((k % 8) * 16, 16)] = zeros16
        return carry

    lax.fori_loop(0, _CHUNK * 8, zrow, 0)
    for r in range(_RPT // _CHUNK):
        pltpu.sync_copy(buf0, acc.at[pl.ds(sid * _RPT + r * _CHUNK, _CHUNK)])

    _SUB = _CHUNK // _NSUB

    def gather_start(c, buf, sem):
        h = (c // _BLK) % 2
        s = c % _BLK
        for k in range(_NSUB):
            pltpu.async_copy(
                y_hbm.at[src_ring.at[h, s, pl.ds(k * _SUB, _SUB)]],
                buf.at[pl.ds(k * _SUB, _SUB)],
                sem,
            )

    def gather_wait(c, buf, sem):
        h = (c // _BLK) % 2
        s = c % _BLK
        for k in range(_NSUB):
            pltpu.make_async_copy(
                y_hbm.at[src_ring.at[h, s, pl.ds(k * _SUB, _SUB)]],
                buf.at[pl.ds(k * _SUB, _SUB)],
                sem,
            ).wait()

    pltpu.sync_copy(src_hbm.at[pl.ds(base, _BLK)], src_ring.at[0])
    pltpu.sync_copy(dst_hbm.at[pl.ds(base, _BLK)], dst_ring.at[0])
    gather_start(0, buf0, sem0)
    plsc.subcore_barrier()

    def body(g, carry):
        c0 = 2 * g
        c1 = c0 + 1
        c2 = c0 + 2

        @pl.when(jnp.logical_and(c0 % _BLK == 0, c0 + _BLK < cpt))
        def _():
            b1 = c0 // _BLK + 1
            pltpu.sync_copy(
                src_hbm.at[pl.ds(base + b1 * _BLK, _BLK)], src_ring.at[b1 % 2]
            )
            pltpu.sync_copy(
                dst_hbm.at[pl.ds(base + b1 * _BLK, _BLK)], dst_ring.at[b1 % 2]
            )

        gather_start(c1, buf1, sem1)
        gather_wait(c0, buf0, sem0)
        pltpu.sync_copy(
            buf0, acc.at[dst_ring.at[(c0 // _BLK) % 2, c0 % _BLK]], add=True
        )

        @pl.when(c2 < cpt)
        def _():
            gather_start(c2, buf0, sem0)

        gather_wait(c1, buf1, sem1)
        pltpu.sync_copy(
            buf1, acc.at[dst_ring.at[(c1 // _BLK) % 2, c1 % _BLK]], add=True
        )
        return carry

    lax.fori_loop(0, cpt // 2, body, 0)
    plsc.subcore_barrier()
    pltpu.sync_copy(
        acc.at[pl.ds(sid * _RPT, _RPT)], out_hbm.at[cid, pl.ds(sid * _RPT, _RPT)]
    )


@functools.cache
def _get_sc_kernels():
    mesh = plsc.VectorSubcoreMesh(
        core_axis_name="c", subcore_axis_name="s", num_cores=_NC, num_subcores=_NS
    )
    deg = pl.kernel(
        _deg_body,
        out_type=jax.ShapeDtypeStruct((_NW, _RPT, _NS), jnp.float32),
        mesh=mesh,
        scratch_types=[
            pltpu.VMEM((_EPT,), jnp.int32),
            pltpu.VMEM((_RPT, _NS), jnp.float32),
        ],
        compiler_params=pltpu.CompilerParams(needs_layout_passes=False),
    )
    scat = pl.kernel(
        _scatter_body,
        out_type=jax.ShapeDtypeStruct((_NC, _NPAD, _D), jnp.float32),
        mesh=mesh,
        scratch_types=[
            pltpu.VMEM((2, _BLK, _CHUNK), jnp.int32),
            pltpu.VMEM((2, _BLK, _CHUNK), jnp.int32),
            pltpu.VMEM((_CHUNK, _D), jnp.float32),
            pltpu.VMEM((_CHUNK, _D), jnp.float32),
            pltpu.VMEM_SHARED((_NPAD, _D), jnp.float32),
            pltpu.SemaphoreType.DMA,
            pltpu.SemaphoreType.DMA,
        ],
    )
    return deg, scat




def _dinv_block(deg_ref):
    deg = jnp.sum(deg_ref[...], axis=0) + 1.0
    return lax.rsqrt(deg)


def _t1a_body(x_ref, w_ref, o_ref):
    o_ref[...] = jnp.dot(x_ref[...], w_ref[...], preferred_element_type=jnp.float32)


def _t1b_body(xw_ref, deg_ref, o_ref):
    dinv = _dinv_block(deg_ref)
    o_ref[...] = xw_ref[...] * dinv[:, None]


def _t2_body(a_ref, y_ref, deg_ref, b_ref, w_ref, o_ref):
    i = pl.program_id(0)
    dinv = _dinv_block(deg_ref)
    pre = (a_ref[0] + a_ref[1] + y_ref[...]) * dinv[:, None] + b_ref[...]
    h = jnp.maximum(pre, 0.0)
    y2 = jnp.dot(h, w_ref[...], preferred_element_type=jnp.float32) * dinv[:, None]
    rows = i * _BM + lax.broadcasted_iota(jnp.int32, (_BM, 1), 0)
    o_ref[...] = jnp.where(rows < _N, y2, 0.0)


def _t3_body(a_ref, y_ref, deg_ref, b_ref, o_ref, lp_ref):
    dinv = _dinv_block(deg_ref)
    out = (a_ref[0] + a_ref[1] + y_ref[...]) * dinv[:, None] + b_ref[...]
    o_ref[...] = out
    m = jnp.max(out, axis=1, keepdims=True)
    ex = jnp.exp(out - m)
    lse = jnp.log(jnp.sum(ex, axis=1, keepdims=True)) + m
    lp_ref[...] = out - lse


_GRID = (_NPAD // _BM,)
_row_spec = pl.BlockSpec((_BM, _D), lambda i: (i, 0))
_acc_spec = pl.BlockSpec((_NC, _BM, _D), lambda i: (0, i, 0))
_deg_spec = pl.BlockSpec((_NW, _BM), lambda i: (0, i))
_w_spec = pl.BlockSpec((_D, _D), lambda i: (0, 0))
_b_spec = pl.BlockSpec((1, _D), lambda i: (0, 0))
_f32 = jnp.float32

_t1a = pl.pallas_call(
    _t1a_body,
    grid=_GRID,
    in_specs=[_row_spec, _w_spec],
    out_specs=_row_spec,
    out_shape=jax.ShapeDtypeStruct((_NPAD, _D), _f32),
)

_t1b = pl.pallas_call(
    _t1b_body,
    grid=_GRID,
    in_specs=[_row_spec, _deg_spec],
    out_specs=_row_spec,
    out_shape=jax.ShapeDtypeStruct((_NPAD, _D), _f32),
)

_t2 = pl.pallas_call(
    _t2_body,
    grid=_GRID,
    in_specs=[_acc_spec, _row_spec, _deg_spec, _b_spec, _w_spec],
    out_specs=_row_spec,
    out_shape=jax.ShapeDtypeStruct((_NPAD, _D), _f32),
)

_t3 = pl.pallas_call(
    _t3_body,
    grid=_GRID,
    in_specs=[_acc_spec, _row_spec, _deg_spec, _b_spec],
    out_specs=[_row_spec, _row_spec],
    out_shape=[
        jax.ShapeDtypeStruct((_NPAD, _D), _f32),
        jax.ShapeDtypeStruct((_NPAD, _D), _f32),
    ],
)




def kernel(x, edge_index, W1, b1, W2, b2):
    src = edge_index[0].astype(jnp.int32)
    dst = edge_index[1].astype(jnp.int32)
    pad = jnp.full((_NCHUNK_ALLOC * _CHUNK - _E,), _N, jnp.int32)
    src_p = jnp.concatenate([src, pad]).reshape(_NCHUNK_ALLOC, _CHUNK)
    dst_p = jnp.concatenate([dst, pad]).reshape(_NCHUNK_ALLOC, _CHUNK)
    dst_flat = dst_p[:_NCHUNK].reshape(_NW, _EPT)
    x_p = jnp.pad(x, ((0, _NPAD - _N), (0, 0)))
    b1r = b1.reshape(1, _D)
    b2r = b2.reshape(1, _D)

    deg_kernel, scatter_kernel = _get_sc_kernels()
    xw = _t1a(x_p, W1)
    degp = deg_kernel(dst_flat).reshape(_NW, _NPAD)
    y1 = _t1b(xw, degp)
    acc1 = scatter_kernel(y1, src_p, dst_p)
    y2 = _t2(acc1, y1, degp, b1r, W2)
    acc2 = scatter_kernel(y2, src_p, dst_p)
    out, logp = _t3(acc2, y2, degp, b2r)
    return out[:_N], logp[:_N]

# --- scband reference (transcript-rebuilt; emitter-appended) ---
"""Pipeline reference for scband-gcn-9603546874307 (READ-ONLY COPY).

The authoritative reference and input builder live on the scoring server;
editing this copy changes nothing except your own understanding.
"""

import jax, jax.numpy as jnp
import numpy as np

N_NODES = 10000
N_EDGES = 320000
DIM_IN = 128
DIM_H = 128
DIM_OUT = 128


def setup_inputs(seed: int = 0) -> dict:
    key = jax.random.key(seed)
    k1, k2, k3, k4, k5, k6 = jax.random.split(key, 6)
    x = jax.random.normal(k1, (N_NODES, DIM_IN), dtype=jnp.float32)
    edge_index = jax.random.randint(k2, (2, N_EDGES), 0, N_NODES, dtype=jnp.int64)
    # GCNConv layer 1 params (glorot-like init)
    W1 = jax.random.normal(k3, (DIM_IN, DIM_H), dtype=jnp.float32) * (1.0 / np.sqrt(DIM_IN))
    b1 = jnp.zeros((DIM_H,), dtype=jnp.float32)
    # GCNConv layer 2 params
    W2 = jax.random.normal(k4, (DIM_H, DIM_OUT), dtype=jnp.float32) * (1.0 / np.sqrt(DIM_H))
    b2 = jnp.zeros((DIM_OUT,), dtype=jnp.float32)
    return {"x": x, "edge_index": edge_index, "W1": W1, "b1": b1, "W2": W2, "b2": b2}


def _gcn_conv(x, src, dst, W, b, n_nodes):
    # Symmetric normalization with self-loops: D^{-1/2} (A+I) D^{-1/2} X W + b
    deg = jnp.zeros((n_nodes,), dtype=x.dtype).at[dst].add(1.0)
    deg_inv_sqrt = jnp.where(deg > 0, 1.0 / jnp.sqrt(deg), 0.0)
    norm = deg_inv_sqrt[src] * deg_inv_sqrt[dst]
    xw = x @ W
    msg = jnp.take(xw, src, axis=0) * norm[:, None]
    out = jnp.zeros((n_nodes, W.shape[1]), dtype=x.dtype).at[dst].add(msg)
    return out + b


def reference(x, edge_index, W1, b1, W2, b2):
    n_nodes = x.shape[0]
    loops = jnp.arange(n_nodes, dtype=edge_index.dtype)
    src = jnp.concatenate([edge_index[0], loops])
    dst = jnp.concatenate([edge_index[1], loops])
    h = _gcn_conv(x, src, dst, W1, b1, n_nodes)
    h = jax.nn.relu(h)
    # dropout p=0.5 is identity in eval mode (self.training == False)
    out = _gcn_conv(h, src, dst, W2, b2, n_nodes)
    return (out, jax.nn.log_softmax(out, axis=1))

if __name__ == "__main__":
    import jax
    _d = setup_inputs()
    print(jax.jit(kernel)(*tuple(_d.values())))

</pallas_src>

<mosaic_0001>
#map = affine_map<(d0, d1) -> (0, 0)>
#map1 = affine_map<(d0, d1) -> (0, 0, 0)>
module attributes {stable_mosaic.version = 14 : i64} {
  func.func @_scatter_body(%arg0: i32, %arg1: i32, %arg2: memref<10240x128xf32, #tpu.memory_space<hbm>>, %arg3: memref<2576x128xi32, #tpu.memory_space<hbm>>, %arg4: memref<2576x128xi32, #tpu.memory_space<hbm>>, %arg5: memref<2x10240x128xf32, #tpu.memory_space<hbm>>, %arg6: memref<2x16x128xi32, #tpu.memory_space<vmem>>, %arg7: memref<2x16x128xi32, #tpu.memory_space<vmem>>, %arg8: memref<128x128xf32, #tpu.memory_space<vmem>>, %arg9: memref<128x128xf32, #tpu.memory_space<vmem>>, %arg10: memref<10240x128xf32, #tpu.memory_space<vmem_shared>>, %arg11: memref<!tpu.dma_semaphore, #tpu.memory_space<semaphore_mem>>, %arg12: memref<!tpu.dma_semaphore, #tpu.memory_space<semaphore_mem>>) attributes {dimension_semantics = [#tpu.dimension_semantics<core_parallel>, #tpu.dimension_semantics<subcore_parallel>], iteration_bounds = array<i64: 2, 16>, scalar_prefetch = 0 : i64, scratch_operands = 7 : i64, tpu.core_type = #tpu.core_type<sc_vector_subcore>, window_params = [{transform_indices = #map}, {transform_indices = #map}, {transform_indices = #map}, {transform_indices = #map1}]} {
    %eq3A = arith.constant 0 : i32
    %eq3A_0 = arith.cmpi eq, %arg0, %eq3A : i32
    %jit3A = arith.constant 152 : i32
    %jit3A_1 = arith.constant 8 : i32
    %select_n3A = arith.select %eq3A_0, %jit3A, %jit3A_1 : i32
    %eq3A_2 = arith.constant 0 : i32
    %eq3A_3 = arith.cmpi eq, %arg0, %eq3A_2 : i32
    %mul3A = arith.constant 152 : i32
    %mul3A_4 = arith.muli %arg1, %mul3A : i32
    %mul3A_5 = arith.constant 8 : i32
    %mul3A_6 = arith.muli %arg1, %mul3A_5 : i32
    %add3A = arith.constant 2432 : i32
    %add3A_7 = arith.addi %add3A, %mul3A_6 : i32
    %select_n3A_8 = arith.select %eq3A_3, %mul3A_4, %add3A_7 : i32
    %broadcast_in_dim3A = arith.constant 0.000000e+00 : f32
    %broadcast_in_dim3A_9 = vector.broadcast %broadcast_in_dim3A : f32 to vector<16xf32>
    %scan3A = arith.constant 0 : i32
    %scan3A_10 = arith.constant 0 : i32
    %scan3A_11 = arith.constant 1024 : i32
    %scan3A_12 = arith.addi %scan3A_10, %scan3A_11 : i32
    %scan3A_13 = arith.constant 1 : i32
    scf.for %scan3A_89 = %scan3A_10 to %scan3A_12 step %scan3A_13  : i32 {
      %jit3A_90 = arith.constant 8 : i32
      %div3A_91 = arith.divsi %scan3A_89, %jit3A_90 : i32
      %sign3A_92 = arith.constant 0 : i32
      %sign3A_93 = arith.cmpi sgt, %scan3A_89, %sign3A_92 : i32
      %sign3A_94 = arith.extui %sign3A_93 : i1 to i32
      %sign3A_95 = arith.constant 0 : i32
      %sign3A_96 = arith.cmpi slt, %scan3A_89, %sign3A_95 : i32
      %sign3A_97 = arith.extui %sign3A_96 : i1 to i32
      %sign3A_98 = arith.subi %sign3A_94, %sign3A_97 : i32
      %sign3A_99 = arith.constant 0 : i32
      %sign3A_100 = arith.cmpi sgt, %jit3A_90, %sign3A_99 : i32
      %sign3A_101 = arith.extui %sign3A_100 : i1 to i32
      %sign3A_102 = arith.constant 0 : i32
      %sign3A_103 = arith.cmpi slt, %jit3A_90, %sign3A_102 : i32
      %sign3A_104 = arith.extui %sign3A_103 : i1 to i32
      %sign3A_105 = arith.subi %sign3A_101, %sign3A_104 : i32
      %ne3A_106 = arith.cmpi ne, %sign3A_98, %sign3A_105 : i32
      %rem3A_107 = arith.remsi %scan3A_89, %jit3A_90 : i32
      %ne3A_108 = arith.constant 0 : i32
      %ne3A_109 = arith.cmpi ne, %rem3A_107, %ne3A_108 : i32
      %and3A_110 = arith.andi %ne3A_106, %ne3A_109 : i1
      %sub3A_111 = arith.constant 1 : i32
      %sub3A_112 = arith.subi %div3A_91, %sub3A_111 : i32
      %select_n3A_113 = arith.select %and3A_110, %sub3A_112, %div3A_91 : i32
      %jit3A_114 = arith.constant 8 : i32
      %eq3A_115 = arith.constant 0 : i32
      %eq3A_116 = arith.cmpi eq, %jit3A_114, %eq3A_115 : i32
      %jit3A_117 = arith.constant 1 : i32
      %select_n3A_118 = arith.select %eq3A_116, %jit3A_117, %jit3A_114 : i32
      %rem3A_119 = arith.remsi %scan3A_89, %select_n3A_118 : i32
      %ne3A_120 = arith.constant 0 : i32
      %ne3A_121 = arith.cmpi ne, %rem3A_119, %ne3A_120 : i32
      %lt3A = arith.constant 0 : i32
      %lt3A_122 = arith.cmpi slt, %rem3A_119, %lt3A : i32
      %lt3A_123 = arith.constant 0 : i32
      %lt3A_124 = arith.cmpi slt, %select_n3A_118, %lt3A_123 : i32
      %ne3A_125 = arith.xori %lt3A_122, %lt3A_124 : i1
      %and3A_126 = arith.andi %ne3A_125, %ne3A_121 : i1
      %add3A_127 = arith.addi %rem3A_119, %select_n3A_118 : i32
      %select_n3A_128 = arith.select %and3A_126, %add3A_127, %rem3A_119 : i32
      %mul3A_129 = arith.constant 16 : i32
      %mul3A_130 = arith.muli %select_n3A_128, %mul3A_129 : i32
      %swap3A = arith.index_cast %select_n3A_113 : i32 to index
      %swap3A_131 = arith.index_cast %mul3A_130 : i32 to index
      %swap3A_132 = tpu.vector_load %arg8[%swap3A, %swap3A_131] {strides = array<i32>} : memref<128x128xf32, #tpu.memory_space<vmem>>, vector<1x16xf32>,
      %swap3A_133 = vector.shape_cast %swap3A_132 : vector<1x16xf32> to vector<16xf32>
      %swap3A_134 = vector.shape_cast %broadcast_in_dim3A_9 : vector<16xf32> to vector<1x16xf32>
      tpu.vector_store %arg8[%swap3A, %swap3A_131], %swap3A_134 {strides = array<i32>} : memref<128x128xf32, #tpu.memory_space<vmem>>, vector<1x16xf32>,
    }
    %scan3A_14 = arith.constant 1024 : i32
    %mul3A_15 = arith.constant 640 : i32
    %mul3A_16 = arith.muli %arg1, %mul3A_15 : i32
    %add3A_17 = arith.constant 0 : i32
    %add3A_18 = arith.addi %mul3A_16, %add3A_17 : i32
    "tpu.region"() ({
      %run_scoped3A_89 = tpu.sem_alloc : memref<!tpu.dma_semaphore, #tpu.memory_space<semaphore_mem>>
      %dma_start3A_90 = arith.constant 0 : i32
      %dma_start3A_91 = tpu.memref_slice %arg10[%add3A_18, %dma_start3A_90] : memref<10240x128xf32, #tpu.memory_space<vmem_shared>> -> memref<128x128xf32, #tpu.memory_space<vmem_shared>>
      %dma_start3A_92 = arith.constant 0 : i32
      %dma_start3A_93 = tpu.memref_slice %arg10[%add3A_18, %dma_start3A_92] : memref<10240x128xf32, #tpu.memory_space<vmem_shared>> -> memref<128x128xf32, #tpu.memory_space<vmem_shared>>
      tpu.enqueue_dma source(%arg8 : memref<128x128xf32, #tpu.memory_space<vmem>>) target(%dma_start3A_93 : memref<128x128xf32, #tpu.memory_space<vmem_shared>>) target_semaphore(%run_scoped3A_89 : memref<!tpu.dma_semaphore, #tpu.memory_space<semaphore_mem>>)
      %dma_wait3A = arith.constant 0 : i32
      %dma_wait3A_94 = tpu.memref_slice %arg10[%add3A_18, %dma_wait3A] : memref<10240x128xf32, #tpu.memory_space<vmem_shared>> -> memref<128x128xf32, #tpu.memory_space<vmem_shared>>
      %dma_wait3A_95 = arith.constant 0 : i32
      %dma_wait3A_96 = tpu.memref_slice %arg10[%add3A_18, %dma_wait3A_95] : memref<10240x128xf32, #tpu.memory_space<vmem_shared>> -> memref<128x128xf32, #tpu.memory_space<vmem_shared>>
      tpu.wait_dma2 semaphore(%run_scoped3A_89 : memref<!tpu.dma_semaphore, #tpu.memory_space<semaphore_mem>>) src(%arg8 : memref<128x128xf32, #tpu.memory_space<vmem>>) dst(%dma_wait3A_96 : memref<128x128xf32, #tpu.memory_space<vmem_shared>>)
      tpu.yield
    }) : () -> ()
    %mul3A_19 = arith.constant 640 : i32
    %mul3A_20 = arith.muli %arg1, %mul3A_19 : i32
    %add3A_21 = arith.constant 128 : i32
    %add3A_22 = arith.addi %mul3A_20, %add3A_21 : i32
    "tpu.region"() ({
      %run_scoped3A_89 = tpu.sem_alloc : memref<!tpu.dma_semaphore, #tpu.memory_space<semaphore_mem>>
      %dma_start3A_90 = arith.constant 0 : i32
      %dma_start3A_91 = tpu.memref_slice %arg10[%add3A_22, %dma_start3A_90] : memref<10240x128xf32, #tpu.memory_space<vmem_shared>> -> memref<128x128xf32, #tpu.memory_space<vmem_shared>>
      %dma_start3A_92 = arith.constant 0 : i32
      %dma_start3A_93 = tpu.memref_slice %arg10[%add3A_22, %dma_start3A_92] : memref<10240x128xf32, #tpu.memory_space<vmem_shared>> -> memref<128x128xf32, #tpu.memory_space<vmem_shared>>
      tpu.enqueue_dma source(%arg8 : memref<128x128xf32, #tpu.memory_space<vmem>>) target(%dma_start3A_93 : memref<128x128xf32, #tpu.memory_space<vmem_shared>>) target_semaphore(%run_scoped3A_89 : memref<!tpu.dma_semaphore, #tpu.memory_space<semaphore_mem>>)
      %dma_wait3A = arith.constant 0 : i32
      %dma_wait3A_94 = tpu.memref_slice %arg10[%add3A_22, %dma_wait3A] : memref<10240x128xf32, #tpu.memory_space<vmem_shared>> -> memref<128x128xf32, #tpu.memory_space<vmem_shared>>
      %dma_wait3A_95 = arith.constant 0 : i32
      %dma_wait3A_96 = tpu.memref_slice %arg10[%add3A_22, %dma_wait3A_95] : memref<10240x128xf32, #tpu.memory_space<vmem_shared>> -> memref<128x128xf32, #tpu.memory_space<vmem_shared>>
      tpu.wait_dma2 semaphore(%run_scoped3A_89 : memref<!tpu.dma_semaphore, #tpu.memory_space<semaphore_mem>>) src(%arg8 : memref<128x128xf32, #tpu.memory_space<vmem>>) dst(%dma_wait3A_96 : memref<128x128xf32, #tpu.memory_space<vmem_shared>>)
      tpu.yield
    }) : () -> ()
    %mul3A_23 = arith.constant 640 : i32
    %mul3A_24 = arith.muli %arg1, %mul3A_23 : i32
    %add3A_25 = arith.constant 256 : i32
    %add3A_26 = arith.addi %mul3A_24, %add3A_25 : i32
    "tpu.region"() ({
      %run_scoped3A_89 = tpu.sem_alloc : memref<!tpu.dma_semaphore, #tpu.memory_space<semaphore_mem>>
      %dma_start3A_90 = arith.constant 0 : i32
      %dma_start3A_91 = tpu.memref_slice %arg10[%add3A_26, %dma_start3A_90] : memref<10240x128xf32, #tpu.memory_space<vmem_shared>> -> memref<128x128xf32, #tpu.memory_space<vmem_shared>>
      %dma_start3A_92 = arith.constant 0 : i32
      %dma_start3A_93 = tpu.memref_slice %arg10[%add3A_26, %dma_start3A_92] : memref<10240x128xf32, #tpu.memory_space<vmem_shared>> -> memref<128x128xf32, #tpu.memory_space<vmem_shared>>
      tpu.enqueue_dma source(%arg8 : memref<128x128xf32, #tpu.memory_space<vmem>>) target(%dma_start3A_93 : memref<128x128xf32, #tpu.memory_space<vmem_shared>>) target_semaphore(%run_scoped3A_89 : memref<!tpu.dma_semaphore, #tpu.memory_space<semaphore_mem>>)
      %dma_wait3A = arith.constant 0 : i32
      %dma_wait3A_94 = tpu.memref_slice %arg10[%add3A_26, %dma_wait3A] : memref<10240x128xf32, #tpu.memory_space<vmem_shared>> -> memref<128x128xf32, #tpu.memory_space<vmem_shared>>
      %dma_wait3A_95 = arith.constant 0 : i32
      %dma_wait3A_96 = tpu.memref_slice %arg10[%add3A_26, %dma_wait3A_95] : memref<10240x128xf32, #tpu.memory_space<vmem_shared>> -> memref<128x128xf32, #tpu.memory_space<vmem_shared>>
      tpu.wait_dma2 semaphore(%run_scoped3A_89 : memref<!tpu.dma_semaphore, #tpu.memory_space<semaphore_mem>>) src(%arg8 : memref<128x128xf32, #tpu.memory_space<vmem>>) dst(%dma_wait3A_96 : memref<128x128xf32, #tpu.memory_space<vmem_shared>>)
      tpu.yield
    }) : () -> ()
    %mul3A_27 = arith.constant 640 : i32
    %mul3A_28 = arith.muli %arg1, %mul3A_27 : i32
    %add3A_29 = arith.constant 384 : i32
    %add3A_30 = arith.addi %mul3A_28, %add3A_29 : i32
    "tpu.region"() ({
      %run_scoped3A_89 = tpu.sem_alloc : memref<!tpu.dma_semaphore, #tpu.memory_space<semaphore_mem>>
      %dma_start3A_90 = arith.constant 0 : i32
      %dma_start3A_91 = tpu.memref_slice %arg10[%add3A_30, %dma_start3A_90] : memref<10240x128xf32, #tpu.memory_space<vmem_shared>> -> memref<128x128xf32, #tpu.memory_space<vmem_shared>>
      %dma_start3A_92 = arith.constant 0 : i32
      %dma_start3A_93 = tpu.memref_slice %arg10[%add3A_30, %dma_start3A_92] : memref<10240x128xf32, #tpu.memory_space<vmem_shared>> -> memref<128x128xf32, #tpu.memory_space<vmem_shared>>
      tpu.enqueue_dma source(%arg8 : memref<128x128xf32, #tpu.memory_space<vmem>>) target(%dma_start3A_93 : memref<128x128xf32, #tpu.memory_space<vmem_shared>>) target_semaphore(%run_scoped3A_89 : memref<!tpu.dma_semaphore, #tpu.memory_space<semaphore_mem>>)
      %dma_wait3A = arith.constant 0 : i32
      %dma_wait3A_94 = tpu.memref_slice %arg10[%add3A_30, %dma_wait3A] : memref<10240x128xf32, #tpu.memory_space<vmem_shared>> -> memref<128x128xf32, #tpu.memory_space<vmem_shared>>
      %dma_wait3A_95 = arith.constant 0 : i32
      %dma_wait3A_96 = tpu.memref_slice %arg10[%add3A_30, %dma_wait3A_95] : memref<10240x128xf32, #tpu.memory_space<vmem_shared>> -> memref<128x128xf32, #tpu.memory_space<vmem_shared>>
      tpu.wait_dma2 semaphore(%run_scoped3A_89 : memref<!tpu.dma_semaphore, #tpu.memory_space<semaphore_mem>>) src(%arg8 : memref<128x128xf32, #tpu.memory_space<vmem>>) dst(%dma_wait3A_96 : memref<128x128xf32, #tpu.memory_space<vmem_shared>>)
      tpu.yield
    }) : () -> ()
    %mul3A_31 = arith.constant 640 : i32
    %mul3A_32 = arith.muli %arg1, %mul3A_31 : i32
    %add3A_33 = arith.constant 512 : i32
    %add3A_34 = arith.addi %mul3A_32, %add3A_33 : i32
    "tpu.region"() ({
      %run_scoped3A_89 = tpu.sem_alloc : memref<!tpu.dma_semaphore, #tpu.memory_space<semaphore_mem>>
      %dma_start3A_90 = arith.constant 0 : i32
      %dma_start3A_91 = tpu.memref_slice %arg10[%add3A_34, %dma_start3A_90] : memref<10240x128xf32, #tpu.memory_space<vmem_shared>> -> memref<128x128xf32, #tpu.memory_space<vmem_shared>>
      %dma_start3A_92 = arith.constant 0 : i32
      %dma_start3A_93 = tpu.memref_slice %arg10[%add3A_34, %dma_start3A_92] : memref<10240x128xf32, #tpu.memory_space<vmem_shared>> -> memref<128x128xf32, #tpu.memory_space<vmem_shared>>
      tpu.enqueue_dma source(%arg8 : memref<128x128xf32, #tpu.memory_space<vmem>>) target(%dma_start3A_93 : memref<128x128xf32, #tpu.memory_space<vmem_shared>>) target_semaphore(%run_scoped3A_89 : memref<!tpu.dma_semaphore, #tpu.memory_space<semaphore_mem>>)
      %dma_wait3A = arith.constant 0 : i32
      %dma_wait3A_94 = tpu.memref_slice %arg10[%add3A_34, %dma_wait3A] : memref<10240x128xf32, #tpu.memory_space<vmem_shared>> -> memref<128x128xf32, #tpu.memory_space<vmem_shared>>
      %dma_wait3A_95 = arith.constant 0 : i32
      %dma_wait3A_96 = tpu.memref_slice %arg10[%add3A_34, %dma_wait3A_95] : memref<10240x128xf32, #tpu.memory_space<vmem_shared>> -> memref<128x128xf32, #tpu.memory_space<vmem_shared>>
      tpu.wait_dma2 semaphore(%run_scoped3A_89 : memref<!tpu.dma_semaphore, #tpu.memory_space<semaphore_mem>>) src(%arg8 : memref<128x128xf32, #tpu.memory_space<vmem>>) dst(%dma_wait3A_96 : memref<128x128xf32, #tpu.memory_space<vmem_shared>>)
      tpu.yield
    }) : () -> ()
    %run_scoped3A = arith.constant 0 : i32
    "tpu.region"() ({
      %run_scoped3A_89 = tpu.sem_alloc : memref<!tpu.dma_semaphore, #tpu.memory_space<semaphore_mem>>
      %dma_start3A_90 = arith.constant 0 : i32
      %dma_start3A_91 = arith.constant 0 : i32
      %dma_start3A_92 = tpu.memref_slice %arg6[%run_scoped3A, %dma_start3A_90, %dma_start3A_91] : memref<2x16x128xi32, #tpu.memory_space<vmem>> -> memref<1x16x128xi32, #tpu.memory_space<vmem>>
      %dma_start3A_93 = tpu.memref_squeeze %dma_start3A_92 : memref<1x16x128xi32, #tpu.memory_space<vmem>> -> memref<16x128xi32, #tpu.memory_space<vmem>>
      %dma_start3A_94 = arith.constant 0 : i32
      %dma_start3A_95 = tpu.memref_slice %arg3[%select_n3A_8, %dma_start3A_94] : memref<2576x128xi32, #tpu.memory_space<hbm>> -> memref<16x128xi32, #tpu.memory_space<hbm>>
      %dma_start3A_96 = arith.constant 0 : i32
      %dma_start3A_97 = arith.constant 0 : i32
      %dma_start3A_98 = tpu.memref_slice %arg6[%run_scoped3A, %dma_start3A_96, %dma_start3A_97] : memref<2x16x128xi32, #tpu.memory_space<vmem>> -> memref<1x16x128xi32, #tpu.memory_space<vmem>>
      %dma_start3A_99 = tpu.memref_squeeze %dma_start3A_98 : memref<1x16x128xi32, #tpu.memory_space<vmem>> -> memref<16x128xi32, #tpu.memory_space<vmem>>
      %dma_start3A_100 = arith.constant 0 : i32
      %dma_start3A_101 = tpu.memref_slice %arg3[%select_n3A_8, %dma_start3A_100] : memref<2576x128xi32, #tpu.memory_space<hbm>> -> memref<16x128xi32, #tpu.memory_space<hbm>>
      tpu.enqueue_dma source(%dma_start3A_101 : memref<16x128xi32, #tpu.memory_space<hbm>>) target(%dma_start3A_99 : memref<16x128xi32, #tpu.memory_space<vmem>>) target_semaphore(%run_scoped3A_89 : memref<!tpu.dma_semaphore, #tpu.memory_space<semaphore_mem>>)
      %dma_wait3A = arith.constant 0 : i32
      %dma_wait3A_102 = arith.constant 0 : i32
      %dma_wait3A_103 = tpu.memref_slice %arg6[%run_scoped3A, %dma_wait3A, %dma_wait3A_102] : memref<2x16x128xi32, #tpu.memory_space<vmem>> -> memref<1x16x128xi32, #tpu.memory_space<vmem>>
      %dma_wait3A_104 = tpu.memref_squeeze %dma_wait3A_103 : memref<1x16x128xi32, #tpu.memory_space<vmem>> -> memref<16x128xi32, #tpu.memory_space<vmem>>
      %dma_wait3A_105 = arith.constant 0 : i32
      %dma_wait3A_106 = tpu.memref_slice %arg3[%select_n3A_8, %dma_wait3A_105] : memref<2576x128xi32, #tpu.memory_space<hbm>> -> memref<16x128xi32, #tpu.memory_space<hbm>>
      %dma_wait3A_107 = arith.constant 0 : i32
      %dma_wait3A_108 = arith.constant 0 : i32
      %dma_wait3A_109 = tpu.memref_slice %arg6[%run_scoped3A, %dma_wait3A_107, %dma_wait3A_108] : memref<2x16x128xi32, #tpu.memory_space<vmem>> -> memref<1x16x128xi32, #tpu.memory_space<vmem>>
      %dma_wait3A_110 = tpu.memref_squeeze %dma_wait3A_109 : memref<1x16x128xi32, #tpu.memory_space<vmem>> -> memref<16x128xi32, #tpu.memory_space<vmem>>
      %dma_wait3A_111 = arith.constant 0 : i32
      %dma_wait3A_112 = tpu.memref_slice %arg3[%select_n3A_8, %dma_wait3A_111] : memref<2576x128xi32, #tpu.memory_space<hbm>> -> memref<16x128xi32, #tpu.memory_space<hbm>>
      tpu.wait_dma2 semaphore(%run_scoped3A_89 : memref<!tpu.dma_semaphore, #tpu.memory_space<semaphore_mem>>) src(%dma_wait3A_112 : memref<16x128xi32, #tpu.memory_space<hbm>>) dst(%dma_wait3A_110 : memref<16x128xi32, #tpu.memory_space<vmem>>)
      tpu.yield
    }) : () -> ()
    %run_scoped3A_35 = arith.constant 0 : i32
    "tpu.region"() ({
      %run_scoped3A_89 = tpu.sem_alloc : memref<!tpu.dma_semaphore, #tpu.memory_space<semaphore_mem>>
      %dma_start3A_90 = arith.constant 0 : i32
      %dma_start3A_91 = arith.constant 0 : i32
      %dma_start3A_92 = tpu.memref_slice %arg7[%run_scoped3A_35, %dma_start3A_90, %dma_start3A_91] : memref<2x16x128xi32, #tpu.memory_space<vmem>> -> memref<1x16x128xi32, #tpu.memory_space<vmem>>
      %dma_start3A_93 = tpu.memref_squeeze %dma_start3A_92 : memref<1x16x128xi32, #tpu.memory_space<vmem>> -> memref<16x128xi32, #tpu.memory_space<vmem>>
      %dma_start3A_94 = arith.constant 0 : i32
      %dma_start3A_95 = tpu.memref_slice %arg4[%select_n3A_8, %dma_start3A_94] : memref<2576x128xi32, #tpu.memory_space<hbm>> -> memref<16x128xi32, #tpu.memory_space<hbm>>
      %dma_start3A_96 = arith.constant 0 : i32
      %dma_start3A_97 = arith.constant 0 : i32
      %dma_start3A_98 = tpu.memref_slice %arg7[%run_scoped3A_35, %dma_start3A_96, %dma_start3A_97] : memref<2x16x128xi32, #tpu.memory_space<vmem>> -> memref<1x16x128xi32, #tpu.memory_space<vmem>>
      %dma_start3A_99 = tpu.memref_squeeze %dma_start3A_98 : memref<1x16x128xi32, #tpu.memory_space<vmem>> -> memref<16x128xi32, #tpu.memory_space<vmem>>
      %dma_start3A_100 = arith.constant 0 : i32
      %dma_start3A_101 = tpu.memref_slice %arg4[%select_n3A_8, %dma_start3A_100] : memref<2576x128xi32, #tpu.memory_space<hbm>> -> memref<16x128xi32, #tpu.memory_space<hbm>>
      tpu.enqueue_dma source(%dma_start3A_101 : memref<16x128xi32, #tpu.memory_space<hbm>>) target(%dma_start3A_99 : memref<16x128xi32, #tpu.memory_space<vmem>>) target_semaphore(%run_scoped3A_89 : memref<!tpu.dma_semaphore, #tpu.memory_space<semaphore_mem>>)
      %dma_wait3A = arith.constant 0 : i32
      %dma_wait3A_102 = arith.constant 0 : i32
      %dma_wait3A_103 = tpu.memref_slice %arg7[%run_scoped3A_35, %dma_wait3A, %dma_wait3A_102] : memref<2x16x128xi32, #tpu.memory_space<vmem>> -> memref<1x16x128xi32, #tpu.memory_space<vmem>>
      %dma_wait3A_104 = tpu.memref_squeeze %dma_wait3A_103 : memref<1x16x128xi32, #tpu.memory_space<vmem>> -> memref<16x128xi32, #tpu.memory_space<vmem>>
      %dma_wait3A_105 = arith.constant 0 : i32
      %dma_wait3A_106 = tpu.memref_slice %arg4[%select_n3A_8, %dma_wait3A_105] : memref<2576x128xi32, #tpu.memory_space<hbm>> -> memref<16x128xi32, #tpu.memory_space<hbm>>
      %dma_wait3A_107 = arith.constant 0 : i32
      %dma_wait3A_108 = arith.constant 0 : i32
      %dma_wait3A_109 = tpu.memref_slice %arg7[%run_scoped3A_35, %dma_wait3A_107, %dma_wait3A_108] : memref<2x16x128xi32, #tpu.memory_space<vmem>> -> memref<1x16x128xi32, #tpu.memory_space<vmem>>
      %dma_wait3A_110 = tpu.memref_squeeze %dma_wait3A_109 : memref<1x16x128xi32, #tpu.memory_space<vmem>> -> memref<16x128xi32, #tpu.memory_space<vmem>>
      %dma_wait3A_111 = arith.constant 0 : i32
      %dma_wait3A_112 = tpu.memref_slice %arg4[%select_n3A_8, %dma_wait3A_111] : memref<2576x128xi32, #tpu.memory_space<hbm>> -> memref<16x128xi32, #tpu.memory_space<hbm>>
      tpu.wait_dma2 semaphore(%run_scoped3A_89 : memref<!tpu.dma_semaphore, #tpu.memory_space<semaphore_mem>>) src(%dma_wait3A_112 : memref<16x128xi32, #tpu.memory_space<hbm>>) dst(%dma_wait3A_110 : memref<16x128xi32, #tpu.memory_space<vmem>>)
      tpu.yield
    }) : () -> ()
    %dma_start3A = arith.constant 0 : i32
    %dma_start3A_36 = arith.constant 0 : i32
    %dma_start3A_37 = arith.constant 0 : i32
    %dma_start3A_38 = arith.constant 0 : i32
    %dma_start3A_39 = tpu.memref_slice %arg8[%dma_start3A_37, %dma_start3A_38] : memref<128x128xf32, #tpu.memory_space<vmem>> -> memref<64x128xf32, #tpu.memory_space<vmem>>
    %dma_start3A_40 = arith.constant 0 : i32
    %dma_start3A_41 = tpu.memref_slice %arg6[%dma_start3A, %dma_start3A_36, %dma_start3A_40] : memref<2x16x128xi32, #tpu.memory_space<vmem>> -> memref<1x1x64xi32, #tpu.memory_space<vmem>>
    %dma_start3A_42 = tpu.memref_squeeze %dma_start3A_41 : memref<1x1x64xi32, #tpu.memory_space<vmem>> -> memref<64xi32, #tpu.memory_space<vmem>>
    %dma_start3A_43 = arith.constant 0 : i32
    %dma_start3A_44 = arith.constant 0 : i32
    %dma_start3A_45 = tpu.memref_slice %arg2[%dma_start3A_43, %dma_start3A_44] : memref<10240x128xf32, #tpu.memory_space<hbm>> -> memref<10240x128xf32, #tpu.memory_space<hbm>>
    tpu.enqueue_indirect_dma source(%dma_start3A_45 : memref<10240x128xf32, #tpu.memory_space<hbm>>) target(%dma_start3A_39 : memref<64x128xf32, #tpu.memory_space<vmem>>) offsets(%dma_start3A_42 : memref<64xi32, #tpu.memory_space<vmem>>) semaphore(%arg11 : memref<!tpu.dma_semaphore, #tpu.memory_space<semaphore_mem>>)
    %dma_start3A_46 = arith.constant 0 : i32
    %dma_start3A_47 = arith.constant 0 : i32
    %dma_start3A_48 = arith.constant 64 : i32
    %dma_start3A_49 = arith.constant 0 : i32
    %dma_start3A_50 = tpu.memref_slice %arg8[%dma_start3A_48, %dma_start3A_49] : memref<128x128xf32, #tpu.memory_space<vmem>> -> memref<64x128xf32, #tpu.memory_space<vmem>>
    %dma_start3A_51 = arith.constant 64 : i32
    %dma_start3A_52 = tpu.memref_slice %arg6[%dma_start3A_46, %dma_start3A_47, %dma_start3A_51] : memref<2x16x128xi32, #tpu.memory_space<vmem>> -> memref<1x1x64xi32, #tpu.memory_space<vmem>>
    %dma_start3A_53 = tpu.memref_squeeze %dma_start3A_52 : memref<1x1x64xi32, #tpu.memory_space<vmem>> -> memref<64xi32, #tpu.memory_space<vmem>>
    %dma_start3A_54 = arith.constant 0 : i32
    %dma_start3A_55 = arith.constant 0 : i32
    %dma_start3A_56 = tpu.memref_slice %arg2[%dma_start3A_54, %dma_start3A_55] : memref<10240x128xf32, #tpu.memory_space<hbm>> -> memref<10240x128xf32, #tpu.memory_space<hbm>>
    tpu.enqueue_indirect_dma source(%dma_start3A_56 : memref<10240x128xf32, #tpu.memory_space<hbm>>) target(%dma_start3A_50 : memref<64x128xf32, #tpu.memory_space<vmem>>) offsets(%dma_start3A_53 : memref<64xi32, #tpu.memory_space<vmem>>) semaphore(%arg11 : memref<!tpu.dma_semaphore, #tpu.memory_space<semaphore_mem>>)
    %barrier3A = arith.constant 0 : index
    tpu.barrier barrier_id(%barrier3A)
    %jit3A_57 = arith.constant 2 : i32
    %div3A = arith.divsi %select_n3A, %jit3A_57 : i32
    %sign3A = arith.constant 0 : i32
    %sign3A_58 = arith.cmpi sgt, %select_n3A, %sign3A : i32
    %sign3A_59 = arith.extui %sign3A_58 : i1 to i32
    %sign3A_60 = arith.constant 0 : i32
    %sign3A_61 = arith.cmpi slt, %select_n3A, %sign3A_60 : i32
    %sign3A_62 = arith.extui %sign3A_61 : i1 to i32
    %sign3A_63 = arith.subi %sign3A_59, %sign3A_62 : i32
    %sign3A_64 = arith.constant 0 : i32
    %sign3A_65 = arith.cmpi sgt, %jit3A_57, %sign3A_64 : i32
    %sign3A_66 = arith.extui %sign3A_65 : i1 to i32
    %sign3A_67 = arith.constant 0 : i32
    %sign3A_68 = arith.cmpi slt, %jit3A_57, %sign3A_67 : i32
    %sign3A_69 = arith.extui %sign3A_68 : i1 to i32
    %sign3A_70 = arith.subi %sign3A_66, %sign3A_69 : i32
    %ne3A = arith.cmpi ne, %sign3A_63, %sign3A_70 : i32
    %rem3A = arith.remsi %select_n3A, %jit3A_57 : i32
    %ne3A_71 = arith.constant 0 : i32
    %ne3A_72 = arith.cmpi ne, %rem3A, %ne3A_71 : i32
    %and3A = arith.andi %ne3A, %ne3A_72 : i1
    %sub3A = arith.constant 1 : i32
    %sub3A_73 = arith.subi %div3A, %sub3A : i32
    %select_n3A_74 = arith.select %and3A, %sub3A_73, %div3A : i32
    %while3A = arith.constant 0 : i32
    %while3A_75 = arith.constant 0 : i32
    %while3A_76 = arith.subi %select_n3A_74, %while3A_75 : i32
    %while3A_77 = arith.addi %while3A_75, %while3A_76 : i32
    %while3A_78 = arith.constant 1 : i32
    %while3A_79 = arith.divsi %while3A_76, %while3A_78 : i32
    %while3A_80 = arith.muli %while3A_79, %while3A_78 : i32
    %while3A_81 = arith.addi %while3A_75, %while3A_80 : i32
    %while3A_82 = arith.constant 1 : i32
    scf.for %while3A_89 = %while3A_75 to %while3A_81 step %while3A_82  : i32 {
      %mul3A_90 = arith.constant 2 : i32
      %mul3A_91 = arith.muli %mul3A_90, %while3A_89 : i32
      %add3A_92 = arith.constant 1 : i32
      %add3A_93 = arith.addi %mul3A_91, %add3A_92 : i32
      %add3A_94 = arith.constant 2 : i32
      %add3A_95 = arith.addi %mul3A_91, %add3A_94 : i32
      %jit3A_96 = arith.constant 16 : i32
      %eq3A_97 = arith.constant 0 : i32
      %eq3A_98 = arith.cmpi eq, %jit3A_96, %eq3A_97 : i32
      %jit3A_99 = arith.constant 1 : i32
      %select_n3A_100 = arith.select %eq3A_98, %jit3A_99, %jit3A_96 : i32
      %rem3A_101 = arith.remsi %mul3A_91, %select_n3A_100 : i32
      %ne3A_102 = arith.constant 0 : i32
      %ne3A_103 = arith.cmpi ne, %rem3A_101, %ne3A_102 : i32
      %lt3A = arith.constant 0 : i32
      %lt3A_104 = arith.cmpi slt, %rem3A_101, %lt3A : i32
      %lt3A_105 = arith.constant 0 : i32
      %lt3A_106 = arith.cmpi slt, %select_n3A_100, %lt3A_105 : i32
      %ne3A_107 = arith.xori %lt3A_104, %lt3A_106 : i1
      %and3A_108 = arith.andi %ne3A_107, %ne3A_103 : i1
      %add3A_109 = arith.addi %rem3A_101, %select_n3A_100 : i32
      %select_n3A_110 = arith.select %and3A_108, %add3A_109, %rem3A_101 : i32
      %eq3A_111 = arith.constant 0 : i32
      %eq3A_112 = arith.cmpi eq, %select_n3A_110, %eq3A_111 : i32
      %add3A_113 = arith.constant 16 : i32
      %add3A_114 = arith.addi %mul3A_91, %add3A_113 : i32
      %lt3A_115 = arith.cmpi slt, %add3A_114, %select_n3A : i32
      %and3A_116 = arith.andi %eq3A_112, %lt3A_115 : i1
      %convert_element_type3A = arith.extui %and3A_116 : i1 to i32
      %cond3A = arith.constant 0 : i32
      %cond3A_117 = arith.cmpi ne, %convert_element_type3A, %cond3A : i32
      scf.if %cond3A_117 {
        %jit3A_455 = arith.constant 16 : i32
        %div3A_456 = arith.divsi %mul3A_91, %jit3A_455 : i32
        %sign3A_457 = arith.constant 0 : i32
        %sign3A_458 = arith.cmpi sgt, %mul3A_91, %sign3A_457 : i32
        %sign3A_459 = arith.extui %sign3A_458 : i1 to i32
        %sign3A_460 = arith.constant 0 : i32
        %sign3A_461 = arith.cmpi slt, %mul3A_91, %sign3A_460 : i32
        %sign3A_462 = arith.extui %sign3A_461 : i1 to i32
        %sign3A_463 = arith.subi %sign3A_459, %sign3A_462 : i32
        %sign3A_464 = arith.constant 0 : i32
        %sign3A_465 = arith.cmpi sgt, %jit3A_455, %sign3A_464 : i32
        %sign3A_466 = arith.extui %sign3A_465 : i1 to i32
        %sign3A_467 = arith.constant 0 : i32
        %sign3A_468 = arith.cmpi slt, %jit3A_455, %sign3A_467 : i32
        %sign3A_469 = arith.extui %sign3A_468 : i1 to i32
        %sign3A_470 = arith.subi %sign3A_466, %sign3A_469 : i32
        %ne3A_471 = arith.cmpi ne, %sign3A_463, %sign3A_470 : i32
        %rem3A_472 = arith.remsi %mul3A_91, %jit3A_455 : i32
        %ne3A_473 = arith.constant 0 : i32
        %ne3A_474 = arith.cmpi ne, %rem3A_472, %ne3A_473 : i32
        %and3A_475 = arith.andi %ne3A_471, %ne3A_474 : i1
        %sub3A_476 = arith.constant 1 : i32
        %sub3A_477 = arith.subi %div3A_456, %sub3A_476 : i32
        %select_n3A_478 = arith.select %and3A_475, %sub3A_477, %div3A_456 : i32
        %add3A_479 = arith.constant 1 : i32
        %add3A_480 = arith.addi %select_n3A_478, %add3A_479 : i32
        %mul3A_481 = arith.constant 16 : i32
        %mul3A_482 = arith.muli %add3A_480, %mul3A_481 : i32
        %add3A_483 = arith.addi %select_n3A_8, %mul3A_482 : i32
        %jit3A_484 = arith.constant 2 : i32
        %eq3A_485 = arith.constant 0 : i32
        %eq3A_486 = arith.cmpi eq, %jit3A_484, %eq3A_485 : i32
        %jit3A_487 = arith.constant 1 : i32
        %select_n3A_488 = arith.select %eq3A_486, %jit3A_487, %jit3A_484 : i32
        %rem3A_489 = arith.remsi %add3A_480, %select_n3A_488 : i32
        %ne3A_490 = arith.constant 0 : i32
        %ne3A_491 = arith.cmpi ne, %rem3A_489, %ne3A_490 : i32
        %lt3A_492 = arith.constant 0 : i32
        %lt3A_493 = arith.cmpi slt, %rem3A_489, %lt3A_492 : i32
        %lt3A_494 = arith.constant 0 : i32
        %lt3A_495 = arith.cmpi slt, %select_n3A_488, %lt3A_494 : i32
        %ne3A_496 = arith.xori %lt3A_493, %lt3A_495 : i1
        %and3A_497 = arith.andi %ne3A_496, %ne3A_491 : i1
        %add3A_498 = arith.addi %rem3A_489, %select_n3A_488 : i32
        %select_n3A_499 = arith.select %and3A_497, %add3A_498, %rem3A_489 : i32
        "tpu.region"() ({
          %run_scoped3A_519 = tpu.sem_alloc : memref<!tpu.dma_semaphore, #tpu.memory_space<semaphore_mem>>
          %dma_start3A_520 = arith.constant 0 : i32
          %dma_start3A_521 = arith.constant 0 : i32
          %dma_start3A_522 = tpu.memref_slice %arg6[%select_n3A_499, %dma_start3A_520, %dma_start3A_521] : memref<2x16x128xi32, #tpu.memory_space<vmem>> -> memref<1x16x128xi32, #tpu.memory_space<vmem>>
          %dma_start3A_523 = tpu.memref_squeeze %dma_start3A_522 : memref<1x16x128xi32, #tpu.memory_space<vmem>> -> memref<16x128xi32, #tpu.memory_space<vmem>>
          %dma_start3A_524 = arith.constant 0 : i32
          %dma_start3A_525 = tpu.memref_slice %arg3[%add3A_483, %dma_start3A_524] : memref<2576x128xi32, #tpu.memory_space<hbm>> -> memref<16x128xi32, #tpu.memory_space<hbm>>
          %dma_start3A_526 = arith.constant 0 : i32
          %dma_start3A_527 = arith.constant 0 : i32
          %dma_start3A_528 = tpu.memref_slice %arg6[%select_n3A_499, %dma_start3A_526, %dma_start3A_527] : memref<2x16x128xi32, #tpu.memory_space<vmem>> -> memref<1x16x128xi32, #tpu.memory_space<vmem>>
          %dma_start3A_529 = tpu.memref_squeeze %dma_start3A_528 : memref<1x16x128xi32, #tpu.memory_space<vmem>> -> memref<16x128xi32, #tpu.memory_space<vmem>>
          %dma_start3A_530 = arith.constant 0 : i32
          %dma_start3A_531 = tpu.memref_slice %arg3[%add3A_483, %dma_start3A_530] : memref<2576x128xi32, #tpu.memory_space<hbm>> -> memref<16x128xi32, #tpu.memory_space<hbm>>
          tpu.enqueue_dma source(%dma_start3A_531 : memref<16x128xi32, #tpu.memory_space<hbm>>) target(%dma_start3A_529 : memref<16x128xi32, #tpu.memory_space<vmem>>) target_semaphore(%run_scoped3A_519 : memref<!tpu.dma_semaphore, #tpu.memory_space<semaphore_mem>>)
          %dma_wait3A_532 = arith.constant 0 : i32
          %dma_wait3A_533 = arith.constant 0 : i32
          %dma_wait3A_534 = tpu.memref_slice %arg6[%select_n3A_499, %dma_wait3A_532, %dma_wait3A_533] : memref<2x16x128xi32, #tpu.memory_space<vmem>> -> memref<1x16x128xi32, #tpu.memory_space<vmem>>
          %dma_wait3A_535 = tpu.memref_squeeze %dma_wait3A_534 : memref<1x16x128xi32, #tpu.memory_space<vmem>> -> memref<16x128xi32, #tpu.memory_space<vmem>>
          %dma_wait3A_536 = arith.constant 0 : i32
          %dma_wait3A_537 = tpu.memref_slice %arg3[%add3A_483, %dma_wait3A_536] : memref<2576x128xi32, #tpu.memory_space<hbm>> -> memref<16x128xi32, #tpu.memory_space<hbm>>
          %dma_wait3A_538 = arith.constant 0 : i32
          %dma_wait3A_539 = arith.constant 0 : i32
          %dma_wait3A_540 = tpu.memref_slice %arg6[%select_n3A_499, %dma_wait3A_538, %dma_wait3A_539] : memref<2x16x128xi32, #tpu.memory_space<vmem>> -> memref<1x16x128xi32, #tpu.memory_space<vmem>>
          %dma_wait3A_541 = tpu.memref_squeeze %dma_wait3A_540 : memref<1x16x128xi32, #tpu.memory_space<vmem>> -> memref<16x128xi32, #tpu.memory_space<vmem>>
          %dma_wait3A_542 = arith.constant 0 : i32
          %dma_wait3A_543 = tpu.memref_slice %arg3[%add3A_483, %dma_wait3A_542] : memref<2576x128xi32, #tpu.memory_space<hbm>> -> memref<16x128xi32, #tpu.memory_space<hbm>>
          tpu.wait_dma2 semaphore(%run_scoped3A_519 : memref<!tpu.dma_semaphore, #tpu.memory_space<semaphore_mem>>) src(%dma_wait3A_543 : memref<16x128xi32, #tpu.memory_space<hbm>>) dst(%dma_wait3A_541 : memref<16x128xi32, #tpu.memory_space<vmem>>)
          tpu.yield
        }) : () -> ()
        %mul3A_500 = arith.constant 16 : i32
        %mul3A_501 = arith.muli %add3A_480, %mul3A_500 : i32
        %add3A_502 = arith.addi %select_n3A_8, %mul3A_501 : i32
        %jit3A_503 = arith.constant 2 : i32
        %eq3A_504 = arith.constant 0 : i32
        %eq3A_505 = arith.cmpi eq, %jit3A_503, %eq3A_504 : i32
        %jit3A_506 = arith.constant 1 : i32
        %select_n3A_507 = arith.select %eq3A_505, %jit3A_506, %jit3A_503 : i32
        %rem3A_508 = arith.remsi %add3A_480, %select_n3A_507 : i32
        %ne3A_509 = arith.constant 0 : i32
        %ne3A_510 = arith.cmpi ne, %rem3A_508, %ne3A_509 : i32
        %lt3A_511 = arith.constant 0 : i32
        %lt3A_512 = arith.cmpi slt, %rem3A_508, %lt3A_511 : i32
        %lt3A_513 = arith.constant 0 : i32
        %lt3A_514 = arith.cmpi slt, %select_n3A_507, %lt3A_513 : i32
        %ne3A_515 = arith.xori %lt3A_512, %lt3A_514 : i1
        %and3A_516 = arith.andi %ne3A_515, %ne3A_510 : i1
        %add3A_517 = arith.addi %rem3A_508, %select_n3A_507 : i32
        %select_n3A_518 = arith.select %and3A_516, %add3A_517, %rem3A_508 : i32
        "tpu.region"() ({
          %run_scoped3A_519 = tpu.sem_alloc : memref<!tpu.dma_semaphore, #tpu.memory_space<semaphore_mem>>
          %dma_start3A_520 = arith.constant 0 : i32
          %dma_start3A_521 = arith.constant 0 : i32
          %dma_start3A_522 = tpu.memref_slice %arg7[%select_n3A_518, %dma_start3A_520, %dma_start3A_521] : memref<2x16x128xi32, #tpu.memory_space<vmem>> -> memref<1x16x128xi32, #tpu.memory_space<vmem>>
          %dma_start3A_523 = tpu.memref_squeeze %dma_start3A_522 : memref<1x16x128xi32, #tpu.memory_space<vmem>> -> memref<16x128xi32, #tpu.memory_space<vmem>>
          %dma_start3A_524 = arith.constant 0 : i32
          %dma_start3A_525 = tpu.memref_slice %arg4[%add3A_502, %dma_start3A_524] : memref<2576x128xi32, #tpu.memory_space<hbm>> -> memref<16x128xi32, #tpu.memory_space<hbm>>
          %dma_start3A_526 = arith.constant 0 : i32
          %dma_start3A_527 = arith.constant 0 : i32
          %dma_start3A_528 = tpu.memref_slice %arg7[%select_n3A_518, %dma_start3A_526, %dma_start3A_527] : memref<2x16x128xi32, #tpu.memory_space<vmem>> -> memref<1x16x128xi32, #tpu.memory_space<vmem>>
          %dma_start3A_529 = tpu.memref_squeeze %dma_start3A_528 : memref<1x16x128xi32, #tpu.memory_space<vmem>> -> memref<16x128xi32, #tpu.memory_space<vmem>>
          %dma_start3A_530 = arith.constant 0 : i32
          %dma_start3A_531 = tpu.memref_slice %arg4[%add3A_502, %dma_start3A_530] : memref<2576x128xi32, #tpu.memory_space<hbm>> -> memref<16x128xi32, #tpu.memory_space<hbm>>
          tpu.enqueue_dma source(%dma_start3A_531 : memref<16x128xi32, #tpu.memory_space<hbm>>) target(%dma_start3A_529 : memref<16x128xi32, #tpu.memory_space<vmem>>) target_semaphore(%run_scoped3A_519 : memref<!tpu.dma_semaphore, #tpu.memory_space<semaphore_mem>>)
          %dma_wait3A_532 = arith.constant 0 : i32
          %dma_wait3A_533 = arith.constant 0 : i32
          %dma_wait3A_534 = tpu.memref_slice %arg7[%select_n3A_518, %dma_wait3A_532, %dma_wait3A_533] : memref<2x16x128xi32, #tpu.memory_space<vmem>> -> memref<1x16x128xi32, #tpu.memory_space<vmem>>
          %dma_wait3A_535 = tpu.memref_squeeze %dma_wait3A_534 : memref<1x16x128xi32, #tpu.memory_space<vmem>> -> memref<16x128xi32, #tpu.memory_space<vmem>>
          %dma_wait3A_536 = arith.constant 0 : i32
          %dma_wait3A_537 = tpu.memref_slice %arg4[%add3A_502, %dma_wait3A_536] : memref<2576x128xi32, #tpu.memory_space<hbm>> -> memref<16x128xi32, #tpu.memory_space<hbm>>
          %dma_wait3A_538 = arith.constant 0 : i32
          %dma_wait3A_539 = arith.constant 0 : i32
          %dma_wait3A_540 = tpu.memref_slice %arg7[%select_n3A_518, %dma_wait3A_538, %dma_wait3A_539] : memref<2x16x128xi32, #tpu.memory_space<vmem>> -> memref<1x16x128xi32, #tpu.memory_space<vmem>>
          %dma_wait3A_541 = tpu.memref_squeeze %dma_wait3A_540 : memref<1x16x128xi32, #tpu.memory_space<vmem>> -> memref<16x128xi32, #tpu.memory_space<vmem>>
          %dma_wait3A_542 = arith.constant 0 : i32
          %dma_wait3A_543 = tpu.memref_slice %arg4[%add3A_502, %dma_wait3A_542] : memref<2576x128xi32, #tpu.memory_space<hbm>> -> memref<16x128xi32, #tpu.memory_space<hbm>>
          tpu.wait_dma2 semaphore(%run_scoped3A_519 : memref<!tpu.dma_semaphore, #tpu.memory_space<semaphore_mem>>) src(%dma_wait3A_543 : memref<16x128xi32, #tpu.memory_space<hbm>>) dst(%dma_wait3A_541 : memref<16x128xi32, #tpu.memory_space<vmem>>)
          tpu.yield
        }) : () -> ()
      } else {
      }
      %jit3A_118 = arith.constant 16 : i32
      %div3A_119 = arith.divsi %add3A_93, %jit3A_118 : i32
      %sign3A_120 = arith.constant 0 : i32
      %sign3A_121 = arith.cmpi sgt, %add3A_93, %sign3A_120 : i32
      %sign3A_122 = arith.extui %sign3A_121 : i1 to i32
      %sign3A_123 = arith.constant 0 : i32
      %sign3A_124 = arith.cmpi slt, %add3A_93, %sign3A_123 : i32
      %sign3A_125 = arith.extui %sign3A_124 : i1 to i32
      %sign3A_126 = arith.subi %sign3A_122, %sign3A_125 : i32
      %sign3A_127 = arith.constant 0 : i32
      %sign3A_128 = arith.cmpi sgt, %jit3A_118, %sign3A_127 : i32
      %sign3A_129 = arith.extui %sign3A_128 : i1 to i32
      %sign3A_130 = arith.constant 0 : i32
      %sign3A_131 = arith.cmpi slt, %jit3A_118, %sign3A_130 : i32
      %sign3A_132 = arith.extui %sign3A_131 : i1 to i32
      %sign3A_133 = arith.subi %sign3A_129, %sign3A_132 : i32
      %ne3A_134 = arith.cmpi ne, %sign3A_126, %sign3A_133 : i32
      %rem3A_135 = arith.remsi %add3A_93, %jit3A_118 : i32
      %ne3A_136 = arith.constant 0 : i32
      %ne3A_137 = arith.cmpi ne, %rem3A_135, %ne3A_136 : i32
      %and3A_138 = arith.andi %ne3A_134, %ne3A_137 : i1
      %sub3A_139 = arith.constant 1 : i32
      %sub3A_140 = arith.subi %div3A_119, %sub3A_139 : i32
      %select_n3A_141 = arith.select %and3A_138, %sub3A_140, %div3A_119 : i32
      %jit3A_142 = arith.constant 2 : i32
      %eq3A_143 = arith.constant 0 : i32
      %eq3A_144 = arith.cmpi eq, %jit3A_142, %eq3A_143 : i32
      %jit3A_145 = arith.constant 1 : i32
      %select_n3A_146 = arith.select %eq3A_144, %jit3A_145, %jit3A_142 : i32
      %rem3A_147 = arith.remsi %select_n3A_141, %select_n3A_146 : i32
      %ne3A_148 = arith.constant 0 : i32
      %ne3A_149 = arith.cmpi ne, %rem3A_147, %ne3A_148 : i32
      %lt3A_150 = arith.constant 0 : i32
      %lt3A_151 = arith.cmpi slt, %rem3A_147, %lt3A_150 : i32
      %lt3A_152 = arith.constant 0 : i32
      %lt3A_153 = arith.cmpi slt, %select_n3A_146, %lt3A_152 : i32
      %ne3A_154 = arith.xori %lt3A_151, %lt3A_153 : i1
      %and3A_155 = arith.andi %ne3A_154, %ne3A_149 : i1
      %add3A_156 = arith.addi %rem3A_147, %select_n3A_146 : i32
      %select_n3A_157 = arith.select %and3A_155, %add3A_156, %rem3A_147 : i32
      %jit3A_158 = arith.constant 16 : i32
      %eq3A_159 = arith.constant 0 : i32
      %eq3A_160 = arith.cmpi eq, %jit3A_158, %eq3A_159 : i32
      %jit3A_161 = arith.constant 1 : i32
      %select_n3A_162 = arith.select %eq3A_160, %jit3A_161, %jit3A_158 : i32
      %rem3A_163 = arith.remsi %add3A_93, %select_n3A_162 : i32
      %ne3A_164 = arith.constant 0 : i32
      %ne3A_165 = arith.cmpi ne, %rem3A_163, %ne3A_164 : i32
      %lt3A_166 = arith.constant 0 : i32
      %lt3A_167 = arith.cmpi slt, %rem3A_163, %lt3A_166 : i32
      %lt3A_168 = arith.constant 0 : i32
      %lt3A_169 = arith.cmpi slt, %select_n3A_162, %lt3A_168 : i32
      %ne3A_170 = arith.xori %lt3A_167, %lt3A_169 : i1
      %and3A_171 = arith.andi %ne3A_170, %ne3A_165 : i1
      %add3A_172 = arith.addi %rem3A_163, %select_n3A_162 : i32
      %select_n3A_173 = arith.select %and3A_171, %add3A_172, %rem3A_163 : i32
      %dma_start3A_174 = arith.constant 0 : i32
      %dma_start3A_175 = arith.constant 0 : i32
      %dma_start3A_176 = tpu.memref_slice %arg9[%dma_start3A_174, %dma_start3A_175] : memref<128x128xf32, #tpu.memory_space<vmem>> -> memref<64x128xf32, #tpu.memory_space<vmem>>
      %dma_start3A_177 = arith.constant 0 : i32
      %dma_start3A_178 = tpu.memref_slice %arg6[%select_n3A_157, %select_n3A_173, %dma_start3A_177] : memref<2x16x128xi32, #tpu.memory_space<vmem>> -> memref<1x1x64xi32, #tpu.memory_space<vmem>>
      %dma_start3A_179 = tpu.memref_squeeze %dma_start3A_178 : memref<1x1x64xi32, #tpu.memory_space<vmem>> -> memref<64xi32, #tpu.memory_space<vmem>>
      %dma_start3A_180 = arith.constant 0 : i32
      %dma_start3A_181 = arith.constant 0 : i32
      %dma_start3A_182 = tpu.memref_slice %arg2[%dma_start3A_180, %dma_start3A_181] : memref<10240x128xf32, #tpu.memory_space<hbm>> -> memref<10240x128xf32, #tpu.memory_space<hbm>>
      tpu.enqueue_indirect_dma source(%dma_start3A_182 : memref<10240x128xf32, #tpu.memory_space<hbm>>) target(%dma_start3A_176 : memref<64x128xf32, #tpu.memory_space<vmem>>) offsets(%dma_start3A_179 : memref<64xi32, #tpu.memory_space<vmem>>) semaphore(%arg12 : memref<!tpu.dma_semaphore, #tpu.memory_space<semaphore_mem>>)
      %dma_start3A_183 = arith.constant 64 : i32
      %dma_start3A_184 = arith.constant 0 : i32
      %dma_start3A_185 = tpu.memref_slice %arg9[%dma_start3A_183, %dma_start3A_184] : memref<128x128xf32, #tpu.memory_space<vmem>> -> memref<64x128xf32, #tpu.memory_space<vmem>>
      %dma_start3A_186 = arith.constant 64 : i32
      %dma_start3A_187 = tpu.memref_slice %arg6[%select_n3A_157, %select_n3A_173, %dma_start3A_186] : memref<2x16x128xi32, #tpu.memory_space<vmem>> -> memref<1x1x64xi32, #tpu.memory_space<vmem>>
      %dma_start3A_188 = tpu.memref_squeeze %dma_start3A_187 : memref<1x1x64xi32, #tpu.memory_space<vmem>> -> memref<64xi32, #tpu.memory_space<vmem>>
      %dma_start3A_189 = arith.constant 0 : i32
      %dma_start3A_190 = arith.constant 0 : i32
      %dma_start3A_191 = tpu.memref_slice %arg2[%dma_start3A_189, %dma_start3A_190] : memref<10240x128xf32, #tpu.memory_space<hbm>> -> memref<10240x128xf32, #tpu.memory_space<hbm>>
      tpu.enqueue_indirect_dma source(%dma_start3A_191 : memref<10240x128xf32, #tpu.memory_space<hbm>>) target(%dma_start3A_185 : memref<64x128xf32, #tpu.memory_space<vmem>>) offsets(%dma_start3A_188 : memref<64xi32, #tpu.memory_space<vmem>>) semaphore(%arg12 : memref<!tpu.dma_semaphore, #tpu.memory_space<semaphore_mem>>)
      %jit3A_192 = arith.constant 16 : i32
      %div3A_193 = arith.divsi %mul3A_91, %jit3A_192 : i32
      %sign3A_194 = arith.constant 0 : i32
      %sign3A_195 = arith.cmpi sgt, %mul3A_91, %sign3A_194 : i32
      %sign3A_196 = arith.extui %sign3A_195 : i1 to i32
      %sign3A_197 = arith.constant 0 : i32
      %sign3A_198 = arith.cmpi slt, %mul3A_91, %sign3A_197 : i32
      %sign3A_199 = arith.extui %sign3A_198 : i1 to i32
      %sign3A_200 = arith.subi %sign3A_196, %sign3A_199 : i32
      %sign3A_201 = arith.constant 0 : i32
      %sign3A_202 = arith.cmpi sgt, %jit3A_192, %sign3A_201 : i32
      %sign3A_203 = arith.extui %sign3A_202 : i1 to i32
      %sign3A_204 = arith.constant 0 : i32
      %sign3A_205 = arith.cmpi slt, %jit3A_192, %sign3A_204 : i32
      %sign3A_206 = arith.extui %sign3A_205 : i1 to i32
      %sign3A_207 = arith.subi %sign3A_203, %sign3A_206 : i32
      %ne3A_208 = arith.cmpi ne, %sign3A_200, %sign3A_207 : i32
      %rem3A_209 = arith.remsi %mul3A_91, %jit3A_192 : i32
      %ne3A_210 = arith.constant 0 : i32
      %ne3A_211 = arith.cmpi ne, %rem3A_209, %ne3A_210 : i32
      %and3A_212 = arith.andi %ne3A_208, %ne3A_211 : i1
      %sub3A_213 = arith.constant 1 : i32
      %sub3A_214 = arith.subi %div3A_193, %sub3A_213 : i32
      %select_n3A_215 = arith.select %and3A_212, %sub3A_214, %div3A_193 : i32
      %jit3A_216 = arith.constant 2 : i32
      %eq3A_217 = arith.constant 0 : i32
      %eq3A_218 = arith.cmpi eq, %jit3A_216, %eq3A_217 : i32
      %jit3A_219 = arith.constant 1 : i32
      %select_n3A_220 = arith.select %eq3A_218, %jit3A_219, %jit3A_216 : i32
      %rem3A_221 = arith.remsi %select_n3A_215, %select_n3A_220 : i32
      %ne3A_222 = arith.constant 0 : i32
      %ne3A_223 = arith.cmpi ne, %rem3A_221, %ne3A_222 : i32
      %lt3A_224 = arith.constant 0 : i32
      %lt3A_225 = arith.cmpi slt, %rem3A_221, %lt3A_224 : i32
      %lt3A_226 = arith.constant 0 : i32
      %lt3A_227 = arith.cmpi slt, %select_n3A_220, %lt3A_226 : i32
      %ne3A_228 = arith.xori %lt3A_225, %lt3A_227 : i1
      %and3A_229 = arith.andi %ne3A_228, %ne3A_223 : i1
      %add3A_230 = arith.addi %rem3A_221, %select_n3A_220 : i32
      %select_n3A_231 = arith.select %and3A_229, %add3A_230, %rem3A_221 : i32
      %jit3A_232 = arith.constant 16 : i32
      %eq3A_233 = arith.constant 0 : i32
      %eq3A_234 = arith.cmpi eq, %jit3A_232, %eq3A_233 : i32
      %jit3A_235 = arith.constant 1 : i32
      %select_n3A_236 = arith.select %eq3A_234, %jit3A_235, %jit3A_232 : i32
      %rem3A_237 = arith.remsi %mul3A_91, %select_n3A_236 : i32
      %ne3A_238 = arith.constant 0 : i32
      %ne3A_239 = arith.cmpi ne, %rem3A_237, %ne3A_238 : i32
      %lt3A_240 = arith.constant 0 : i32
      %lt3A_241 = arith.cmpi slt, %rem3A_237, %lt3A_240 : i32
      %lt3A_242 = arith.constant 0 : i32
      %lt3A_243 = arith.cmpi slt, %select_n3A_236, %lt3A_242 : i32
      %ne3A_244 = arith.xori %lt3A_241, %lt3A_243 : i1
      %and3A_245 = arith.andi %ne3A_244, %ne3A_239 : i1
      %add3A_246 = arith.addi %rem3A_237, %select_n3A_236 : i32
      %select_n3A_247 = arith.select %and3A_245, %add3A_246, %rem3A_237 : i32
      %dma_wait3A = arith.constant 0 : i32
      %dma_wait3A_248 = arith.constant 0 : i32
      %dma_wait3A_249 = tpu.memref_slice %arg8[%dma_wait3A, %dma_wait3A_248] : memref<128x128xf32, #tpu.memory_space<vmem>> -> memref<64x128xf32, #tpu.memory_space<vmem>>
      %dma_wait3A_250 = arith.constant 0 : i32
      %dma_wait3A_251 = tpu.memref_slice %arg6[%select_n3A_231, %select_n3A_247, %dma_wait3A_250] : memref<2x16x128xi32, #tpu.memory_space<vmem>> -> memref<1x1x64xi32, #tpu.memory_space<vmem>>
      %dma_wait3A_252 = tpu.memref_squeeze %dma_wait3A_251 : memref<1x1x64xi32, #tpu.memory_space<vmem>> -> memref<64xi32, #tpu.memory_space<vmem>>
      %dma_wait3A_253 = arith.constant 0 : i32
      %dma_wait3A_254 = arith.constant 0 : i32
      %dma_wait3A_255 = tpu.memref_slice %arg2[%dma_wait3A_253, %dma_wait3A_254] : memref<10240x128xf32, #tpu.memory_space<hbm>> -> memref<10240x128xf32, #tpu.memory_space<hbm>>
      tpu.wait_indirect_dma semaphore(%arg11 : memref<!tpu.dma_semaphore, #tpu.memory_space<semaphore_mem>>) src(%dma_wait3A_255 : memref<10240x128xf32, #tpu.memory_space<hbm>>) dst(%dma_wait3A_249 : memref<64x128xf32, #tpu.memory_space<vmem>>)
      %dma_wait3A_256 = arith.constant 64 : i32
      %dma_wait3A_257 = arith.constant 0 : i32
      %dma_wait3A_258 = tpu.memref_slice %arg8[%dma_wait3A_256, %dma_wait3A_257] : memref<128x128xf32, #tpu.memory_space<vmem>> -> memref<64x128xf32, #tpu.memory_space<vmem>>
      %dma_wait3A_259 = arith.constant 64 : i32
      %dma_wait3A_260 = tpu.memref_slice %arg6[%select_n3A_231, %select_n3A_247, %dma_wait3A_259] : memref<2x16x128xi32, #tpu.memory_space<vmem>> -> memref<1x1x64xi32, #tpu.memory_space<vmem>>
      %dma_wait3A_261 = tpu.memref_squeeze %dma_wait3A_260 : memref<1x1x64xi32, #tpu.memory_space<vmem>> -> memref<64xi32, #tpu.memory_space<vmem>>
      %dma_wait3A_262 = arith.constant 0 : i32
      %dma_wait3A_263 = arith.constant 0 : i32
      %dma_wait3A_264 = tpu.memref_slice %arg2[%dma_wait3A_262, %dma_wait3A_263] : memref<10240x128xf32, #tpu.memory_space<hbm>> -> memref<10240x128xf32, #tpu.memory_space<hbm>>
      tpu.wait_indirect_dma semaphore(%arg11 : memref<!tpu.dma_semaphore, #tpu.memory_space<semaphore_mem>>) src(%dma_wait3A_264 : memref<10240x128xf32, #tpu.memory_space<hbm>>) dst(%dma_wait3A_258 : memref<64x128xf32, #tpu.memory_space<vmem>>)
      %jit3A_265 = arith.constant 16 : i32
      %div3A_266 = arith.divsi %mul3A_91, %jit3A_265 : i32
      %sign3A_267 = arith.constant 0 : i32
      %sign3A_268 = arith.cmpi sgt, %mul3A_91, %sign3A_267 : i32
      %sign3A_269 = arith.extui %sign3A_268 : i1 to i32
      %sign3A_270 = arith.constant 0 : i32
      %sign3A_271 = arith.cmpi slt, %mul3A_91, %sign3A_270 : i32
      %sign3A_272 = arith.extui %sign3A_271 : i1 to i32
      %sign3A_273 = arith.subi %sign3A_269, %sign3A_272 : i32
      %sign3A_274 = arith.constant 0 : i32
      %sign3A_275 = arith.cmpi sgt, %jit3A_265, %sign3A_274 : i32
      %sign3A_276 = arith.extui %sign3A_275 : i1 to i32
      %sign3A_277 = arith.constant 0 : i32
      %sign3A_278 = arith.cmpi slt, %jit3A_265, %sign3A_277 : i32
      %sign3A_279 = arith.extui %sign3A_278 : i1 to i32
      %sign3A_280 = arith.subi %sign3A_276, %sign3A_279 : i32
      %ne3A_281 = arith.cmpi ne, %sign3A_273, %sign3A_280 : i32
      %rem3A_282 = arith.remsi %mul3A_91, %jit3A_265 : i32
      %ne3A_283 = arith.constant 0 : i32
      %ne3A_284 = arith.cmpi ne, %rem3A_282, %ne3A_283 : i32
      %and3A_285 = arith.andi %ne3A_281, %ne3A_284 : i1
      %sub3A_286 = arith.constant 1 : i32
      %sub3A_287 = arith.subi %div3A_266, %sub3A_286 : i32
      %select_n3A_288 = arith.select %and3A_285, %sub3A_287, %div3A_266 : i32
      %jit3A_289 = arith.constant 2 : i32
      %eq3A_290 = arith.constant 0 : i32
      %eq3A_291 = arith.cmpi eq, %jit3A_289, %eq3A_290 : i32
      %jit3A_292 = arith.constant 1 : i32
      %select_n3A_293 = arith.select %eq3A_291, %jit3A_292, %jit3A_289 : i32
      %rem3A_294 = arith.remsi %select_n3A_288, %select_n3A_293 : i32
      %ne3A_295 = arith.constant 0 : i32
      %ne3A_296 = arith.cmpi ne, %rem3A_294, %ne3A_295 : i32
      %lt3A_297 = arith.constant 0 : i32
      %lt3A_298 = arith.cmpi slt, %rem3A_294, %lt3A_297 : i32
      %lt3A_299 = arith.constant 0 : i32
      %lt3A_300 = arith.cmpi slt, %select_n3A_293, %lt3A_299 : i32
      %ne3A_301 = arith.xori %lt3A_298, %lt3A_300 : i1
      %and3A_302 = arith.andi %ne3A_301, %ne3A_296 : i1
      %add3A_303 = arith.addi %rem3A_294, %select_n3A_293 : i32
      %select_n3A_304 = arith.select %and3A_302, %add3A_303, %rem3A_294 : i32
      %jit3A_305 = arith.constant 16 : i32
      %eq3A_306 = arith.constant 0 : i32
      %eq3A_307 = arith.cmpi eq, %jit3A_305, %eq3A_306 : i32
      %jit3A_308 = arith.constant 1 : i32
      %select_n3A_309 = arith.select %eq3A_307, %jit3A_308, %jit3A_305 : i32
      %rem3A_310 = arith.remsi %mul3A_91, %select_n3A_309 : i32
      %ne3A_311 = arith.constant 0 : i32
      %ne3A_312 = arith.cmpi ne, %rem3A_310, %ne3A_311 : i32
      %lt3A_313 = arith.constant 0 : i32
      %lt3A_314 = arith.cmpi slt, %rem3A_310, %lt3A_313 : i32
      %lt3A_315 = arith.constant 0 : i32
      %lt3A_316 = arith.cmpi slt, %select_n3A_309, %lt3A_315 : i32
      %ne3A_317 = arith.xori %lt3A_314, %lt3A_316 : i1
      %and3A_318 = arith.andi %ne3A_317, %ne3A_312 : i1
      %add3A_319 = arith.addi %rem3A_310, %select_n3A_309 : i32
      %select_n3A_320 = arith.select %and3A_318, %add3A_319, %rem3A_310 : i32
      "tpu.region"() ({
        %run_scoped3A_455 = tpu.sem_alloc : memref<!tpu.dma_semaphore, #tpu.memory_space<semaphore_mem>>
        %dma_start3A_456 = arith.constant 0 : i32
        %dma_start3A_457 = tpu.memref_slice %arg7[%select_n3A_304, %select_n3A_320, %dma_start3A_456] : memref<2x16x128xi32, #tpu.memory_space<vmem>> -> memref<1x1x128xi32, #tpu.memory_space<vmem>>
        %dma_start3A_458 = tpu.memref_squeeze %dma_start3A_457 : memref<1x1x128xi32, #tpu.memory_space<vmem>> -> memref<128xi32, #tpu.memory_space<vmem>>
        %dma_start3A_459 = arith.constant 0 : i32
        %dma_start3A_460 = arith.constant 0 : i32
        %dma_start3A_461 = tpu.memref_slice %arg10[%dma_start3A_459, %dma_start3A_460] : memref<10240x128xf32, #tpu.memory_space<vmem_shared>> -> memref<10240x128xf32, #tpu.memory_space<vmem_shared>>
        tpu.enqueue_indirect_dma source(%arg8 : memref<128x128xf32, #tpu.memory_space<vmem>>) target(%dma_start3A_461 : memref<10240x128xf32, #tpu.memory_space<vmem_shared>>) offsets(%dma_start3A_458 : memref<128xi32, #tpu.memory_space<vmem>>) semaphore(%run_scoped3A_455 : memref<!tpu.dma_semaphore, #tpu.memory_space<semaphore_mem>>) {add = true}
        %dma_wait3A_462 = arith.constant 0 : i32
        %dma_wait3A_463 = tpu.memref_slice %arg7[%select_n3A_304, %select_n3A_320, %dma_wait3A_462] : memref<2x16x128xi32, #tpu.memory_space<vmem>> -> memref<1x1x128xi32, #tpu.memory_space<vmem>>
        %dma_wait3A_464 = tpu.memref_squeeze %dma_wait3A_463 : memref<1x1x128xi32, #tpu.memory_space<vmem>> -> memref<128xi32, #tpu.memory_space<vmem>>
        %dma_wait3A_465 = arith.constant 0 : i32
        %dma_wait3A_466 = arith.constant 0 : i32
        %dma_wait3A_467 = tpu.memref_slice %arg10[%dma_wait3A_465, %dma_wait3A_466] : memref<10240x128xf32, #tpu.memory_space<vmem_shared>> -> memref<10240x128xf32, #tpu.memory_space<vmem_shared>>
        tpu.wait_indirect_dma semaphore(%run_scoped3A_455 : memref<!tpu.dma_semaphore, #tpu.memory_space<semaphore_mem>>) src(%arg8 : memref<128x128xf32, #tpu.memory_space<vmem>>) dst(%dma_wait3A_467 : memref<10240x128xf32, #tpu.memory_space<vmem_shared>>)
        tpu.yield
      }) : () -> ()
      %lt3A_321 = arith.cmpi slt, %add3A_95, %select_n3A : i32
      %convert_element_type3A_322 = arith.extui %lt3A_321 : i1 to i32
      %cond3A_323 = arith.constant 0 : i32
      %cond3A_324 = arith.cmpi ne, %convert_element_type3A_322, %cond3A_323 : i32
      scf.if %cond3A_324 {
        %jit3A_455 = arith.constant 16 : i32
        %div3A_456 = arith.divsi %add3A_95, %jit3A_455 : i32
        %sign3A_457 = arith.constant 0 : i32
        %sign3A_458 = arith.cmpi sgt, %add3A_95, %sign3A_457 : i32
        %sign3A_459 = arith.extui %sign3A_458 : i1 to i32
        %sign3A_460 = arith.constant 0 : i32
        %sign3A_461 = arith.cmpi slt, %add3A_95, %sign3A_460 : i32
        %sign3A_462 = arith.extui %sign3A_461 : i1 to i32
        %sign3A_463 = arith.subi %sign3A_459, %sign3A_462 : i32
        %sign3A_464 = arith.constant 0 : i32
        %sign3A_465 = arith.cmpi sgt, %jit3A_455, %sign3A_464 : i32
        %sign3A_466 = arith.extui %sign3A_465 : i1 to i32
        %sign3A_467 = arith.constant 0 : i32
        %sign3A_468 = arith.cmpi slt, %jit3A_455, %sign3A_467 : i32
        %sign3A_469 = arith.extui %sign3A_468 : i1 to i32
        %sign3A_470 = arith.subi %sign3A_466, %sign3A_469 : i32
        %ne3A_471 = arith.cmpi ne, %sign3A_463, %sign3A_470 : i32
        %rem3A_472 = arith.remsi %add3A_95, %jit3A_455 : i32
        %ne3A_473 = arith.constant 0 : i32
        %ne3A_474 = arith.cmpi ne, %rem3A_472, %ne3A_473 : i32
        %and3A_475 = arith.andi %ne3A_471, %ne3A_474 : i1
        %sub3A_476 = arith.constant 1 : i32
        %sub3A_477 = arith.subi %div3A_456, %sub3A_476 : i32
        %select_n3A_478 = arith.select %and3A_475, %sub3A_477, %div3A_456 : i32
        %jit3A_479 = arith.constant 2 : i32
        %eq3A_480 = arith.constant 0 : i32
        %eq3A_481 = arith.cmpi eq, %jit3A_479, %eq3A_480 : i32
        %jit3A_482 = arith.constant 1 : i32
        %select_n3A_483 = arith.select %eq3A_481, %jit3A_482, %jit3A_479 : i32
        %rem3A_484 = arith.remsi %select_n3A_478, %select_n3A_483 : i32
        %ne3A_485 = arith.constant 0 : i32
        %ne3A_486 = arith.cmpi ne, %rem3A_484, %ne3A_485 : i32
        %lt3A_487 = arith.constant 0 : i32
        %lt3A_488 = arith.cmpi slt, %rem3A_484, %lt3A_487 : i32
        %lt3A_489 = arith.constant 0 : i32
        %lt3A_490 = arith.cmpi slt, %select_n3A_483, %lt3A_489 : i32
        %ne3A_491 = arith.xori %lt3A_488, %lt3A_490 : i1
        %and3A_492 = arith.andi %ne3A_491, %ne3A_486 : i1
        %add3A_493 = arith.addi %rem3A_484, %select_n3A_483 : i32
        %select_n3A_494 = arith.select %and3A_492, %add3A_493, %rem3A_484 : i32
        %jit3A_495 = arith.constant 16 : i32
        %eq3A_496 = arith.constant 0 : i32
        %eq3A_497 = arith.cmpi eq, %jit3A_495, %eq3A_496 : i32
        %jit3A_498 = arith.constant 1 : i32
        %select_n3A_499 = arith.select %eq3A_497, %jit3A_498, %jit3A_495 : i32
        %rem3A_500 = arith.remsi %add3A_95, %select_n3A_499 : i32
        %ne3A_501 = arith.constant 0 : i32
        %ne3A_502 = arith.cmpi ne, %rem3A_500, %ne3A_501 : i32
        %lt3A_503 = arith.constant 0 : i32
        %lt3A_504 = arith.cmpi slt, %rem3A_500, %lt3A_503 : i32
        %lt3A_505 = arith.constant 0 : i32
        %lt3A_506 = arith.cmpi slt, %select_n3A_499, %lt3A_505 : i32
        %ne3A_507 = arith.xori %lt3A_504, %lt3A_506 : i1
        %and3A_508 = arith.andi %ne3A_507, %ne3A_502 : i1
        %add3A_509 = arith.addi %rem3A_500, %select_n3A_499 : i32
        %select_n3A_510 = arith.select %and3A_508, %add3A_509, %rem3A_500 : i32
        %dma_start3A_511 = arith.constant 0 : i32
        %dma_start3A_512 = arith.constant 0 : i32
        %dma_start3A_513 = tpu.memref_slice %arg8[%dma_start3A_511, %dma_start3A_512] : memref<128x128xf32, #tpu.memory_space<vmem>> -> memref<64x128xf32, #tpu.memory_space<vmem>>
        %dma_start3A_514 = arith.constant 0 : i32
        %dma_start3A_515 = tpu.memref_slice %arg6[%select_n3A_494, %select_n3A_510, %dma_start3A_514] : memref<2x16x128xi32, #tpu.memory_space<vmem>> -> memref<1x1x64xi32, #tpu.memory_space<vmem>>
        %dma_start3A_516 = tpu.memref_squeeze %dma_start3A_515 : memref<1x1x64xi32, #tpu.memory_space<vmem>> -> memref<64xi32, #tpu.memory_space<vmem>>
        %dma_start3A_517 = arith.constant 0 : i32
        %dma_start3A_518 = arith.constant 0 : i32
        %dma_start3A_519 = tpu.memref_slice %arg2[%dma_start3A_517, %dma_start3A_518] : memref<10240x128xf32, #tpu.memory_space<hbm>> -> memref<10240x128xf32, #tpu.memory_space<hbm>>
        tpu.enqueue_indirect_dma source(%dma_start3A_519 : memref<10240x128xf32, #tpu.memory_space<hbm>>) target(%dma_start3A_513 : memref<64x128xf32, #tpu.memory_space<vmem>>) offsets(%dma_start3A_516 : memref<64xi32, #tpu.memory_space<vmem>>) semaphore(%arg11 : memref<!tpu.dma_semaphore, #tpu.memory_space<semaphore_mem>>)
        %dma_start3A_520 = arith.constant 64 : i32
        %dma_start3A_521 = arith.constant 0 : i32
        %dma_start3A_522 = tpu.memref_slice %arg8[%dma_start3A_520, %dma_start3A_521] : memref<128x128xf32, #tpu.memory_space<vmem>> -> memref<64x128xf32, #tpu.memory_space<vmem>>
        %dma_start3A_523 = arith.constant 64 : i32
        %dma_start3A_524 = tpu.memref_slice %arg6[%select_n3A_494, %select_n3A_510, %dma_start3A_523] : memref<2x16x128xi32, #tpu.memory_space<vmem>> -> memref<1x1x64xi32, #tpu.memory_space<vmem>>
        %dma_start3A_525 = tpu.memref_squeeze %dma_start3A_524 : memref<1x1x64xi32, #tpu.memory_space<vmem>> -> memref<64xi32, #tpu.memory_space<vmem>>
        %dma_start3A_526 = arith.constant 0 : i32
        %dma_start3A_527 = arith.constant 0 : i32
        %dma_start3A_528 = tpu.memref_slice %arg2[%dma_start3A_526, %dma_start3A_527] : memref<10240x128xf32, #tpu.memory_space<hbm>> -> memref<10240x128xf32, #tpu.memory_space<hbm>>
        tpu.enqueue_indirect_dma source(%dma_start3A_528 : memref<10240x128xf32, #tpu.memory_space<hbm>>) target(%dma_start3A_522 : memref<64x128xf32, #tpu.memory_space<vmem>>) offsets(%dma_start3A_525 : memref<64xi32, #tpu.memory_space<vmem>>) semaphore(%arg11 : memref<!tpu.dma_semaphore, #tpu.memory_space<semaphore_mem>>)
      } else {
      }
      %jit3A_325 = arith.constant 16 : i32
      %div3A_326 = arith.divsi %add3A_93, %jit3A_325 : i32
      %sign3A_327 = arith.constant 0 : i32
      %sign3A_328 = arith.cmpi sgt, %add3A_93, %sign3A_327 : i32
      %sign3A_329 = arith.extui %sign3A_328 : i1 to i32
      %sign3A_330 = arith.constant 0 : i32
      %sign3A_331 = arith.cmpi slt, %add3A_93, %sign3A_330 : i32
      %sign3A_332 = arith.extui %sign3A_331 : i1 to i32
      %sign3A_333 = arith.subi %sign3A_329, %sign3A_332 : i32
      %sign3A_334 = arith.constant 0 : i32
      %sign3A_335 = arith.cmpi sgt, %jit3A_325, %sign3A_334 : i32
      %sign3A_336 = arith.extui %sign3A_335 : i1 to i32
      %sign3A_337 = arith.constant 0 : i32
      %sign3A_338 = arith.cmpi slt, %jit3A_325, %sign3A_337 : i32
      %sign3A_339 = arith.extui %sign3A_338 : i1 to i32
      %sign3A_340 = arith.subi %sign3A_336, %sign3A_339 : i32
      %ne3A_341 = arith.cmpi ne, %sign3A_333, %sign3A_340 : i32
      %rem3A_342 = arith.remsi %add3A_93, %jit3A_325 : i32
      %ne3A_343 = arith.constant 0 : i32
      %ne3A_344 = arith.cmpi ne, %rem3A_342, %ne3A_343 : i32
      %and3A_345 = arith.andi %ne3A_341, %ne3A_344 : i1
      %sub3A_346 = arith.constant 1 : i32
      %sub3A_347 = arith.subi %div3A_326, %sub3A_346 : i32
      %select_n3A_348 = arith.select %and3A_345, %sub3A_347, %div3A_326 : i32
      %jit3A_349 = arith.constant 2 : i32
      %eq3A_350 = arith.constant 0 : i32
      %eq3A_351 = arith.cmpi eq, %jit3A_349, %eq3A_350 : i32
      %jit3A_352 = arith.constant 1 : i32
      %select_n3A_353 = arith.select %eq3A_351, %jit3A_352, %jit3A_349 : i32
      %rem3A_354 = arith.remsi %select_n3A_348, %select_n3A_353 : i32
      %ne3A_355 = arith.constant 0 : i32
      %ne3A_356 = arith.cmpi ne, %rem3A_354, %ne3A_355 : i32
      %lt3A_357 = arith.constant 0 : i32
      %lt3A_358 = arith.cmpi slt, %rem3A_354, %lt3A_357 : i32
      %lt3A_359 = arith.constant 0 : i32
      %lt3A_360 = arith.cmpi slt, %select_n3A_353, %lt3A_359 : i32
      %ne3A_361 = arith.xori %lt3A_358, %lt3A_360 : i1
      %and3A_362 = arith.andi %ne3A_361, %ne3A_356 : i1
      %add3A_363 = arith.addi %rem3A_354, %select_n3A_353 : i32
      %select_n3A_364 = arith.select %and3A_362, %add3A_363, %rem3A_354 : i32
      %jit3A_365 = arith.constant 16 : i32
      %eq3A_366 = arith.constant 0 : i32
      %eq3A_367 = arith.cmpi eq, %jit3A_365, %eq3A_366 : i32
      %jit3A_368 = arith.constant 1 : i32
      %select_n3A_369 = arith.select %eq3A_367, %jit3A_368, %jit3A_365 : i32
      %rem3A_370 = arith.remsi %add3A_93, %select_n3A_369 : i32
      %ne3A_371 = arith.constant 0 : i32
      %ne3A_372 = arith.cmpi ne, %rem3A_370, %ne3A_371 : i32
      %lt3A_373 = arith.constant 0 : i32
      %lt3A_374 = arith.cmpi slt, %rem3A_370, %lt3A_373 : i32
      %lt3A_375 = arith.constant 0 : i32
      %lt3A_376 = arith.cmpi slt, %select_n3A_369, %lt3A_375 : i32
      %ne3A_377 = arith.xori %lt3A_374, %lt3A_376 : i1
      %and3A_378 = arith.andi %ne3A_377, %ne3A_372 : i1
      %add3A_379 = arith.addi %rem3A_370, %select_n3A_369 : i32
      %select_n3A_380 = arith.select %and3A_378, %add3A_379, %rem3A_370 : i32
      %dma_wait3A_381 = arith.constant 0 : i32
      %dma_wait3A_382 = arith.constant 0 : i32
      %dma_wait3A_383 = tpu.memref_slice %arg9[%dma_wait3A_381, %dma_wait3A_382] : memref<128x128xf32, #tpu.memory_space<vmem>> -> memref<64x128xf32, #tpu.memory_space<vmem>>
      %dma_wait3A_384 = arith.constant 0 : i32
      %dma_wait3A_385 = tpu.memref_slice %arg6[%select_n3A_364, %select_n3A_380, %dma_wait3A_384] : memref<2x16x128xi32, #tpu.memory_space<vmem>> -> memref<1x1x64xi32, #tpu.memory_space<vmem>>
      %dma_wait3A_386 = tpu.memref_squeeze %dma_wait3A_385 : memref<1x1x64xi32, #tpu.memory_space<vmem>> -> memref<64xi32, #tpu.memory_space<vmem>>
      %dma_wait3A_387 = arith.constant 0 : i32
      %dma_wait3A_388 = arith.constant 0 : i32
      %dma_wait3A_389 = tpu.memref_slice %arg2[%dma_wait3A_387, %dma_wait3A_388] : memref<10240x128xf32, #tpu.memory_space<hbm>> -> memref<10240x128xf32, #tpu.memory_space<hbm>>
      tpu.wait_indirect_dma semaphore(%arg12 : memref<!tpu.dma_semaphore, #tpu.memory_space<semaphore_mem>>) src(%dma_wait3A_389 : memref<10240x128xf32, #tpu.memory_space<hbm>>) dst(%dma_wait3A_383 : memref<64x128xf32, #tpu.memory_space<vmem>>)
      %dma_wait3A_390 = arith.constant 64 : i32
      %dma_wait3A_391 = arith.constant 0 : i32
      %dma_wait3A_392 = tpu.memref_slice %arg9[%dma_wait3A_390, %dma_wait3A_391] : memref<128x128xf32, #tpu.memory_space<vmem>> -> memref<64x128xf32, #tpu.memory_space<vmem>>
      %dma_wait3A_393 = arith.constant 64 : i32
      %dma_wait3A_394 = tpu.memref_slice %arg6[%select_n3A_364, %select_n3A_380, %dma_wait3A_393] : memref<2x16x128xi32, #tpu.memory_space<vmem>> -> memref<1x1x64xi32, #tpu.memory_space<vmem>>
      %dma_wait3A_395 = tpu.memref_squeeze %dma_wait3A_394 : memref<1x1x64xi32, #tpu.memory_space<vmem>> -> memref<64xi32, #tpu.memory_space<vmem>>
      %dma_wait3A_396 = arith.constant 0 : i32
      %dma_wait3A_397 = arith.constant 0 : i32
      %dma_wait3A_398 = tpu.memref_slice %arg2[%dma_wait3A_396, %dma_wait3A_397] : memref<10240x128xf32, #tpu.memory_space<hbm>> -> memref<10240x128xf32, #tpu.memory_space<hbm>>
      tpu.wait_indirect_dma semaphore(%arg12 : memref<!tpu.dma_semaphore, #tpu.memory_space<semaphore_mem>>) src(%dma_wait3A_398 : memref<10240x128xf32, #tpu.memory_space<hbm>>) dst(%dma_wait3A_392 : memref<64x128xf32, #tpu.memory_space<vmem>>)
      %jit3A_399 = arith.constant 16 : i32
      %div3A_400 = arith.divsi %add3A_93, %jit3A_399 : i32
      %sign3A_401 = arith.constant 0 : i32
      %sign3A_402 = arith.cmpi sgt, %add3A_93, %sign3A_401 : i32
      %sign3A_403 = arith.extui %sign3A_402 : i1 to i32
      %sign3A_404 = arith.constant 0 : i32
      %sign3A_405 = arith.cmpi slt, %add3A_93, %sign3A_404 : i32
      %sign3A_406 = arith.extui %sign3A_405 : i1 to i32
      %sign3A_407 = arith.subi %sign3A_403, %sign3A_406 : i32
      %sign3A_408 = arith.constant 0 : i32
      %sign3A_409 = arith.cmpi sgt, %jit3A_399, %sign3A_408 : i32
      %sign3A_410 = arith.extui %sign3A_409 : i1 to i32
      %sign3A_411 = arith.constant 0 : i32
      %sign3A_412 = arith.cmpi slt, %jit3A_399, %sign3A_411 : i32
      %sign3A_413 = arith.extui %sign3A_412 : i1 to i32
      %sign3A_414 = arith.subi %sign3A_410, %sign3A_413 : i32
      %ne3A_415 = arith.cmpi ne, %sign3A_407, %sign3A_414 : i32
      %rem3A_416 = arith.remsi %add3A_93, %jit3A_399 : i32
      %ne3A_417 = arith.constant 0 : i32
      %ne3A_418 = arith.cmpi ne, %rem3A_416, %ne3A_417 : i32
      %and3A_419 = arith.andi %ne3A_415, %ne3A_418 : i1
      %sub3A_420 = arith.constant 1 : i32
      %sub3A_421 = arith.subi %div3A_400, %sub3A_420 : i32
      %select_n3A_422 = arith.select %and3A_419, %sub3A_421, %div3A_400 : i32
      %jit3A_423 = arith.constant 2 : i32
      %eq3A_424 = arith.constant 0 : i32
      %eq3A_425 = arith.cmpi eq, %jit3A_423, %eq3A_424 : i32
      %jit3A_426 = arith.constant 1 : i32
      %select_n3A_427 = arith.select %eq3A_425, %jit3A_426, %jit3A_423 : i32
      %rem3A_428 = arith.remsi %select_n3A_422, %select_n3A_427 : i32
      %ne3A_429 = arith.constant 0 : i32
      %ne3A_430 = arith.cmpi ne, %rem3A_428, %ne3A_429 : i32
      %lt3A_431 = arith.constant 0 : i32
      %lt3A_432 = arith.cmpi slt, %rem3A_428, %lt3A_431 : i32
      %lt3A_433 = arith.constant 0 : i32
      %lt3A_434 = arith.cmpi slt, %select_n3A_427, %lt3A_433 : i32
      %ne3A_435 = arith.xori %lt3A_432, %lt3A_434 : i1
      %and3A_436 = arith.andi %ne3A_435, %ne3A_430 : i1
      %add3A_437 = arith.addi %rem3A_428, %select_n3A_427 : i32
      %select_n3A_438 = arith.select %and3A_436, %add3A_437, %rem3A_428 : i32
      %jit3A_439 = arith.constant 16 : i32
      %eq3A_440 = arith.constant 0 : i32
      %eq3A_441 = arith.cmpi eq, %jit3A_439, %eq3A_440 : i32
      %jit3A_442 = arith.constant 1 : i32
      %select_n3A_443 = arith.select %eq3A_441, %jit3A_442, %jit3A_439 : i32
      %rem3A_444 = arith.remsi %add3A_93, %select_n3A_443 : i32
      %ne3A_445 = arith.constant 0 : i32
      %ne3A_446 = arith.cmpi ne, %rem3A_444, %ne3A_445 : i32
      %lt3A_447 = arith.constant 0 : i32
      %lt3A_448 = arith.cmpi slt, %rem3A_444, %lt3A_447 : i32
      %lt3A_449 = arith.constant 0 : i32
      %lt3A_450 = arith.cmpi slt, %select_n3A_443, %lt3A_449 : i32
      %ne3A_451 = arith.xori %lt3A_448, %lt3A_450 : i1
      %and3A_452 = arith.andi %ne3A_451, %ne3A_446 : i1
      %add3A_453 = arith.addi %rem3A_444, %select_n3A_443 : i32
      %select_n3A_454 = arith.select %and3A_452, %add3A_453, %rem3A_444 : i32
      "tpu.region"() ({
        %run_scoped3A_455 = tpu.sem_alloc : memref<!tpu.dma_semaphore, #tpu.memory_space<semaphore_mem>>
        %dma_start3A_456 = arith.constant 0 : i32
        %dma_start3A_457 = tpu.memref_slice %arg7[%select_n3A_438, %select_n3A_454, %dma_start3A_456] : memref<2x16x128xi32, #tpu.memory_space<vmem>> -> memref<1x1x128xi32, #tpu.memory_space<vmem>>
        %dma_start3A_458 = tpu.memref_squeeze %dma_start3A_457 : memref<1x1x128xi32, #tpu.memory_space<vmem>> -> memref<128xi32, #tpu.memory_space<vmem>>
        %dma_start3A_459 = arith.constant 0 : i32
        %dma_start3A_460 = arith.constant 0 : i32
        %dma_start3A_461 = tpu.memref_slice %arg10[%dma_start3A_459, %dma_start3A_460] : memref<10240x128xf32, #tpu.memory_space<vmem_shared>> -> memref<10240x128xf32, #tpu.memory_space<vmem_shared>>
        tpu.enqueue_indirect_dma source(%arg9 : memref<128x128xf32, #tpu.memory_space<vmem>>) target(%dma_start3A_461 : memref<10240x128xf32, #tpu.memory_space<vmem_shared>>) offsets(%dma_start3A_458 : memref<128xi32, #tpu.memory_space<vmem>>) semaphore(%run_scoped3A_455 : memref<!tpu.dma_semaphore, #tpu.memory_space<semaphore_mem>>) {add = true}
        %dma_wait3A_462 = arith.constant 0 : i32
        %dma_wait3A_463 = tpu.memref_slice %arg7[%select_n3A_438, %select_n3A_454, %dma_wait3A_462] : memref<2x16x128xi32, #tpu.memory_space<vmem>> -> memref<1x1x128xi32, #tpu.memory_space<vmem>>
        %dma_wait3A_464 = tpu.memref_squeeze %dma_wait3A_463 : memref<1x1x128xi32, #tpu.memory_space<vmem>> -> memref<128xi32, #tpu.memory_space<vmem>>
        %dma_wait3A_465 = arith.constant 0 : i32
        %dma_wait3A_466 = arith.constant 0 : i32
        %dma_wait3A_467 = tpu.memref_slice %arg10[%dma_wait3A_465, %dma_wait3A_466] : memref<10240x128xf32, #tpu.memory_space<vmem_shared>> -> memref<10240x128xf32, #tpu.memory_space<vmem_shared>>
        tpu.wait_indirect_dma semaphore(%run_scoped3A_455 : memref<!tpu.dma_semaphore, #tpu.memory_space<semaphore_mem>>) src(%arg9 : memref<128x128xf32, #tpu.memory_space<vmem>>) dst(%dma_wait3A_467 : memref<10240x128xf32, #tpu.memory_space<vmem_shared>>)
        tpu.yield
      }) : () -> ()
    }
    %while3A_83 = arith.constant 1 : i32
    scf.for %while3A_89 = %while3A_81 to %while3A_77 step %while3A_83  : i32 {
      %mul3A_90 = arith.constant 2 : i32
      %mul3A_91 = arith.muli %mul3A_90, %while3A_89 : i32
      %add3A_92 = arith.constant 1 : i32
      %add3A_93 = arith.addi %mul3A_91, %add3A_92 : i32
      %add3A_94 = arith.constant 2 : i32
      %add3A_95 = arith.addi %mul3A_91, %add3A_94 : i32
      %jit3A_96 = arith.constant 16 : i32
      %eq3A_97 = arith.constant 0 : i32
      %eq3A_98 = arith.cmpi eq, %jit3A_96, %eq3A_97 : i32
      %jit3A_99 = arith.constant 1 : i32
      %select_n3A_100 = arith.select %eq3A_98, %jit3A_99, %jit3A_96 : i32
      %rem3A_101 = arith.remsi %mul3A_91, %select_n3A_100 : i32
      %ne3A_102 = arith.constant 0 : i32
      %ne3A_103 = arith.cmpi ne, %rem3A_101, %ne3A_102 : i32
      %lt3A = arith.constant 0 : i32
      %lt3A_104 = arith.cmpi slt, %rem3A_101, %lt3A : i32
      %lt3A_105 = arith.constant 0 : i32
      %lt3A_106 = arith.cmpi slt, %select_n3A_100, %lt3A_105 : i32
      %ne3A_107 = arith.xori %lt3A_104, %lt3A_106 : i1
      %and3A_108 = arith.andi %ne3A_107, %ne3A_103 : i1
      %add3A_109 = arith.addi %rem3A_101, %select_n3A_100 : i32
      %select_n3A_110 = arith.select %and3A_108, %add3A_109, %rem3A_101 : i32
      %eq3A_111 = arith.constant 0 : i32
      %eq3A_112 = arith.cmpi eq, %select_n3A_110, %eq3A_111 : i32
      %add3A_113 = arith.constant 16 : i32
      %add3A_114 = arith.addi %mul3A_91, %add3A_113 : i32
      %lt3A_115 = arith.cmpi slt, %add3A_114, %select_n3A : i32
      %and3A_116 = arith.andi %eq3A_112, %lt3A_115 : i1
      %convert_element_type3A = arith.extui %and3A_116 : i1 to i32
      %cond3A = arith.constant 0 : i32
      %cond3A_117 = arith.cmpi ne, %convert_element_type3A, %cond3A : i32
      scf.if %cond3A_117 {
        %jit3A_455 = arith.constant 16 : i32
        %div3A_456 = arith.divsi %mul3A_91, %jit3A_455 : i32
        %sign3A_457 = arith.constant 0 : i32
        %sign3A_458 = arith.cmpi sgt, %mul3A_91, %sign3A_457 : i32
        %sign3A_459 = arith.extui %sign3A_458 : i1 to i32
        %sign3A_460 = arith.constant 0 : i32
        %sign3A_461 = arith.cmpi slt, %mul3A_91, %sign3A_460 : i32
        %sign3A_462 = arith.extui %sign3A_461 : i1 to i32
        %sign3A_463 = arith.subi %sign3A_459, %sign3A_462 : i32
        %sign3A_464 = arith.constant 0 : i32
        %sign3A_465 = arith.cmpi sgt, %jit3A_455, %sign3A_464 : i32
        %sign3A_466 = arith.extui %sign3A_465 : i1 to i32
        %sign3A_467 = arith.constant 0 : i32
        %sign3A_468 = arith.cmpi slt, %jit3A_455, %sign3A_467 : i32
        %sign3A_469 = arith.extui %sign3A_468 : i1 to i32
        %sign3A_470 = arith.subi %sign3A_466, %sign3A_469 : i32
        %ne3A_471 = arith.cmpi ne, %sign3A_463, %sign3A_470 : i32
        %rem3A_472 = arith.remsi %mul3A_91, %jit3A_455 : i32
        %ne3A_473 = arith.constant 0 : i32
        %ne3A_474 = arith.cmpi ne, %rem3A_472, %ne3A_473 : i32
        %and3A_475 = arith.andi %ne3A_471, %ne3A_474 : i1
        %sub3A_476 = arith.constant 1 : i32
        %sub3A_477 = arith.subi %div3A_456, %sub3A_476 : i32
        %select_n3A_478 = arith.select %and3A_475, %sub3A_477, %div3A_456 : i32
        %add3A_479 = arith.constant 1 : i32
        %add3A_480 = arith.addi %select_n3A_478, %add3A_479 : i32
        %mul3A_481 = arith.constant 16 : i32
        %mul3A_482 = arith.muli %add3A_480, %mul3A_481 : i32
        %add3A_483 = arith.addi %select_n3A_8, %mul3A_482 : i32
        %jit3A_484 = arith.constant 2 : i32
        %eq3A_485 = arith.constant 0 : i32
        %eq3A_486 = arith.cmpi eq, %jit3A_484, %eq3A_485 : i32
        %jit3A_487 = arith.constant 1 : i32
        %select_n3A_488 = arith.select %eq3A_486, %jit3A_487, %jit3A_484 : i32
        %rem3A_489 = arith.remsi %add3A_480, %select_n3A_488 : i32
        %ne3A_490 = arith.constant 0 : i32
        %ne3A_491 = arith.cmpi ne, %rem3A_489, %ne3A_490 : i32
        %lt3A_492 = arith.constant 0 : i32
        %lt3A_493 = arith.cmpi slt, %rem3A_489, %lt3A_492 : i32
        %lt3A_494 = arith.constant 0 : i32
        %lt3A_495 = arith.cmpi slt, %select_n3A_488, %lt3A_494 : i32
        %ne3A_496 = arith.xori %lt3A_493, %lt3A_495 : i1
        %and3A_497 = arith.andi %ne3A_496, %ne3A_491 : i1
        %add3A_498 = arith.addi %rem3A_489, %select_n3A_488 : i32
        %select_n3A_499 = arith.select %and3A_497, %add3A_498, %rem3A_489 : i32
        "tpu.region"() ({
          %run_scoped3A_519 = tpu.sem_alloc : memref<!tpu.dma_semaphore, #tpu.memory_space<semaphore_mem>>
          %dma_start3A_520 = arith.constant 0 : i32
          %dma_start3A_521 = arith.constant 0 : i32
          %dma_start3A_522 = tpu.memref_slice %arg6[%select_n3A_499, %dma_start3A_520, %dma_start3A_521] : memref<2x16x128xi32, #tpu.memory_space<vmem>> -> memref<1x16x128xi32, #tpu.memory_space<vmem>>
          %dma_start3A_523 = tpu.memref_squeeze %dma_start3A_522 : memref<1x16x128xi32, #tpu.memory_space<vmem>> -> memref<16x128xi32, #tpu.memory_space<vmem>>
          %dma_start3A_524 = arith.constant 0 : i32
          %dma_start3A_525 = tpu.memref_slice %arg3[%add3A_483, %dma_start3A_524] : memref<2576x128xi32, #tpu.memory_space<hbm>> -> memref<16x128xi32, #tpu.memory_space<hbm>>
          %dma_start3A_526 = arith.constant 0 : i32
          %dma_start3A_527 = arith.constant 0 : i32
          %dma_start3A_528 = tpu.memref_slice %arg6[%select_n3A_499, %dma_start3A_526, %dma_start3A_527] : memref<2x16x128xi32, #tpu.memory_space<vmem>> -> memref<1x16x128xi32, #tpu.memory_space<vmem>>
          %dma_start3A_529 = tpu.memref_squeeze %dma_start3A_528 : memref<1x16x128xi32, #tpu.memory_space<vmem>> -> memref<16x128xi32, #tpu.memory_space<vmem>>
          %dma_start3A_530 = arith.constant 0 : i32
          %dma_start3A_531 = tpu.memref_slice %arg3[%add3A_483, %dma_start3A_530] : memref<2576x128xi32, #tpu.memory_space<hbm>> -> memref<16x128xi32, #tpu.memory_space<hbm>>
          tpu.enqueue_dma source(%dma_start3A_531 : memref<16x128xi32, #tpu.memory_space<hbm>>) target(%dma_start3A_529 : memref<16x128xi32, #tpu.memory_space<vmem>>) target_semaphore(%run_scoped3A_519 : memref<!tpu.dma_semaphore, #tpu.memory_space<semaphore_mem>>)
          %dma_wait3A_532 = arith.constant 0 : i32
          %dma_wait3A_533 = arith.constant 0 : i32
          %dma_wait3A_534 = tpu.memref_slice %arg6[%select_n3A_499, %dma_wait3A_532, %dma_wait3A_533] : memref<2x16x128xi32, #tpu.memory_space<vmem>> -> memref<1x16x128xi32, #tpu.memory_space<vmem>>
          %dma_wait3A_535 = tpu.memref_squeeze %dma_wait3A_534 : memref<1x16x128xi32, #tpu.memory_space<vmem>> -> memref<16x128xi32, #tpu.memory_space<vmem>>
          %dma_wait3A_536 = arith.constant 0 : i32
          %dma_wait3A_537 = tpu.memref_slice %arg3[%add3A_483, %dma_wait3A_536] : memref<2576x128xi32, #tpu.memory_space<hbm>> -> memref<16x128xi32, #tpu.memory_space<hbm>>
          %dma_wait3A_538 = arith.constant 0 : i32
          %dma_wait3A_539 = arith.constant 0 : i32
          %dma_wait3A_540 = tpu.memref_slice %arg6[%select_n3A_499, %dma_wait3A_538, %dma_wait3A_539] : memref<2x16x128xi32, #tpu.memory_space<vmem>> -> memref<1x16x128xi32, #tpu.memory_space<vmem>>
          %dma_wait3A_541 = tpu.memref_squeeze %dma_wait3A_540 : memref<1x16x128xi32, #tpu.memory_space<vmem>> -> memref<16x128xi32, #tpu.memory_space<vmem>>
          %dma_wait3A_542 = arith.constant 0 : i32
          %dma_wait3A_543 = tpu.memref_slice %arg3[%add3A_483, %dma_wait3A_542] : memref<2576x128xi32, #tpu.memory_space<hbm>> -> memref<16x128xi32, #tpu.memory_space<hbm>>
          tpu.wait_dma2 semaphore(%run_scoped3A_519 : memref<!tpu.dma_semaphore, #tpu.memory_space<semaphore_mem>>) src(%dma_wait3A_543 : memref<16x128xi32, #tpu.memory_space<hbm>>) dst(%dma_wait3A_541 : memref<16x128xi32, #tpu.memory_space<vmem>>)
          tpu.yield
        }) : () -> ()
        %mul3A_500 = arith.constant 16 : i32
        %mul3A_501 = arith.muli %add3A_480, %mul3A_500 : i32
        %add3A_502 = arith.addi %select_n3A_8, %mul3A_501 : i32
        %jit3A_503 = arith.constant 2 : i32
        %eq3A_504 = arith.constant 0 : i32
        %eq3A_505 = arith.cmpi eq, %jit3A_503, %eq3A_504 : i32
        %jit3A_506 = arith.constant 1 : i32
        %select_n3A_507 = arith.select %eq3A_505, %jit3A_506, %jit3A_503 : i32
        %rem3A_508 = arith.remsi %add3A_480, %select_n3A_507 : i32
        %ne3A_509 = arith.constant 0 : i32
        %ne3A_510 = arith.cmpi ne, %rem3A_508, %ne3A_509 : i32
        %lt3A_511 = arith.constant 0 : i32
        %lt3A_512 = arith.cmpi slt, %rem3A_508, %lt3A_511 : i32
        %lt3A_513 = arith.constant 0 : i32
        %lt3A_514 = arith.cmpi slt, %select_n3A_507, %lt3A_513 : i32
        %ne3A_515 = arith.xori %lt3A_512, %lt3A_514 : i1
        %and3A_516 = arith.andi %ne3A_515, %ne3A_510 : i1
        %add3A_517 = arith.addi %rem3A_508, %select_n3A_507 : i32
        %select_n3A_518 = arith.select %and3A_516, %add3A_517, %rem3A_508 : i32
        "tpu.region"() ({
          %run_scoped3A_519 = tpu.sem_alloc : memref<!tpu.dma_semaphore, #tpu.memory_space<semaphore_mem>>
          %dma_start3A_520 = arith.constant 0 : i32
          %dma_start3A_521 = arith.constant 0 : i32
          %dma_start3A_522 = tpu.memref_slice %arg7[%select_n3A_518, %dma_start3A_520, %dma_start3A_521] : memref<2x16x128xi32, #tpu.memory_space<vmem>> -> memref<1x16x128xi32, #tpu.memory_space<vmem>>
          %dma_start3A_523 = tpu.memref_squeeze %dma_start3A_522 : memref<1x16x128xi32, #tpu.memory_space<vmem>> -> memref<16x128xi32, #tpu.memory_space<vmem>>
          %dma_start3A_524 = arith.constant 0 : i32
          %dma_start3A_525 = tpu.memref_slice %arg4[%add3A_502, %dma_start3A_524] : memref<2576x128xi32, #tpu.memory_space<hbm>> -> memref<16x128xi32, #tpu.memory_space<hbm>>
          %dma_start3A_526 = arith.constant 0 : i32
          %dma_start3A_527 = arith.constant 0 : i32
          %dma_start3A_528 = tpu.memref_slice %arg7[%select_n3A_518, %dma_start3A_526, %dma_start3A_527] : memref<2x16x128xi32, #tpu.memory_space<vmem>> -> memref<1x16x128xi32, #tpu.memory_space<vmem>>
          %dma_start3A_529 = tpu.memref_squeeze %dma_start3A_528 : memref<1x16x128xi32, #tpu.memory_space<vmem>> -> memref<16x128xi32, #tpu.memory_space<vmem>>
          %dma_start3A_530 = arith.constant 0 : i32
          %dma_start3A_531 = tpu.memref_slice %arg4[%add3A_502, %dma_start3A_530] : memref<2576x128xi32, #tpu.memory_space<hbm>> -> memref<16x128xi32, #tpu.memory_space<hbm>>
          tpu.enqueue_dma source(%dma_start3A_531 : memref<16x128xi32, #tpu.memory_space<hbm>>) target(%dma_start3A_529 : memref<16x128xi32, #tpu.memory_space<vmem>>) target_semaphore(%run_scoped3A_519 : memref<!tpu.dma_semaphore, #tpu.memory_space<semaphore_mem>>)
          %dma_wait3A_532 = arith.constant 0 : i32
          %dma_wait3A_533 = arith.constant 0 : i32
          %dma_wait3A_534 = tpu.memref_slice %arg7[%select_n3A_518, %dma_wait3A_532, %dma_wait3A_533] : memref<2x16x128xi32, #tpu.memory_space<vmem>> -> memref<1x16x128xi32, #tpu.memory_space<vmem>>
          %dma_wait3A_535 = tpu.memref_squeeze %dma_wait3A_534 : memref<1x16x128xi32, #tpu.memory_space<vmem>> -> memref<16x128xi32, #tpu.memory_space<vmem>>
          %dma_wait3A_536 = arith.constant 0 : i32
          %dma_wait3A_537 = tpu.memref_slice %arg4[%add3A_502, %dma_wait3A_536] : memref<2576x128xi32, #tpu.memory_space<hbm>> -> memref<16x128xi32, #tpu.memory_space<hbm>>
          %dma_wait3A_538 = arith.constant 0 : i32
          %dma_wait3A_539 = arith.constant 0 : i32
          %dma_wait3A_540 = tpu.memref_slice %arg7[%select_n3A_518, %dma_wait3A_538, %dma_wait3A_539] : memref<2x16x128xi32, #tpu.memory_space<vmem>> -> memref<1x16x128xi32, #tpu.memory_space<vmem>>
          %dma_wait3A_541 = tpu.memref_squeeze %dma_wait3A_540 : memref<1x16x128xi32, #tpu.memory_space<vmem>> -> memref<16x128xi32, #tpu.memory_space<vmem>>
          %dma_wait3A_542 = arith.constant 0 : i32
          %dma_wait3A_543 = tpu.memref_slice %arg4[%add3A_502, %dma_wait3A_542] : memref<2576x128xi32, #tpu.memory_space<hbm>> -> memref<16x128xi32, #tpu.memory_space<hbm>>
          tpu.wait_dma2 semaphore(%run_scoped3A_519 : memref<!tpu.dma_semaphore, #tpu.memory_space<semaphore_mem>>) src(%dma_wait3A_543 : memref<16x128xi32, #tpu.memory_space<hbm>>) dst(%dma_wait3A_541 : memref<16x128xi32, #tpu.memory_space<vmem>>)
          tpu.yield
        }) : () -> ()
      } else {
      }
      %jit3A_118 = arith.constant 16 : i32
      %div3A_119 = arith.divsi %add3A_93, %jit3A_118 : i32
      %sign3A_120 = arith.constant 0 : i32
      %sign3A_121 = arith.cmpi sgt, %add3A_93, %sign3A_120 : i32
      %sign3A_122 = arith.extui %sign3A_121 : i1 to i32
      %sign3A_123 = arith.constant 0 : i32
      %sign3A_124 = arith.cmpi slt, %add3A_93, %sign3A_123 : i32
      %sign3A_125 = arith.extui %sign3A_124 : i1 to i32
      %sign3A_126 = arith.subi %sign3A_122, %sign3A_125 : i32
      %sign3A_127 = arith.constant 0 : i32
      %sign3A_128 = arith.cmpi sgt, %jit3A_118, %sign3A_127 : i32
      %sign3A_129 = arith.extui %sign3A_128 : i1 to i32
      %sign3A_130 = arith.constant 0 : i32
      %sign3A_131 = arith.cmpi slt, %jit3A_118, %sign3A_130 : i32
      %sign3A_132 = arith.extui %sign3A_131 : i1 to i32
      %sign3A_133 = arith.subi %sign3A_129, %sign3A_132 : i32
      %ne3A_134 = arith.cmpi ne, %sign3A_126, %sign3A_133 : i32
      %rem3A_135 = arith.remsi %add3A_93, %jit3A_118 : i32
      %ne3A_136 = arith.constant 0 : i32
      %ne3A_137 = arith.cmpi ne, %rem3A_135, %ne3A_136 : i32
      %and3A_138 = arith.andi %ne3A_134, %ne3A_137 : i1
      %sub3A_139 = arith.constant 1 : i32
      %sub3A_140 = arith.subi %div3A_119, %sub3A_139 : i32
      %select_n3A_141 = arith.select %and3A_138, %sub3A_140, %div3A_119 : i32
      %jit3A_142 = arith.constant 2 : i32
      %eq3A_143 = arith.constant 0 : i32
      %eq3A_144 = arith.cmpi eq, %jit3A_142, %eq3A_143 : i32
      %jit3A_145 = arith.constant 1 : i32
      %select_n3A_146 = arith.select %eq3A_144, %jit3A_145, %jit3A_142 : i32
      %rem3A_147 = arith.remsi %select_n3A_141, %select_n3A_146 : i32
      %ne3A_148 = arith.constant 0 : i32
      %ne3A_149 = arith.cmpi ne, %rem3A_147, %ne3A_148 : i32
      %lt3A_150 = arith.constant 0 : i32
      %lt3A_151 = arith.cmpi slt, %rem3A_147, %lt3A_150 : i32
      %lt3A_152 = arith.constant 0 : i32
      %lt3A_153 = arith.cmpi slt, %select_n3A_146, %lt3A_152 : i32
      %ne3A_154 = arith.xori %lt3A_151, %lt3A_153 : i1
      %and3A_155 = arith.andi %ne3A_154, %ne3A_149 : i1
      %add3A_156 = arith.addi %rem3A_147, %select_n3A_146 : i32
      %select_n3A_157 = arith.select %and3A_155, %add3A_156, %rem3A_147 : i32
      %jit3A_158 = arith.constant 16 : i32
      %eq3A_159 = arith.constant 0 : i32
      %eq3A_160 = arith.cmpi eq, %jit3A_158, %eq3A_159 : i32
      %jit3A_161 = arith.constant 1 : i32
      %select_n3A_162 = arith.select %eq3A_160, %jit3A_161, %jit3A_158 : i32
      %rem3A_163 = arith.remsi %add3A_93, %select_n3A_162 : i32
      %ne3A_164 = arith.constant 0 : i32
      %ne3A_165 = arith.cmpi ne, %rem3A_163, %ne3A_164 : i32
      %lt3A_166 = arith.constant 0 : i32
      %lt3A_167 = arith.cmpi slt, %rem3A_163, %lt3A_166 : i32
      %lt3A_168 = arith.constant 0 : i32
      %lt3A_169 = arith.cmpi slt, %select_n3A_162, %lt3A_168 : i32
      %ne3A_170 = arith.xori %lt3A_167, %lt3A_169 : i1
      %and3A_171 = arith.andi %ne3A_170, %ne3A_165 : i1
      %add3A_172 = arith.addi %rem3A_163, %select_n3A_162 : i32
      %select_n3A_173 = arith.select %and3A_171, %add3A_172, %rem3A_163 : i32
      %dma_start3A_174 = arith.constant 0 : i32
      %dma_start3A_175 = arith.constant 0 : i32
      %dma_start3A_176 = tpu.memref_slice %arg9[%dma_start3A_174, %dma_start3A_175] : memref<128x128xf32, #tpu.memory_space<vmem>> -> memref<64x128xf32, #tpu.memory_space<vmem>>
      %dma_start3A_177 = arith.constant 0 : i32
      %dma_start3A_178 = tpu.memref_slice %arg6[%select_n3A_157, %select_n3A_173, %dma_start3A_177] : memref<2x16x128xi32, #tpu.memory_space<vmem>> -> memref<1x1x64xi32, #tpu.memory_space<vmem>>
      %dma_start3A_179 = tpu.memref_squeeze %dma_start3A_178 : memref<1x1x64xi32, #tpu.memory_space<vmem>> -> memref<64xi32, #tpu.memory_space<vmem>>
      %dma_start3A_180 = arith.constant 0 : i32
      %dma_start3A_181 = arith.constant 0 : i32
      %dma_start3A_182 = tpu.memref_slice %arg2[%dma_start3A_180, %dma_start3A_181] : memref<10240x128xf32, #tpu.memory_space<hbm>> -> memref<10240x128xf32, #tpu.memory_space<hbm>>
      tpu.enqueue_indirect_dma source(%dma_start3A_182 : memref<10240x128xf32, #tpu.memory_space<hbm>>) target(%dma_start3A_176 : memref<64x128xf32, #tpu.memory_space<vmem>>) offsets(%dma_start3A_179 : memref<64xi32, #tpu.memory_space<vmem>>) semaphore(%arg12 : memref<!tpu.dma_semaphore, #tpu.memory_space<semaphore_mem>>)
      %dma_start3A_183 = arith.constant 64 : i32
      %dma_start3A_184 = arith.constant 0 : i32
      %dma_start3A_185 = tpu.memref_slice %arg9[%dma_start3A_183, %dma_start3A_184] : memref<128x128xf32, #tpu.memory_space<vmem>> -> memref<64x128xf32, #tpu.memory_space<vmem>>
      %dma_start3A_186 = arith.constant 64 : i32
      %dma_start3A_187 = tpu.memref_slice %arg6[%select_n3A_157, %select_n3A_173, %dma_start3A_186] : memref<2x16x128xi32, #tpu.memory_space<vmem>> -> memref<1x1x64xi32, #tpu.memory_space<vmem>>
      %dma_start3A_188 = tpu.memref_squeeze %dma_start3A_187 : memref<1x1x64xi32, #tpu.memory_space<vmem>> -> memref<64xi32, #tpu.memory_space<vmem>>
      %dma_start3A_189 = arith.constant 0 : i32
      %dma_start3A_190 = arith.constant 0 : i32
      %dma_start3A_191 = tpu.memref_slice %arg2[%dma_start3A_189, %dma_start3A_190] : memref<10240x128xf32, #tpu.memory_space<hbm>> -> memref<10240x128xf32, #tpu.memory_space<hbm>>
      tpu.enqueue_indirect_dma source(%dma_start3A_191 : memref<10240x128xf32, #tpu.memory_space<hbm>>) target(%dma_start3A_185 : memref<64x128xf32, #tpu.memory_space<vmem>>) offsets(%dma_start3A_188 : memref<64xi32, #tpu.memory_space<vmem>>) semaphore(%arg12 : memref<!tpu.dma_semaphore, #tpu.memory_space<semaphore_mem>>)
      %jit3A_192 = arith.constant 16 : i32
      %div3A_193 = arith.divsi %mul3A_91, %jit3A_192 : i32
      %sign3A_194 = arith.constant 0 : i32
      %sign3A_195 = arith.cmpi sgt, %mul3A_91, %sign3A_194 : i32
      %sign3A_196 = arith.extui %sign3A_195 : i1 to i32
      %sign3A_197 = arith.constant 0 : i32
      %sign3A_198 = arith.cmpi slt, %mul3A_91, %sign3A_197 : i32
      %sign3A_199 = arith.extui %sign3A_198 : i1 to i32
      %sign3A_200 = arith.subi %sign3A_196, %sign3A_199 : i32
      %sign3A_201 = arith.constant 0 : i32
      %sign3A_202 = arith.cmpi sgt, %jit3A_192, %sign3A_201 : i32
      %sign3A_203 = arith.extui %sign3A_202 : i1 to i32
      %sign3A_204 = arith.constant 0 : i32
      %sign3A_205 = arith.cmpi slt, %jit3A_192, %sign3A_204 : i32
      %sign3A_206 = arith.extui %sign3A_205 : i1 to i32
      %sign3A_207 = arith.subi %sign3A_203, %sign3A_206 : i32
      %ne3A_208 = arith.cmpi ne, %sign3A_200, %sign3A_207 : i32
      %rem3A_209 = arith.remsi %mul3A_91, %jit3A_192 : i32
      %ne3A_210 = arith.constant 0 : i32
      %ne3A_211 = arith.cmpi ne, %rem3A_209, %ne3A_210 : i32
      %and3A_212 = arith.andi %ne3A_208, %ne3A_211 : i1
      %sub3A_213 = arith.constant 1 : i32
      %sub3A_214 = arith.subi %div3A_193, %sub3A_213 : i32
      %select_n3A_215 = arith.select %and3A_212, %sub3A_214, %div3A_193 : i32
      %jit3A_216 = arith.constant 2 : i32
      %eq3A_217 = arith.constant 0 : i32
      %eq3A_218 = arith.cmpi eq, %jit3A_216, %eq3A_217 : i32
      %jit3A_219 = arith.constant 1 : i32
      %select_n3A_220 = arith.select %eq3A_218, %jit3A_219, %jit3A_216 : i32
      %rem3A_221 = arith.remsi %select_n3A_215, %select_n3A_220 : i32
      %ne3A_222 = arith.constant 0 : i32
      %ne3A_223 = arith.cmpi ne, %rem3A_221, %ne3A_222 : i32
      %lt3A_224 = arith.constant 0 : i32
      %lt3A_225 = arith.cmpi slt, %rem3A_221, %lt3A_224 : i32
      %lt3A_226 = arith.constant 0 : i32
      %lt3A_227 = arith.cmpi slt, %select_n3A_220, %lt3A_226 : i32
      %ne3A_228 = arith.xori %lt3A_225, %lt3A_227 : i1
      %and3A_229 = arith.andi %ne3A_228, %ne3A_223 : i1
      %add3A_230 = arith.addi %rem3A_221, %select_n3A_220 : i32
      %select_n3A_231 = arith.select %and3A_229, %add3A_230, %rem3A_221 : i32
      %jit3A_232 = arith.constant 16 : i32
      %eq3A_233 = arith.constant 0 : i32
      %eq3A_234 = arith.cmpi eq, %jit3A_232, %eq3A_233 : i32
      %jit3A_235 = arith.constant 1 : i32
      %select_n3A_236 = arith.select %eq3A_234, %jit3A_235, %jit3A_232 : i32
      %rem3A_237 = arith.remsi %mul3A_91, %select_n3A_236 : i32
      %ne3A_238 = arith.constant 0 : i32
      %ne3A_239 = arith.cmpi ne, %rem3A_237, %ne3A_238 : i32
      %lt3A_240 = arith.constant 0 : i32
      %lt3A_241 = arith.cmpi slt, %rem3A_237, %lt3A_240 : i32
      %lt3A_242 = arith.constant 0 : i32
      %lt3A_243 = arith.cmpi slt, %select_n3A_236, %lt3A_242 : i32
      %ne3A_244 = arith.xori %lt3A_241, %lt3A_243 : i1
      %and3A_245 = arith.andi %ne3A_244, %ne3A_239 : i1
      %add3A_246 = arith.addi %rem3A_237, %select_n3A_236 : i32
      %select_n3A_247 = arith.select %and3A_245, %add3A_246, %rem3A_237 : i32
      %dma_wait3A = arith.constant 0 : i32
      %dma_wait3A_248 = arith.constant 0 : i32
      %dma_wait3A_249 = tpu.memref_slice %arg8[%dma_wait3A, %dma_wait3A_248] : memref<128x128xf32, #tpu.memory_space<vmem>> -> memref<64x128xf32, #tpu.memory_space<vmem>>
      %dma_wait3A_250 = arith.constant 0 : i32
      %dma_wait3A_251 = tpu.memref_slice %arg6[%select_n3A_231, %select_n3A_247, %dma_wait3A_250] : memref<2x16x128xi32, #tpu.memory_space<vmem>> -> memref<1x1x64xi32, #tpu.memory_space<vmem>>
      %dma_wait3A_252 = tpu.memref_squeeze %dma_wait3A_251 : memref<1x1x64xi32, #tpu.memory_space<vmem>> -> memref<64xi32, #tpu.memory_space<vmem>>
      %dma_wait3A_253 = arith.constant 0 : i32
      %dma_wait3A_254 = arith.constant 0 : i32
      %dma_wait3A_255 = tpu.memref_slice %arg2[%dma_wait3A_253, %dma_wait3A_254] : memref<10240x128xf32, #tpu.memory_space<hbm>> -> memref<10240x128xf32, #tpu.memory_space<hbm>>
      tpu.wait_indirect_dma semaphore(%arg11 : memref<!tpu.dma_semaphore, #tpu.memory_space<semaphore_mem>>) src(%dma_wait3A_255 : memref<10240x128xf32, #tpu.memory_space<hbm>>) dst(%dma_wait3A_249 : memref<64x128xf32, #tpu.memory_space<vmem>>)
      %dma_wait3A_256 = arith.constant 64 : i32
      %dma_wait3A_257 = arith.constant 0 : i32
      %dma_wait3A_258 = tpu.memref_slice %arg8[%dma_wait3A_256, %dma_wait3A_257] : memref<128x128xf32, #tpu.memory_space<vmem>> -> memref<64x128xf32, #tpu.memory_space<vmem>>
      %dma_wait3A_259 = arith.constant 64 : i32
      %dma_wait3A_260 = tpu.memref_slice %arg6[%select_n3A_231, %select_n3A_247, %dma_wait3A_259] : memref<2x16x128xi32, #tpu.memory_space<vmem>> -> memref<1x1x64xi32, #tpu.memory_space<vmem>>
      %dma_wait3A_261 = tpu.memref_squeeze %dma_wait3A_260 : memref<1x1x64xi32, #tpu.memory_space<vmem>> -> memref<64xi32, #tpu.memory_space<vmem>>
      %dma_wait3A_262 = arith.constant 0 : i32
      %dma_wait3A_263 = arith.constant 0 : i32
      %dma_wait3A_264 = tpu.memref_slice %arg2[%dma_wait3A_262, %dma_wait3A_263] : memref<10240x128xf32, #tpu.memory_space<hbm>> -> memref<10240x128xf32, #tpu.memory_space<hbm>>
      tpu.wait_indirect_dma semaphore(%arg11 : memref<!tpu.dma_semaphore, #tpu.memory_space<semaphore_mem>>) src(%dma_wait3A_264 : memref<10240x128xf32, #tpu.memory_space<hbm>>) dst(%dma_wait3A_258 : memref<64x128xf32, #tpu.memory_space<vmem>>)
      %jit3A_265 = arith.constant 16 : i32
      %div3A_266 = arith.divsi %mul3A_91, %jit3A_265 : i32
      %sign3A_267 = arith.constant 0 : i32
      %sign3A_268 = arith.cmpi sgt, %mul3A_91, %sign3A_267 : i32
      %sign3A_269 = arith.extui %sign3A_268 : i1 to i32
      %sign3A_270 = arith.constant 0 : i32
      %sign3A_271 = arith.cmpi slt, %mul3A_91, %sign3A_270 : i32
      %sign3A_272 = arith.extui %sign3A_271 : i1 to i32
      %sign3A_273 = arith.subi %sign3A_269, %sign3A_272 : i32
      %sign3A_274 = arith.constant 0 : i32
      %sign3A_275 = arith.cmpi sgt, %jit3A_265, %sign3A_274 : i32
      %sign3A_276 = arith.extui %sign3A_275 : i1 to i32
      %sign3A_277 = arith.constant 0 : i32
      %sign3A_278 = arith.cmpi slt, %jit3A_265, %sign3A_277 : i32
      %sign3A_279 = arith.extui %sign3A_278 : i1 to i32
      %sign3A_280 = arith.subi %sign3A_276, %sign3A_279 : i32
      %ne3A_281 = arith.cmpi ne, %sign3A_273, %sign3A_280 : i32
      %rem3A_282 = arith.remsi %mul3A_91, %jit3A_265 : i32
      %ne3A_283 = arith.constant 0 : i32
      %ne3A_284 = arith.cmpi ne, %rem3A_282, %ne3A_283 : i32
      %and3A_285 = arith.andi %ne3A_281, %ne3A_284 : i1
      %sub3A_286 = arith.constant 1 : i32
      %sub3A_287 = arith.subi %div3A_266, %sub3A_286 : i32
      %select_n3A_288 = arith.select %and3A_285, %sub3A_287, %div3A_266 : i32
      %jit3A_289 = arith.constant 2 : i32
      %eq3A_290 = arith.constant 0 : i32
      %eq3A_291 = arith.cmpi eq, %jit3A_289, %eq3A_290 : i32
      %jit3A_292 = arith.constant 1 : i32
      %select_n3A_293 = arith.select %eq3A_291, %jit3A_292, %jit3A_289 : i32
      %rem3A_294 = arith.remsi %select_n3A_288, %select_n3A_293 : i32
      %ne3A_295 = arith.constant 0 : i32
      %ne3A_296 = arith.cmpi ne, %rem3A_294, %ne3A_295 : i32
      %lt3A_297 = arith.constant 0 : i32
      %lt3A_298 = arith.cmpi slt, %rem3A_294, %lt3A_297 : i32
      %lt3A_299 = arith.constant 0 : i32
      %lt3A_300 = arith.cmpi slt, %select_n3A_293, %lt3A_299 : i32
      %ne3A_301 = arith.xori %lt3A_298, %lt3A_300 : i1
      %and3A_302 = arith.andi %ne3A_301, %ne3A_296 : i1
      %add3A_303 = arith.addi %rem3A_294, %select_n3A_293 : i32
      %select_n3A_304 = arith.select %and3A_302, %add3A_303, %rem3A_294 : i32
      %jit3A_305 = arith.constant 16 : i32
      %eq3A_306 = arith.constant 0 : i32
      %eq3A_307 = arith.cmpi eq, %jit3A_305, %eq3A_306 : i32
      %jit3A_308 = arith.constant 1 : i32
      %select_n3A_309 = arith.select %eq3A_307, %jit3A_308, %jit3A_305 : i32
      %rem3A_310 = arith.remsi %mul3A_91, %select_n3A_309 : i32
      %ne3A_311 = arith.constant 0 : i32
      %ne3A_312 = arith.cmpi ne, %rem3A_310, %ne3A_311 : i32
      %lt3A_313 = arith.constant 0 : i32
      %lt3A_314 = arith.cmpi slt, %rem3A_310, %lt3A_313 : i32
      %lt3A_315 = arith.constant 0 : i32
      %lt3A_316 = arith.cmpi slt, %select_n3A_309, %lt3A_315 : i32
      %ne3A_317 = arith.xori %lt3A_314, %lt3A_316 : i1
      %and3A_318 = arith.andi %ne3A_317, %ne3A_312 : i1
      %add3A_319 = arith.addi %rem3A_310, %select_n3A_309 : i32
      %select_n3A_320 = arith.select %and3A_318, %add3A_319, %rem3A_310 : i32
      "tpu.region"() ({
        %run_scoped3A_455 = tpu.sem_alloc : memref<!tpu.dma_semaphore, #tpu.memory_space<semaphore_mem>>
        %dma_start3A_456 = arith.constant 0 : i32
        %dma_start3A_457 = tpu.memref_slice %arg7[%select_n3A_304, %select_n3A_320, %dma_start3A_456] : memref<2x16x128xi32, #tpu.memory_space<vmem>> -> memref<1x1x128xi32, #tpu.memory_space<vmem>>
        %dma_start3A_458 = tpu.memref_squeeze %dma_start3A_457 : memref<1x1x128xi32, #tpu.memory_space<vmem>> -> memref<128xi32, #tpu.memory_space<vmem>>
        %dma_start3A_459 = arith.constant 0 : i32
        %dma_start3A_460 = arith.constant 0 : i32
        %dma_start3A_461 = tpu.memref_slice %arg10[%dma_start3A_459, %dma_start3A_460] : memref<10240x128xf32, #tpu.memory_space<vmem_shared>> -> memref<10240x128xf32, #tpu.memory_space<vmem_shared>>
        tpu.enqueue_indirect_dma source(%arg8 : memref<128x128xf32, #tpu.memory_space<vmem>>) target(%dma_start3A_461 : memref<10240x128xf32, #tpu.memory_space<vmem_shared>>) offsets(%dma_start3A_458 : memref<128xi32, #tpu.memory_space<vmem>>) semaphore(%run_scoped3A_455 : memref<!tpu.dma_semaphore, #tpu.memory_space<semaphore_mem>>) {add = true}
        %dma_wait3A_462 = arith.constant 0 : i32
        %dma_wait3A_463 = tpu.memref_slice %arg7[%select_n3A_304, %select_n3A_320, %dma_wait3A_462] : memref<2x16x128xi32, #tpu.memory_space<vmem>> -> memref<1x1x128xi32, #tpu.memory_space<vmem>>
        %dma_wait3A_464 = tpu.memref_squeeze %dma_wait3A_463 : memref<1x1x128xi32, #tpu.memory_space<vmem>> -> memref<128xi32, #tpu.memory_space<vmem>>
        %dma_wait3A_465 = arith.constant 0 : i32
        %dma_wait3A_466 = arith.constant 0 : i32
        %dma_wait3A_467 = tpu.memref_slice %arg10[%dma_wait3A_465, %dma_wait3A_466] : memref<10240x128xf32, #tpu.memory_space<vmem_shared>> -> memref<10240x128xf32, #tpu.memory_space<vmem_shared>>
        tpu.wait_indirect_dma semaphore(%run_scoped3A_455 : memref<!tpu.dma_semaphore, #tpu.memory_space<semaphore_mem>>) src(%arg8 : memref<128x128xf32, #tpu.memory_space<vmem>>) dst(%dma_wait3A_467 : memref<10240x128xf32, #tpu.memory_space<vmem_shared>>)
        tpu.yield
      }) : () -> ()
      %lt3A_321 = arith.cmpi slt, %add3A_95, %select_n3A : i32
      %convert_element_type3A_322 = arith.extui %lt3A_321 : i1 to i32
      %cond3A_323 = arith.constant 0 : i32
      %cond3A_324 = arith.cmpi ne, %convert_element_type3A_322, %cond3A_323 : i32
      scf.if %cond3A_324 {
        %jit3A_455 = arith.constant 16 : i32
        %div3A_456 = arith.divsi %add3A_95, %jit3A_455 : i32
        %sign3A_457 = arith.constant 0 : i32
        %sign3A_458 = arith.cmpi sgt, %add3A_95, %sign3A_457 : i32
        %sign3A_459 = arith.extui %sign3A_458 : i1 to i32
        %sign3A_460 = arith.constant 0 : i32
        %sign3A_461 = arith.cmpi slt, %add3A_95, %sign3A_460 : i32
        %sign3A_462 = arith.extui %sign3A_461 : i1 to i32
        %sign3A_463 = arith.subi %sign3A_459, %sign3A_462 : i32
        %sign3A_464 = arith.constant 0 : i32
        %sign3A_465 = arith.cmpi sgt, %jit3A_455, %sign3A_464 : i32
        %sign3A_466 = arith.extui %sign3A_465 : i1 to i32
        %sign3A_467 = arith.constant 0 : i32
        %sign3A_468 = arith.cmpi slt, %jit3A_455, %sign3A_467 : i32
        %sign3A_469 = arith.extui %sign3A_468 : i1 to i32
        %sign3A_470 = arith.subi %sign3A_466, %sign3A_469 : i32
        %ne3A_471 = arith.cmpi ne, %sign3A_463, %sign3A_470 : i32
        %rem3A_472 = arith.remsi %add3A_95, %jit3A_455 : i32
        %ne3A_473 = arith.constant 0 : i32
        %ne3A_474 = arith.cmpi ne, %rem3A_472, %ne3A_473 : i32
        %and3A_475 = arith.andi %ne3A_471, %ne3A_474 : i1
        %sub3A_476 = arith.constant 1 : i32
        %sub3A_477 = arith.subi %div3A_456, %sub3A_476 : i32
        %select_n3A_478 = arith.select %and3A_475, %sub3A_477, %div3A_456 : i32
        %jit3A_479 = arith.constant 2 : i32
        %eq3A_480 = arith.constant 0 : i32
        %eq3A_481 = arith.cmpi eq, %jit3A_479, %eq3A_480 : i32
        %jit3A_482 = arith.constant 1 : i32
        %select_n3A_483 = arith.select %eq3A_481, %jit3A_482, %jit3A_479 : i32
        %rem3A_484 = arith.remsi %select_n3A_478, %select_n3A_483 : i32
        %ne3A_485 = arith.constant 0 : i32
        %ne3A_486 = arith.cmpi ne, %rem3A_484, %ne3A_485 : i32
        %lt3A_487 = arith.constant 0 : i32
        %lt3A_488 = arith.cmpi slt, %rem3A_484, %lt3A_487 : i32
        %lt3A_489 = arith.constant 0 : i32
        %lt3A_490 = arith.cmpi slt, %select_n3A_483, %lt3A_489 : i32
        %ne3A_491 = arith.xori %lt3A_488, %lt3A_490 : i1
        %and3A_492 = arith.andi %ne3A_491, %ne3A_486 : i1
        %add3A_493 = arith.addi %rem3A_484, %select_n3A_483 : i32
        %select_n3A_494 = arith.select %and3A_492, %add3A_493, %rem3A_484 : i32
        %jit3A_495 = arith.constant 16 : i32
        %eq3A_496 = arith.constant 0 : i32
        %eq3A_497 = arith.cmpi eq, %jit3A_495, %eq3A_496 : i32
        %jit3A_498 = arith.constant 1 : i32
        %select_n3A_499 = arith.select %eq3A_497, %jit3A_498, %jit3A_495 : i32
        %rem3A_500 = arith.remsi %add3A_95, %select_n3A_499 : i32
        %ne3A_501 = arith.constant 0 : i32
        %ne3A_502 = arith.cmpi ne, %rem3A_500, %ne3A_501 : i32
        %lt3A_503 = arith.constant 0 : i32
        %lt3A_504 = arith.cmpi slt, %rem3A_500, %lt3A_503 : i32
        %lt3A_505 = arith.constant 0 : i32
        %lt3A_506 = arith.cmpi slt, %select_n3A_499, %lt3A_505 : i32
        %ne3A_507 = arith.xori %lt3A_504, %lt3A_506 : i1
        %and3A_508 = arith.andi %ne3A_507, %ne3A_502 : i1
        %add3A_509 = arith.addi %rem3A_500, %select_n3A_499 : i32
        %select_n3A_510 = arith.select %and3A_508, %add3A_509, %rem3A_500 : i32
        %dma_start3A_511 = arith.constant 0 : i32
        %dma_start3A_512 = arith.constant 0 : i32
        %dma_start3A_513 = tpu.memref_slice %arg8[%dma_start3A_511, %dma_start3A_512] : memref<128x128xf32, #tpu.memory_space<vmem>> -> memref<64x128xf32, #tpu.memory_space<vmem>>
        %dma_start3A_514 = arith.constant 0 : i32
        %dma_start3A_515 = tpu.memref_slice %arg6[%select_n3A_494, %select_n3A_510, %dma_start3A_514] : memref<2x16x128xi32, #tpu.memory_space<vmem>> -> memref<1x1x64xi32, #tpu.memory_space<vmem>>
        %dma_start3A_516 = tpu.memref_squeeze %dma_start3A_515 : memref<1x1x64xi32, #tpu.memory_space<vmem>> -> memref<64xi32, #tpu.memory_space<vmem>>
        %dma_start3A_517 = arith.constant 0 : i32
        %dma_start3A_518 = arith.constant 0 : i32
        %dma_start3A_519 = tpu.memref_slice %arg2[%dma_start3A_517, %dma_start3A_518] : memref<10240x128xf32, #tpu.memory_space<hbm>> -> memref<10240x128xf32, #tpu.memory_space<hbm>>
        tpu.enqueue_indirect_dma source(%dma_start3A_519 : memref<10240x128xf32, #tpu.memory_space<hbm>>) target(%dma_start3A_513 : memref<64x128xf32, #tpu.memory_space<vmem>>) offsets(%dma_start3A_516 : memref<64xi32, #tpu.memory_space<vmem>>) semaphore(%arg11 : memref<!tpu.dma_semaphore, #tpu.memory_space<semaphore_mem>>)
        %dma_start3A_520 = arith.constant 64 : i32
        %dma_start3A_521 = arith.constant 0 : i32
        %dma_start3A_522 = tpu.memref_slice %arg8[%dma_start3A_520, %dma_start3A_521] : memref<128x128xf32, #tpu.memory_space<vmem>> -> memref<64x128xf32, #tpu.memory_space<vmem>>
        %dma_start3A_523 = arith.constant 64 : i32
        %dma_start3A_524 = tpu.memref_slice %arg6[%select_n3A_494, %select_n3A_510, %dma_start3A_523] : memref<2x16x128xi32, #tpu.memory_space<vmem>> -> memref<1x1x64xi32, #tpu.memory_space<vmem>>
        %dma_start3A_525 = tpu.memref_squeeze %dma_start3A_524 : memref<1x1x64xi32, #tpu.memory_space<vmem>> -> memref<64xi32, #tpu.memory_space<vmem>>
        %dma_start3A_526 = arith.constant 0 : i32
        %dma_start3A_527 = arith.constant 0 : i32
        %dma_start3A_528 = tpu.memref_slice %arg2[%dma_start3A_526, %dma_start3A_527] : memref<10240x128xf32, #tpu.memory_space<hbm>> -> memref<10240x128xf32, #tpu.memory_space<hbm>>
        tpu.enqueue_indirect_dma source(%dma_start3A_528 : memref<10240x128xf32, #tpu.memory_space<hbm>>) target(%dma_start3A_522 : memref<64x128xf32, #tpu.memory_space<vmem>>) offsets(%dma_start3A_525 : memref<64xi32, #tpu.memory_space<vmem>>) semaphore(%arg11 : memref<!tpu.dma_semaphore, #tpu.memory_space<semaphore_mem>>)
      } else {
      }
      %jit3A_325 = arith.constant 16 : i32
      %div3A_326 = arith.divsi %add3A_93, %jit3A_325 : i32
      %sign3A_327 = arith.constant 0 : i32
      %sign3A_328 = arith.cmpi sgt, %add3A_93, %sign3A_327 : i32
      %sign3A_329 = arith.extui %sign3A_328 : i1 to i32
      %sign3A_330 = arith.constant 0 : i32
      %sign3A_331 = arith.cmpi slt, %add3A_93, %sign3A_330 : i32
      %sign3A_332 = arith.extui %sign3A_331 : i1 to i32
      %sign3A_333 = arith.subi %sign3A_329, %sign3A_332 : i32
      %sign3A_334 = arith.constant 0 : i32
      %sign3A_335 = arith.cmpi sgt, %jit3A_325, %sign3A_334 : i32
      %sign3A_336 = arith.extui %sign3A_335 : i1 to i32
      %sign3A_337 = arith.constant 0 : i32
      %sign3A_338 = arith.cmpi slt, %jit3A_325, %sign3A_337 : i32
      %sign3A_339 = arith.extui %sign3A_338 : i1 to i32
      %sign3A_340 = arith.subi %sign3A_336, %sign3A_339 : i32
      %ne3A_341 = arith.cmpi ne, %sign3A_333, %sign3A_340 : i32
      %rem3A_342 = arith.remsi %add3A_93, %jit3A_325 : i32
      %ne3A_343 = arith.constant 0 : i32
      %ne3A_344 = arith.cmpi ne, %rem3A_342, %ne3A_343 : i32
      %and3A_345 = arith.andi %ne3A_341, %ne3A_344 : i1
      %sub3A_346 = arith.constant 1 : i32
      %sub3A_347 = arith.subi %div3A_326, %sub3A_346 : i32
      %select_n3A_348 = arith.select %and3A_345, %sub3A_347, %div3A_326 : i32
      %jit3A_349 = arith.constant 2 : i32
      %eq3A_350 = arith.constant 0 : i32
      %eq3A_351 = arith.cmpi eq, %jit3A_349, %eq3A_350 : i32
      %jit3A_352 = arith.constant 1 : i32
      %select_n3A_353 = arith.select %eq3A_351, %jit3A_352, %jit3A_349 : i32
      %rem3A_354 = arith.remsi %select_n3A_348, %select_n3A_353 : i32
      %ne3A_355 = arith.constant 0 : i32
      %ne3A_356 = arith.cmpi ne, %rem3A_354, %ne3A_355 : i32
      %lt3A_357 = arith.constant 0 : i32
      %lt3A_358 = arith.cmpi slt, %rem3A_354, %lt3A_357 : i32
      %lt3A_359 = arith.constant 0 : i32
      %lt3A_360 = arith.cmpi slt, %select_n3A_353, %lt3A_359 : i32
      %ne3A_361 = arith.xori %lt3A_358, %lt3A_360 : i1
      %and3A_362 = arith.andi %ne3A_361, %ne3A_356 : i1
      %add3A_363 = arith.addi %rem3A_354, %select_n3A_353 : i32
      %select_n3A_364 = arith.select %and3A_362, %add3A_363, %rem3A_354 : i32
      %jit3A_365 = arith.constant 16 : i32
      %eq3A_366 = arith.constant 0 : i32
      %eq3A_367 = arith.cmpi eq, %jit3A_365, %eq3A_366 : i32
      %jit3A_368 = arith.constant 1 : i32
      %select_n3A_369 = arith.select %eq3A_367, %jit3A_368, %jit3A_365 : i32
      %rem3A_370 = arith.remsi %add3A_93, %select_n3A_369 : i32
      %ne3A_371 = arith.constant 0 : i32
      %ne3A_372 = arith.cmpi ne, %rem3A_370, %ne3A_371 : i32
      %lt3A_373 = arith.constant 0 : i32
      %lt3A_374 = arith.cmpi slt, %rem3A_370, %lt3A_373 : i32
      %lt3A_375 = arith.constant 0 : i32
      %lt3A_376 = arith.cmpi slt, %select_n3A_369, %lt3A_375 : i32
      %ne3A_377 = arith.xori %lt3A_374, %lt3A_376 : i1
      %and3A_378 = arith.andi %ne3A_377, %ne3A_372 : i1
      %add3A_379 = arith.addi %rem3A_370, %select_n3A_369 : i32
      %select_n3A_380 = arith.select %and3A_378, %add3A_379, %rem3A_370 : i32
      %dma_wait3A_381 = arith.constant 0 : i32
      %dma_wait3A_382 = arith.constant 0 : i32
      %dma_wait3A_383 = tpu.memref_slice %arg9[%dma_wait3A_381, %dma_wait3A_382] : memref<128x128xf32, #tpu.memory_space<vmem>> -> memref<64x128xf32, #tpu.memory_space<vmem>>
      %dma_wait3A_384 = arith.constant 0 : i32
      %dma_wait3A_385 = tpu.memref_slice %arg6[%select_n3A_364, %select_n3A_380, %dma_wait3A_384] : memref<2x16x128xi32, #tpu.memory_space<vmem>> -> memref<1x1x64xi32, #tpu.memory_space<vmem>>
      %dma_wait3A_386 = tpu.memref_squeeze %dma_wait3A_385 : memref<1x1x64xi32, #tpu.memory_space<vmem>> -> memref<64xi32, #tpu.memory_space<vmem>>
      %dma_wait3A_387 = arith.constant 0 : i32
      %dma_wait3A_388 = arith.constant 0 : i32
      %dma_wait3A_389 = tpu.memref_slice %arg2[%dma_wait3A_387, %dma_wait3A_388] : memref<10240x128xf32, #tpu.memory_space<hbm>> -> memref<10240x128xf32, #tpu.memory_space<hbm>>
      tpu.wait_indirect_dma semaphore(%arg12 : memref<!tpu.dma_semaphore, #tpu.memory_space<semaphore_mem>>) src(%dma_wait3A_389 : memref<10240x128xf32, #tpu.memory_space<hbm>>) dst(%dma_wait3A_383 : memref<64x128xf32, #tpu.memory_space<vmem>>)
      %dma_wait3A_390 = arith.constant 64 : i32
      %dma_wait3A_391 = arith.constant 0 : i32
      %dma_wait3A_392 = tpu.memref_slice %arg9[%dma_wait3A_390, %dma_wait3A_391] : memref<128x128xf32, #tpu.memory_space<vmem>> -> memref<64x128xf32, #tpu.memory_space<vmem>>
      %dma_wait3A_393 = arith.constant 64 : i32
      %dma_wait3A_394 = tpu.memref_slice %arg6[%select_n3A_364, %select_n3A_380, %dma_wait3A_393] : memref<2x16x128xi32, #tpu.memory_space<vmem>> -> memref<1x1x64xi32, #tpu.memory_space<vmem>>
      %dma_wait3A_395 = tpu.memref_squeeze %dma_wait3A_394 : memref<1x1x64xi32, #tpu.memory_space<vmem>> -> memref<64xi32, #tpu.memory_space<vmem>>
      %dma_wait3A_396 = arith.constant 0 : i32
      %dma_wait3A_397 = arith.constant 0 : i32
      %dma_wait3A_398 = tpu.memref_slice %arg2[%dma_wait3A_396, %dma_wait3A_397] : memref<10240x128xf32, #tpu.memory_space<hbm>> -> memref<10240x128xf32, #tpu.memory_space<hbm>>
      tpu.wait_indirect_dma semaphore(%arg12 : memref<!tpu.dma_semaphore, #tpu.memory_space<semaphore_mem>>) src(%dma_wait3A_398 : memref<10240x128xf32, #tpu.memory_space<hbm>>) dst(%dma_wait3A_392 : memref<64x128xf32, #tpu.memory_space<vmem>>)
      %jit3A_399 = arith.constant 16 : i32
      %div3A_400 = arith.divsi %add3A_93, %jit3A_399 : i32
      %sign3A_401 = arith.constant 0 : i32
      %sign3A_402 = arith.cmpi sgt, %add3A_93, %sign3A_401 : i32
      %sign3A_403 = arith.extui %sign3A_402 : i1 to i32
      %sign3A_404 = arith.constant 0 : i32
      %sign3A_405 = arith.cmpi slt, %add3A_93, %sign3A_404 : i32
      %sign3A_406 = arith.extui %sign3A_405 : i1 to i32
      %sign3A_407 = arith.subi %sign3A_403, %sign3A_406 : i32
      %sign3A_408 = arith.constant 0 : i32
      %sign3A_409 = arith.cmpi sgt, %jit3A_399, %sign3A_408 : i32
      %sign3A_410 = arith.extui %sign3A_409 : i1 to i32
      %sign3A_411 = arith.constant 0 : i32
      %sign3A_412 = arith.cmpi slt, %jit3A_399, %sign3A_411 : i32
      %sign3A_413 = arith.extui %sign3A_412 : i1 to i32
      %sign3A_414 = arith.subi %sign3A_410, %sign3A_413 : i32
      %ne3A_415 = arith.cmpi ne, %sign3A_407, %sign3A_414 : i32
      %rem3A_416 = arith.remsi %add3A_93, %jit3A_399 : i32
      %ne3A_417 = arith.constant 0 : i32
      %ne3A_418 = arith.cmpi ne, %rem3A_416, %ne3A_417 : i32
      %and3A_419 = arith.andi %ne3A_415, %ne3A_418 : i1
      %sub3A_420 = arith.constant 1 : i32
      %sub3A_421 = arith.subi %div3A_400, %sub3A_420 : i32
      %select_n3A_422 = arith.select %and3A_419, %sub3A_421, %div3A_400 : i32
      %jit3A_423 = arith.constant 2 : i32
      %eq3A_424 = arith.constant 0 : i32
      %eq3A_425 = arith.cmpi eq, %jit3A_423, %eq3A_424 : i32
      %jit3A_426 = arith.constant 1 : i32
      %select_n3A_427 = arith.select %eq3A_425, %jit3A_426, %jit3A_423 : i32
      %rem3A_428 = arith.remsi %select_n3A_422, %select_n3A_427 : i32
      %ne3A_429 = arith.constant 0 : i32
      %ne3A_430 = arith.cmpi ne, %rem3A_428, %ne3A_429 : i32
      %lt3A_431 = arith.constant 0 : i32
      %lt3A_432 = arith.cmpi slt, %rem3A_428, %lt3A_431 : i32
      %lt3A_433 = arith.constant 0 : i32
      %lt3A_434 = arith.cmpi slt, %select_n3A_427, %lt3A_433 : i32
      %ne3A_435 = arith.xori %lt3A_432, %lt3A_434 : i1
      %and3A_436 = arith.andi %ne3A_435, %ne3A_430 : i1
      %add3A_437 = arith.addi %rem3A_428, %select_n3A_427 : i32
      %select_n3A_438 = arith.select %and3A_436, %add3A_437, %rem3A_428 : i32
      %jit3A_439 = arith.constant 16 : i32
      %eq3A_440 = arith.constant 0 : i32
      %eq3A_441 = arith.cmpi eq, %jit3A_439, %eq3A_440 : i32
      %jit3A_442 = arith.constant 1 : i32
      %select_n3A_443 = arith.select %eq3A_441, %jit3A_442, %jit3A_439 : i32
      %rem3A_444 = arith.remsi %add3A_93, %select_n3A_443 : i32
      %ne3A_445 = arith.constant 0 : i32
      %ne3A_446 = arith.cmpi ne, %rem3A_444, %ne3A_445 : i32
      %lt3A_447 = arith.constant 0 : i32
      %lt3A_448 = arith.cmpi slt, %rem3A_444, %lt3A_447 : i32
      %lt3A_449 = arith.constant 0 : i32
      %lt3A_450 = arith.cmpi slt, %select_n3A_443, %lt3A_449 : i32
      %ne3A_451 = arith.xori %lt3A_448, %lt3A_450 : i1
      %and3A_452 = arith.andi %ne3A_451, %ne3A_446 : i1
      %add3A_453 = arith.addi %rem3A_444, %select_n3A_443 : i32
      %select_n3A_454 = arith.select %and3A_452, %add3A_453, %rem3A_444 : i32
      "tpu.region"() ({
        %run_scoped3A_455 = tpu.sem_alloc : memref<!tpu.dma_semaphore, #tpu.memory_space<semaphore_mem>>
        %dma_start3A_456 = arith.constant 0 : i32
        %dma_start3A_457 = tpu.memref_slice %arg7[%select_n3A_438, %select_n3A_454, %dma_start3A_456] : memref<2x16x128xi32, #tpu.memory_space<vmem>> -> memref<1x1x128xi32, #tpu.memory_space<vmem>>
        %dma_start3A_458 = tpu.memref_squeeze %dma_start3A_457 : memref<1x1x128xi32, #tpu.memory_space<vmem>> -> memref<128xi32, #tpu.memory_space<vmem>>
        %dma_start3A_459 = arith.constant 0 : i32
        %dma_start3A_460 = arith.constant 0 : i32
        %dma_start3A_461 = tpu.memref_slice %arg10[%dma_start3A_459, %dma_start3A_460] : memref<10240x128xf32, #tpu.memory_space<vmem_shared>> -> memref<10240x128xf32, #tpu.memory_space<vmem_shared>>
        tpu.enqueue_indirect_dma source(%arg9 : memref<128x128xf32, #tpu.memory_space<vmem>>) target(%dma_start3A_461 : memref<10240x128xf32, #tpu.memory_space<vmem_shared>>) offsets(%dma_start3A_458 : memref<128xi32, #tpu.memory_space<vmem>>) semaphore(%run_scoped3A_455 : memref<!tpu.dma_semaphore, #tpu.memory_space<semaphore_mem>>) {add = true}
        %dma_wait3A_462 = arith.constant 0 : i32
        %dma_wait3A_463 = tpu.memref_slice %arg7[%select_n3A_438, %select_n3A_454, %dma_wait3A_462] : memref<2x16x128xi32, #tpu.memory_space<vmem>> -> memref<1x1x128xi32, #tpu.memory_space<vmem>>
        %dma_wait3A_464 = tpu.memref_squeeze %dma_wait3A_463 : memref<1x1x128xi32, #tpu.memory_space<vmem>> -> memref<128xi32, #tpu.memory_space<vmem>>
        %dma_wait3A_465 = arith.constant 0 : i32
        %dma_wait3A_466 = arith.constant 0 : i32
        %dma_wait3A_467 = tpu.memref_slice %arg10[%dma_wait3A_465, %dma_wait3A_466] : memref<10240x128xf32, #tpu.memory_space<vmem_shared>> -> memref<10240x128xf32, #tpu.memory_space<vmem_shared>>
        tpu.wait_indirect_dma semaphore(%run_scoped3A_455 : memref<!tpu.dma_semaphore, #tpu.memory_space<semaphore_mem>>) src(%arg9 : memref<128x128xf32, #tpu.memory_space<vmem>>) dst(%dma_wait3A_467 : memref<10240x128xf32, #tpu.memory_space<vmem_shared>>)
        tpu.yield
      }) : () -> ()
    }
    %barrier3A_84 = arith.constant 0 : index
    tpu.barrier barrier_id(%barrier3A_84)
    %mul3A_85 = arith.constant 640 : i32
    %mul3A_86 = arith.muli %arg1, %mul3A_85 : i32
    %mul3A_87 = arith.constant 640 : i32
    %mul3A_88 = arith.muli %arg1, %mul3A_87 : i32
    "tpu.region"() ({
      %run_scoped3A_89 = tpu.sem_alloc : memref<!tpu.dma_semaphore, #tpu.memory_space<semaphore_mem>>
      %dma_start3A_90 = arith.constant 0 : i32
      %dma_start3A_91 = tpu.memref_slice %arg5[%arg0, %mul3A_88, %dma_start3A_90] : memref<2x10240x128xf32, #tpu.memory_space<hbm>> -> memref<1x640x128xf32, #tpu.memory_space<hbm>>
      %dma_start3A_92 = tpu.memref_squeeze %dma_start3A_91 : memref<1x640x128xf32, #tpu.memory_space<hbm>> -> memref<640x128xf32, #tpu.memory_space<hbm>>
      %dma_start3A_93 = arith.constant 0 : i32
      %dma_start3A_94 = tpu.memref_slice %arg10[%mul3A_86, %dma_start3A_93] : memref<10240x128xf32, #tpu.memory_space<vmem_shared>> -> memref<640x128xf32, #tpu.memory_space<vmem_shared>>
      tpu.enqueue_dma source(%dma_start3A_94 : memref<640x128xf32, #tpu.memory_space<vmem_shared>>) target(%dma_start3A_92 : memref<640x128xf32, #tpu.memory_space<hbm>>) target_semaphore(%run_scoped3A_89 : memref<!tpu.dma_semaphore, #tpu.memory_space<semaphore_mem>>)
      %dma_wait3A = arith.constant 0 : i32
      %dma_wait3A_95 = tpu.memref_slice %arg5[%arg0, %mul3A_88, %dma_wait3A] : memref<2x10240x128xf32, #tpu.memory_space<hbm>> -> memref<1x640x128xf32, #tpu.memory_space<hbm>>
      %dma_wait3A_96 = tpu.memref_squeeze %dma_wait3A_95 : memref<1x640x128xf32, #tpu.memory_space<hbm>> -> memref<640x128xf32, #tpu.memory_space<hbm>>
      %dma_wait3A_97 = arith.constant 0 : i32
      %dma_wait3A_98 = tpu.memref_slice %arg10[%mul3A_86, %dma_wait3A_97] : memref<10240x128xf32, #tpu.memory_space<vmem_shared>> -> memref<640x128xf32, #tpu.memory_space<vmem_shared>>
      tpu.wait_dma2 semaphore(%run_scoped3A_89 : memref<!tpu.dma_semaphore, #tpu.memory_space<semaphore_mem>>) src(%dma_wait3A_98 : memref<640x128xf32, #tpu.memory_space<vmem_shared>>) dst(%dma_wait3A_96 : memref<640x128xf32, #tpu.memory_space<hbm>>)
      tpu.yield
    }) : () -> ()
    return
  }
}

#map = affine_map<(d0, d1) -> (0, 0)>
#map1 = affine_map<(d0, d1) -> (0, 0, 0)>
module attributes {stable_mosaic.version = 14 : i64} {
  func.func @_deg_body(%arg0: i32, %arg1: i32, %arg2: memref<32x10240xi32, #tpu.memory_space<hbm>>, %arg3: memref<32x640x16xf32, #tpu.memory_space<hbm>>, %arg4: memref<10240xi32, #tpu.memory_space<vmem>>, %arg5: memref<640x16xf32, #tpu.memory_space<vmem>>) attributes {dimension_semantics = [#tpu.dimension_semantics<core_parallel>, #tpu.dimension_semantics<subcore_parallel>], iteration_bounds = array<i64: 2, 16>, scalar_prefetch = 0 : i64, scratch_operands = 2 : i64, tpu.core_type = #tpu.core_type<sc_vector_subcore>, window_params = [{transform_indices = #map}, {transform_indices = #map1}]} {
    %mul3A = arith.constant 2 : i32
    %mul3A_0 = arith.muli %arg1, %mul3A : i32
    %add3A = arith.addi %mul3A_0, %arg0 : i32
    "tpu.region"() ({
      %run_scoped3A = tpu.sem_alloc : memref<!tpu.dma_semaphore, #tpu.memory_space<semaphore_mem>>
      %dma_start3A = arith.constant 0 : i32
      %dma_start3A_13 = tpu.memref_slice %arg2[%add3A, %dma_start3A] : memref<32x10240xi32, #tpu.memory_space<hbm>> -> memref<1x10240xi32, #tpu.memory_space<hbm>>
      %dma_start3A_14 = tpu.memref_squeeze %dma_start3A_13 : memref<1x10240xi32, #tpu.memory_space<hbm>> -> memref<10240xi32, #tpu.memory_space<hbm>>
      %dma_start3A_15 = arith.constant 0 : i32
      %dma_start3A_16 = tpu.memref_slice %arg2[%add3A, %dma_start3A_15] : memref<32x10240xi32, #tpu.memory_space<hbm>> -> memref<1x10240xi32, #tpu.memory_space<hbm>>
      %dma_start3A_17 = tpu.memref_squeeze %dma_start3A_16 : memref<1x10240xi32, #tpu.memory_space<hbm>> -> memref<10240xi32, #tpu.memory_space<hbm>>
      tpu.enqueue_dma source(%dma_start3A_17 : memref<10240xi32, #tpu.memory_space<hbm>>) target(%arg4 : memref<10240xi32, #tpu.memory_space<vmem>>) target_semaphore(%run_scoped3A : memref<!tpu.dma_semaphore, #tpu.memory_space<semaphore_mem>>)
      %dma_wait3A = arith.constant 0 : i32
      %dma_wait3A_18 = tpu.memref_slice %arg2[%add3A, %dma_wait3A] : memref<32x10240xi32, #tpu.memory_space<hbm>> -> memref<1x10240xi32, #tpu.memory_space<hbm>>
      %dma_wait3A_19 = tpu.memref_squeeze %dma_wait3A_18 : memref<1x10240xi32, #tpu.memory_space<hbm>> -> memref<10240xi32, #tpu.memory_space<hbm>>
      %dma_wait3A_20 = arith.constant 0 : i32
      %dma_wait3A_21 = tpu.memref_slice %arg2[%add3A, %dma_wait3A_20] : memref<32x10240xi32, #tpu.memory_space<hbm>> -> memref<1x10240xi32, #tpu.memory_space<hbm>>
      %dma_wait3A_22 = tpu.memref_squeeze %dma_wait3A_21 : memref<1x10240xi32, #tpu.memory_space<hbm>> -> memref<10240xi32, #tpu.memory_space<hbm>>
      tpu.wait_dma2 semaphore(%run_scoped3A : memref<!tpu.dma_semaphore, #tpu.memory_space<semaphore_mem>>) src(%dma_wait3A_22 : memref<10240xi32, #tpu.memory_space<hbm>>) dst(%arg4 : memref<10240xi32, #tpu.memory_space<vmem>>)
      tpu.yield
    }) : () -> ()
    %scan3A = arith.constant 0 : i32
    %scan3A_1 = arith.constant 0 : i32
    %scan3A_2 = arith.constant 640 : i32
    %scan3A_3 = arith.addi %scan3A_1, %scan3A_2 : i32
    %scan3A_4 = arith.constant 1 : i32
    scf.for %scan3A_13 = %scan3A_1 to %scan3A_3 step %scan3A_4  : i32 {
      %broadcast_in_dim3A_14 = arith.constant 0.000000e+00 : f32
      %broadcast_in_dim3A_15 = vector.broadcast %broadcast_in_dim3A_14 : f32 to vector<16xf32>
      %swap3A = arith.index_cast %scan3A_13 : i32 to index
      %swap3A_16 = arith.constant 0 : index
      %swap3A_17 = tpu.vector_load %arg5[%swap3A, %swap3A_16] {strides = array<i32>} : memref<640x16xf32, #tpu.memory_space<vmem>>, vector<16xf32>,
      tpu.vector_store %arg5[%swap3A, %swap3A_16], %broadcast_in_dim3A_15 {strides = array<i32>} : memref<640x16xf32, #tpu.memory_space<vmem>>, vector<16xf32>,
    }
    %scan3A_5 = arith.constant 640 : i32
    %broadcast_in_dim3A = arith.constant 1.000000e+00 : f32
    %broadcast_in_dim3A_6 = vector.broadcast %broadcast_in_dim3A : f32 to vector<16xf32>
    %scan3A_7 = arith.constant 0 : i32
    %scan3A_8 = arith.constant 0 : i32
    %scan3A_9 = arith.constant 640 : i32
    %scan3A_10 = arith.addi %scan3A_8, %scan3A_9 : i32
    %scan3A_11 = arith.constant 1 : i32
    scf.for %scan3A_13 = %scan3A_8 to %scan3A_10 step %scan3A_11  : i32 {
      %mul3A_14 = arith.constant 16 : i32
      %mul3A_15 = arith.muli %scan3A_13, %mul3A_14 : i32
      %get3A = arith.index_cast %mul3A_15 : i32 to index
      %get3A_16 = tpu.vector_load %arg4[%get3A] {strides = array<i32>} : memref<10240xi32, #tpu.memory_space<vmem>>, vector<16xi32>,
      %shift_right_arithmetic3A = arith.constant 4 : i32
      %shift_right_arithmetic3A_17 = vector.broadcast %shift_right_arithmetic3A : i32 to vector<16xi32>
      %shift_right_arithmetic3A_18 = arith.shrsi %get3A_16, %shift_right_arithmetic3A_17 : vector<16xi32>
      %and3A = arith.constant 15 : i32
      %and3A_19 = vector.broadcast %and3A : i32 to vector<16xi32>
      %and3A_20 = arith.andi %get3A_16, %and3A_19 : vector<16xi32>
      tpu.vector_store_idx %arg5[%shift_right_arithmetic3A_18, %and3A_20], %broadcast_in_dim3A_6 {add = true} : memref<640x16xf32, #tpu.memory_space<vmem>>[vector<16xi32>, vector<16xi32>], vector<16xf32>,
    }
    %scan3A_12 = arith.constant 640 : i32
    "tpu.region"() ({
      %run_scoped3A = tpu.sem_alloc : memref<!tpu.dma_semaphore, #tpu.memory_space<semaphore_mem>>
      %dma_start3A = arith.constant 0 : i32
      %dma_start3A_13 = arith.constant 0 : i32
      %dma_start3A_14 = tpu.memref_slice %arg3[%add3A, %dma_start3A, %dma_start3A_13] : memref<32x640x16xf32, #tpu.memory_space<hbm>> -> memref<1x640x16xf32, #tpu.memory_space<hbm>>
      %dma_start3A_15 = tpu.memref_squeeze %dma_start3A_14 : memref<1x640x16xf32, #tpu.memory_space<hbm>> -> memref<640x16xf32, #tpu.memory_space<hbm>>
      %dma_start3A_16 = arith.constant 0 : i32
      %dma_start3A_17 = arith.constant 0 : i32
      %dma_start3A_18 = tpu.memref_slice %arg3[%add3A, %dma_start3A_16, %dma_start3A_17] : memref<32x640x16xf32, #tpu.memory_space<hbm>> -> memref<1x640x16xf32, #tpu.memory_space<hbm>>
      %dma_start3A_19 = tpu.memref_squeeze %dma_start3A_18 : memref<1x640x16xf32, #tpu.memory_space<hbm>> -> memref<640x16xf32, #tpu.memory_space<hbm>>
      tpu.enqueue_dma source(%arg5 : memref<640x16xf32, #tpu.memory_space<vmem>>) target(%dma_start3A_19 : memref<640x16xf32, #tpu.memory_space<hbm>>) target_semaphore(%run_scoped3A : memref<!tpu.dma_semaphore, #tpu.memory_space<semaphore_mem>>)
      %dma_wait3A = arith.constant 0 : i32
      %dma_wait3A_20 = arith.constant 0 : i32
      %dma_wait3A_21 = tpu.memref_slice %arg3[%add3A, %dma_wait3A, %dma_wait3A_20] : memref<32x640x16xf32, #tpu.memory_space<hbm>> -> memref<1x640x16xf32, #tpu.memory_space<hbm>>
      %dma_wait3A_22 = tpu.memref_squeeze %dma_wait3A_21 : memref<1x640x16xf32, #tpu.memory_space<hbm>> -> memref<640x16xf32, #tpu.memory_space<hbm>>
      %dma_wait3A_23 = arith.constant 0 : i32
      %dma_wait3A_24 = arith.constant 0 : i32
      %dma_wait3A_25 = tpu.memref_slice %arg3[%add3A, %dma_wait3A_23, %dma_wait3A_24] : memref<32x640x16xf32, #tpu.memory_space<hbm>> -> memref<1x640x16xf32, #tpu.memory_space<hbm>>
      %dma_wait3A_26 = tpu.memref_squeeze %dma_wait3A_25 : memref<1x640x16xf32, #tpu.memory_space<hbm>> -> memref<640x16xf32, #tpu.memory_space<hbm>>
      tpu.wait_dma2 semaphore(%run_scoped3A : memref<!tpu.dma_semaphore, #tpu.memory_space<semaphore_mem>>) src(%arg5 : memref<640x16xf32, #tpu.memory_space<vmem>>) dst(%dma_wait3A_26 : memref<640x16xf32, #tpu.memory_space<hbm>>)
      tpu.yield
    }) : () -> ()
    return
  }
}

#map = affine_map<(d0, d1) -> (0, 0)>
#map1 = affine_map<(d0, d1) -> (0, 0, 0)>
module attributes {stable_mosaic.version = 14 : i64} {
  func.func @_scatter_body(%arg0: i32, %arg1: i32, %arg2: memref<10240x128xf32, #tpu.memory_space<hbm>>, %arg3: memref<2576x128xi32, #tpu.memory_space<hbm>>, %arg4: memref<2576x128xi32, #tpu.memory_space<hbm>>, %arg5: memref<2x10240x128xf32, #tpu.memory_space<hbm>>, %arg6: memref<2x16x128xi32, #tpu.memory_space<vmem>>, %arg7: memref<2x16x128xi32, #tpu.memory_space<vmem>>, %arg8: memref<128x128xf32, #tpu.memory_space<vmem>>, %arg9: memref<128x128xf32, #tpu.memory_space<vmem>>, %arg10: memref<10240x128xf32, #tpu.memory_space<vmem_shared>>, %arg11: memref<!tpu.dma_semaphore, #tpu.memory_space<semaphore_mem>>, %arg12: memref<!tpu.dma_semaphore, #tpu.memory_space<semaphore_mem>>) attributes {dimension_semantics = [#tpu.dimension_semantics<core_parallel>, #tpu.dimension_semantics<subcore_parallel>], iteration_bounds = array<i64: 2, 16>, scalar_prefetch = 0 : i64, scratch_operands = 7 : i64, tpu.core_type = #tpu.core_type<sc_vector_subcore>, window_params = [{transform_indices = #map}, {transform_indices = #map}, {transform_indices = #map}, {transform_indices = #map1}]} {
    %eq3A = arith.constant 0 : i32
    %eq3A_0 = arith.cmpi eq, %arg0, %eq3A : i32
    %jit3A = arith.constant 152 : i32
    %jit3A_1 = arith.constant 8 : i32
    %select_n3A = arith.select %eq3A_0, %jit3A, %jit3A_1 : i32
    %eq3A_2 = arith.constant 0 : i32
    %eq3A_3 = arith.cmpi eq, %arg0, %eq3A_2 : i32
    %mul3A = arith.constant 152 : i32
    %mul3A_4 = arith.muli %arg1, %mul3A : i32
    %mul3A_5 = arith.constant 8 : i32
    %mul3A_6 = arith.muli %arg1, %mul3A_5 : i32
    %add3A = arith.constant 2432 : i32
    %add3A_7 = arith.addi %add3A, %mul3A_6 : i32
    %select_n3A_8 = arith.select %eq3A_3, %mul3A_4, %add3A_7 : i32
    %broadcast_in_dim3A = arith.constant 0.000000e+00 : f32
    %broadcast_in_dim3A_9 = vector.broadcast %broadcast_in_dim3A : f32 to vector<16xf32>
    %scan3A = arith.constant 0 : i32
    %scan3A_10 = arith.constant 0 : i32
    %scan3A_11 = arith.constant 1024 : i32
    %scan3A_12 = arith.addi %scan3A_10, %scan3A_11 : i32
    %scan3A_13 = arith.constant 1 : i32
    scf.for %scan3A_89 = %scan3A_10 to %scan3A_12 step %scan3A_13  : i32 {
      %jit3A_90 = arith.constant 8 : i32
      %div3A_91 = arith.divsi %scan3A_89, %jit3A_90 : i32
      %sign3A_92 = arith.constant 0 : i32
      %sign3A_93 = arith.cmpi sgt, %scan3A_89, %sign3A_92 : i32
      %sign3A_94 = arith.extui %sign3A_93 : i1 to i32
      %sign3A_95 = arith.constant 0 : i32
      %sign3A_96 = arith.cmpi slt, %scan3A_89, %sign3A_95 : i32
      %sign3A_97 = arith.extui %sign3A_96 : i1 to i32
      %sign3A_98 = arith.subi %sign3A_94, %sign3A_97 : i32
      %sign3A_99 = arith.constant 0 : i32
      %sign3A_100 = arith.cmpi sgt, %jit3A_90, %sign3A_99 : i32
      %sign3A_101 = arith.extui %sign3A_100 : i1 to i32
      %sign3A_102 = arith.constant 0 : i32
      %sign3A_103 = arith.cmpi slt, %jit3A_90, %sign3A_102 : i32
      %sign3A_104 = arith.extui %sign3A_103 : i1 to i32
      %sign3A_105 = arith.subi %sign3A_101, %sign3A_104 : i32
      %ne3A_106 = arith.cmpi ne, %sign3A_98, %sign3A_105 : i32
      %rem3A_107 = arith.remsi %scan3A_89, %jit3A_90 : i32
      %ne3A_108 = arith.constant 0 : i32
      %ne3A_109 = arith.cmpi ne, %rem3A_107, %ne3A_108 : i32
      %and3A_110 = arith.andi %ne3A_106, %ne3A_109 : i1
      %sub3A_111 = arith.constant 1 : i32
      %sub3A_112 = arith.subi %div3A_91, %sub3A_111 : i32
      %select_n3A_113 = arith.select %and3A_110, %sub3A_112, %div3A_91 : i32
      %jit3A_114 = arith.constant 8 : i32
      %eq3A_115 = arith.constant 0 : i32
      %eq3A_116 = arith.cmpi eq, %jit3A_114, %eq3A_115 : i32
      %jit3A_117 = arith.constant 1 : i32
      %select_n3A_118 = arith.select %eq3A_116, %jit3A_117, %jit3A_114 : i32
      %rem3A_119 = arith.remsi %scan3A_89, %select_n3A_118 : i32
      %ne3A_120 = arith.constant 0 : i32
      %ne3A_121 = arith.cmpi ne, %rem3A_119, %ne3A_120 : i32
      %lt3A = arith.constant 0 : i32
      %lt3A_122 = arith.cmpi slt, %rem3A_119, %lt3A : i32
      %lt3A_123 = arith.constant 0 : i32
      %lt3A_124 = arith.cmpi slt, %select_n3A_118, %lt3A_123 : i32
      %ne3A_125 = arith.xori %lt3A_122, %lt3A_124 : i1
      %and3A_126 = arith.andi %ne3A_125, %ne3A_121 : i1
      %add3A_127 = arith.addi %rem3A_119, %select_n3A_118 : i32
      %select_n3A_128 = arith.select %and3A_126, %add3A_127, %rem3A_119 : i32
      %mul3A_129 = arith.constant 16 : i32
      %mul3A_130 = arith.muli %select_n3A_128, %mul3A_129 : i32
      %swap3A = arith.index_cast %select_n3A_113 : i32 to index
      %swap3A_131 = arith.index_cast %mul3A_130 : i32 to index
      %swap3A_132 = tpu.vector_load %arg8[%swap3A, %swap3A_131] {strides = array<i32>} : memref<128x128xf32, #tpu.memory_space<vmem>>, vector<1x16xf32>,
      %swap3A_133 = vector.shape_cast %swap3A_132 : vector<1x16xf32> to vector<16xf32>
      %swap3A_134 = vector.shape_cast %broadcast_in_dim3A_9 : vector<16xf32> to vector<1x16xf32>
      tpu.vector_store %arg8[%swap3A, %swap3A_131], %swap3A_134 {strides = array<i32>} : memref<128x128xf32, #tpu.memory_space<vmem>>, vector<1x16xf32>,
    }
    %scan3A_14 = arith.constant 1024 : i32
    %mul3A_15 = arith.constant 640 : i32
    %mul3A_16 = arith.muli %arg1, %mul3A_15 : i32
    %add3A_17 = arith.constant 0 : i32
    %add3A_18 = arith.addi %mul3A_16, %add3A_17 : i32
    "tpu.region"() ({
      %run_scoped3A_89 = tpu.sem_alloc : memref<!tpu.dma_semaphore, #tpu.memory_space<semaphore_mem>>
      %dma_start3A_90 = arith.constant 0 : i32
      %dma_start3A_91 = tpu.memref_slice %arg10[%add3A_18, %dma_start3A_90] : memref<10240x128xf32, #tpu.memory_space<vmem_shared>> -> memref<128x128xf32, #tpu.memory_space<vmem_shared>>
      %dma_start3A_92 = arith.constant 0 : i32
      %dma_start3A_93 = tpu.memref_slice %arg10[%add3A_18, %dma_start3A_92] : memref<10240x128xf32, #tpu.memory_space<vmem_shared>> -> memref<128x128xf32, #tpu.memory_space<vmem_shared>>
      tpu.enqueue_dma source(%arg8 : memref<128x128xf32, #tpu.memory_space<vmem>>) target(%dma_start3A_93 : memref<128x128xf32, #tpu.memory_space<vmem_shared>>) target_semaphore(%run_scoped3A_89 : memref<!tpu.dma_semaphore, #tpu.memory_space<semaphore_mem>>)
      %dma_wait3A = arith.constant 0 : i32
      %dma_wait3A_94 = tpu.memref_slice %arg10[%add3A_18, %dma_wait3A] : memref<10240x128xf32, #tpu.memory_space<vmem_shared>> -> memref<128x128xf32, #tpu.memory_space<vmem_shared>>
      %dma_wait3A_95 = arith.constant 0 : i32
      %dma_wait3A_96 = tpu.memref_slice %arg10[%add3A_18, %dma_wait3A_95] : memref<10240x128xf32, #tpu.memory_space<vmem_shared>> -> memref<128x128xf32, #tpu.memory_space<vmem_shared>>
      tpu.wait_dma2 semaphore(%run_scoped3A_89 : memref<!tpu.dma_semaphore, #tpu.memory_space<semaphore_mem>>) src(%arg8 : memref<128x128xf32, #tpu.memory_space<vmem>>) dst(%dma_wait3A_96 : memref<128x128xf32, #tpu.memory_space<vmem_shared>>)
      tpu.yield
    }) : () -> ()
    %mul3A_19 = arith.constant 640 : i32
    %mul3A_20 = arith.muli %arg1, %mul3A_19 : i32
    %add3A_21 = arith.constant 128 : i32
    %add3A_22 = arith.addi %mul3A_20, %add3A_21 : i32
    "tpu.region"() ({
      %run_scoped3A_89 = tpu.sem_alloc : memref<!tpu.dma_semaphore, #tpu.memory_space<semaphore_mem>>
      %dma_start3A_90 = arith.constant 0 : i32
      %dma_start3A_91 = tpu.memref_slice %arg10[%add3A_22, %dma_start3A_90] : memref<10240x128xf32, #tpu.memory_space<vmem_shared>> -> memref<128x128xf32, #tpu.memory_space<vmem_shared>>
      %dma_start3A_92 = arith.constant 0 : i32
      %dma_start3A_93 = tpu.memref_slice %arg10[%add3A_22, %dma_start3A_92] : memref<10240x128xf32, #tpu.memory_space<vmem_shared>> -> memref<128x128xf32, #tpu.memory_space<vmem_shared>>
      tpu.enqueue_dma source(%arg8 : memref<128x128xf32, #tpu.memory_space<vmem>>) target(%dma_start3A_93 : memref<128x128xf32, #tpu.memory_space<vmem_shared>>) target_semaphore(%run_scoped3A_89 : memref<!tpu.dma_semaphore, #tpu.memory_space<semaphore_mem>>)
      %dma_wait3A = arith.constant 0 : i32
      %dma_wait3A_94 = tpu.memref_slice %arg10[%add3A_22, %dma_wait3A] : memref<10240x128xf32, #tpu.memory_space<vmem_shared>> -> memref<128x128xf32, #tpu.memory_space<vmem_shared>>
      %dma_wait3A_95 = arith.constant 0 : i32
      %dma_wait3A_96 = tpu.memref_slice %arg10[%add3A_22, %dma_wait3A_95] : memref<10240x128xf32, #tpu.memory_space<vmem_shared>> -> memref<128x128xf32, #tpu.memory_space<vmem_shared>>
      tpu.wait_dma2 semaphore(%run_scoped3A_89 : memref<!tpu.dma_semaphore, #tpu.memory_space<semaphore_mem>>) src(%arg8 : memref<128x128xf32, #tpu.memory_space<vmem>>) dst(%dma_wait3A_96 : memref<128x128xf32, #tpu.memory_space<vmem_shared>>)
      tpu.yield
    }) : () -> ()
    %mul3A_23 = arith.constant 640 : i32
    %mul3A_24 = arith.muli %arg1, %mul3A_23 : i32
    %add3A_25 = arith.constant 256 : i32
    %add3A_26 = arith.addi %mul3A_24, %add3A_25 : i32
    "tpu.region"() ({
      %run_scoped3A_89 = tpu.sem_alloc : memref<!tpu.dma_semaphore, #tpu.memory_space<semaphore_mem>>
      %dma_start3A_90 = arith.constant 0 : i32
      %dma_start3A_91 = tpu.memref_slice %arg10[%add3A_26, %dma_start3A_90] : memref<10240x128xf32, #tpu.memory_space<vmem_shared>> -> memref<128x128xf32, #tpu.memory_space<vmem_shared>>
      %dma_start3A_92 = arith.constant 0 : i32
      %dma_start3A_93 = tpu.memref_slice %arg10[%add3A_26, %dma_start3A_92] : memref<10240x128xf32, #tpu.memory_space<vmem_shared>> -> memref<128x128xf32, #tpu.memory_space<vmem_shared>>
      tpu.enqueue_dma source(%arg8 : memref<128x128xf32, #tpu.memory_space<vmem>>) target(%dma_start3A_93 : memref<128x128xf32, #tpu.memory_space<vmem_shared>>) target_semaphore(%run_scoped3A_89 : memref<!tpu.dma_semaphore, #tpu.memory_space<semaphore_mem>>)
      %dma_wait3A = arith.constant 0 : i32
      %dma_wait3A_94 = tpu.memref_slice %arg10[%add3A_26, %dma_wait3A] : memref<10240x128xf32, #tpu.memory_space<vmem_shared>> -> memref<128x128xf32, #tpu.memory_space<vmem_shared>>
      %dma_wait3A_95 = arith.constant 0 : i32
      %dma_wait3A_96 = tpu.memref_slice %arg10[%add3A_26, %dma_wait3A_95] : memref<10240x128xf32, #tpu.memory_space<vmem_shared>> -> memref<128x128xf32, #tpu.memory_space<vmem_shared>>
      tpu.wait_dma2 semaphore(%run_scoped3A_89 : memref<!tpu.dma_semaphore, #tpu.memory_space<semaphore_mem>>) src(%arg8 : memref<128x128xf32, #tpu.memory_space<vmem>>) dst(%dma_wait3A_96 : memref<128x128xf32, #tpu.memory_space<vmem_shared>>)
      tpu.yield
    }) : () -> ()
    %mul3A_27 = arith.constant 640 : i32
    %mul3A_28 = arith.muli %arg1, %mul3A_27 : i32
    %add3A_29 = arith.constant 384 : i32
    %add3A_30 = arith.addi %mul3A_28, %add3A_29 : i32
    "tpu.region"() ({
      %run_scoped3A_89 = tpu.sem_alloc : memref<!tpu.dma_semaphore, #tpu.memory_space<semaphore_mem>>
      %dma_start3A_90 = arith.constant 0 : i32
      %dma_start3A_91 = tpu.memref_slice %arg10[%add3A_30, %dma_start3A_90] : memref<10240x128xf32, #tpu.memory_space<vmem_shared>> -> memref<128x128xf32, #tpu.memory_space<vmem_shared>>
      %dma_start3A_92 = arith.constant 0 : i32
      %dma_start3A_93 = tpu.memref_slice %arg10[%add3A_30, %dma_start3A_92] : memref<10240x128xf32, #tpu.memory_space<vmem_shared>> -> memref<128x128xf32, #tpu.memory_space<vmem_shared>>
      tpu.enqueue_dma source(%arg8 : memref<128x128xf32, #tpu.memory_space<vmem>>) target(%dma_start3A_93 : memref<128x128xf32, #tpu.memory_space<vmem_shared>>) target_semaphore(%run_scoped3A_89 : memref<!tpu.dma_semaphore, #tpu.memory_space<semaphore_mem>>)
      %dma_wait3A = arith.constant 0 : i32
      %dma_wait3A_94 = tpu.memref_slice %arg10[%add3A_30, %dma_wait3A] : memref<10240x128xf32, #tpu.memory_space<vmem_shared>> -> memref<128x128xf32, #tpu.memory_space<vmem_shared>>
      %dma_wait3A_95 = arith.constant 0 : i32
      %dma_wait3A_96 = tpu.memref_slice %arg10[%add3A_30, %dma_wait3A_95] : memref<10240x128xf32, #tpu.memory_space<vmem_shared>> -> memref<128x128xf32, #tpu.memory_space<vmem_shared>>
      tpu.wait_dma2 semaphore(%run_scoped3A_89 : memref<!tpu.dma_semaphore, #tpu.memory_space<semaphore_mem>>) src(%arg8 : memref<128x128xf32, #tpu.memory_space<vmem>>) dst(%dma_wait3A_96 : memref<128x128xf32, #tpu.memory_space<vmem_shared>>)
      tpu.yield
    }) : () -> ()
    %mul3A_31 = arith.constant 640 : i32
    %mul3A_32 = arith.muli %arg1, %mul3A_31 : i32
    %add3A_33 = arith.constant 512 : i32
    %add3A_34 = arith.addi %mul3A_32, %add3A_33 : i32
    "tpu.region"() ({
      %run_scoped3A_89 = tpu.sem_alloc : memref<!tpu.dma_semaphore, #tpu.memory_space<semaphore_mem>>
      %dma_start3A_90 = arith.constant 0 : i32
      %dma_start3A_91 = tpu.memref_slice %arg10[%add3A_34, %dma_start3A_90] : memref<10240x128xf32, #tpu.memory_space<vmem_shared>> -> memref<128x128xf32, #tpu.memory_space<vmem_shared>>
      %dma_start3A_92 = arith.constant 0 : i32
      %dma_start3A_93 = tpu.memref_slice %arg10[%add3A_34, %dma_start3A_92] : memref<10240x128xf32, #tpu.memory_space<vmem_shared>> -> memref<128x128xf32, #tpu.memory_space<vmem_shared>>
      tpu.enqueue_dma source(%arg8 : memref<128x128xf32, #tpu.memory_space<vmem>>) target(%dma_start3A_93 : memref<128x128xf32, #tpu.memory_space<vmem_shared>>) target_semaphore(%run_scoped3A_89 : memref<!tpu.dma_semaphore, #tpu.memory_space<semaphore_mem>>)
      %dma_wait3A = arith.constant 0 : i32
      %dma_wait3A_94 = tpu.memref_slice %arg10[%add3A_34, %dma_wait3A] : memref<10240x128xf32, #tpu.memory_space<vmem_shared>> -> memref<128x128xf32, #tpu.memory_space<vmem_shared>>
      %dma_wait3A_95 = arith.constant 0 : i32
      %dma_wait3A_96 = tpu.memref_slice %arg10[%add3A_34, %dma_wait3A_95] : memref<10240x128xf32, #tpu.memory_space<vmem_shared>> -> memref<128x128xf32, #tpu.memory_space<vmem_shared>>
      tpu.wait_dma2 semaphore(%run_scoped3A_89 : memref<!tpu.dma_semaphore, #tpu.memory_space<semaphore_mem>>) src(%arg8 : memref<128x128xf32, #tpu.memory_space<vmem>>) dst(%dma_wait3A_96 : memref<128x128xf32, #tpu.memory_space<vmem_shared>>)
      tpu.yield
    }) : () -> ()
    %run_scoped3A = arith.constant 0 : i32
    "tpu.region"() ({
      %run_scoped3A_89 = tpu.sem_alloc : memref<!tpu.dma_semaphore, #tpu.memory_space<semaphore_mem>>
      %dma_start3A_90 = arith.constant 0 : i32
      %dma_start3A_91 = arith.constant 0 : i32
      %dma_start3A_92 = tpu.memref_slice %arg6[%run_scoped3A, %dma_start3A_90, %dma_start3A_91] : memref<2x16x128xi32, #tpu.memory_space<vmem>> -> memref<1x16x128xi32, #tpu.memory_space<vmem>>
      %dma_start3A_93 = tpu.memref_squeeze %dma_start3A_92 : memref<1x16x128xi32, #tpu.memory_space<vmem>> -> memref<16x128xi32, #tpu.memory_space<vmem>>
      %dma_start3A_94 = arith.constant 0 : i32
      %dma_start3A_95 = tpu.memref_slice %arg3[%select_n3A_8, %dma_start3A_94] : memref<2576x128xi32, #tpu.memory_space<hbm>> -> memref<16x128xi32, #tpu.memory_space<hbm>>
      %dma_start3A_96 = arith.constant 0 : i32
      %dma_start3A_97 = arith.constant 0 : i32
      %dma_start3A_98 = tpu.memref_slice %arg6[%run_scoped3A, %dma_start3A_96, %dma_start3A_97] : memref<2x16x128xi32, #tpu.memory_space<vmem>> -> memref<1x16x128xi32, #tpu.memory_space<vmem>>
      %dma_start3A_99 = tpu.memref_squeeze %dma_start3A_98 : memref<1x16x128xi32, #tpu.memory_space<vmem>> -> memref<16x128xi32, #tpu.memory_space<vmem>>
      %dma_start3A_100 = arith.constant 0 : i32
      %dma_start3A_101 = tpu.memref_slice %arg3[%select_n3A_8, %dma_start3A_100] : memref<2576x128xi32, #tpu.memory_space<hbm>> -> memref<16x128xi32, #tpu.memory_space<hbm>>
      tpu.enqueue_dma source(%dma_start3A_101 : memref<16x128xi32, #tpu.memory_space<hbm>>) target(%dma_start3A_99 : memref<16x128xi32, #tpu.memory_space<vmem>>) target_semaphore(%run_scoped3A_89 : memref<!tpu.dma_semaphore, #tpu.memory_space<semaphore_mem>>)
      %dma_wait3A = arith.constant 0 : i32
      %dma_wait3A_102 = arith.constant 0 : i32
      %dma_wait3A_103 = tpu.memref_slice %arg6[%run_scoped3A, %dma_wait3A, %dma_wait3A_102] : memref<2x16x128xi32, #tpu.memory_space<vmem>> -> memref<1x16x128xi32, #tpu.memory_space<vmem>>
      %dma_wait3A_104 = tpu.memref_squeeze %dma_wait3A_103 : memref<1x16x128xi32, #tpu.memory_space<vmem>> -> memref<16x128xi32, #tpu.memory_space<vmem>>
      %dma_wait3A_105 = arith.constant 0 : i32
      %dma_wait3A_106 = tpu.memref_slice %arg3[%select_n3A_8, %dma_wait3A_105] : memref<2576x128xi32, #tpu.memory_space<hbm>> -> memref<16x128xi32, #tpu.memory_space<hbm>>
      %dma_wait3A_107 = arith.constant 0 : i32
      %dma_wait3A_108 = arith.constant 0 : i32
      %dma_wait3A_109 = tpu.memref_slice %arg6[%run_scoped3A, %dma_wait3A_107, %dma_wait3A_108] : memref<2x16x128xi32, #tpu.memory_space<vmem>> -> memref<1x16x128xi32, #tpu.memory_space<vmem>>
      %dma_wait3A_110 = tpu.memref_squeeze %dma_wait3A_109 : memref<1x16x128xi32, #tpu.memory_space<vmem>> -> memref<16x128xi32, #tpu.memory_space<vmem>>
      %dma_wait3A_111 = arith.constant 0 : i32
      %dma_wait3A_112 = tpu.memref_slice %arg3[%select_n3A_8, %dma_wait3A_111] : memref<2576x128xi32, #tpu.memory_space<hbm>> -> memref<16x128xi32, #tpu.memory_space<hbm>>
      tpu.wait_dma2 semaphore(%run_scoped3A_89 : memref<!tpu.dma_semaphore, #tpu.memory_space<semaphore_mem>>) src(%dma_wait3A_112 : memref<16x128xi32, #tpu.memory_space<hbm>>) dst(%dma_wait3A_110 : memref<16x128xi32, #tpu.memory_space<vmem>>)
      tpu.yield
    }) : () -> ()
    %run_scoped3A_35 = arith.constant 0 : i32
    "tpu.region"() ({
      %run_scoped3A_89 = tpu.sem_alloc : memref<!tpu.dma_semaphore, #tpu.memory_space<semaphore_mem>>
      %dma_start3A_90 = arith.constant 0 : i32
      %dma_start3A_91 = arith.constant 0 : i32
      %dma_start3A_92 = tpu.memref_slice %arg7[%run_scoped3A_35, %dma_start3A_90, %dma_start3A_91] : memref<2x16x128xi32, #tpu.memory_space<vmem>> -> memref<1x16x128xi32, #tpu.memory_space<vmem>>
      %dma_start3A_93 = tpu.memref_squeeze %dma_start3A_92 : memref<1x16x128xi32, #tpu.memory_space<vmem>> -> memref<16x128xi32, #tpu.memory_space<vmem>>
      %dma_start3A_94 = arith.constant 0 : i32
      %dma_start3A_95 = tpu.memref_slice %arg4[%select_n3A_8, %dma_start3A_94] : memref<2576x128xi32, #tpu.memory_space<hbm>> -> memref<16x128xi32, #tpu.memory_space<hbm>>
      %dma_start3A_96 = arith.constant 0 : i32
      %dma_start3A_97 = arith.constant 0 : i32
      %dma_start3A_98 = tpu.memref_slice %arg7[%run_scoped3A_35, %dma_start3A_96, %dma_start3A_97] : memref<2x16x128xi32, #tpu.memory_space<vmem>> -> memref<1x16x128xi32, #tpu.memory_space<vmem>>
      %dma_start3A_99 = tpu.memref_squeeze %dma_start3A_98 : memref<1x16x128xi32, #tpu.memory_space<vmem>> -> memref<16x128xi32, #tpu.memory_space<vmem>>
      %dma_start3A_100 = arith.constant 0 : i32
      %dma_start3A_101 = tpu.memref_slice %arg4[%select_n3A_8, %dma_start3A_100] : memref<2576x128xi32, #tpu.memory_space<hbm>> -> memref<16x128xi32, #tpu.memory_space<hbm>>
      tpu.enqueue_dma source(%dma_start3A_101 : memref<16x128xi32, #tpu.memory_space<hbm>>) target(%dma_start3A_99 : memref<16x128xi32, #tpu.memory_space<vmem>>) target_semaphore(%run_scoped3A_89 : memref<!tpu.dma_semaphore, #tpu.memory_space<semaphore_mem>>)
      %dma_wait3A = arith.constant 0 : i32
      %dma_wait3A_102 = arith.constant 0 : i32
      %dma_wait3A_103 = tpu.memref_slice %arg7[%run_scoped3A_35, %dma_wait3A, %dma_wait3A_102] : memref<2x16x128xi32, #tpu.memory_space<vmem>> -> memref<1x16x128xi32, #tpu.memory_space<vmem>>
      %dma_wait3A_104 = tpu.memref_squeeze %dma_wait3A_103 : memref<1x16x128xi32, #tpu.memory_space<vmem>> -> memref<16x128xi32, #tpu.memory_space<vmem>>
      %dma_wait3A_105 = arith.constant 0 : i32
      %dma_wait3A_106 = tpu.memref_slice %arg4[%select_n3A_8, %dma_wait3A_105] : memref<2576x128xi32, #tpu.memory_space<hbm>> -> memref<16x128xi32, #tpu.memory_space<hbm>>
      %dma_wait3A_107 = arith.constant 0 : i32
      %dma_wait3A_108 = arith.constant 0 : i32
      %dma_wait3A_109 = tpu.memref_slice %arg7[%run_scoped3A_35, %dma_wait3A_107, %dma_wait3A_108] : memref<2x16x128xi32, #tpu.memory_space<vmem>> -> memref<1x16x128xi32, #tpu.memory_space<vmem>>
      %dma_wait3A_110 = tpu.memref_squeeze %dma_wait3A_109 : memref<1x16x128xi32, #tpu.memory_space<vmem>> -> memref<16x128xi32, #tpu.memory_space<vmem>>
      %dma_wait3A_111 = arith.constant 0 : i32
      %dma_wait3A_112 = tpu.memref_slice %arg4[%select_n3A_8, %dma_wait3A_111] : memref<2576x128xi32, #tpu.memory_space<hbm>> -> memref<16x128xi32, #tpu.memory_space<hbm>>
      tpu.wait_dma2 semaphore(%run_scoped3A_89 : memref<!tpu.dma_semaphore, #tpu.memory_space<semaphore_mem>>) src(%dma_wait3A_112 : memref<16x128xi32, #tpu.memory_space<hbm>>) dst(%dma_wait3A_110 : memref<16x128xi32, #tpu.memory_space<vmem>>)
      tpu.yield
    }) : () -> ()
    %dma_start3A = arith.constant 0 : i32
    %dma_start3A_36 = arith.constant 0 : i32
    %dma_start3A_37 = arith.constant 0 : i32
    %dma_start3A_38 = arith.constant 0 : i32
    %dma_start3A_39 = tpu.memref_slice %arg8[%dma_start3A_37, %dma_start3A_38] : memref<128x128xf32, #tpu.memory_space<vmem>> -> memref<64x128xf32, #tpu.memory_space<vmem>>
    %dma_start3A_40 = arith.constant 0 : i32
    %dma_start3A_41 = tpu.memref_slice %arg6[%dma_start3A, %dma_start3A_36, %dma_start3A_40] : memref<2x16x128xi32, #tpu.memory_space<vmem>> -> memref<1x1x64xi32, #tpu.memory_space<vmem>>
    %dma_start3A_42 = tpu.memref_squeeze %dma_start3A_41 : memref<1x1x64xi32, #tpu.memory_space<vmem>> -> memref<64xi32, #tpu.memory_space<vmem>>
    %dma_start3A_43 = arith.constant 0 : i32
    %dma_start3A_44 = arith.constant 0 : i32
    %dma_start3A_45 = tpu.memref_slice %arg2[%dma_start3A_43, %dma_start3A_44] : memref<10240x128xf32, #tpu.memory_space<hbm>> -> memref<10240x128xf32, #tpu.memory_space<hbm>>
    tpu.enqueue_indirect_dma source(%dma_start3A_45 : memref<10240x128xf32, #tpu.memory_space<hbm>>) target(%dma_start3A_39 : memref<64x128xf32, #tpu.memory_space<vmem>>) offsets(%dma_start3A_42 : memref<64xi32, #tpu.memory_space<vmem>>) semaphore(%arg11 : memref<!tpu.dma_semaphore, #tpu.memory_space<semaphore_mem>>)
    %dma_start3A_46 = arith.constant 0 : i32
    %dma_start3A_47 = arith.constant 0 : i32
    %dma_start3A_48 = arith.constant 64 : i32
    %dma_start3A_49 = arith.constant 0 : i32
    %dma_start3A_50 = tpu.memref_slice %arg8[%dma_start3A_48, %dma_start3A_49] : memref<128x128xf32, #tpu.memory_space<vmem>> -> memref<64x128xf32, #tpu.memory_space<vmem>>
    %dma_start3A_51 = arith.constant 64 : i32
    %dma_start3A_52 = tpu.memref_slice %arg6[%dma_start3A_46, %dma_start3A_47, %dma_start3A_51] : memref<2x16x128xi32, #tpu.memory_space<vmem>> -> memref<1x1x64xi32, #tpu.memory_space<vmem>>
    %dma_start3A_53 = tpu.memref_squeeze %dma_start3A_52 : memref<1x1x64xi32, #tpu.memory_space<vmem>> -> memref<64xi32, #tpu.memory_space<vmem>>
    %dma_start3A_54 = arith.constant 0 : i32
    %dma_start3A_55 = arith.constant 0 : i32
    %dma_start3A_56 = tpu.memref_slice %arg2[%dma_start3A_54, %dma_start3A_55] : memref<10240x128xf32, #tpu.memory_space<hbm>> -> memref<10240x128xf32, #tpu.memory_space<hbm>>
    tpu.enqueue_indirect_dma source(%dma_start3A_56 : memref<10240x128xf32, #tpu.memory_space<hbm>>) target(%dma_start3A_50 : memref<64x128xf32, #tpu.memory_space<vmem>>) offsets(%dma_start3A_53 : memref<64xi32, #tpu.memory_space<vmem>>) semaphore(%arg11 : memref<!tpu.dma_semaphore, #tpu.memory_space<semaphore_mem>>)
    %barrier3A = arith.constant 0 : index
    tpu.barrier barrier_id(%barrier3A)
    %jit3A_57 = arith.constant 2 : i32
    %div3A = arith.divsi %select_n3A, %jit3A_57 : i32
    %sign3A = arith.constant 0 : i32
    %sign3A_58 = arith.cmpi sgt, %select_n3A, %sign3A : i32
    %sign3A_59 = arith.extui %sign3A_58 : i1 to i32
    %sign3A_60 = arith.constant 0 : i32
    %sign3A_61 = arith.cmpi slt, %select_n3A, %sign3A_60 : i32
    %sign3A_62 = arith.extui %sign3A_61 : i1 to i32
    %sign3A_63 = arith.subi %sign3A_59, %sign3A_62 : i32
    %sign3A_64 = arith.constant 0 : i32
    %sign3A_65 = arith.cmpi sgt, %jit3A_57, %sign3A_64 : i32
    %sign3A_66 = arith.extui %sign3A_65 : i1 to i32
    %sign3A_67 = arith.constant 0 : i32
    %sign3A_68 = arith.cmpi slt, %jit3A_57, %sign3A_67 : i32
    %sign3A_69 = arith.extui %sign3A_68 : i1 to i32
    %sign3A_70 = arith.subi %sign3A_66, %sign3A_69 : i32
    %ne3A = arith.cmpi ne, %sign3A_63, %sign3A_70 : i32
    %rem3A = arith.remsi %select_n3A, %jit3A_57 : i32
    %ne3A_71 = arith.constant 0 : i32
    %ne3A_72 = arith.cmpi ne, %rem3A, %ne3A_71 : i32
    %and3A = arith.andi %ne3A, %ne3A_72 : i1
    %sub3A = arith.constant 1 : i32
    %sub3A_73 = arith.subi %div3A, %sub3A : i32
    %select_n3A_74 = arith.select %and3A, %sub3A_73, %div3A : i32
    %while3A = arith.constant 0 : i32
    %while3A_75 = arith.constant 0 : i32
    %while3A_76 = arith.subi %select_n3A_74, %while3A_75 : i32
    %while3A_77 = arith.addi %while3A_75, %while3A_76 : i32
    %while3A_78 = arith.constant 1 : i32
    %while3A_79 = arith.divsi %while3A_76, %while3A_78 : i32
    %while3A_80 = arith.muli %while3A_79, %while3A_78 : i32
    %while3A_81 = arith.addi %while3A_75, %while3A_80 : i32
    %while3A_82 = arith.constant 1 : i32
    scf.for %while3A_89 = %while3A_75 to %while3A_81 step %while3A_82  : i32 {
      %mul3A_90 = arith.constant 2 : i32
      %mul3A_91 = arith.muli %mul3A_90, %while3A_89 : i32
      %add3A_92 = arith.constant 1 : i32
      %add3A_93 = arith.addi %mul3A_91, %add3A_92 : i32
      %add3A_94 = arith.constant 2 : i32
      %add3A_95 = arith.addi %mul3A_91, %add3A_94 : i32
      %jit3A_96 = arith.constant 16 : i32
      %eq3A_97 = arith.constant 0 : i32
      %eq3A_98 = arith.cmpi eq, %jit3A_96, %eq3A_97 : i32
      %jit3A_99 = arith.constant 1 : i32
      %select_n3A_100 = arith.select %eq3A_98, %jit3A_99, %jit3A_96 : i32
      %rem3A_101 = arith.remsi %mul3A_91, %select_n3A_100 : i32
      %ne3A_102 = arith.constant 0 : i32
      %ne3A_103 = arith.cmpi ne, %rem3A_101, %ne3A_102 : i32
      %lt3A = arith.constant 0 : i32
      %lt3A_104 = arith.cmpi slt, %rem3A_101, %lt3A : i32
      %lt3A_105 = arith.constant 0 : i32
      %lt3A_106 = arith.cmpi slt, %select_n3A_100, %lt3A_105 : i32
      %ne3A_107 = arith.xori %lt3A_104, %lt3A_106 : i1
      %and3A_108 = arith.andi %ne3A_107, %ne3A_103 : i1
      %add3A_109 = arith.addi %rem3A_101, %select_n3A_100 : i32
      %select_n3A_110 = arith.select %and3A_108, %add3A_109, %rem3A_101 : i32
      %eq3A_111 = arith.constant 0 : i32
      %eq3A_112 = arith.cmpi eq, %select_n3A_110, %eq3A_111 : i32
      %add3A_113 = arith.constant 16 : i32
      %add3A_114 = arith.addi %mul3A_91, %add3A_113 : i32
      %lt3A_115 = arith.cmpi slt, %add3A_114, %select_n3A : i32
      %and3A_116 = arith.andi %eq3A_112, %lt3A_115 : i1
      %convert_element_type3A = arith.extui %and3A_116 : i1 to i32
      %cond3A = arith.constant 0 : i32
      %cond3A_117 = arith.cmpi ne, %convert_element_type3A, %cond3A : i32
      scf.if %cond3A_117 {
        %jit3A_455 = arith.constant 16 : i32
        %div3A_456 = arith.divsi %mul3A_91, %jit3A_455 : i32
        %sign3A_457 = arith.constant 0 : i32
        %sign3A_458 = arith.cmpi sgt, %mul3A_91, %sign3A_457 : i32
        %sign3A_459 = arith.extui %sign3A_458 : i1 to i32
        %sign3A_460 = arith.constant 0 : i32
        %sign3A_461 = arith.cmpi slt, %mul3A_91, %sign3A_460 : i32
        %sign3A_462 = arith.extui %sign3A_461 : i1 to i32
        %sign3A_463 = arith.subi %sign3A_459, %sign3A_462 : i32
        %sign3A_464 = arith.constant 0 : i32
        %sign3A_465 = arith.cmpi sgt, %jit3A_455, %sign3A_464 : i32
        %sign3A_466 = arith.extui %sign3A_465 : i1 to i32
        %sign3A_467 = arith.constant 0 : i32
        %sign3A_468 = arith.cmpi slt, %jit3A_455, %sign3A_467 : i32
        %sign3A_469 = arith.extui %sign3A_468 : i1 to i32
        %sign3A_470 = arith.subi %sign3A_466, %sign3A_469 : i32
        %ne3A_471 = arith.cmpi ne, %sign3A_463, %sign3A_470 : i32
        %rem3A_472 = arith.remsi %mul3A_91, %jit3A_455 : i32
        %ne3A_473 = arith.constant 0 : i32
        %ne3A_474 = arith.cmpi ne, %rem3A_472, %ne3A_473 : i32
        %and3A_475 = arith.andi %ne3A_471, %ne3A_474 : i1
        %sub3A_476 = arith.constant 1 : i32
        %sub3A_477 = arith.subi %div3A_456, %sub3A_476 : i32
        %select_n3A_478 = arith.select %and3A_475, %sub3A_477, %div3A_456 : i32
        %add3A_479 = arith.constant 1 : i32
        %add3A_480 = arith.addi %select_n3A_478, %add3A_479 : i32
        %mul3A_481 = arith.constant 16 : i32
        %mul3A_482 = arith.muli %add3A_480, %mul3A_481 : i32
        %add3A_483 = arith.addi %select_n3A_8, %mul3A_482 : i32
        %jit3A_484 = arith.constant 2 : i32
        %eq3A_485 = arith.constant 0 : i32
        %eq3A_486 = arith.cmpi eq, %jit3A_484, %eq3A_485 : i32
        %jit3A_487 = arith.constant 1 : i32
        %select_n3A_488 = arith.select %eq3A_486, %jit3A_487, %jit3A_484 : i32
        %rem3A_489 = arith.remsi %add3A_480, %select_n3A_488 : i32
        %ne3A_490 = arith.constant 0 : i32
        %ne3A_491 = arith.cmpi ne, %rem3A_489, %ne3A_490 : i32
        %lt3A_492 = arith.constant 0 : i32
        %lt3A_493 = arith.cmpi slt, %rem3A_489, %lt3A_492 : i32
        %lt3A_494 = arith.constant 0 : i32
        %lt3A_495 = arith.cmpi slt, %select_n3A_488, %lt3A_494 : i32
        %ne3A_496 = arith.xori %lt3A_493, %lt3A_495 : i1
        %and3A_497 = arith.andi %ne3A_496, %ne3A_491 : i1
        %add3A_498 = arith.addi %rem3A_489, %select_n3A_488 : i32
        %select_n3A_499 = arith.select %and3A_497, %add3A_498, %rem3A_489 : i32
        "tpu.region"() ({
          %run_scoped3A_519 = tpu.sem_alloc : memref<!tpu.dma_semaphore, #tpu.memory_space<semaphore_mem>>
          %dma_start3A_520 = arith.constant 0 : i32
          %dma_start3A_521 = arith.constant 0 : i32
          %dma_start3A_522 = tpu.memref_slice %arg6[%select_n3A_499, %dma_start3A_520, %dma_start3A_521] : memref<2x16x128xi32, #tpu.memory_space<vmem>> -> memref<1x16x128xi32, #tpu.memory_space<vmem>>
          %dma_start3A_523 = tpu.memref_squeeze %dma_start3A_522 : memref<1x16x128xi32, #tpu.memory_space<vmem>> -> memref<16x128xi32, #tpu.memory_space<vmem>>
          %dma_start3A_524 = arith.constant 0 : i32
          %dma_start3A_525 = tpu.memref_slice %arg3[%add3A_483, %dma_start3A_524] : memref<2576x128xi32, #tpu.memory_space<hbm>> -> memref<16x128xi32, #tpu.memory_space<hbm>>
          %dma_start3A_526 = arith.constant 0 : i32
          %dma_start3A_527 = arith.constant 0 : i32
          %dma_start3A_528 = tpu.memref_slice %arg6[%select_n3A_499, %dma_start3A_526, %dma_start3A_527] : memref<2x16x128xi32, #tpu.memory_space<vmem>> -> memref<1x16x128xi32, #tpu.memory_space<vmem>>
          %dma_start3A_529 = tpu.memref_squeeze %dma_start3A_528 : memref<1x16x128xi32, #tpu.memory_space<vmem>> -> memref<16x128xi32, #tpu.memory_space<vmem>>
          %dma_start3A_530 = arith.constant 0 : i32
          %dma_start3A_531 = tpu.memref_slice %arg3[%add3A_483, %dma_start3A_530] : memref<2576x128xi32, #tpu.memory_space<hbm>> -> memref<16x128xi32, #tpu.memory_space<hbm>>
          tpu.enqueue_dma source(%dma_start3A_531 : memref<16x128xi32, #tpu.memory_space<hbm>>) target(%dma_start3A_529 : memref<16x128xi32, #tpu.memory_space<vmem>>) target_semaphore(%run_scoped3A_519 : memref<!tpu.dma_semaphore, #tpu.memory_space<semaphore_mem>>)
          %dma_wait3A_532 = arith.constant 0 : i32
          %dma_wait3A_533 = arith.constant 0 : i32
          %dma_wait3A_534 = tpu.memref_slice %arg6[%select_n3A_499, %dma_wait3A_532, %dma_wait3A_533] : memref<2x16x128xi32, #tpu.memory_space<vmem>> -> memref<1x16x128xi32, #tpu.memory_space<vmem>>
          %dma_wait3A_535 = tpu.memref_squeeze %dma_wait3A_534 : memref<1x16x128xi32, #tpu.memory_space<vmem>> -> memref<16x128xi32, #tpu.memory_space<vmem>>
          %dma_wait3A_536 = arith.constant 0 : i32
          %dma_wait3A_537 = tpu.memref_slice %arg3[%add3A_483, %dma_wait3A_536] : memref<2576x128xi32, #tpu.memory_space<hbm>> -> memref<16x128xi32, #tpu.memory_space<hbm>>
          %dma_wait3A_538 = arith.constant 0 : i32
          %dma_wait3A_539 = arith.constant 0 : i32
          %dma_wait3A_540 = tpu.memref_slice %arg6[%select_n3A_499, %dma_wait3A_538, %dma_wait3A_539] : memref<2x16x128xi32, #tpu.memory_space<vmem>> -> memref<1x16x128xi32, #tpu.memory_space<vmem>>
          %dma_wait3A_541 = tpu.memref_squeeze %dma_wait3A_540 : memref<1x16x128xi32, #tpu.memory_space<vmem>> -> memref<16x128xi32, #tpu.memory_space<vmem>>
          %dma_wait3A_542 = arith.constant 0 : i32
          %dma_wait3A_543 = tpu.memref_slice %arg3[%add3A_483, %dma_wait3A_542] : memref<2576x128xi32, #tpu.memory_space<hbm>> -> memref<16x128xi32, #tpu.memory_space<hbm>>
          tpu.wait_dma2 semaphore(%run_scoped3A_519 : memref<!tpu.dma_semaphore, #tpu.memory_space<semaphore_mem>>) src(%dma_wait3A_543 : memref<16x128xi32, #tpu.memory_space<hbm>>) dst(%dma_wait3A_541 : memref<16x128xi32, #tpu.memory_space<vmem>>)
          tpu.yield
        }) : () -> ()
        %mul3A_500 = arith.constant 16 : i32
        %mul3A_501 = arith.muli %add3A_480, %mul3A_500 : i32
        %add3A_502 = arith.addi %select_n3A_8, %mul3A_501 : i32
        %jit3A_503 = arith.constant 2 : i32
        %eq3A_504 = arith.constant 0 : i32
        %eq3A_505 = arith.cmpi eq, %jit3A_503, %eq3A_504 : i32
        %jit3A_506 = arith.constant 1 : i32
        %select_n3A_507 = arith.select %eq3A_505, %jit3A_506, %jit3A_503 : i32
        %rem3A_508 = arith.remsi %add3A_480, %select_n3A_507 : i32
        %ne3A_509 = arith.constant 0 : i32
        %ne3A_510 = arith.cmpi ne, %rem3A_508, %ne3A_509 : i32
        %lt3A_511 = arith.constant 0 : i32
        %lt3A_512 = arith.cmpi slt, %rem3A_508, %lt3A_511 : i32
        %lt3A_513 = arith.constant 0 : i32
        %lt3A_514 = arith.cmpi slt, %select_n3A_507, %lt3A_513 : i32
        %ne3A_515 = arith.xori %lt3A_512, %lt3A_514 : i1
        %and3A_516 = arith.andi %ne3A_515, %ne3A_510 : i1
        %add3A_517 = arith.addi %rem3A_508, %select_n3A_507 : i32
        %select_n3A_518 = arith.select %and3A_516, %add3A_517, %rem3A_508 : i32
        "tpu.region"() ({
          %run_scoped3A_519 = tpu.sem_alloc : memref<!tpu.dma_semaphore, #tpu.memory_space<semaphore_mem>>
          %dma_start3A_520 = arith.constant 0 : i32
          %dma_start3A_521 = arith.constant 0 : i32
          %dma_start3A_522 = tpu.memref_slice %arg7[%select_n3A_518, %dma_start3A_520, %dma_start3A_521] : memref<2x16x128xi32, #tpu.memory_space<vmem>> -> memref<1x16x128xi32, #tpu.memory_space<vmem>>
          %dma_start3A_523 = tpu.memref_squeeze %dma_start3A_522 : memref<1x16x128xi32, #tpu.memory_space<vmem>> -> memref<16x128xi32, #tpu.memory_space<vmem>>
          %dma_start3A_524 = arith.constant 0 : i32
          %dma_start3A_525 = tpu.memref_slice %arg4[%add3A_502, %dma_start3A_524] : memref<2576x128xi32, #tpu.memory_space<hbm>> -> memref<16x128xi32, #tpu.memory_space<hbm>>
          %dma_start3A_526 = arith.constant 0 : i32
          %dma_start3A_527 = arith.constant 0 : i32
          %dma_start3A_528 = tpu.memref_slice %arg7[%select_n3A_518, %dma_start3A_526, %dma_start3A_527] : memref<2x16x128xi32, #tpu.memory_space<vmem>> -> memref<1x16x128xi32, #tpu.memory_space<vmem>>
          %dma_start3A_529 = tpu.memref_squeeze %dma_start3A_528 : memref<1x16x128xi32, #tpu.memory_space<vmem>> -> memref<16x128xi32, #tpu.memory_space<vmem>>
          %dma_start3A_530 = arith.constant 0 : i32
          %dma_start3A_531 = tpu.memref_slice %arg4[%add3A_502, %dma_start3A_530] : memref<2576x128xi32, #tpu.memory_space<hbm>> -> memref<16x128xi32, #tpu.memory_space<hbm>>
          tpu.enqueue_dma source(%dma_start3A_531 : memref<16x128xi32, #tpu.memory_space<hbm>>) target(%dma_start3A_529 : memref<16x128xi32, #tpu.memory_space<vmem>>) target_semaphore(%run_scoped3A_519 : memref<!tpu.dma_semaphore, #tpu.memory_space<semaphore_mem>>)
          %dma_wait3A_532 = arith.constant 0 : i32
          %dma_wait3A_533 = arith.constant 0 : i32
          %dma_wait3A_534 = tpu.memref_slice %arg7[%select_n3A_518, %dma_wait3A_532, %dma_wait3A_533] : memref<2x16x128xi32, #tpu.memory_space<vmem>> -> memref<1x16x128xi32, #tpu.memory_space<vmem>>
          %dma_wait3A_535 = tpu.memref_squeeze %dma_wait3A_534 : memref<1x16x128xi32, #tpu.memory_space<vmem>> -> memref<16x128xi32, #tpu.memory_space<vmem>>
          %dma_wait3A_536 = arith.constant 0 : i32
          %dma_wait3A_537 = tpu.memref_slice %arg4[%add3A_502, %dma_wait3A_536] : memref<2576x128xi32, #tpu.memory_space<hbm>> -> memref<16x128xi32, #tpu.memory_space<hbm>>
          %dma_wait3A_538 = arith.constant 0 : i32
          %dma_wait3A_539 = arith.constant 0 : i32
          %dma_wait3A_540 = tpu.memref_slice %arg7[%select_n3A_518, %dma_wait3A_538, %dma_wait3A_539] : memref<2x16x128xi32, #tpu.memory_space<vmem>> -> memref<1x16x128xi32, #tpu.memory_space<vmem>>
          %dma_wait3A_541 = tpu.memref_squeeze %dma_wait3A_540 : memref<1x16x128xi32, #tpu.memory_space<vmem>> -> memref<16x128xi32, #tpu.memory_space<vmem>>
          %dma_wait3A_542 = arith.constant 0 : i32
          %dma_wait3A_543 = tpu.memref_slice %arg4[%add3A_502, %dma_wait3A_542] : memref<2576x128xi32, #tpu.memory_space<hbm>> -> memref<16x128xi32, #tpu.memory_space<hbm>>
          tpu.wait_dma2 semaphore(%run_scoped3A_519 : memref<!tpu.dma_semaphore, #tpu.memory_space<semaphore_mem>>) src(%dma_wait3A_543 : memref<16x128xi32, #tpu.memory_space<hbm>>) dst(%dma_wait3A_541 : memref<16x128xi32, #tpu.memory_space<vmem>>)
          tpu.yield
        }) : () -> ()
      } else {
      }
      %jit3A_118 = arith.constant 16 : i32
      %div3A_119 = arith.divsi %add3A_93, %jit3A_118 : i32
      %sign3A_120 = arith.constant 0 : i32
      %sign3A_121 = arith.cmpi sgt, %add3A_93, %sign3A_120 : i32
      %sign3A_122 = arith.extui %sign3A_121 : i1 to i32
      %sign3A_123 = arith.constant 0 : i32
      %sign3A_124 = arith.cmpi slt, %add3A_93, %sign3A_123 : i32
      %sign3A_125 = arith.extui %sign3A_124 : i1 to i32
      %sign3A_126 = arith.subi %sign3A_122, %sign3A_125 : i32
      %sign3A_127 = arith.constant 0 : i32
      %sign3A_128 = arith.cmpi sgt, %jit3A_118, %sign3A_127 : i32
      %sign3A_129 = arith.extui %sign3A_128 : i1 to i32
      %sign3A_130 = arith.constant 0 : i32
      %sign3A_131 = arith.cmpi slt, %jit3A_118, %sign3A_130 : i32
      %sign3A_132 = arith.extui %sign3A_131 : i1 to i32
      %sign3A_133 = arith.subi %sign3A_129, %sign3A_132 : i32
      %ne3A_134 = arith.cmpi ne, %sign3A_126, %sign3A_133 : i32
      %rem3A_135 = arith.remsi %add3A_93, %jit3A_118 : i32
      %ne3A_136 = arith.constant 0 : i32
      %ne3A_137 = arith.cmpi ne, %rem3A_135, %ne3A_136 : i32
      %and3A_138 = arith.andi %ne3A_134, %ne3A_137 : i1
      %sub3A_139 = arith.constant 1 : i32
      %sub3A_140 = arith.subi %div3A_119, %sub3A_139 : i32
      %select_n3A_141 = arith.select %and3A_138, %sub3A_140, %div3A_119 : i32
      %jit3A_142 = arith.constant 2 : i32
      %eq3A_143 = arith.constant 0 : i32
      %eq3A_144 = arith.cmpi eq, %jit3A_142, %eq3A_143 : i32
      %jit3A_145 = arith.constant 1 : i32
      %select_n3A_146 = arith.select %eq3A_144, %jit3A_145, %jit3A_142 : i32
      %rem3A_147 = arith.remsi %select_n3A_141, %select_n3A_146 : i32
      %ne3A_148 = arith.constant 0 : i32
      %ne3A_149 = arith.cmpi ne, %rem3A_147, %ne3A_148 : i32
      %lt3A_150 = arith.constant 0 : i32
      %lt3A_151 = arith.cmpi slt, %rem3A_147, %lt3A_150 : i32
      %lt3A_152 = arith.constant 0 : i32
      %lt3A_153 = arith.cmpi slt, %select_n3A_146, %lt3A_152 : i32
      %ne3A_154 = arith.xori %lt3A_151, %lt3A_153 : i1
      %and3A_155 = arith.andi %ne3A_154, %ne3A_149 : i1
      %add3A_156 = arith.addi %rem3A_147, %select_n3A_146 : i32
      %select_n3A_157 = arith.select %and3A_155, %add3A_156, %rem3A_147 : i32
      %jit3A_158 = arith.constant 16 : i32
      %eq3A_159 = arith.constant 0 : i32
      %eq3A_160 = arith.cmpi eq, %jit3A_158, %eq3A_159 : i32
      %jit3A_161 = arith.constant 1 : i32
      %select_n3A_162 = arith.select %eq3A_160, %jit3A_161, %jit3A_158 : i32
      %rem3A_163 = arith.remsi %add3A_93, %select_n3A_162 : i32
      %ne3A_164 = arith.constant 0 : i32
      %ne3A_165 = arith.cmpi ne, %rem3A_163, %ne3A_164 : i32
      %lt3A_166 = arith.constant 0 : i32
      %lt3A_167 = arith.cmpi slt, %rem3A_163, %lt3A_166 : i32
      %lt3A_168 = arith.constant 0 : i32
      %lt3A_169 = arith.cmpi slt, %select_n3A_162, %lt3A_168 : i32
      %ne3A_170 = arith.xori %lt3A_167, %lt3A_169 : i1
      %and3A_171 = arith.andi %ne3A_170, %ne3A_165 : i1
      %add3A_172 = arith.addi %rem3A_163, %select_n3A_162 : i32
      %select_n3A_173 = arith.select %and3A_171, %add3A_172, %rem3A_163 : i32
      %dma_start3A_174 = arith.constant 0 : i32
      %dma_start3A_175 = arith.constant 0 : i32
      %dma_start3A_176 = tpu.memref_slice %arg9[%dma_start3A_174, %dma_start3A_175] : memref<128x128xf32, #tpu.memory_space<vmem>> -> memref<64x128xf32, #tpu.memory_space<vmem>>
      %dma_start3A_177 = arith.constant 0 : i32
      %dma_start3A_178 = tpu.memref_slice %arg6[%select_n3A_157, %select_n3A_173, %dma_start3A_177] : memref<2x16x128xi32, #tpu.memory_space<vmem>> -> memref<1x1x64xi32, #tpu.memory_space<vmem>>
      %dma_start3A_179 = tpu.memref_squeeze %dma_start3A_178 : memref<1x1x64xi32, #tpu.memory_space<vmem>> -> memref<64xi32, #tpu.memory_space<vmem>>
      %dma_start3A_180 = arith.constant 0 : i32
      %dma_start3A_181 = arith.constant 0 : i32
      %dma_start3A_182 = tpu.memref_slice %arg2[%dma_start3A_180, %dma_start3A_181] : memref<10240x128xf32, #tpu.memory_space<hbm>> -> memref<10240x128xf32, #tpu.memory_space<hbm>>
      tpu.enqueue_indirect_dma source(%dma_start3A_182 : memref<10240x128xf32, #tpu.memory_space<hbm>>) target(%dma_start3A_176 : memref<64x128xf32, #tpu.memory_space<vmem>>) offsets(%dma_start3A_179 : memref<64xi32, #tpu.memory_space<vmem>>) semaphore(%arg12 : memref<!tpu.dma_semaphore, #tpu.memory_space<semaphore_mem>>)
      %dma_start3A_183 = arith.constant 64 : i32
      %dma_start3A_184 = arith.constant 0 : i32
      %dma_start3A_185 = tpu.memref_slice %arg9[%dma_start3A_183, %dma_start3A_184] : memref<128x128xf32, #tpu.memory_space<vmem>> -> memref<64x128xf32, #tpu.memory_space<vmem>>
      %dma_start3A_186 = arith.constant 64 : i32
      %dma_start3A_187 = tpu.memref_slice %arg6[%select_n3A_157, %select_n3A_173, %dma_start3A_186] : memref<2x16x128xi32, #tpu.memory_space<vmem>> -> memref<1x1x64xi32, #tpu.memory_space<vmem>>
      %dma_start3A_188 = tpu.memref_squeeze %dma_start3A_187 : memref<1x1x64xi32, #tpu.memory_space<vmem>> -> memref<64xi32, #tpu.memory_space<vmem>>
      %dma_start3A_189 = arith.constant 0 : i32
      %dma_start3A_190 = arith.constant 0 : i32
      %dma_start3A_191 = tpu.memref_slice %arg2[%dma_start3A_189, %dma_start3A_190] : memref<10240x128xf32, #tpu.memory_space<hbm>> -> memref<10240x128xf32, #tpu.memory_space<hbm>>
      tpu.enqueue_indirect_dma source(%dma_start3A_191 : memref<10240x128xf32, #tpu.memory_space<hbm>>) target(%dma_start3A_185 : memref<64x128xf32, #tpu.memory_space<vmem>>) offsets(%dma_start3A_188 : memref<64xi32, #tpu.memory_space<vmem>>) semaphore(%arg12 : memref<!tpu.dma_semaphore, #tpu.memory_space<semaphore_mem>>)
      %jit3A_192 = arith.constant 16 : i32
      %div3A_193 = arith.divsi %mul3A_91, %jit3A_192 : i32
      %sign3A_194 = arith.constant 0 : i32
      %sign3A_195 = arith.cmpi sgt, %mul3A_91, %sign3A_194 : i32
      %sign3A_196 = arith.extui %sign3A_195 : i1 to i32
      %sign3A_197 = arith.constant 0 : i32
      %sign3A_198 = arith.cmpi slt, %mul3A_91, %sign3A_197 : i32
      %sign3A_199 = arith.extui %sign3A_198 : i1 to i32
      %sign3A_200 = arith.subi %sign3A_196, %sign3A_199 : i32
      %sign3A_201 = arith.constant 0 : i32
      %sign3A_202 = arith.cmpi sgt, %jit3A_192, %sign3A_201 : i32
      %sign3A_203 = arith.extui %sign3A_202 : i1 to i32
      %sign3A_204 = arith.constant 0 : i32
      %sign3A_205 = arith.cmpi slt, %jit3A_192, %sign3A_204 : i32
      %sign3A_206 = arith.extui %sign3A_205 : i1 to i32
      %sign3A_207 = arith.subi %sign3A_203, %sign3A_206 : i32
      %ne3A_208 = arith.cmpi ne, %sign3A_200, %sign3A_207 : i32
      %rem3A_209 = arith.remsi %mul3A_91, %jit3A_192 : i32
      %ne3A_210 = arith.constant 0 : i32
      %ne3A_211 = arith.cmpi ne, %rem3A_209, %ne3A_210 : i32
      %and3A_212 = arith.andi %ne3A_208, %ne3A_211 : i1
      %sub3A_213 = arith.constant 1 : i32
      %sub3A_214 = arith.subi %div3A_193, %sub3A_213 : i32
      %select_n3A_215 = arith.select %and3A_212, %sub3A_214, %div3A_193 : i32
      %jit3A_216 = arith.constant 2 : i32
      %eq3A_217 = arith.constant 0 : i32
      %eq3A_218 = arith.cmpi eq, %jit3A_216, %eq3A_217 : i32
      %jit3A_219 = arith.constant 1 : i32
      %select_n3A_220 = arith.select %eq3A_218, %jit3A_219, %jit3A_216 : i32
      %rem3A_221 = arith.remsi %select_n3A_215, %select_n3A_220 : i32
      %ne3A_222 = arith.constant 0 : i32
      %ne3A_223 = arith.cmpi ne, %rem3A_221, %ne3A_222 : i32
      %lt3A_224 = arith.constant 0 : i32
      %lt3A_225 = arith.cmpi slt, %rem3A_221, %lt3A_224 : i32
      %lt3A_226 = arith.constant 0 : i32
      %lt3A_227 = arith.cmpi slt, %select_n3A_220, %lt3A_226 : i32
      %ne3A_228 = arith.xori %lt3A_225, %lt3A_227 : i1
      %and3A_229 = arith.andi %ne3A_228, %ne3A_223 : i1
      %add3A_230 = arith.addi %rem3A_221, %select_n3A_220 : i32
      %select_n3A_231 = arith.select %and3A_229, %add3A_230, %rem3A_221 : i32
      %jit3A_232 = arith.constant 16 : i32
      %eq3A_233 = arith.constant 0 : i32
      %eq3A_234 = arith.cmpi eq, %jit3A_232, %eq3A_233 : i32
      %jit3A_235 = arith.constant 1 : i32
      %select_n3A_236 = arith.select %eq3A_234, %jit3A_235, %jit3A_232 : i32
      %rem3A_237 = arith.remsi %mul3A_91, %select_n3A_236 : i32
      %ne3A_238 = arith.constant 0 : i32
      %ne3A_239 = arith.cmpi ne, %rem3A_237, %ne3A_238 : i32
      %lt3A_240 = arith.constant 0 : i32
      %lt3A_241 = arith.cmpi slt, %rem3A_237, %lt3A_240 : i32
      %lt3A_242 = arith.constant 0 : i32
      %lt3A_243 = arith.cmpi slt, %select_n3A_236, %lt3A_242 : i32
      %ne3A_244 = arith.xori %lt3A_241, %lt3A_243 : i1
      %and3A_245 = arith.andi %ne3A_244, %ne3A_239 : i1
      %add3A_246 = arith.addi %rem3A_237, %select_n3A_236 : i32
      %select_n3A_247 = arith.select %and3A_245, %add3A_246, %rem3A_237 : i32
      %dma_wait3A = arith.constant 0 : i32
      %dma_wait3A_248 = arith.constant 0 : i32
      %dma_wait3A_249 = tpu.memref_slice %arg8[%dma_wait3A, %dma_wait3A_248] : memref<128x128xf32, #tpu.memory_space<vmem>> -> memref<64x128xf32, #tpu.memory_space<vmem>>
      %dma_wait3A_250 = arith.constant 0 : i32
      %dma_wait3A_251 = tpu.memref_slice %arg6[%select_n3A_231, %select_n3A_247, %dma_wait3A_250] : memref<2x16x128xi32, #tpu.memory_space<vmem>> -> memref<1x1x64xi32, #tpu.memory_space<vmem>>
      %dma_wait3A_252 = tpu.memref_squeeze %dma_wait3A_251 : memref<1x1x64xi32, #tpu.memory_space<vmem>> -> memref<64xi32, #tpu.memory_space<vmem>>
      %dma_wait3A_253 = arith.constant 0 : i32
      %dma_wait3A_254 = arith.constant 0 : i32
      %dma_wait3A_255 = tpu.memref_slice %arg2[%dma_wait3A_253, %dma_wait3A_254] : memref<10240x128xf32, #tpu.memory_space<hbm>> -> memref<10240x128xf32, #tpu.memory_space<hbm>>
      tpu.wait_indirect_dma semaphore(%arg11 : memref<!tpu.dma_semaphore, #tpu.memory_space<semaphore_mem>>) src(%dma_wait3A_255 : memref<10240x128xf32, #tpu.memory_space<hbm>>) dst(%dma_wait3A_249 : memref<64x128xf32, #tpu.memory_space<vmem>>)
      %dma_wait3A_256 = arith.constant 64 : i32
      %dma_wait3A_257 = arith.constant 0 : i32
      %dma_wait3A_258 = tpu.memref_slice %arg8[%dma_wait3A_256, %dma_wait3A_257] : memref<128x128xf32, #tpu.memory_space<vmem>> -> memref<64x128xf32, #tpu.memory_space<vmem>>
      %dma_wait3A_259 = arith.constant 64 : i32
      %dma_wait3A_260 = tpu.memref_slice %arg6[%select_n3A_231, %select_n3A_247, %dma_wait3A_259] : memref<2x16x128xi32, #tpu.memory_space<vmem>> -> memref<1x1x64xi32, #tpu.memory_space<vmem>>
      %dma_wait3A_261 = tpu.memref_squeeze %dma_wait3A_260 : memref<1x1x64xi32, #tpu.memory_space<vmem>> -> memref<64xi32, #tpu.memory_space<vmem>>
      %dma_wait3A_262 = arith.constant 0 : i32
      %dma_wait3A_263 = arith.constant 0 : i32
      %dma_wait3A_264 = tpu.memref_slice %arg2[%dma_wait3A_262, %dma_wait3A_263] : memref<10240x128xf32, #tpu.memory_space<hbm>> -> memref<10240x128xf32, #tpu.memory_space<hbm>>
      tpu.wait_indirect_dma semaphore(%arg11 : memref<!tpu.dma_semaphore, #tpu.memory_space<semaphore_mem>>) src(%dma_wait3A_264 : memref<10240x128xf32, #tpu.memory_space<hbm>>) dst(%dma_wait3A_258 : memref<64x128xf32, #tpu.memory_space<vmem>>)
      %jit3A_265 = arith.constant 16 : i32
      %div3A_266 = arith.divsi %mul3A_91, %jit3A_265 : i32
      %sign3A_267 = arith.constant 0 : i32
      %sign3A_268 = arith.cmpi sgt, %mul3A_91, %sign3A_267 : i32
      %sign3A_269 = arith.extui %sign3A_268 : i1 to i32
      %sign3A_270 = arith.constant 0 : i32
      %sign3A_271 = arith.cmpi slt, %mul3A_91, %sign3A_270 : i32
      %sign3A_272 = arith.extui %sign3A_271 : i1 to i32
      %sign3A_273 = arith.subi %sign3A_269, %sign3A_272 : i32
      %sign3A_274 = arith.constant 0 : i32
      %sign3A_275 = arith.cmpi sgt, %jit3A_265, %sign3A_274 : i32
      %sign3A_276 = arith.extui %sign3A_275 : i1 to i32
      %sign3A_277 = arith.constant 0 : i32
      %sign3A_278 = arith.cmpi slt, %jit3A_265, %sign3A_277 : i32
      %sign3A_279 = arith.extui %sign3A_278 : i1 to i32
      %sign3A_280 = arith.subi %sign3A_276, %sign3A_279 : i32
      %ne3A_281 = arith.cmpi ne, %sign3A_273, %sign3A_280 : i32
      %rem3A_282 = arith.remsi %mul3A_91, %jit3A_265 : i32
      %ne3A_283 = arith.constant 0 : i32
      %ne3A_284 = arith.cmpi ne, %rem3A_282, %ne3A_283 : i32
      %and3A_285 = arith.andi %ne3A_281, %ne3A_284 : i1
      %sub3A_286 = arith.constant 1 : i32
      %sub3A_287 = arith.subi %div3A_266, %sub3A_286 : i32
      %select_n3A_288 = arith.select %and3A_285, %sub3A_287, %div3A_266 : i32
      %jit3A_289 = arith.constant 2 : i32
      %eq3A_290 = arith.constant 0 : i32
      %eq3A_291 = arith.cmpi eq, %jit3A_289, %eq3A_290 : i32
      %jit3A_292 = arith.constant 1 : i32
      %select_n3A_293 = arith.select %eq3A_291, %jit3A_292, %jit3A_289 : i32
      %rem3A_294 = arith.remsi %select_n3A_288, %select_n3A_293 : i32
      %ne3A_295 = arith.constant 0 : i32
      %ne3A_296 = arith.cmpi ne, %rem3A_294, %ne3A_295 : i32
      %lt3A_297 = arith.constant 0 : i32
      %lt3A_298 = arith.cmpi slt, %rem3A_294, %lt3A_297 : i32
      %lt3A_299 = arith.constant 0 : i32
      %lt3A_300 = arith.cmpi slt, %select_n3A_293, %lt3A_299 : i32
      %ne3A_301 = arith.xori %lt3A_298, %lt3A_300 : i1
      %and3A_302 = arith.andi %ne3A_301, %ne3A_296 : i1
      %add3A_303 = arith.addi %rem3A_294, %select_n3A_293 : i32
      %select_n3A_304 = arith.select %and3A_302, %add3A_303, %rem3A_294 : i32
      %jit3A_305 = arith.constant 16 : i32
      %eq3A_306 = arith.constant 0 : i32
      %eq3A_307 = arith.cmpi eq, %jit3A_305, %eq3A_306 : i32
      %jit3A_308 = arith.constant 1 : i32
      %select_n3A_309 = arith.select %eq3A_307, %jit3A_308, %jit3A_305 : i32
      %rem3A_310 = arith.remsi %mul3A_91, %select_n3A_309 : i32
      %ne3A_311 = arith.constant 0 : i32
      %ne3A_312 = arith.cmpi ne, %rem3A_310, %ne3A_311 : i32
      %lt3A_313 = arith.constant 0 : i32
      %lt3A_314 = arith.cmpi slt, %rem3A_310, %lt3A_313 : i32
      %lt3A_315 = arith.constant 0 : i32
      %lt3A_316 = arith.cmpi slt, %select_n3A_309, %lt3A_315 : i32
      %ne3A_317 = arith.xori %lt3A_314, %lt3A_316 : i1
      %and3A_318 = arith.andi %ne3A_317, %ne3A_312 : i1
      %add3A_319 = arith.addi %rem3A_310, %select_n3A_309 : i32
      %select_n3A_320 = arith.select %and3A_318, %add3A_319, %rem3A_310 : i32
      "tpu.region"() ({
        %run_scoped3A_455 = tpu.sem_alloc : memref<!tpu.dma_semaphore, #tpu.memory_space<semaphore_mem>>
        %dma_start3A_456 = arith.constant 0 : i32
        %dma_start3A_457 = tpu.memref_slice %arg7[%select_n3A_304, %select_n3A_320, %dma_start3A_456] : memref<2x16x128xi32, #tpu.memory_space<vmem>> -> memref<1x1x128xi32, #tpu.memory_space<vmem>>
        %dma_start3A_458 = tpu.memref_squeeze %dma_start3A_457 : memref<1x1x128xi32, #tpu.memory_space<vmem>> -> memref<128xi32, #tpu.memory_space<vmem>>
        %dma_start3A_459 = arith.constant 0 : i32
        %dma_start3A_460 = arith.constant 0 : i32
        %dma_start3A_461 = tpu.memref_slice %arg10[%dma_start3A_459, %dma_start3A_460] : memref<10240x128xf32, #tpu.memory_space<vmem_shared>> -> memref<10240x128xf32, #tpu.memory_space<vmem_shared>>
        tpu.enqueue_indirect_dma source(%arg8 : memref<128x128xf32, #tpu.memory_space<vmem>>) target(%dma_start3A_461 : memref<10240x128xf32, #tpu.memory_space<vmem_shared>>) offsets(%dma_start3A_458 : memref<128xi32, #tpu.memory_space<vmem>>) semaphore(%run_scoped3A_455 : memref<!tpu.dma_semaphore, #tpu.memory_space<semaphore_mem>>) {add = true}
        %dma_wait3A_462 = arith.constant 0 : i32
        %dma_wait3A_463 = tpu.memref_slice %arg7[%select_n3A_304, %select_n3A_320, %dma_wait3A_462] : memref<2x16x128xi32, #tpu.memory_space<vmem>> -> memref<1x1x128xi32, #tpu.memory_space<vmem>>
        %dma_wait3A_464 = tpu.memref_squeeze %dma_wait3A_463 : memref<1x1x128xi32, #tpu.memory_space<vmem>> -> memref<128xi32, #tpu.memory_space<vmem>>
        %dma_wait3A_465 = arith.constant 0 : i32
        %dma_wait3A_466 = arith.constant 0 : i32
        %dma_wait3A_467 = tpu.memref_slice %arg10[%dma_wait3A_465, %dma_wait3A_466] : memref<10240x128xf32, #tpu.memory_space<vmem_shared>> -> memref<10240x128xf32, #tpu.memory_space<vmem_shared>>
        tpu.wait_indirect_dma semaphore(%run_scoped3A_455 : memref<!tpu.dma_semaphore, #tpu.memory_space<semaphore_mem>>) src(%arg8 : memref<128x128xf32, #tpu.memory_space<vmem>>) dst(%dma_wait3A_467 : memref<10240x128xf32, #tpu.memory_space<vmem_shared>>)
        tpu.yield
      }) : () -> ()
      %lt3A_321 = arith.cmpi slt, %add3A_95, %select_n3A : i32
      %convert_element_type3A_322 = arith.extui %lt3A_321 : i1 to i32
      %cond3A_323 = arith.constant 0 : i32
      %cond3A_324 = arith.cmpi ne, %convert_element_type3A_322, %cond3A_323 : i32
      scf.if %cond3A_324 {
        %jit3A_455 = arith.constant 16 : i32
        %div3A_456 = arith.divsi %add3A_95, %jit3A_455 : i32
        %sign3A_457 = arith.constant 0 : i32
        %sign3A_458 = arith.cmpi sgt, %add3A_95, %sign3A_457 : i32
        %sign3A_459 = arith.extui %sign3A_458 : i1 to i32
        %sign3A_460 = arith.constant 0 : i32
        %sign3A_461 = arith.cmpi slt, %add3A_95, %sign3A_460 : i32
        %sign3A_462 = arith.extui %sign3A_461 : i1 to i32
        %sign3A_463 = arith.subi %sign3A_459, %sign3A_462 : i32
        %sign3A_464 = arith.constant 0 : i32
        %sign3A_465 = arith.cmpi sgt, %jit3A_455, %sign3A_464 : i32
        %sign3A_466 = arith.extui %sign3A_465 : i1 to i32
        %sign3A_467 = arith.constant 0 : i32
        %sign3A_468 = arith.cmpi slt, %jit3A_455, %sign3A_467 : i32
        %sign3A_469 = arith.extui %sign3A_468 : i1 to i32
        %sign3A_470 = arith.subi %sign3A_466, %sign3A_469 : i32
        %ne3A_471 = arith.cmpi ne, %sign3A_463, %sign3A_470 : i32
        %rem3A_472 = arith.remsi %add3A_95, %jit3A_455 : i32
        %ne3A_473 = arith.constant 0 : i32
        %ne3A_474 = arith.cmpi ne, %rem3A_472, %ne3A_473 : i32
        %and3A_475 = arith.andi %ne3A_471, %ne3A_474 : i1
        %sub3A_476 = arith.constant 1 : i32
        %sub3A_477 = arith.subi %div3A_456, %sub3A_476 : i32
        %select_n3A_478 = arith.select %and3A_475, %sub3A_477, %div3A_456 : i32
        %jit3A_479 = arith.constant 2 : i32
        %eq3A_480 = arith.constant 0 : i32
        %eq3A_481 = arith.cmpi eq, %jit3A_479, %eq3A_480 : i32
        %jit3A_482 = arith.constant 1 : i32
        %select_n3A_483 = arith.select %eq3A_481, %jit3A_482, %jit3A_479 : i32
        %rem3A_484 = arith.remsi %select_n3A_478, %select_n3A_483 : i32
        %ne3A_485 = arith.constant 0 : i32
        %ne3A_486 = arith.cmpi ne, %rem3A_484, %ne3A_485 : i32
        %lt3A_487 = arith.constant 0 : i32
        %lt3A_488 = arith.cmpi slt, %rem3A_484, %lt3A_487 : i32
        %lt3A_489 = arith.constant 0 : i32
        %lt3A_490 = arith.cmpi slt, %select_n3A_483, %lt3A_489 : i32
        %ne3A_491 = arith.xori %lt3A_488, %lt3A_490 : i1
        %and3A_492 = arith.andi %ne3A_491, %ne3A_486 : i1
        %add3A_493 = arith.addi %rem3A_484, %select_n3A_483 : i32
        %select_n3A_494 = arith.select %and3A_492, %add3A_493, %rem3A_484 : i32
        %jit3A_495 = arith.constant 16 : i32
        %eq3A_496 = arith.constant 0 : i32
        %eq3A_497 = arith.cmpi eq, %jit3A_495, %eq3A_496 : i32
        %jit3A_498 = arith.constant 1 : i32
        %select_n3A_499 = arith.select %eq3A_497, %jit3A_498, %jit3A_495 : i32
        %rem3A_500 = arith.remsi %add3A_95, %select_n3A_499 : i32
        %ne3A_501 = arith.constant 0 : i32
        %ne3A_502 = arith.cmpi ne, %rem3A_500, %ne3A_501 : i32
        %lt3A_503 = arith.constant 0 : i32
        %lt3A_504 = arith.cmpi slt, %rem3A_500, %lt3A_503 : i32
        %lt3A_505 = arith.constant 0 : i32
        %lt3A_506 = arith.cmpi slt, %select_n3A_499, %lt3A_505 : i32
        %ne3A_507 = arith.xori %lt3A_504, %lt3A_506 : i1
        %and3A_508 = arith.andi %ne3A_507, %ne3A_502 : i1
        %add3A_509 = arith.addi %rem3A_500, %select_n3A_499 : i32
        %select_n3A_510 = arith.select %and3A_508, %add3A_509, %rem3A_500 : i32
        %dma_start3A_511 = arith.constant 0 : i32
        %dma_start3A_512 = arith.constant 0 : i32
        %dma_start3A_513 = tpu.memref_slice %arg8[%dma_start3A_511, %dma_start3A_512] : memref<128x128xf32, #tpu.memory_space<vmem>> -> memref<64x128xf32, #tpu.memory_space<vmem>>
        %dma_start3A_514 = arith.constant 0 : i32
        %dma_start3A_515 = tpu.memref_slice %arg6[%select_n3A_494, %select_n3A_510, %dma_start3A_514] : memref<2x16x128xi32, #tpu.memory_space<vmem>> -> memref<1x1x64xi32, #tpu.memory_space<vmem>>
        %dma_start3A_516 = tpu.memref_squeeze %dma_start3A_515 : memref<1x1x64xi32, #tpu.memory_space<vmem>> -> memref<64xi32, #tpu.memory_space<vmem>>
        %dma_start3A_517 = arith.constant 0 : i32
        %dma_start3A_518 = arith.constant 0 : i32
        %dma_start3A_519 = tpu.memref_slice %arg2[%dma_start3A_517, %dma_start3A_518] : memref<10240x128xf32, #tpu.memory_space<hbm>> -> memref<10240x128xf32, #tpu.memory_space<hbm>>
        tpu.enqueue_indirect_dma source(%dma_start3A_519 : memref<10240x128xf32, #tpu.memory_space<hbm>>) target(%dma_start3A_513 : memref<64x128xf32, #tpu.memory_space<vmem>>) offsets(%dma_start3A_516 : memref<64xi32, #tpu.memory_space<vmem>>) semaphore(%arg11 : memref<!tpu.dma_semaphore, #tpu.memory_space<semaphore_mem>>)
        %dma_start3A_520 = arith.constant 64 : i32
        %dma_start3A_521 = arith.constant 0 : i32
        %dma_start3A_522 = tpu.memref_slice %arg8[%dma_start3A_520, %dma_start3A_521] : memref<128x128xf32, #tpu.memory_space<vmem>> -> memref<64x128xf32, #tpu.memory_space<vmem>>
        %dma_start3A_523 = arith.constant 64 : i32
        %dma_start3A_524 = tpu.memref_slice %arg6[%select_n3A_494, %select_n3A_510, %dma_start3A_523] : memref<2x16x128xi32, #tpu.memory_space<vmem>> -> memref<1x1x64xi32, #tpu.memory_space<vmem>>
        %dma_start3A_525 = tpu.memref_squeeze %dma_start3A_524 : memref<1x1x64xi32, #tpu.memory_space<vmem>> -> memref<64xi32, #tpu.memory_space<vmem>>
        %dma_start3A_526 = arith.constant 0 : i32
        %dma_start3A_527 = arith.constant 0 : i32
        %dma_start3A_528 = tpu.memref_slice %arg2[%dma_start3A_526, %dma_start3A_527] : memref<10240x128xf32, #tpu.memory_space<hbm>> -> memref<10240x128xf32, #tpu.memory_space<hbm>>
        tpu.enqueue_indirect_dma source(%dma_start3A_528 : memref<10240x128xf32, #tpu.memory_space<hbm>>) target(%dma_start3A_522 : memref<64x128xf32, #tpu.memory_space<vmem>>) offsets(%dma_start3A_525 : memref<64xi32, #tpu.memory_space<vmem>>) semaphore(%arg11 : memref<!tpu.dma_semaphore, #tpu.memory_space<semaphore_mem>>)
      } else {
      }
      %jit3A_325 = arith.constant 16 : i32
      %div3A_326 = arith.divsi %add3A_93, %jit3A_325 : i32
      %sign3A_327 = arith.constant 0 : i32
      %sign3A_328 = arith.cmpi sgt, %add3A_93, %sign3A_327 : i32
      %sign3A_329 = arith.extui %sign3A_328 : i1 to i32
      %sign3A_330 = arith.constant 0 : i32
      %sign3A_331 = arith.cmpi slt, %add3A_93, %sign3A_330 : i32
      %sign3A_332 = arith.extui %sign3A_331 : i1 to i32
      %sign3A_333 = arith.subi %sign3A_329, %sign3A_332 : i32
      %sign3A_334 = arith.constant 0 : i32
      %sign3A_335 = arith.cmpi sgt, %jit3A_325, %sign3A_334 : i32
      %sign3A_336 = arith.extui %sign3A_335 : i1 to i32
      %sign3A_337 = arith.constant 0 : i32
      %sign3A_338 = arith.cmpi slt, %jit3A_325, %sign3A_337 : i32
      %sign3A_339 = arith.extui %sign3A_338 : i1 to i32
      %sign3A_340 = arith.subi %sign3A_336, %sign3A_339 : i32
      %ne3A_341 = arith.cmpi ne, %sign3A_333, %sign3A_340 : i32
      %rem3A_342 = arith.remsi %add3A_93, %jit3A_325 : i32
      %ne3A_343 = arith.constant 0 : i32
      %ne3A_344 = arith.cmpi ne, %rem3A_342, %ne3A_343 : i32
      %and3A_345 = arith.andi %ne3A_341, %ne3A_344 : i1
      %sub3A_346 = arith.constant 1 : i32
      %sub3A_347 = arith.subi %div3A_326, %sub3A_346 : i32
      %select_n3A_348 = arith.select %and3A_345, %sub3A_347, %div3A_326 : i32
      %jit3A_349 = arith.constant 2 : i32
      %eq3A_350 = arith.constant 0 : i32
      %eq3A_351 = arith.cmpi eq, %jit3A_349, %eq3A_350 : i32
      %jit3A_352 = arith.constant 1 : i32
      %select_n3A_353 = arith.select %eq3A_351, %jit3A_352, %jit3A_349 : i32
      %rem3A_354 = arith.remsi %select_n3A_348, %select_n3A_353 : i32
      %ne3A_355 = arith.constant 0 : i32
      %ne3A_356 = arith.cmpi ne, %rem3A_354, %ne3A_355 : i32
      %lt3A_357 = arith.constant 0 : i32
      %lt3A_358 = arith.cmpi slt, %rem3A_354, %lt3A_357 : i32
      %lt3A_359 = arith.constant 0 : i32
      %lt3A_360 = arith.cmpi slt, %select_n3A_353, %lt3A_359 : i32
      %ne3A_361 = arith.xori %lt3A_358, %lt3A_360 : i1
      %and3A_362 = arith.andi %ne3A_361, %ne3A_356 : i1
      %add3A_363 = arith.addi %rem3A_354, %select_n3A_353 : i32
      %select_n3A_364 = arith.select %and3A_362, %add3A_363, %rem3A_354 : i32
      %jit3A_365 = arith.constant 16 : i32
      %eq3A_366 = arith.constant 0 : i32
      %eq3A_367 = arith.cmpi eq, %jit3A_365, %eq3A_366 : i32
      %jit3A_368 = arith.constant 1 : i32
      %select_n3A_369 = arith.select %eq3A_367, %jit3A_368, %jit3A_365 : i32
      %rem3A_370 = arith.remsi %add3A_93, %select_n3A_369 : i32
      %ne3A_371 = arith.constant 0 : i32
      %ne3A_372 = arith.cmpi ne, %rem3A_370, %ne3A_371 : i32
      %lt3A_373 = arith.constant 0 : i32
      %lt3A_374 = arith.cmpi slt, %rem3A_370, %lt3A_373 : i32
      %lt3A_375 = arith.constant 0 : i32
      %lt3A_376 = arith.cmpi slt, %select_n3A_369, %lt3A_375 : i32
      %ne3A_377 = arith.xori %lt3A_374, %lt3A_376 : i1
      %and3A_378 = arith.andi %ne3A_377, %ne3A_372 : i1
      %add3A_379 = arith.addi %rem3A_370, %select_n3A_369 : i32
      %select_n3A_380 = arith.select %and3A_378, %add3A_379, %rem3A_370 : i32
      %dma_wait3A_381 = arith.constant 0 : i32
      %dma_wait3A_382 = arith.constant 0 : i32
      %dma_wait3A_383 = tpu.memref_slice %arg9[%dma_wait3A_381, %dma_wait3A_382] : memref<128x128xf32, #tpu.memory_space<vmem>> -> memref<64x128xf32, #tpu.memory_space<vmem>>
      %dma_wait3A_384 = arith.constant 0 : i32
      %dma_wait3A_385 = tpu.memref_slice %arg6[%select_n3A_364, %select_n3A_380, %dma_wait3A_384] : memref<2x16x128xi32, #tpu.memory_space<vmem>> -> memref<1x1x64xi32, #tpu.memory_space<vmem>>
      %dma_wait3A_386 = tpu.memref_squeeze %dma_wait3A_385 : memref<1x1x64xi32, #tpu.memory_space<vmem>> -> memref<64xi32, #tpu.memory_space<vmem>>
      %dma_wait3A_387 = arith.constant 0 : i32
      %dma_wait3A_388 = arith.constant 0 : i32
      %dma_wait3A_389 = tpu.memref_slice %arg2[%dma_wait3A_387, %dma_wait3A_388] : memref<10240x128xf32, #tpu.memory_space<hbm>> -> memref<10240x128xf32, #tpu.memory_space<hbm>>
      tpu.wait_indirect_dma semaphore(%arg12 : memref<!tpu.dma_semaphore, #tpu.memory_space<semaphore_mem>>) src(%dma_wait3A_389 : memref<10240x128xf32, #tpu.memory_space<hbm>>) dst(%dma_wait3A_383 : memref<64x128xf32, #tpu.memory_space<vmem>>)
      %dma_wait3A_390 = arith.constant 64 : i32
      %dma_wait3A_391 = arith.constant 0 : i32
      %dma_wait3A_392 = tpu.memref_slice %arg9[%dma_wait3A_390, %dma_wait3A_391] : memref<128x128xf32, #tpu.memory_space<vmem>> -> memref<64x128xf32, #tpu.memory_space<vmem>>
      %dma_wait3A_393 = arith.constant 64 : i32
      %dma_wait3A_394 = tpu.memref_slice %arg6[%select_n3A_364, %select_n3A_380, %dma_wait3A_393] : memref<2x16x128xi32, #tpu.memory_space<vmem>> -> memref<1x1x64xi32, #tpu.memory_space<vmem>>
      %dma_wait3A_395 = tpu.memref_squeeze %dma_wait3A_394 : memref<1x1x64xi32, #tpu.memory_space<vmem>> -> memref<64xi32, #tpu.memory_space<vmem>>
      %dma_wait3A_396 = arith.constant 0 : i32
      %dma_wait3A_397 = arith.constant 0 : i32
      %dma_wait3A_398 = tpu.memref_slice %arg2[%dma_wait3A_396, %dma_wait3A_397] : memref<10240x128xf32, #tpu.memory_space<hbm>> -> memref<10240x128xf32, #tpu.memory_space<hbm>>
      tpu.wait_indirect_dma semaphore(%arg12 : memref<!tpu.dma_semaphore, #tpu.memory_space<semaphore_mem>>) src(%dma_wait3A_398 : memref<10240x128xf32, #tpu.memory_space<hbm>>) dst(%dma_wait3A_392 : memref<64x128xf32, #tpu.memory_space<vmem>>)
      %jit3A_399 = arith.constant 16 : i32
      %div3A_400 = arith.divsi %add3A_93, %jit3A_399 : i32
      %sign3A_401 = arith.constant 0 : i32
      %sign3A_402 = arith.cmpi sgt, %add3A_93, %sign3A_401 : i32
      %sign3A_403 = arith.extui %sign3A_402 : i1 to i32
      %sign3A_404 = arith.constant 0 : i32
      %sign3A_405 = arith.cmpi slt, %add3A_93, %sign3A_404 : i32
      %sign3A_406 = arith.extui %sign3A_405 : i1 to i32
      %sign3A_407 = arith.subi %sign3A_403, %sign3A_406 : i32
      %sign3A_408 = arith.constant 0 : i32
      %sign3A_409 = arith.cmpi sgt, %jit3A_399, %sign3A_408 : i32
      %sign3A_410 = arith.extui %sign3A_409 : i1 to i32
      %sign3A_411 = arith.constant 0 : i32
      %sign3A_412 = arith.cmpi slt, %jit3A_399, %sign3A_411 : i32
      %sign3A_413 = arith.extui %sign3A_412 : i1 to i32
      %sign3A_414 = arith.subi %sign3A_410, %sign3A_413 : i32
      %ne3A_415 = arith.cmpi ne, %sign3A_407, %sign3A_414 : i32
      %rem3A_416 = arith.remsi %add3A_93, %jit3A_399 : i32
      %ne3A_417 = arith.constant 0 : i32
      %ne3A_418 = arith.cmpi ne, %rem3A_416, %ne3A_417 : i32
      %and3A_419 = arith.andi %ne3A_415, %ne3A_418 : i1
      %sub3A_420 = arith.constant 1 : i32
      %sub3A_421 = arith.subi %div3A_400, %sub3A_420 : i32
      %select_n3A_422 = arith.select %and3A_419, %sub3A_421, %div3A_400 : i32
      %jit3A_423 = arith.constant 2 : i32
      %eq3A_424 = arith.constant 0 : i32
      %eq3A_425 = arith.cmpi eq, %jit3A_423, %eq3A_424 : i32
      %jit3A_426 = arith.constant 1 : i32
      %select_n3A_427 = arith.select %eq3A_425, %jit3A_426, %jit3A_423 : i32
      %rem3A_428 = arith.remsi %select_n3A_422, %select_n3A_427 : i32
      %ne3A_429 = arith.constant 0 : i32
      %ne3A_430 = arith.cmpi ne, %rem3A_428, %ne3A_429 : i32
      %lt3A_431 = arith.constant 0 : i32
      %lt3A_432 = arith.cmpi slt, %rem3A_428, %lt3A_431 : i32
      %lt3A_433 = arith.constant 0 : i32
      %lt3A_434 = arith.cmpi slt, %select_n3A_427, %lt3A_433 : i32
      %ne3A_435 = arith.xori %lt3A_432, %lt3A_434 : i1
      %and3A_436 = arith.andi %ne3A_435, %ne3A_430 : i1
      %add3A_437 = arith.addi %rem3A_428, %select_n3A_427 : i32
      %select_n3A_438 = arith.select %and3A_436, %add3A_437, %rem3A_428 : i32
      %jit3A_439 = arith.constant 16 : i32
      %eq3A_440 = arith.constant 0 : i32
      %eq3A_441 = arith.cmpi eq, %jit3A_439, %eq3A_440 : i32
      %jit3A_442 = arith.constant 1 : i32
      %select_n3A_443 = arith.select %eq3A_441, %jit3A_442, %jit3A_439 : i32
      %rem3A_444 = arith.remsi %add3A_93, %select_n3A_443 : i32
      %ne3A_445 = arith.constant 0 : i32
      %ne3A_446 = arith.cmpi ne, %rem3A_444, %ne3A_445 : i32
      %lt3A_447 = arith.constant 0 : i32
      %lt3A_448 = arith.cmpi slt, %rem3A_444, %lt3A_447 : i32
      %lt3A_449 = arith.constant 0 : i32
      %lt3A_450 = arith.cmpi slt, %select_n3A_443, %lt3A_449 : i32
      %ne3A_451 = arith.xori %lt3A_448, %lt3A_450 : i1
      %and3A_452 = arith.andi %ne3A_451, %ne3A_446 : i1
      %add3A_453 = arith.addi %rem3A_444, %select_n3A_443 : i32
      %select_n3A_454 = arith.select %and3A_452, %add3A_453, %rem3A_444 : i32
      "tpu.region"() ({
        %run_scoped3A_455 = tpu.sem_alloc : memref<!tpu.dma_semaphore, #tpu.memory_space<semaphore_mem>>
        %dma_start3A_456 = arith.constant 0 : i32
        %dma_start3A_457 = tpu.memref_slice %arg7[%select_n3A_438, %select_n3A_454, %dma_start3A_456] : memref<2x16x128xi32, #tpu.memory_space<vmem>> -> memref<1x1x128xi32, #tpu.memory_space<vmem>>
        %dma_start3A_458 = tpu.memref_squeeze %dma_start3A_457 : memref<1x1x128xi32, #tpu.memory_space<vmem>> -> memref<128xi32, #tpu.memory_space<vmem>>
        %dma_start3A_459 = arith.constant 0 : i32
        %dma_start3A_460 = arith.constant 0 : i32
        %dma_start3A_461 = tpu.memref_slice %arg10[%dma_start3A_459, %dma_start3A_460] : memref<10240x128xf32, #tpu.memory_space<vmem_shared>> -> memref<10240x128xf32, #tpu.memory_space<vmem_shared>>
        tpu.enqueue_indirect_dma source(%arg9 : memref<128x128xf32, #tpu.memory_space<vmem>>) target(%dma_start3A_461 : memref<10240x128xf32, #tpu.memory_space<vmem_shared>>) offsets(%dma_start3A_458 : memref<128xi32, #tpu.memory_space<vmem>>) semaphore(%run_scoped3A_455 : memref<!tpu.dma_semaphore, #tpu.memory_space<semaphore_mem>>) {add = true}
        %dma_wait3A_462 = arith.constant 0 : i32
        %dma_wait3A_463 = tpu.memref_slice %arg7[%select_n3A_438, %select_n3A_454, %dma_wait3A_462] : memref<2x16x128xi32, #tpu.memory_space<vmem>> -> memref<1x1x128xi32, #tpu.memory_space<vmem>>
        %dma_wait3A_464 = tpu.memref_squeeze %dma_wait3A_463 : memref<1x1x128xi32, #tpu.memory_space<vmem>> -> memref<128xi32, #tpu.memory_space<vmem>>
        %dma_wait3A_465 = arith.constant 0 : i32
        %dma_wait3A_466 = arith.constant 0 : i32
        %dma_wait3A_467 = tpu.memref_slice %arg10[%dma_wait3A_465, %dma_wait3A_466] : memref<10240x128xf32, #tpu.memory_space<vmem_shared>> -> memref<10240x128xf32, #tpu.memory_space<vmem_shared>>
        tpu.wait_indirect_dma semaphore(%run_scoped3A_455 : memref<!tpu.dma_semaphore, #tpu.memory_space<semaphore_mem>>) src(%arg9 : memref<128x128xf32, #tpu.memory_space<vmem>>) dst(%dma_wait3A_467 : memref<10240x128xf32, #tpu.memory_space<vmem_shared>>)
        tpu.yield
      }) : () -> ()
    }
    %while3A_83 = arith.constant 1 : i32
    scf.for %while3A_89 = %while3A_81 to %while3A_77 step %while3A_83  : i32 {
      %mul3A_90 = arith.constant 2 : i32
      %mul3A_91 = arith.muli %mul3A_90, %while3A_89 : i32
      %add3A_92 = arith.constant 1 : i32
      %add3A_93 = arith.addi %mul3A_91, %add3A_92 : i32
      %add3A_94 = arith.constant 2 : i32
      %add3A_95 = arith.addi %mul3A_91, %add3A_94 : i32
      %jit3A_96 = arith.constant 16 : i32
      %eq3A_97 = arith.constant 0 : i32
      %eq3A_98 = arith.cmpi eq, %jit3A_96, %eq3A_97 : i32
      %jit3A_99 = arith.constant 1 : i32
      %select_n3A_100 = arith.select %eq3A_98, %jit3A_99, %jit3A_96 : i32
      %rem3A_101 = arith.remsi %mul3A_91, %select_n3A_100 : i32
      %ne3A_102 = arith.constant 0 : i32
      %ne3A_103 = arith.cmpi ne, %rem3A_101, %ne3A_102 : i32
      %lt3A = arith.constant 0 : i32
      %lt3A_104 = arith.cmpi slt, %rem3A_101, %lt3A : i32
      %lt3A_105 = arith.constant 0 : i32
      %lt3A_106 = arith.cmpi slt, %select_n3A_100, %lt3A_105 : i32
      %ne3A_107 = arith.xori %lt3A_104, %lt3A_106 : i1
      %and3A_108 = arith.andi %ne3A_107, %ne3A_103 : i1
      %add3A_109 = arith.addi %rem3A_101, %select_n3A_100 : i32
      %select_n3A_110 = arith.select %and3A_108, %add3A_109, %rem3A_101 : i32
      %eq3A_111 = arith.constant 0 : i32
      %eq3A_112 = arith.cmpi eq, %select_n3A_110, %eq3A_111 : i32
      %add3A_113 = arith.constant 16 : i32
      %add3A_114 = arith.addi %mul3A_91, %add3A_113 : i32
      %lt3A_115 = arith.cmpi slt, %add3A_114, %select_n3A : i32
      %and3A_116 = arith.andi %eq3A_112, %lt3A_115 : i1
      %convert_element_type3A = arith.extui %and3A_116 : i1 to i32
      %cond3A = arith.constant 0 : i32
      %cond3A_117 = arith.cmpi ne, %convert_element_type3A, %cond3A : i32
      scf.if %cond3A_117 {
        %jit3A_455 = arith.constant 16 : i32
        %div3A_456 = arith.divsi %mul3A_91, %jit3A_455 : i32
        %sign3A_457 = arith.constant 0 : i32
        %sign3A_458 = arith.cmpi sgt, %mul3A_91, %sign3A_457 : i32
        %sign3A_459 = arith.extui %sign3A_458 : i1 to i32
        %sign3A_460 = arith.constant 0 : i32
        %sign3A_461 = arith.cmpi slt, %mul3A_91, %sign3A_460 : i32
        %sign3A_462 = arith.extui %sign3A_461 : i1 to i32
        %sign3A_463 = arith.subi %sign3A_459, %sign3A_462 : i32
        %sign3A_464 = arith.constant 0 : i32
        %sign3A_465 = arith.cmpi sgt, %jit3A_455, %sign3A_464 : i32
        %sign3A_466 = arith.extui %sign3A_465 : i1 to i32
        %sign3A_467 = arith.constant 0 : i32
        %sign3A_468 = arith.cmpi slt, %jit3A_455, %sign3A_467 : i32
        %sign3A_469 = arith.extui %sign3A_468 : i1 to i32
        %sign3A_470 = arith.subi %sign3A_466, %sign3A_469 : i32
        %ne3A_471 = arith.cmpi ne, %sign3A_463, %sign3A_470 : i32
        %rem3A_472 = arith.remsi %mul3A_91, %jit3A_455 : i32
        %ne3A_473 = arith.constant 0 : i32
        %ne3A_474 = arith.cmpi ne, %rem3A_472, %ne3A_473 : i32
        %and3A_475 = arith.andi %ne3A_471, %ne3A_474 : i1
        %sub3A_476 = arith.constant 1 : i32
        %sub3A_477 = arith.subi %div3A_456, %sub3A_476 : i32
        %select_n3A_478 = arith.select %and3A_475, %sub3A_477, %div3A_456 : i32
        %add3A_479 = arith.constant 1 : i32
        %add3A_480 = arith.addi %select_n3A_478, %add3A_479 : i32
        %mul3A_481 = arith.constant 16 : i32
        %mul3A_482 = arith.muli %add3A_480, %mul3A_481 : i32
        %add3A_483 = arith.addi %select_n3A_8, %mul3A_482 : i32
        %jit3A_484 = arith.constant 2 : i32
        %eq3A_485 = arith.constant 0 : i32
        %eq3A_486 = arith.cmpi eq, %jit3A_484, %eq3A_485 : i32
        %jit3A_487 = arith.constant 1 : i32
        %select_n3A_488 = arith.select %eq3A_486, %jit3A_487, %jit3A_484 : i32
        %rem3A_489 = arith.remsi %add3A_480, %select_n3A_488 : i32
        %ne3A_490 = arith.constant 0 : i32
        %ne3A_491 = arith.cmpi ne, %rem3A_489, %ne3A_490 : i32
        %lt3A_492 = arith.constant 0 : i32
        %lt3A_493 = arith.cmpi slt, %rem3A_489, %lt3A_492 : i32
        %lt3A_494 = arith.constant 0 : i32
        %lt3A_495 = arith.cmpi slt, %select_n3A_488, %lt3A_494 : i32
        %ne3A_496 = arith.xori %lt3A_493, %lt3A_495 : i1
        %and3A_497 = arith.andi %ne3A_496, %ne3A_491 : i1
        %add3A_498 = arith.addi %rem3A_489, %select_n3A_488 : i32
        %select_n3A_499 = arith.select %and3A_497, %add3A_498, %rem3A_489 : i32
        "tpu.region"() ({
          %run_scoped3A_519 = tpu.sem_alloc : memref<!tpu.dma_semaphore, #tpu.memory_space<semaphore_mem>>
          %dma_start3A_520 = arith.constant 0 : i32
          %dma_start3A_521 = arith.constant 0 : i32
          %dma_start3A_522 = tpu.memref_slice %arg6[%select_n3A_499, %dma_start3A_520, %dma_start3A_521] : memref<2x16x128xi32, #tpu.memory_space<vmem>> -> memref<1x16x128xi32, #tpu.memory_space<vmem>>
          %dma_start3A_523 = tpu.memref_squeeze %dma_start3A_522 : memref<1x16x128xi32, #tpu.memory_space<vmem>> -> memref<16x128xi32, #tpu.memory_space<vmem>>
          %dma_start3A_524 = arith.constant 0 : i32
          %dma_start3A_525 = tpu.memref_slice %arg3[%add3A_483, %dma_start3A_524] : memref<2576x128xi32, #tpu.memory_space<hbm>> -> memref<16x128xi32, #tpu.memory_space<hbm>>
          %dma_start3A_526 = arith.constant 0 : i32
          %dma_start3A_527 = arith.constant 0 : i32
          %dma_start3A_528 = tpu.memref_slice %arg6[%select_n3A_499, %dma_start3A_526, %dma_start3A_527] : memref<2x16x128xi32, #tpu.memory_space<vmem>> -> memref<1x16x128xi32, #tpu.memory_space<vmem>>
          %dma_start3A_529 = tpu.memref_squeeze %dma_start3A_528 : memref<1x16x128xi32, #tpu.memory_space<vmem>> -> memref<16x128xi32, #tpu.memory_space<vmem>>
          %dma_start3A_530 = arith.constant 0 : i32
          %dma_start3A_531 = tpu.memref_slice %arg3[%add3A_483, %dma_start3A_530] : memref<2576x128xi32, #tpu.memory_space<hbm>> -> memref<16x128xi32, #tpu.memory_space<hbm>>
          tpu.enqueue_dma source(%dma_start3A_531 : memref<16x128xi32, #tpu.memory_space<hbm>>) target(%dma_start3A_529 : memref<16x128xi32, #tpu.memory_space<vmem>>) target_semaphore(%run_scoped3A_519 : memref<!tpu.dma_semaphore, #tpu.memory_space<semaphore_mem>>)
          %dma_wait3A_532 = arith.constant 0 : i32
          %dma_wait3A_533 = arith.constant 0 : i32
          %dma_wait3A_534 = tpu.memref_slice %arg6[%select_n3A_499, %dma_wait3A_532, %dma_wait3A_533] : memref<2x16x128xi32, #tpu.memory_space<vmem>> -> memref<1x16x128xi32, #tpu.memory_space<vmem>>
          %dma_wait3A_535 = tpu.memref_squeeze %dma_wait3A_534 : memref<1x16x128xi32, #tpu.memory_space<vmem>> -> memref<16x128xi32, #tpu.memory_space<vmem>>
          %dma_wait3A_536 = arith.constant 0 : i32
          %dma_wait3A_537 = tpu.memref_slice %arg3[%add3A_483, %dma_wait3A_536] : memref<2576x128xi32, #tpu.memory_space<hbm>> -> memref<16x128xi32, #tpu.memory_space<hbm>>
          %dma_wait3A_538 = arith.constant 0 : i32
          %dma_wait3A_539 = arith.constant 0 : i32
          %dma_wait3A_540 = tpu.memref_slice %arg6[%select_n3A_499, %dma_wait3A_538, %dma_wait3A_539] : memref<2x16x128xi32, #tpu.memory_space<vmem>> -> memref<1x16x128xi32, #tpu.memory_space<vmem>>
          %dma_wait3A_541 = tpu.memref_squeeze %dma_wait3A_540 : memref<1x16x128xi32, #tpu.memory_space<vmem>> -> memref<16x128xi32, #tpu.memory_space<vmem>>
          %dma_wait3A_542 = arith.constant 0 : i32
          %dma_wait3A_543 = tpu.memref_slice %arg3[%add3A_483, %dma_wait3A_542] : memref<2576x128xi32, #tpu.memory_space<hbm>> -> memref<16x128xi32, #tpu.memory_space<hbm>>
          tpu.wait_dma2 semaphore(%run_scoped3A_519 : memref<!tpu.dma_semaphore, #tpu.memory_space<semaphore_mem>>) src(%dma_wait3A_543 : memref<16x128xi32, #tpu.memory_space<hbm>>) dst(%dma_wait3A_541 : memref<16x128xi32, #tpu.memory_space<vmem>>)
          tpu.yield
        }) : () -> ()
        %mul3A_500 = arith.constant 16 : i32
        %mul3A_501 = arith.muli %add3A_480, %mul3A_500 : i32
        %add3A_502 = arith.addi %select_n3A_8, %mul3A_501 : i32
        %jit3A_503 = arith.constant 2 : i32
        %eq3A_504 = arith.constant 0 : i32
        %eq3A_505 = arith.cmpi eq, %jit3A_503, %eq3A_504 : i32
        %jit3A_506 = arith.constant 1 : i32
        %select_n3A_507 = arith.select %eq3A_505, %jit3A_506, %jit3A_503 : i32
        %rem3A_508 = arith.remsi %add3A_480, %select_n3A_507 : i32
        %ne3A_509 = arith.constant 0 : i32
        %ne3A_510 = arith.cmpi ne, %rem3A_508, %ne3A_509 : i32
        %lt3A_511 = arith.constant 0 : i32
        %lt3A_512 = arith.cmpi slt, %rem3A_508, %lt3A_511 : i32
        %lt3A_513 = arith.constant 0 : i32
        %lt3A_514 = arith.cmpi slt, %select_n3A_507, %lt3A_513 : i32
        %ne3A_515 = arith.xori %lt3A_512, %lt3A_514 : i1
        %and3A_516 = arith.andi %ne3A_515, %ne3A_510 : i1
        %add3A_517 = arith.addi %rem3A_508, %select_n3A_507 : i32
        %select_n3A_518 = arith.select %and3A_516, %add3A_517, %rem3A_508 : i32
        "tpu.region"() ({
          %run_scoped3A_519 = tpu.sem_alloc : memref<!tpu.dma_semaphore, #tpu.memory_space<semaphore_mem>>
          %dma_start3A_520 = arith.constant 0 : i32
          %dma_start3A_521 = arith.constant 0 : i32
          %dma_start3A_522 = tpu.memref_slice %arg7[%select_n3A_518, %dma_start3A_520, %dma_start3A_521] : memref<2x16x128xi32, #tpu.memory_space<vmem>> -> memref<1x16x128xi32, #tpu.memory_space<vmem>>
          %dma_start3A_523 = tpu.memref_squeeze %dma_start3A_522 : memref<1x16x128xi32, #tpu.memory_space<vmem>> -> memref<16x128xi32, #tpu.memory_space<vmem>>
          %dma_start3A_524 = arith.constant 0 : i32
          %dma_start3A_525 = tpu.memref_slice %arg4[%add3A_502, %dma_start3A_524] : memref<2576x128xi32, #tpu.memory_space<hbm>> -> memref<16x128xi32, #tpu.memory_space<hbm>>
          %dma_start3A_526 = arith.constant 0 : i32
          %dma_start3A_527 = arith.constant 0 : i32
          %dma_start3A_528 = tpu.memref_slice %arg7[%select_n3A_518, %dma_start3A_526, %dma_start3A_527] : memref<2x16x128xi32, #tpu.memory_space<vmem>> -> memref<1x16x128xi32, #tpu.memory_space<vmem>>
          %dma_start3A_529 = tpu.memref_squeeze %dma_start3A_528 : memref<1x16x128xi32, #tpu.memory_space<vmem>> -> memref<16x128xi32, #tpu.memory_space<vmem>>
          %dma_start3A_530 = arith.constant 0 : i32
          %dma_start3A_531 = tpu.memref_slice %arg4[%add3A_502, %dma_start3A_530] : memref<2576x128xi32, #tpu.memory_space<hbm>> -> memref<16x128xi32, #tpu.memory_space<hbm>>
          tpu.enqueue_dma source(%dma_start3A_531 : memref<16x128xi32, #tpu.memory_space<hbm>>) target(%dma_start3A_529 : memref<16x128xi32, #tpu.memory_space<vmem>>) target_semaphore(%run_scoped3A_519 : memref<!tpu.dma_semaphore, #tpu.memory_space<semaphore_mem>>)
          %dma_wait3A_532 = arith.constant 0 : i32
          %dma_wait3A_533 = arith.constant 0 : i32
          %dma_wait3A_534 = tpu.memref_slice %arg7[%select_n3A_518, %dma_wait3A_532, %dma_wait3A_533] : memref<2x16x128xi32, #tpu.memory_space<vmem>> -> memref<1x16x128xi32, #tpu.memory_space<vmem>>
          %dma_wait3A_535 = tpu.memref_squeeze %dma_wait3A_534 : memref<1x16x128xi32, #tpu.memory_space<vmem>> -> memref<16x128xi32, #tpu.memory_space<vmem>>
          %dma_wait3A_536 = arith.constant 0 : i32
          %dma_wait3A_537 = tpu.memref_slice %arg4[%add3A_502, %dma_wait3A_536] : memref<2576x128xi32, #tpu.memory_space<hbm>> -> memref<16x128xi32, #tpu.memory_space<hbm>>
          %dma_wait3A_538 = arith.constant 0 : i32
          %dma_wait3A_539 = arith.constant 0 : i32
          %dma_wait3A_540 = tpu.memref_slice %arg7[%select_n3A_518, %dma_wait3A_538, %dma_wait3A_539] : memref<2x16x128xi32, #tpu.memory_space<vmem>> -> memref<1x16x128xi32, #tpu.memory_space<vmem>>
          %dma_wait3A_541 = tpu.memref_squeeze %dma_wait3A_540 : memref<1x16x128xi32, #tpu.memory_space<vmem>> -> memref<16x128xi32, #tpu.memory_space<vmem>>
          %dma_wait3A_542 = arith.constant 0 : i32
          %dma_wait3A_543 = tpu.memref_slice %arg4[%add3A_502, %dma_wait3A_542] : memref<2576x128xi32, #tpu.memory_space<hbm>> -> memref<16x128xi32, #tpu.memory_space<hbm>>
          tpu.wait_dma2 semaphore(%run_scoped3A_519 : memref<!tpu.dma_semaphore, #tpu.memory_space<semaphore_mem>>) src(%dma_wait3A_543 : memref<16x128xi32, #tpu.memory_space<hbm>>) dst(%dma_wait3A_541 : memref<16x128xi32, #tpu.memory_space<vmem>>)
          tpu.yield
        }) : () -> ()
      } else {
      }
      %jit3A_118 = arith.constant 16 : i32
      %div3A_119 = arith.divsi %add3A_93, %jit3A_118 : i32
      %sign3A_120 = arith.constant 0 : i32
      %sign3A_121 = arith.cmpi sgt, %add3A_93, %sign3A_120 : i32
      %sign3A_122 = arith.extui %sign3A_121 : i1 to i32
      %sign3A_123 = arith.constant 0 : i32
      %sign3A_124 = arith.cmpi slt, %add3A_93, %sign3A_123 : i32
      %sign3A_125 = arith.extui %sign3A_124 : i1 to i32
      %sign3A_126 = arith.subi %sign3A_122, %sign3A_125 : i32
      %sign3A_127 = arith.constant 0 : i32
      %sign3A_128 = arith.cmpi sgt, %jit3A_118, %sign3A_127 : i32
      %sign3A_129 = arith.extui %sign3A_128 : i1 to i32
      %sign3A_130 = arith.constant 0 : i32
      %sign3A_131 = arith.cmpi slt, %jit3A_118, %sign3A_130 : i32
      %sign3A_132 = arith.extui %sign3A_131 : i1 to i32
      %sign3A_133 = arith.subi %sign3A_129, %sign3A_132 : i32
      %ne3A_134 = arith.cmpi ne, %sign3A_126, %sign3A_133 : i32
      %rem3A_135 = arith.remsi %add3A_93, %jit3A_118 : i32
      %ne3A_136 = arith.constant 0 : i32
      %ne3A_137 = arith.cmpi ne, %rem3A_135, %ne3A_136 : i32
      %and3A_138 = arith.andi %ne3A_134, %ne3A_137 : i1
      %sub3A_139 = arith.constant 1 : i32
      %sub3A_140 = arith.subi %div3A_119, %sub3A_139 : i32
      %select_n3A_141 = arith.select %and3A_138, %sub3A_140, %div3A_119 : i32
      %jit3A_142 = arith.constant 2 : i32
      %eq3A_143 = arith.constant 0 : i32
      %eq3A_144 = arith.cmpi eq, %jit3A_142, %eq3A_143 : i32
      %jit3A_145 = arith.constant 1 : i32
      %select_n3A_146 = arith.select %eq3A_144, %jit3A_145, %jit3A_142 : i32
      %rem3A_147 = arith.remsi %select_n3A_141, %select_n3A_146 : i32
      %ne3A_148 = arith.constant 0 : i32
      %ne3A_149 = arith.cmpi ne, %rem3A_147, %ne3A_148 : i32
      %lt3A_150 = arith.constant 0 : i32
      %lt3A_151 = arith.cmpi slt, %rem3A_147, %lt3A_150 : i32
      %lt3A_152 = arith.constant 0 : i32
      %lt3A_153 = arith.cmpi slt, %select_n3A_146, %lt3A_152 : i32
      %ne3A_154 = arith.xori %lt3A_151, %lt3A_153 : i1
      %and3A_155 = arith.andi %ne3A_154, %ne3A_149 : i1
      %add3A_156 = arith.addi %rem3A_147, %select_n3A_146 : i32
      %select_n3A_157 = arith.select %and3A_155, %add3A_156, %rem3A_147 : i32
      %jit3A_158 = arith.constant 16 : i32
      %eq3A_159 = arith.constant 0 : i32
      %eq3A_160 = arith.cmpi eq, %jit3A_158, %eq3A_159 : i32
      %jit3A_161 = arith.constant 1 : i32
      %select_n3A_162 = arith.select %eq3A_160, %jit3A_161, %jit3A_158 : i32
      %rem3A_163 = arith.remsi %add3A_93, %select_n3A_162 : i32
      %ne3A_164 = arith.constant 0 : i32
      %ne3A_165 = arith.cmpi ne, %rem3A_163, %ne3A_164 : i32
      %lt3A_166 = arith.constant 0 : i32
      %lt3A_167 = arith.cmpi slt, %rem3A_163, %lt3A_166 : i32
      %lt3A_168 = arith.constant 0 : i32
      %lt3A_169 = arith.cmpi slt, %select_n3A_162, %lt3A_168 : i32
      %ne3A_170 = arith.xori %lt3A_167, %lt3A_169 : i1
      %and3A_171 = arith.andi %ne3A_170, %ne3A_165 : i1
      %add3A_172 = arith.addi %rem3A_163, %select_n3A_162 : i32
      %select_n3A_173 = arith.select %and3A_171, %add3A_172, %rem3A_163 : i32
      %dma_start3A_174 = arith.constant 0 : i32
      %dma_start3A_175 = arith.constant 0 : i32
      %dma_start3A_176 = tpu.memref_slice %arg9[%dma_start3A_174, %dma_start3A_175] : memref<128x128xf32, #tpu.memory_space<vmem>> -> memref<64x128xf32, #tpu.memory_space<vmem>>
      %dma_start3A_177 = arith.constant 0 : i32
      %dma_start3A_178 = tpu.memref_slice %arg6[%select_n3A_157, %select_n3A_173, %dma_start3A_177] : memref<2x16x128xi32, #tpu.memory_space<vmem>> -> memref<1x1x64xi32, #tpu.memory_space<vmem>>
      %dma_start3A_179 = tpu.memref_squeeze %dma_start3A_178 : memref<1x1x64xi32, #tpu.memory_space<vmem>> -> memref<64xi32, #tpu.memory_space<vmem>>
      %dma_start3A_180 = arith.constant 0 : i32
      %dma_start3A_181 = arith.constant 0 : i32
      %dma_start3A_182 = tpu.memref_slice %arg2[%dma_start3A_180, %dma_start3A_181] : memref<10240x128xf32, #tpu.memory_space<hbm>> -> memref<10240x128xf32, #tpu.memory_space<hbm>>
      tpu.enqueue_indirect_dma source(%dma_start3A_182 : memref<10240x128xf32, #tpu.memory_space<hbm>>) target(%dma_start3A_176 : memref<64x128xf32, #tpu.memory_space<vmem>>) offsets(%dma_start3A_179 : memref<64xi32, #tpu.memory_space<vmem>>) semaphore(%arg12 : memref<!tpu.dma_semaphore, #tpu.memory_space<semaphore_mem>>)
      %dma_start3A_183 = arith.constant 64 : i32
      %dma_start3A_184 = arith.constant 0 : i32
      %dma_start3A_185 = tpu.memref_slice %arg9[%dma_start3A_183, %dma_start3A_184] : memref<128x128xf32, #tpu.memory_space<vmem>> -> memref<64x128xf32, #tpu.memory_space<vmem>>
      %dma_start3A_186 = arith.constant 64 : i32
      %dma_start3A_187 = tpu.memref_slice %arg6[%select_n3A_157, %select_n3A_173, %dma_start3A_186] : memref<2x16x128xi32, #tpu.memory_space<vmem>> -> memref<1x1x64xi32, #tpu.memory_space<vmem>>
      %dma_start3A_188 = tpu.memref_squeeze %dma_start3A_187 : memref<1x1x64xi32, #tpu.memory_space<vmem>> -> memref<64xi32, #tpu.memory_space<vmem>>
      %dma_start3A_189 = arith.constant 0 : i32
      %dma_start3A_190 = arith.constant 0 : i32
      %dma_start3A_191 = tpu.memref_slice %arg2[%dma_start3A_189, %dma_start3A_190] : memref<10240x128xf32, #tpu.memory_space<hbm>> -> memref<10240x128xf32, #tpu.memory_space<hbm>>
      tpu.enqueue_indirect_dma source(%dma_start3A_191 : memref<10240x128xf32, #tpu.memory_space<hbm>>) target(%dma_start3A_185 : memref<64x128xf32, #tpu.memory_space<vmem>>) offsets(%dma_start3A_188 : memref<64xi32, #tpu.memory_space<vmem>>) semaphore(%arg12 : memref<!tpu.dma_semaphore, #tpu.memory_space<semaphore_mem>>)
      %jit3A_192 = arith.constant 16 : i32
      %div3A_193 = arith.divsi %mul3A_91, %jit3A_192 : i32
      %sign3A_194 = arith.constant 0 : i32
      %sign3A_195 = arith.cmpi sgt, %mul3A_91, %sign3A_194 : i32
      %sign3A_196 = arith.extui %sign3A_195 : i1 to i32
      %sign3A_197 = arith.constant 0 : i32
      %sign3A_198 = arith.cmpi slt, %mul3A_91, %sign3A_197 : i32
      %sign3A_199 = arith.extui %sign3A_198 : i1 to i32
      %sign3A_200 = arith.subi %sign3A_196, %sign3A_199 : i32
      %sign3A_201 = arith.constant 0 : i32
      %sign3A_202 = arith.cmpi sgt, %jit3A_192, %sign3A_201 : i32
      %sign3A_203 = arith.extui %sign3A_202 : i1 to i32
      %sign3A_204 = arith.constant 0 : i32
      %sign3A_205 = arith.cmpi slt, %jit3A_192, %sign3A_204 : i32
      %sign3A_206 = arith.extui %sign3A_205 : i1 to i32
      %sign3A_207 = arith.subi %sign3A_203, %sign3A_206 : i32
      %ne3A_208 = arith.cmpi ne, %sign3A_200, %sign3A_207 : i32
      %rem3A_209 = arith.remsi %mul3A_91, %jit3A_192 : i32
      %ne3A_210 = arith.constant 0 : i32
      %ne3A_211 = arith.cmpi ne, %rem3A_209, %ne3A_210 : i32
      %and3A_212 = arith.andi %ne3A_208, %ne3A_211 : i1
      %sub3A_213 = arith.constant 1 : i32
      %sub3A_214 = arith.subi %div3A_193, %sub3A_213 : i32
      %select_n3A_215 = arith.select %and3A_212, %sub3A_214, %div3A_193 : i32
      %jit3A_216 = arith.constant 2 : i32
      %eq3A_217 = arith.constant 0 : i32
      %eq3A_218 = arith.cmpi eq, %jit3A_216, %eq3A_217 : i32
      %jit3A_219 = arith.constant 1 : i32
      %select_n3A_220 = arith.select %eq3A_218, %jit3A_219, %jit3A_216 : i32
      %rem3A_221 = arith.remsi %select_n3A_215, %select_n3A_220 : i32
      %ne3A_222 = arith.constant 0 : i32
      %ne3A_223 = arith.cmpi ne, %rem3A_221, %ne3A_222 : i32
      %lt3A_224 = arith.constant 0 : i32
      %lt3A_225 = arith.cmpi slt, %rem3A_221, %lt3A_224 : i32
      %lt3A_226 = arith.constant 0 : i32
      %lt3A_227 = arith.cmpi slt, %select_n3A_220, %lt3A_226 : i32
      %ne3A_228 = arith.xori %lt3A_225, %lt3A_227 : i1
      %and3A_229 = arith.andi %ne3A_228, %ne3A_223 : i1
      %add3A_230 = arith.addi %rem3A_221, %select_n3A_220 : i32
      %select_n3A_231 = arith.select %and3A_229, %add3A_230, %rem3A_221 : i32
      %jit3A_232 = arith.constant 16 : i32
      %eq3A_233 = arith.constant 0 : i32
      %eq3A_234 = arith.cmpi eq, %jit3A_232, %eq3A_233 : i32
      %jit3A_235 = arith.constant 1 : i32
      %select_n3A_236 = arith.select %eq3A_234, %jit3A_235, %jit3A_232 : i32
      %rem3A_237 = arith.remsi %mul3A_91, %select_n3A_236 : i32
      %ne3A_238 = arith.constant 0 : i32
      %ne3A_239 = arith.cmpi ne, %rem3A_237, %ne3A_238 : i32
      %lt3A_240 = arith.constant 0 : i32
      %lt3A_241 = arith.cmpi slt, %rem3A_237, %lt3A_240 : i32
      %lt3A_242 = arith.constant 0 : i32
      %lt3A_243 = arith.cmpi slt, %select_n3A_236, %lt3A_242 : i32
      %ne3A_244 = arith.xori %lt3A_241, %lt3A_243 : i1
      %and3A_245 = arith.andi %ne3A_244, %ne3A_239 : i1
      %add3A_246 = arith.addi %rem3A_237, %select_n3A_236 : i32
      %select_n3A_247 = arith.select %and3A_245, %add3A_246, %rem3A_237 : i32
      %dma_wait3A = arith.constant 0 : i32
      %dma_wait3A_248 = arith.constant 0 : i32
      %dma_wait3A_249 = tpu.memref_slice %arg8[%dma_wait3A, %dma_wait3A_248] : memref<128x128xf32, #tpu.memory_space<vmem>> -> memref<64x128xf32, #tpu.memory_space<vmem>>
      %dma_wait3A_250 = arith.constant 0 : i32
      %dma_wait3A_251 = tpu.memref_slice %arg6[%select_n3A_231, %select_n3A_247, %dma_wait3A_250] : memref<2x16x128xi32, #tpu.memory_space<vmem>> -> memref<1x1x64xi32, #tpu.memory_space<vmem>>
      %dma_wait3A_252 = tpu.memref_squeeze %dma_wait3A_251 : memref<1x1x64xi32, #tpu.memory_space<vmem>> -> memref<64xi32, #tpu.memory_space<vmem>>
      %dma_wait3A_253 = arith.constant 0 : i32
      %dma_wait3A_254 = arith.constant 0 : i32
      %dma_wait3A_255 = tpu.memref_slice %arg2[%dma_wait3A_253, %dma_wait3A_254] : memref<10240x128xf32, #tpu.memory_space<hbm>> -> memref<10240x128xf32, #tpu.memory_space<hbm>>
      tpu.wait_indirect_dma semaphore(%arg11 : memref<!tpu.dma_semaphore, #tpu.memory_space<semaphore_mem>>) src(%dma_wait3A_255 : memref<10240x128xf32, #tpu.memory_space<hbm>>) dst(%dma_wait3A_249 : memref<64x128xf32, #tpu.memory_space<vmem>>)
      %dma_wait3A_256 = arith.constant 64 : i32
      %dma_wait3A_257 = arith.constant 0 : i32
      %dma_wait3A_258 = tpu.memref_slice %arg8[%dma_wait3A_256, %dma_wait3A_257] : memref<128x128xf32, #tpu.memory_space<vmem>> -> memref<64x128xf32, #tpu.memory_space<vmem>>
      %dma_wait3A_259 = arith.constant 64 : i32
      %dma_wait3A_260 = tpu.memref_slice %arg6[%select_n3A_231, %select_n3A_247, %dma_wait3A_259] : memref<2x16x128xi32, #tpu.memory_space<vmem>> -> memref<1x1x64xi32, #tpu.memory_space<vmem>>
      %dma_wait3A_261 = tpu.memref_squeeze %dma_wait3A_260 : memref<1x1x64xi32, #tpu.memory_space<vmem>> -> memref<64xi32, #tpu.memory_space<vmem>>
      %dma_wait3A_262 = arith.constant 0 : i32
      %dma_wait3A_263 = arith.constant 0 : i32
      %dma_wait3A_264 = tpu.memref_slice %arg2[%dma_wait3A_262, %dma_wait3A_263] : memref<10240x128xf32, #tpu.memory_space<hbm>> -> memref<10240x128xf32, #tpu.memory_space<hbm>>
      tpu.wait_indirect_dma semaphore(%arg11 : memref<!tpu.dma_semaphore, #tpu.memory_space<semaphore_mem>>) src(%dma_wait3A_264 : memref<10240x128xf32, #tpu.memory_space<hbm>>) dst(%dma_wait3A_258 : memref<64x128xf32, #tpu.memory_space<vmem>>)
      %jit3A_265 = arith.constant 16 : i32
      %div3A_266 = arith.divsi %mul3A_91, %jit3A_265 : i32
      %sign3A_267 = arith.constant 0 : i32
      %sign3A_268 = arith.cmpi sgt, %mul3A_91, %sign3A_267 : i32
      %sign3A_269 = arith.extui %sign3A_268 : i1 to i32
      %sign3A_270 = arith.constant 0 : i32
      %sign3A_271 = arith.cmpi slt, %mul3A_91, %sign3A_270 : i32
      %sign3A_272 = arith.extui %sign3A_271 : i1 to i32
      %sign3A_273 = arith.subi %sign3A_269, %sign3A_272 : i32
      %sign3A_274 = arith.constant 0 : i32
      %sign3A_275 = arith.cmpi sgt, %jit3A_265, %sign3A_274 : i32
      %sign3A_276 = arith.extui %sign3A_275 : i1 to i32
      %sign3A_277 = arith.constant 0 : i32
      %sign3A_278 = arith.cmpi slt, %jit3A_265, %sign3A_277 : i32
      %sign3A_279 = arith.extui %sign3A_278 : i1 to i32
      %sign3A_280 = arith.subi %sign3A_276, %sign3A_279 : i32
      %ne3A_281 = arith.cmpi ne, %sign3A_273, %sign3A_280 : i32
      %rem3A_282 = arith.remsi %mul3A_91, %jit3A_265 : i32
      %ne3A_283 = arith.constant 0 : i32
      %ne3A_284 = arith.cmpi ne, %rem3A_282, %ne3A_283 : i32
      %and3A_285 = arith.andi %ne3A_281, %ne3A_284 : i1
      %sub3A_286 = arith.constant 1 : i32
      %sub3A_287 = arith.subi %div3A_266, %sub3A_286 : i32
      %select_n3A_288 = arith.select %and3A_285, %sub3A_287, %div3A_266 : i32
      %jit3A_289 = arith.constant 2 : i32
      %eq3A_290 = arith.constant 0 : i32
      %eq3A_291 = arith.cmpi eq, %jit3A_289, %eq3A_290 : i32
      %jit3A_292 = arith.constant 1 : i32
      %select_n3A_293 = arith.select %eq3A_291, %jit3A_292, %jit3A_289 : i32
      %rem3A_294 = arith.remsi %select_n3A_288, %select_n3A_293 : i32
      %ne3A_295 = arith.constant 0 : i32
      %ne3A_296 = arith.cmpi ne, %rem3A_294, %ne3A_295 : i32
      %lt3A_297 = arith.constant 0 : i32
      %lt3A_298 = arith.cmpi slt, %rem3A_294, %lt3A_297 : i32
      %lt3A_299 = arith.constant 0 : i32
      %lt3A_300 = arith.cmpi slt, %select_n3A_293, %lt3A_299 : i32
      %ne3A_301 = arith.xori %lt3A_298, %lt3A_300 : i1
      %and3A_302 = arith.andi %ne3A_301, %ne3A_296 : i1
      %add3A_303 = arith.addi %rem3A_294, %select_n3A_293 : i32
      %select_n3A_304 = arith.select %and3A_302, %add3A_303, %rem3A_294 : i32
      %jit3A_305 = arith.constant 16 : i32
      %eq3A_306 = arith.constant 0 : i32
      %eq3A_307 = arith.cmpi eq, %jit3A_305, %eq3A_306 : i32
      %jit3A_308 = arith.constant 1 : i32
      %select_n3A_309 = arith.select %eq3A_307, %jit3A_308, %jit3A_305 : i32
      %rem3A_310 = arith.remsi %mul3A_91, %select_n3A_309 : i32
      %ne3A_311 = arith.constant 0 : i32
      %ne3A_312 = arith.cmpi ne, %rem3A_310, %ne3A_311 : i32
      %lt3A_313 = arith.constant 0 : i32
      %lt3A_314 = arith.cmpi slt, %rem3A_310, %lt3A_313 : i32
      %lt3A_315 = arith.constant 0 : i32
      %lt3A_316 = arith.cmpi slt, %select_n3A_309, %lt3A_315 : i32
      %ne3A_317 = arith.xori %lt3A_314, %lt3A_316 : i1
      %and3A_318 = arith.andi %ne3A_317, %ne3A_312 : i1
      %add3A_319 = arith.addi %rem3A_310, %select_n3A_309 : i32
      %select_n3A_320 = arith.select %and3A_318, %add3A_319, %rem3A_310 : i32
      "tpu.region"() ({
        %run_scoped3A_455 = tpu.sem_alloc : memref<!tpu.dma_semaphore, #tpu.memory_space<semaphore_mem>>
        %dma_start3A_456 = arith.constant 0 : i32
        %dma_start3A_457 = tpu.memref_slice %arg7[%select_n3A_304, %select_n3A_320, %dma_start3A_456] : memref<2x16x128xi32, #tpu.memory_space<vmem>> -> memref<1x1x128xi32, #tpu.memory_space<vmem>>
        %dma_start3A_458 = tpu.memref_squeeze %dma_start3A_457 : memref<1x1x128xi32, #tpu.memory_space<vmem>> -> memref<128xi32, #tpu.memory_space<vmem>>
        %dma_start3A_459 = arith.constant 0 : i32
        %dma_start3A_460 = arith.constant 0 : i32
        %dma_start3A_461 = tpu.memref_slice %arg10[%dma_start3A_459, %dma_start3A_460] : memref<10240x128xf32, #tpu.memory_space<vmem_shared>> -> memref<10240x128xf32, #tpu.memory_space<vmem_shared>>
        tpu.enqueue_indirect_dma source(%arg8 : memref<128x128xf32, #tpu.memory_space<vmem>>) target(%dma_start3A_461 : memref<10240x128xf32, #tpu.memory_space<vmem_shared>>) offsets(%dma_start3A_458 : memref<128xi32, #tpu.memory_space<vmem>>) semaphore(%run_scoped3A_455 : memref<!tpu.dma_semaphore, #tpu.memory_space<semaphore_mem>>) {add = true}
        %dma_wait3A_462 = arith.constant 0 : i32
        %dma_wait3A_463 = tpu.memref_slice %arg7[%select_n3A_304, %select_n3A_320, %dma_wait3A_462] : memref<2x16x128xi32, #tpu.memory_space<vmem>> -> memref<1x1x128xi32, #tpu.memory_space<vmem>>
        %dma_wait3A_464 = tpu.memref_squeeze %dma_wait3A_463 : memref<1x1x128xi32, #tpu.memory_space<vmem>> -> memref<128xi32, #tpu.memory_space<vmem>>
        %dma_wait3A_465 = arith.constant 0 : i32
        %dma_wait3A_466 = arith.constant 0 : i32
        %dma_wait3A_467 = tpu.memref_slice %arg10[%dma_wait3A_465, %dma_wait3A_466] : memref<10240x128xf32, #tpu.memory_space<vmem_shared>> -> memref<10240x128xf32, #tpu.memory_space<vmem_shared>>
        tpu.wait_indirect_dma semaphore(%run_scoped3A_455 : memref<!tpu.dma_semaphore, #tpu.memory_space<semaphore_mem>>) src(%arg8 : memref<128x128xf32, #tpu.memory_space<vmem>>) dst(%dma_wait3A_467 : memref<10240x128xf32, #tpu.memory_space<vmem_shared>>)
        tpu.yield
      }) : () -> ()
      %lt3A_321 = arith.cmpi slt, %add3A_95, %select_n3A : i32
      %convert_element_type3A_322 = arith.extui %lt3A_321 : i1 to i32
      %cond3A_323 = arith.constant 0 : i32
      %cond3A_324 = arith.cmpi ne, %convert_element_type3A_322, %cond3A_323 : i32
      scf.if %cond3A_324 {
        %jit3A_455 = arith.constant 16 : i32
        %div3A_456 = arith.divsi %add3A_95, %jit3A_455 : i32
        %sign3A_457 = arith.constant 0 : i32
        %sign3A_458 = arith.cmpi sgt, %add3A_95, %sign3A_457 : i32
        %sign3A_459 = arith.extui %sign3A_458 : i1 to i32
        %sign3A_460 = arith.constant 0 : i32
        %sign3A_461 = arith.cmpi slt, %add3A_95, %sign3A_460 : i32
        %sign3A_462 = arith.extui %sign3A_461 : i1 to i32
        %sign3A_463 = arith.subi %sign3A_459, %sign3A_462 : i32
        %sign3A_464 = arith.constant 0 : i32
        %sign3A_465 = arith.cmpi sgt, %jit3A_455, %sign3A_464 : i32
        %sign3A_466 = arith.extui %sign3A_465 : i1 to i32
        %sign3A_467 = arith.constant 0 : i32
        %sign3A_468 = arith.cmpi slt, %jit3A_455, %sign3A_467 : i32
        %sign3A_469 = arith.extui %sign3A_468 : i1 to i32
        %sign3A_470 = arith.subi %sign3A_466, %sign3A_469 : i32
        %ne3A_471 = arith.cmpi ne, %sign3A_463, %sign3A_470 : i32
        %rem3A_472 = arith.remsi %add3A_95, %jit3A_455 : i32
        %ne3A_473 = arith.constant 0 : i32
        %ne3A_474 = arith.cmpi ne, %rem3A_472, %ne3A_473 : i32
        %and3A_475 = arith.andi %ne3A_471, %ne3A_474 : i1
        %sub3A_476 = arith.constant 1 : i32
        %sub3A_477 = arith.subi %div3A_456, %sub3A_476 : i32
        %select_n3A_478 = arith.select %and3A_475, %sub3A_477, %div3A_456 : i32
        %jit3A_479 = arith.constant 2 : i32
        %eq3A_480 = arith.constant 0 : i32
        %eq3A_481 = arith.cmpi eq, %jit3A_479, %eq3A_480 : i32
        %jit3A_482 = arith.constant 1 : i32
        %select_n3A_483 = arith.select %eq3A_481, %jit3A_482, %jit3A_479 : i32
        %rem3A_484 = arith.remsi %select_n3A_478, %select_n3A_483 : i32
        %ne3A_485 = arith.constant 0 : i32
        %ne3A_486 = arith.cmpi ne, %rem3A_484, %ne3A_485 : i32
        %lt3A_487 = arith.constant 0 : i32
        %lt3A_488 = arith.cmpi slt, %rem3A_484, %lt3A_487 : i32
        %lt3A_489 = arith.constant 0 : i32
        %lt3A_490 = arith.cmpi slt, %select_n3A_483, %lt3A_489 : i32
        %ne3A_491 = arith.xori %lt3A_488, %lt3A_490 : i1
        %and3A_492 = arith.andi %ne3A_491, %ne3A_486 : i1
        %add3A_493 = arith.addi %rem3A_484, %select_n3A_483 : i32
        %select_n3A_494 = arith.select %and3A_492, %add3A_493, %rem3A_484 : i32
        %jit3A_495 = arith.constant 16 : i32
        %eq3A_496 = arith.constant 0 : i32
        %eq3A_497 = arith.cmpi eq, %jit3A_495, %eq3A_496 : i32
        %jit3A_498 = arith.constant 1 : i32
        %select_n3A_499 = arith.select %eq3A_497, %jit3A_498, %jit3A_495 : i32
        %rem3A_500 = arith.remsi %add3A_95, %select_n3A_499 : i32
        %ne3A_501 = arith.constant 0 : i32
        %ne3A_502 = arith.cmpi ne, %rem3A_500, %ne3A_501 : i32
        %lt3A_503 = arith.constant 0 : i32
        %lt3A_504 = arith.cmpi slt, %rem3A_500, %lt3A_503 : i32
        %lt3A_505 = arith.constant 0 : i32
        %lt3A_506 = arith.cmpi slt, %select_n3A_499, %lt3A_505 : i32
        %ne3A_507 = arith.xori %lt3A_504, %lt3A_506 : i1
        %and3A_508 = arith.andi %ne3A_507, %ne3A_502 : i1
        %add3A_509 = arith.addi %rem3A_500, %select_n3A_499 : i32
        %select_n3A_510 = arith.select %and3A_508, %add3A_509, %rem3A_500 : i32
        %dma_start3A_511 = arith.constant 0 : i32
        %dma_start3A_512 = arith.constant 0 : i32
        %dma_start3A_513 = tpu.memref_slice %arg8[%dma_start3A_511, %dma_start3A_512] : memref<128x128xf32, #tpu.memory_space<vmem>> -> memref<64x128xf32, #tpu.memory_space<vmem>>
        %dma_start3A_514 = arith.constant 0 : i32
        %dma_start3A_515 = tpu.memref_slice %arg6[%select_n3A_494, %select_n3A_510, %dma_start3A_514] : memref<2x16x128xi32, #tpu.memory_space<vmem>> -> memref<1x1x64xi32, #tpu.memory_space<vmem>>
        %dma_start3A_516 = tpu.memref_squeeze %dma_start3A_515 : memref<1x1x64xi32, #tpu.memory_space<vmem>> -> memref<64xi32, #tpu.memory_space<vmem>>
        %dma_start3A_517 = arith.constant 0 : i32
        %dma_start3A_518 = arith.constant 0 : i32
        %dma_start3A_519 = tpu.memref_slice %arg2[%dma_start3A_517, %dma_start3A_518] : memref<10240x128xf32, #tpu.memory_space<hbm>> -> memref<10240x128xf32, #tpu.memory_space<hbm>>
        tpu.enqueue_indirect_dma source(%dma_start3A_519 : memref<10240x128xf32, #tpu.memory_space<hbm>>) target(%dma_start3A_513 : memref<64x128xf32, #tpu.memory_space<vmem>>) offsets(%dma_start3A_516 : memref<64xi32, #tpu.memory_space<vmem>>) semaphore(%arg11 : memref<!tpu.dma_semaphore, #tpu.memory_space<semaphore_mem>>)
        %dma_start3A_520 = arith.constant 64 : i32
        %dma_start3A_521 = arith.constant 0 : i32
        %dma_start3A_522 = tpu.memref_slice %arg8[%dma_start3A_520, %dma_start3A_521] : memref<128x128xf32, #tpu.memory_space<vmem>> -> memref<64x128xf32, #tpu.memory_space<vmem>>
        %dma_start3A_523 = arith.constant 64 : i32
        %dma_start3A_524 = tpu.memref_slice %arg6[%select_n3A_494, %select_n3A_510, %dma_start3A_523] : memref<2x16x128xi32, #tpu.memory_space<vmem>> -> memref<1x1x64xi32, #tpu.memory_space<vmem>>
        %dma_start3A_525 = tpu.memref_squeeze %dma_start3A_524 : memref<1x1x64xi32, #tpu.memory_space<vmem>> -> memref<64xi32, #tpu.memory_space<vmem>>
        %dma_start3A_526 = arith.constant 0 : i32
        %dma_start3A_527 = arith.constant 0 : i32
        %dma_start3A_528 = tpu.memref_slice %arg2[%dma_start3A_526, %dma_start3A_527] : memref<10240x128xf32, #tpu.memory_space<hbm>> -> memref<10240x128xf32, #tpu.memory_space<hbm>>
        tpu.enqueue_indirect_dma source(%dma_start3A_528 : memref<10240x128xf32, #tpu.memory_space<hbm>>) target(%dma_start3A_522 : memref<64x128xf32, #tpu.memory_space<vmem>>) offsets(%dma_start3A_525 : memref<64xi32, #tpu.memory_space<vmem>>) semaphore(%arg11 : memref<!tpu.dma_semaphore, #tpu.memory_space<semaphore_mem>>)
      } else {
      }
      %jit3A_325 = arith.constant 16 : i32
      %div3A_326 = arith.divsi %add3A_93, %jit3A_325 : i32
      %sign3A_327 = arith.constant 0 : i32
      %sign3A_328 = arith.cmpi sgt, %add3A_93, %sign3A_327 : i32
      %sign3A_329 = arith.extui %sign3A_328 : i1 to i32
      %sign3A_330 = arith.constant 0 : i32
      %sign3A_331 = arith.cmpi slt, %add3A_93, %sign3A_330 : i32
      %sign3A_332 = arith.extui %sign3A_331 : i1 to i32
      %sign3A_333 = arith.subi %sign3A_329, %sign3A_332 : i32
      %sign3A_334 = arith.constant 0 : i32
      %sign3A_335 = arith.cmpi sgt, %jit3A_325, %sign3A_334 : i32
      %sign3A_336 = arith.extui %sign3A_335 : i1 to i32
      %sign3A_337 = arith.constant 0 : i32
      %sign3A_338 = arith.cmpi slt, %jit3A_325, %sign3A_337 : i32
      %sign3A_339 = arith.extui %sign3A_338 : i1 to i32
      %sign3A_340 = arith.subi %sign3A_336, %sign3A_339 : i32
      %ne3A_341 = arith.cmpi ne, %sign3A_333, %sign3A_340 : i32
      %rem3A_342 = arith.remsi %add3A_93, %jit3A_325 : i32
      %ne3A_343 = arith.constant 0 : i32
      %ne3A_344 = arith.cmpi ne, %rem3A_342, %ne3A_343 : i32
      %and3A_345 = arith.andi %ne3A_341, %ne3A_344 : i1
      %sub3A_346 = arith.constant 1 : i32
      %sub3A_347 = arith.subi %div3A_326, %sub3A_346 : i32
      %select_n3A_348 = arith.select %and3A_345, %sub3A_347, %div3A_326 : i32
      %jit3A_349 = arith.constant 2 : i32
      %eq3A_350 = arith.constant 0 : i32
      %eq3A_351 = arith.cmpi eq, %jit3A_349, %eq3A_350 : i32
      %jit3A_352 = arith.constant 1 : i32
      %select_n3A_353 = arith.select %eq3A_351, %jit3A_352, %jit3A_349 : i32
      %rem3A_354 = arith.remsi %select_n3A_348, %select_n3A_353 : i32
      %ne3A_355 = arith.constant 0 : i32
      %ne3A_356 = arith.cmpi ne, %rem3A_354, %ne3A_355 : i32
      %lt3A_357 = arith.constant 0 : i32
      %lt3A_358 = arith.cmpi slt, %rem3A_354, %lt3A_357 : i32
      %lt3A_359 = arith.constant 0 : i32
      %lt3A_360 = arith.cmpi slt, %select_n3A_353, %lt3A_359 : i32
      %ne3A_361 = arith.xori %lt3A_358, %lt3A_360 : i1
      %and3A_362 = arith.andi %ne3A_361, %ne3A_356 : i1
      %add3A_363 = arith.addi %rem3A_354, %select_n3A_353 : i32
      %select_n3A_364 = arith.select %and3A_362, %add3A_363, %rem3A_354 : i32
      %jit3A_365 = arith.constant 16 : i32
      %eq3A_366 = arith.constant 0 : i32
      %eq3A_367 = arith.cmpi eq, %jit3A_365, %eq3A_366 : i32
      %jit3A_368 = arith.constant 1 : i32
      %select_n3A_369 = arith.select %eq3A_367, %jit3A_368, %jit3A_365 : i32
      %rem3A_370 = arith.remsi %add3A_93, %select_n3A_369 : i32
      %ne3A_371 = arith.constant 0 : i32
      %ne3A_372 = arith.cmpi ne, %rem3A_370, %ne3A_371 : i32
      %lt3A_373 = arith.constant 0 : i32
      %lt3A_374 = arith.cmpi slt, %rem3A_370, %lt3A_373 : i32
      %lt3A_375 = arith.constant 0 : i32
      %lt3A_376 = arith.cmpi slt, %select_n3A_369, %lt3A_375 : i32
      %ne3A_377 = arith.xori %lt3A_374, %lt3A_376 : i1
      %and3A_378 = arith.andi %ne3A_377, %ne3A_372 : i1
      %add3A_379 = arith.addi %rem3A_370, %select_n3A_369 : i32
      %select_n3A_380 = arith.select %and3A_378, %add3A_379, %rem3A_370 : i32
      %dma_wait3A_381 = arith.constant 0 : i32
      %dma_wait3A_382 = arith.constant 0 : i32
      %dma_wait3A_383 = tpu.memref_slice %arg9[%dma_wait3A_381, %dma_wait3A_382] : memref<128x128xf32, #tpu.memory_space<vmem>> -> memref<64x128xf32, #tpu.memory_space<vmem>>
      %dma_wait3A_384 = arith.constant 0 : i32
      %dma_wait3A_385 = tpu.memref_slice %arg6[%select_n3A_364, %select_n3A_380, %dma_wait3A_384] : memref<2x16x128xi32, #tpu.memory_space<vmem>> -> memref<1x1x64xi32, #tpu.memory_space<vmem>>
      %dma_wait3A_386 = tpu.memref_squeeze %dma_wait3A_385 : memref<1x1x64xi32, #tpu.memory_space<vmem>> -> memref<64xi32, #tpu.memory_space<vmem>>
      %dma_wait3A_387 = arith.constant 0 : i32
      %dma_wait3A_388 = arith.constant 0 : i32
      %dma_wait3A_389 = tpu.memref_slice %arg2[%dma_wait3A_387, %dma_wait3A_388] : memref<10240x128xf32, #tpu.memory_space<hbm>> -> memref<10240x128xf32, #tpu.memory_space<hbm>>
      tpu.wait_indirect_dma semaphore(%arg12 : memref<!tpu.dma_semaphore, #tpu.memory_space<semaphore_mem>>) src(%dma_wait3A_389 : memref<10240x128xf32, #tpu.memory_space<hbm>>) dst(%dma_wait3A_383 : memref<64x128xf32, #tpu.memory_space<vmem>>)
      %dma_wait3A_390 = arith.constant 64 : i32
      %dma_wait3A_391 = arith.constant 0 : i32
      %dma_wait3A_392 = tpu.memref_slice %arg9[%dma_wait3A_390, %dma_wait3A_391] : memref<128x128xf32, #tpu.memory_space<vmem>> -> memref<64x128xf32, #tpu.memory_space<vmem>>
      %dma_wait3A_393 = arith.constant 64 : i32
      %dma_wait3A_394 = tpu.memref_slice %arg6[%select_n3A_364, %select_n3A_380, %dma_wait3A_393] : memref<2x16x128xi32, #tpu.memory_space<vmem>> -> memref<1x1x64xi32, #tpu.memory_space<vmem>>
      %dma_wait3A_395 = tpu.memref_squeeze %dma_wait3A_394 : memref<1x1x64xi32, #tpu.memory_space<vmem>> -> memref<64xi32, #tpu.memory_space<vmem>>
      %dma_wait3A_396 = arith.constant 0 : i32
      %dma_wait3A_397 = arith.constant 0 : i32
      %dma_wait3A_398 = tpu.memref_slice %arg2[%dma_wait3A_396, %dma_wait3A_397] : memref<10240x128xf32, #tpu.memory_space<hbm>> -> memref<10240x128xf32, #tpu.memory_space<hbm>>
      tpu.wait_indirect_dma semaphore(%arg12 : memref<!tpu.dma_semaphore, #tpu.memory_space<semaphore_mem>>) src(%dma_wait3A_398 : memref<10240x128xf32, #tpu.memory_space<hbm>>) dst(%dma_wait3A_392 : memref<64x128xf32, #tpu.memory_space<vmem>>)
      %jit3A_399 = arith.constant 16 : i32
      %div3A_400 = arith.divsi %add3A_93, %jit3A_399 : i32
      %sign3A_401 = arith.constant 0 : i32
      %sign3A_402 = arith.cmpi sgt, %add3A_93, %sign3A_401 : i32
      %sign3A_403 = arith.extui %sign3A_402 : i1 to i32
      %sign3A_404 = arith.constant 0 : i32
      %sign3A_405 = arith.cmpi slt, %add3A_93, %sign3A_404 : i32
      %sign3A_406 = arith.extui %sign3A_405 : i1 to i32
      %sign3A_407 = arith.subi %sign3A_403, %sign3A_406 : i32
      %sign3A_408 = arith.constant 0 : i32
      %sign3A_409 = arith.cmpi sgt, %jit3A_399, %sign3A_408 : i32
      %sign3A_410 = arith.extui %sign3A_409 : i1 to i32
      %sign3A_411 = arith.constant 0 : i32
      %sign3A_412 = arith.cmpi slt, %jit3A_399, %sign3A_411 : i32
      %sign3A_413 = arith.extui %sign3A_412 : i1 to i32
      %sign3A_414 = arith.subi %sign3A_410, %sign3A_413 : i32
      %ne3A_415 = arith.cmpi ne, %sign3A_407, %sign3A_414 : i32
      %rem3A_416 = arith.remsi %add3A_93, %jit3A_399 : i32
      %ne3A_417 = arith.constant 0 : i32
      %ne3A_418 = arith.cmpi ne, %rem3A_416, %ne3A_417 : i32
      %and3A_419 = arith.andi %ne3A_415, %ne3A_418 : i1
      %sub3A_420 = arith.constant 1 : i32
      %sub3A_421 = arith.subi %div3A_400, %sub3A_420 : i32
      %select_n3A_422 = arith.select %and3A_419, %sub3A_421, %div3A_400 : i32
      %jit3A_423 = arith.constant 2 : i32
      %eq3A_424 = arith.constant 0 : i32
      %eq3A_425 = arith.cmpi eq, %jit3A_423, %eq3A_424 : i32
      %jit3A_426 = arith.constant 1 : i32
      %select_n3A_427 = arith.select %eq3A_425, %jit3A_426, %jit3A_423 : i32
      %rem3A_428 = arith.remsi %select_n3A_422, %select_n3A_427 : i32
      %ne3A_429 = arith.constant 0 : i32
      %ne3A_430 = arith.cmpi ne, %rem3A_428, %ne3A_429 : i32
      %lt3A_431 = arith.constant 0 : i32
      %lt3A_432 = arith.cmpi slt, %rem3A_428, %lt3A_431 : i32
      %lt3A_433 = arith.constant 0 : i32
      %lt3A_434 = arith.cmpi slt, %select_n3A_427, %lt3A_433 : i32
      %ne3A_435 = arith.xori %lt3A_432, %lt3A_434 : i1
      %and3A_436 = arith.andi %ne3A_435, %ne3A_430 : i1
      %add3A_437 = arith.addi %rem3A_428, %select_n3A_427 : i32
      %select_n3A_438 = arith.select %and3A_436, %add3A_437, %rem3A_428 : i32
      %jit3A_439 = arith.constant 16 : i32
      %eq3A_440 = arith.constant 0 : i32
      %eq3A_441 = arith.cmpi eq, %jit3A_439, %eq3A_440 : i32
      %jit3A_442 = arith.constant 1 : i32
      %select_n3A_443 = arith.select %eq3A_441, %jit3A_442, %jit3A_439 : i32
      %rem3A_444 = arith.remsi %add3A_93, %select_n3A_443 : i32
      %ne3A_445 = arith.constant 0 : i32
      %ne3A_446 = arith.cmpi ne, %rem3A_444, %ne3A_445 : i32
      %lt3A_447 = arith.constant 0 : i32
      %lt3A_448 = arith.cmpi slt, %rem3A_444, %lt3A_447 : i32
      %lt3A_449 = arith.constant 0 : i32
      %lt3A_450 = arith.cmpi slt, %select_n3A_443, %lt3A_449 : i32
      %ne3A_451 = arith.xori %lt3A_448, %lt3A_450 : i1
      %and3A_452 = arith.andi %ne3A_451, %ne3A_446 : i1
      %add3A_453 = arith.addi %rem3A_444, %select_n3A_443 : i32
      %select_n3A_454 = arith.select %and3A_452, %add3A_453, %rem3A_444 : i32
      "tpu.region"() ({
        %run_scoped3A_455 = tpu.sem_alloc : memref<!tpu.dma_semaphore, #tpu.memory_space<semaphore_mem>>
        %dma_start3A_456 = arith.constant 0 : i32
        %dma_start3A_457 = tpu.memref_slice %arg7[%select_n3A_438, %select_n3A_454, %dma_start3A_456] : memref<2x16x128xi32, #tpu.memory_space<vmem>> -> memref<1x1x128xi32, #tpu.memory_space<vmem>>
        %dma_start3A_458 = tpu.memref_squeeze %dma_start3A_457 : memref<1x1x128xi32, #tpu.memory_space<vmem>> -> memref<128xi32, #tpu.memory_space<vmem>>
        %dma_start3A_459 = arith.constant 0 : i32
        %dma_start3A_460 = arith.constant 0 : i32
        %dma_start3A_461 = tpu.memref_slice %arg10[%dma_start3A_459, %dma_start3A_460] : memref<10240x128xf32, #tpu.memory_space<vmem_shared>> -> memref<10240x128xf32, #tpu.memory_space<vmem_shared>>
        tpu.enqueue_indirect_dma source(%arg9 : memref<128x128xf32, #tpu.memory_space<vmem>>) target(%dma_start3A_461 : memref<10240x128xf32, #tpu.memory_space<vmem_shared>>) offsets(%dma_start3A_458 : memref<128xi32, #tpu.memory_space<vmem>>) semaphore(%run_scoped3A_455 : memref<!tpu.dma_semaphore, #tpu.memory_space<semaphore_mem>>) {add = true}
        %dma_wait3A_462 = arith.constant 0 : i32
        %dma_wait3A_463 = tpu.memref_slice %arg7[%select_n3A_438, %select_n3A_454, %dma_wait3A_462] : memref<2x16x128xi32, #tpu.memory_space<vmem>> -> memref<1x1x128xi32, #tpu.memory_space<vmem>>
        %dma_wait3A_464 = tpu.memref_squeeze %dma_wait3A_463 : memref<1x1x128xi32, #tpu.memory_space<vmem>> -> memref<128xi32, #tpu.memory_space<vmem>>
        %dma_wait3A_465 = arith.constant 0 : i32
        %dma_wait3A_466 = arith.constant 0 : i32
        %dma_wait3A_467 = tpu.memref_slice %arg10[%dma_wait3A_465, %dma_wait3A_466] : memref<10240x128xf32, #tpu.memory_space<vmem_shared>> -> memref<10240x128xf32, #tpu.memory_space<vmem_shared>>
        tpu.wait_indirect_dma semaphore(%run_scoped3A_455 : memref<!tpu.dma_semaphore, #tpu.memory_space<semaphore_mem>>) src(%arg9 : memref<128x128xf32, #tpu.memory_space<vmem>>) dst(%dma_wait3A_467 : memref<10240x128xf32, #tpu.memory_space<vmem_shared>>)
        tpu.yield
      }) : () -> ()
    }
    %barrier3A_84 = arith.constant 0 : index
    tpu.barrier barrier_id(%barrier3A_84)
    %mul3A_85 = arith.constant 640 : i32
    %mul3A_86 = arith.muli %arg1, %mul3A_85 : i32
    %mul3A_87 = arith.constant 640 : i32
    %mul3A_88 = arith.muli %arg1, %mul3A_87 : i32
    "tpu.region"() ({
      %run_scoped3A_89 = tpu.sem_alloc : memref<!tpu.dma_semaphore, #tpu.memory_space<semaphore_mem>>
      %dma_start3A_90 = arith.constant 0 : i32
      %dma_start3A_91 = tpu.memref_slice %arg5[%arg0, %mul3A_88, %dma_start3A_90] : memref<2x10240x128xf32, #tpu.memory_space<hbm>> -> memref<1x640x128xf32, #tpu.memory_space<hbm>>
      %dma_start3A_92 = tpu.memref_squeeze %dma_start3A_91 : memref<1x640x128xf32, #tpu.memory_space<hbm>> -> memref<640x128xf32, #tpu.memory_space<hbm>>
      %dma_start3A_93 = arith.constant 0 : i32
      %dma_start3A_94 = tpu.memref_slice %arg10[%mul3A_86, %dma_start3A_93] : memref<10240x128xf32, #tpu.memory_space<vmem_shared>> -> memref<640x128xf32, #tpu.memory_space<vmem_shared>>
      tpu.enqueue_dma source(%dma_start3A_94 : memref<640x128xf32, #tpu.memory_space<vmem_shared>>) target(%dma_start3A_92 : memref<640x128xf32, #tpu.memory_space<hbm>>) target_semaphore(%run_scoped3A_89 : memref<!tpu.dma_semaphore, #tpu.memory_space<semaphore_mem>>)
      %dma_wait3A = arith.constant 0 : i32
      %dma_wait3A_95 = tpu.memref_slice %arg5[%arg0, %mul3A_88, %dma_wait3A] : memref<2x10240x128xf32, #tpu.memory_space<hbm>> -> memref<1x640x128xf32, #tpu.memory_space<hbm>>
      %dma_wait3A_96 = tpu.memref_squeeze %dma_wait3A_95 : memref<1x640x128xf32, #tpu.memory_space<hbm>> -> memref<640x128xf32, #tpu.memory_space<hbm>>
      %dma_wait3A_97 = arith.constant 0 : i32
      %dma_wait3A_98 = tpu.memref_slice %arg10[%mul3A_86, %dma_wait3A_97] : memref<10240x128xf32, #tpu.memory_space<vmem_shared>> -> memref<640x128xf32, #tpu.memory_space<vmem_shared>>
      tpu.wait_dma2 semaphore(%run_scoped3A_89 : memref<!tpu.dma_semaphore, #tpu.memory_space<semaphore_mem>>) src(%dma_wait3A_98 : memref<640x128xf32, #tpu.memory_space<vmem_shared>>) dst(%dma_wait3A_96 : memref<640x128xf32, #tpu.memory_space<hbm>>)
      tpu.yield
    }) : () -> ()
    return
  }
}

module attributes {stable_mosaic.version = 14 : i64} {
  func.func @_t1a_body(%arg0: i32, %arg1: memref<1024x128xf32, #tpu.memory_space<vmem>>, %arg2: memref<128x128xf32, #tpu.memory_space<vmem>>, %arg3: memref<1024x128xf32, #tpu.memory_space<vmem>>) attributes {dimension_semantics = [#tpu.dimension_semantics<arbitrary>], iteration_bounds = array<i64: 10>, scalar_prefetch = 0 : i64, scratch_operands = 0 : i64, tpu.core_type = #tpu.core_type<tc>, window_params = [{transform_indices = @transform_0, window_bounds = array<i64: 1024, 128>}, {pipeline_mode = #tpu.pipeline_mode<synchronous>, transform_indices = @transform_1, window_bounds = array<i64: 128, 128>}, {transform_indices = @transform_2, window_bounds = array<i64: 1024, 128>}]} {
    %get3A = arith.constant 0 : index
    %get3A_0 = arith.constant 0 : index
    %get3A_1 = vector.load %arg1[%get3A, %get3A_0] : memref<1024x128xf32, #tpu.memory_space<vmem>>, vector<1024x128xf32>
    %get3A_2 = arith.constant 0 : index
    %get3A_3 = arith.constant 0 : index
    %get3A_4 = vector.load %arg2[%get3A_2, %get3A_3] : memref<128x128xf32, #tpu.memory_space<vmem>>, vector<128x128xf32>
    %dot_general3A = arith.constant dense<0.000000e+00> : vector<1024x128xf32>
    %dot_general3A_5 = tpu.matmul %get3A_1, %get3A_4, %dot_general3A {dimension_numbers = #tpu.dot_dimension_numbers<[1], [0], [0], [1], [0, 0, 1, 1], [], []>, transpose_lhs_hint = false} : vector<1024x128xf32>, vector<128x128xf32>, vector<1024x128xf32> -> vector<1024x128xf32>
    %swap3A = arith.constant 0 : index
    %swap3A_6 = arith.constant 0 : index
    %swap3A_7 = vector.load %arg3[%swap3A, %swap3A_6] : memref<1024x128xf32, #tpu.memory_space<vmem>>, vector<1024x128xf32>
    tpu.vector_store %arg3[%swap3A, %swap3A_6], %dot_general3A_5 {strides = array<i32>} : memref<1024x128xf32, #tpu.memory_space<vmem>>, vector<1024x128xf32>,
    return
  }
  func.func @transform_0(%arg0: i32) -> (i32, i32) {
    %c0_i32 = arith.constant 0 : i32
    %c0_i32_0 = arith.constant 0 : i32
    return %arg0, %c0_i32 : i32, i32
  }
  func.func @transform_1(%arg0: i32) -> (i32, i32) {
    %c0_i32 = arith.constant 0 : i32
    %c0_i32_0 = arith.constant 0 : i32
    %c0_i32_1 = arith.constant 0 : i32
    return %c0_i32, %c0_i32_0 : i32, i32
  }
  func.func @transform_2(%arg0: i32) -> (i32, i32) {
    %c0_i32 = arith.constant 0 : i32
    %c0_i32_0 = arith.constant 0 : i32
    return %arg0, %c0_i32 : i32, i32
  }
}

module attributes {stable_mosaic.version = 14 : i64} {
  func.func @_t1b_body(%arg0: i32, %arg1: memref<1024x128xf32, #tpu.memory_space<vmem>>, %arg2: memref<32x1024xf32, #tpu.memory_space<vmem>>, %arg3: memref<1024x128xf32, #tpu.memory_space<vmem>>) attributes {dimension_semantics = [#tpu.dimension_semantics<arbitrary>], iteration_bounds = array<i64: 10>, scalar_prefetch = 0 : i64, scratch_operands = 0 : i64, tpu.core_type = #tpu.core_type<tc>, window_params = [{transform_indices = @transform_0, window_bounds = array<i64: 1024, 128>}, {transform_indices = @transform_1, window_bounds = array<i64: 32, 1024>}, {transform_indices = @transform_2, window_bounds = array<i64: 1024, 128>}]} {
    %get3A = arith.constant 0 : index
    %get3A_0 = arith.constant 0 : index
    %get3A_1 = vector.load %arg2[%get3A, %get3A_0] : memref<32x1024xf32, #tpu.memory_space<vmem>>, vector<32x1024xf32>
    %reduce_sum3A = arith.constant dense<0.000000e+00> : vector<1024xf32>
    %reduce_sum3A_2 = vector.multi_reduction <add>, %get3A_1, %reduce_sum3A [0] : vector<32x1024xf32> to vector<1024xf32>
    %add3A = arith.constant 1.000000e+00 : f32
    %add3A_3 = vector.broadcast %add3A : f32 to vector<1024xf32>
    %add3A_4 = arith.addf %reduce_sum3A_2, %add3A_3 : vector<1024xf32>
    %rsqrt3A = math.rsqrt %add3A_4 : vector<1024xf32>
    %get3A_5 = arith.constant 0 : index
    %get3A_6 = arith.constant 0 : index
    %get3A_7 = vector.load %arg1[%get3A_5, %get3A_6] : memref<1024x128xf32, #tpu.memory_space<vmem>>, vector<1024x128xf32>
    %broadcast_in_dim3A = vector.shape_cast %rsqrt3A : vector<1024xf32> to vector<1024x1xf32>
    %mul3A = vector.broadcast %broadcast_in_dim3A : vector<1024x1xf32> to vector<1024x128xf32>
    %mul3A_8 = arith.mulf %get3A_7, %mul3A : vector<1024x128xf32>
    %swap3A = arith.constant 0 : index
    %swap3A_9 = arith.constant 0 : index
    %swap3A_10 = vector.load %arg3[%swap3A, %swap3A_9] : memref<1024x128xf32, #tpu.memory_space<vmem>>, vector<1024x128xf32>
    tpu.vector_store %arg3[%swap3A, %swap3A_9], %mul3A_8 {strides = array<i32>} : memref<1024x128xf32, #tpu.memory_space<vmem>>, vector<1024x128xf32>,
    return
  }
  func.func @transform_0(%arg0: i32) -> (i32, i32) {
    %c0_i32 = arith.constant 0 : i32
    %c0_i32_0 = arith.constant 0 : i32
    return %arg0, %c0_i32 : i32, i32
  }
  func.func @transform_1(%arg0: i32) -> (i32, i32) {
    %c0_i32 = arith.constant 0 : i32
    %c0_i32_0 = arith.constant 0 : i32
    return %c0_i32, %arg0 : i32, i32
  }
  func.func @transform_2(%arg0: i32) -> (i32, i32) {
    %c0_i32 = arith.constant 0 : i32
    %c0_i32_0 = arith.constant 0 : i32
    return %arg0, %c0_i32 : i32, i32
  }
}

module attributes {stable_mosaic.version = 14 : i64} {
  func.func @_t2_body(%arg0: i32, %arg1: memref<2x1024x128xf32, #tpu.memory_space<vmem>>, %arg2: memref<1024x128xf32, #tpu.memory_space<vmem>>, %arg3: memref<32x1024xf32, #tpu.memory_space<vmem>>, %arg4: memref<1x128xf32, #tpu.memory_space<vmem>>, %arg5: memref<128x128xf32, #tpu.memory_space<vmem>>, %arg6: memref<1024x128xf32, #tpu.memory_space<vmem>>) attributes {dimension_semantics = [#tpu.dimension_semantics<arbitrary>], iteration_bounds = array<i64: 10>, scalar_prefetch = 0 : i64, scratch_operands = 0 : i64, tpu.core_type = #tpu.core_type<tc>, window_params = [{transform_indices = @transform_0, window_bounds = array<i64: 2, 1024, 128>}, {transform_indices = @transform_1, window_bounds = array<i64: 1024, 128>}, {transform_indices = @transform_2, window_bounds = array<i64: 32, 1024>}, {pipeline_mode = #tpu.pipeline_mode<synchronous>, transform_indices = @transform_3, window_bounds = array<i64: 1, 128>}, {pipeline_mode = #tpu.pipeline_mode<synchronous>, transform_indices = @transform_4, window_bounds = array<i64: 128, 128>}, {transform_indices = @transform_5, window_bounds = array<i64: 1024, 128>}]} {
    %get3A = arith.constant 0 : index
    %get3A_0 = arith.constant 0 : index
    %get3A_1 = vector.load %arg3[%get3A, %get3A_0] : memref<32x1024xf32, #tpu.memory_space<vmem>>, vector<32x1024xf32>
    %reduce_sum3A = arith.constant dense<0.000000e+00> : vector<1024xf32>
    %reduce_sum3A_2 = vector.multi_reduction <add>, %get3A_1, %reduce_sum3A [0] : vector<32x1024xf32> to vector<1024xf32>
    %add3A = arith.constant 1.000000e+00 : f32
    %add3A_3 = vector.broadcast %add3A : f32 to vector<1024xf32>
    %add3A_4 = arith.addf %reduce_sum3A_2, %add3A_3 : vector<1024xf32>
    %rsqrt3A = math.rsqrt %add3A_4 : vector<1024xf32>
    %get3A_5 = arith.constant 0 : index
    %get3A_6 = arith.constant 0 : index
    %get3A_7 = arith.constant 0 : index
    %get3A_8 = vector.load %arg1[%get3A_5, %get3A_6, %get3A_7] : memref<2x1024x128xf32, #tpu.memory_space<vmem>>, vector<1x1024x128xf32>
    %get3A_9 = vector.shape_cast %get3A_8 : vector<1x1024x128xf32> to vector<1024x128xf32>
    %get3A_10 = arith.constant 1 : index
    %get3A_11 = arith.constant 0 : index
    %get3A_12 = arith.constant 0 : index
    %get3A_13 = vector.load %arg1[%get3A_10, %get3A_11, %get3A_12] : memref<2x1024x128xf32, #tpu.memory_space<vmem>>, vector<1x1024x128xf32>
    %get3A_14 = vector.shape_cast %get3A_13 : vector<1x1024x128xf32> to vector<1024x128xf32>
    %add3A_15 = arith.addf %get3A_9, %get3A_14 : vector<1024x128xf32>
    %get3A_16 = arith.constant 0 : index
    %get3A_17 = arith.constant 0 : index
    %get3A_18 = vector.load %arg2[%get3A_16, %get3A_17] : memref<1024x128xf32, #tpu.memory_space<vmem>>, vector<1024x128xf32>
    %add3A_19 = arith.addf %add3A_15, %get3A_18 : vector<1024x128xf32>
    %broadcast_in_dim3A = vector.shape_cast %rsqrt3A : vector<1024xf32> to vector<1024x1xf32>
    %mul3A = vector.broadcast %broadcast_in_dim3A : vector<1024x1xf32> to vector<1024x128xf32>
    %mul3A_20 = arith.mulf %add3A_19, %mul3A : vector<1024x128xf32>
    %get3A_21 = arith.constant 0 : index
    %get3A_22 = arith.constant 0 : index
    %get3A_23 = vector.load %arg4[%get3A_21, %get3A_22] : memref<1x128xf32, #tpu.memory_space<vmem>>, vector<1x128xf32>
    %add3A_24 = vector.broadcast %get3A_23 : vector<1x128xf32> to vector<1024x128xf32>
    %add3A_25 = arith.addf %mul3A_20, %add3A_24 : vector<1024x128xf32>
    %max3A = arith.constant 0.000000e+00 : f32
    %max3A_26 = vector.broadcast %max3A : f32 to vector<1024x128xf32>
    %max3A_27 = arith.maximumf %add3A_25, %max3A_26 : vector<1024x128xf32>
    %get3A_28 = arith.constant 0 : index
    %get3A_29 = arith.constant 0 : index
    %get3A_30 = vector.load %arg5[%get3A_28, %get3A_29] : memref<128x128xf32, #tpu.memory_space<vmem>>, vector<128x128xf32>
    %dot_general3A = arith.constant dense<0.000000e+00> : vector<1024x128xf32>
    %dot_general3A_31 = tpu.matmul %max3A_27, %get3A_30, %dot_general3A {dimension_numbers = #tpu.dot_dimension_numbers<[1], [0], [0], [1], [0, 0, 1, 1], [], []>, transpose_lhs_hint = false} : vector<1024x128xf32>, vector<128x128xf32>, vector<1024x128xf32> -> vector<1024x128xf32>
    %broadcast_in_dim3A_32 = vector.shape_cast %rsqrt3A : vector<1024xf32> to vector<1024x1xf32>
    %mul3A_33 = vector.broadcast %broadcast_in_dim3A_32 : vector<1024x1xf32> to vector<1024x128xf32>
    %mul3A_34 = arith.mulf %dot_general3A_31, %mul3A_33 : vector<1024x128xf32>
    %mul3A_35 = arith.constant 1024 : i32
    %mul3A_36 = arith.muli %arg0, %mul3A_35 : i32
    %iota3A = tpu.iota {dimensions = array<i32: 0>} : vector<1024x1xi32>
    %add3A_37 = vector.broadcast %mul3A_36 : i32 to vector<1024x1xi32>
    %add3A_38 = arith.addi %add3A_37, %iota3A : vector<1024x1xi32>
    %lt3A = arith.constant 10000 : i32
    %lt3A_39 = vector.broadcast %lt3A : i32 to vector<1024x1xi32>
    %lt3A_40 = arith.cmpi slt, %add3A_38, %lt3A_39 : vector<1024x1xi32>
    %jit3A = arith.constant 0.000000e+00 : f32
    %broadcast_in_dim3A_41 = vector.shape_cast %lt3A_40 : vector<1024x1xi1> to vector<1024x1xi1>
    %broadcast_in_dim3A_42 = vector.broadcast %broadcast_in_dim3A_41 : vector<1024x1xi1> to vector<1024x128xi1>
    %broadcast_in_dim3A_43 = vector.broadcast %jit3A : f32 to vector<1024x128xf32>
    %select_n3A = arith.select %broadcast_in_dim3A_42, %mul3A_34, %broadcast_in_dim3A_43 : vector<1024x128xi1>, vector<1024x128xf32>
    %swap3A = arith.constant 0 : index
    %swap3A_44 = arith.constant 0 : index
    %swap3A_45 = vector.load %arg6[%swap3A, %swap3A_44] : memref<1024x128xf32, #tpu.memory_space<vmem>>, vector<1024x128xf32>
    tpu.vector_store %arg6[%swap3A, %swap3A_44], %select_n3A {strides = array<i32>} : memref<1024x128xf32, #tpu.memory_space<vmem>>, vector<1024x128xf32>,
    return
  }
  func.func @transform_0(%arg0: i32) -> (i32, i32, i32) {
    %c0_i32 = arith.constant 0 : i32
    %c0_i32_0 = arith.constant 0 : i32
    %c0_i32_1 = arith.constant 0 : i32
    return %c0_i32, %arg0, %c0_i32_0 : i32, i32, i32
  }
  func.func @transform_1(%arg0: i32) -> (i32, i32) {
    %c0_i32 = arith.constant 0 : i32
    %c0_i32_0 = arith.constant 0 : i32
    return %arg0, %c0_i32 : i32, i32
  }
  func.func @transform_2(%arg0: i32) -> (i32, i32) {
    %c0_i32 = arith.constant 0 : i32
    %c0_i32_0 = arith.constant 0 : i32
    return %c0_i32, %arg0 : i32, i32
  }
  func.func @transform_3(%arg0: i32) -> (i32, i32) {
    %c0_i32 = arith.constant 0 : i32
    %c0_i32_0 = arith.constant 0 : i32
    %c0_i32_1 = arith.constant 0 : i32
    return %c0_i32, %c0_i32_0 : i32, i32
  }
  func.func @transform_4(%arg0: i32) -> (i32, i32) {
    %c0_i32 = arith.constant 0 : i32
    %c0_i32_0 = arith.constant 0 : i32
    %c0_i32_1 = arith.constant 0 : i32
    return %c0_i32, %c0_i32_0 : i32, i32
  }
  func.func @transform_5(%arg0: i32) -> (i32, i32) {
    %c0_i32 = arith.constant 0 : i32
    %c0_i32_0 = arith.constant 0 : i32
    return %arg0, %c0_i32 : i32, i32
  }
}

module attributes {stable_mosaic.version = 14 : i64} {
  func.func @_t3_body(%arg0: i32, %arg1: memref<2x1024x128xf32, #tpu.memory_space<vmem>>, %arg2: memref<1024x128xf32, #tpu.memory_space<vmem>>, %arg3: memref<32x1024xf32, #tpu.memory_space<vmem>>, %arg4: memref<1x128xf32, #tpu.memory_space<vmem>>, %arg5: memref<1024x128xf32, #tpu.memory_space<vmem>>, %arg6: memref<1024x128xf32, #tpu.memory_space<vmem>>) attributes {dimension_semantics = [#tpu.dimension_semantics<arbitrary>], iteration_bounds = array<i64: 10>, scalar_prefetch = 0 : i64, scratch_operands = 0 : i64, tpu.core_type = #tpu.core_type<tc>, window_params = [{transform_indices = @transform_0, window_bounds = array<i64: 2, 1024, 128>}, {transform_indices = @transform_1, window_bounds = array<i64: 1024, 128>}, {transform_indices = @transform_2, window_bounds = array<i64: 32, 1024>}, {pipeline_mode = #tpu.pipeline_mode<synchronous>, transform_indices = @transform_3, window_bounds = array<i64: 1, 128>}, {transform_indices = @transform_4, window_bounds = array<i64: 1024, 128>}, {transform_indices = @transform_5, window_bounds = array<i64: 1024, 128>}]} {
    %get3A = arith.constant 0 : index
    %get3A_0 = arith.constant 0 : index
    %get3A_1 = vector.load %arg3[%get3A, %get3A_0] : memref<32x1024xf32, #tpu.memory_space<vmem>>, vector<32x1024xf32>
    %reduce_sum3A = arith.constant dense<0.000000e+00> : vector<1024xf32>
    %reduce_sum3A_2 = vector.multi_reduction <add>, %get3A_1, %reduce_sum3A [0] : vector<32x1024xf32> to vector<1024xf32>
    %add3A = arith.constant 1.000000e+00 : f32
    %add3A_3 = vector.broadcast %add3A : f32 to vector<1024xf32>
    %add3A_4 = arith.addf %reduce_sum3A_2, %add3A_3 : vector<1024xf32>
    %rsqrt3A = math.rsqrt %add3A_4 : vector<1024xf32>
    %get3A_5 = arith.constant 0 : index
    %get3A_6 = arith.constant 0 : index
    %get3A_7 = arith.constant 0 : index
    %get3A_8 = vector.load %arg1[%get3A_5, %get3A_6, %get3A_7] : memref<2x1024x128xf32, #tpu.memory_space<vmem>>, vector<1x1024x128xf32>
    %get3A_9 = vector.shape_cast %get3A_8 : vector<1x1024x128xf32> to vector<1024x128xf32>
    %get3A_10 = arith.constant 1 : index
    %get3A_11 = arith.constant 0 : index
    %get3A_12 = arith.constant 0 : index
    %get3A_13 = vector.load %arg1[%get3A_10, %get3A_11, %get3A_12] : memref<2x1024x128xf32, #tpu.memory_space<vmem>>, vector<1x1024x128xf32>
    %get3A_14 = vector.shape_cast %get3A_13 : vector<1x1024x128xf32> to vector<1024x128xf32>
    %add3A_15 = arith.addf %get3A_9, %get3A_14 : vector<1024x128xf32>
    %get3A_16 = arith.constant 0 : index
    %get3A_17 = arith.constant 0 : index
    %get3A_18 = vector.load %arg2[%get3A_16, %get3A_17] : memref<1024x128xf32, #tpu.memory_space<vmem>>, vector<1024x128xf32>
    %add3A_19 = arith.addf %add3A_15, %get3A_18 : vector<1024x128xf32>
    %broadcast_in_dim3A = vector.shape_cast %rsqrt3A : vector<1024xf32> to vector<1024x1xf32>
    %mul3A = vector.broadcast %broadcast_in_dim3A : vector<1024x1xf32> to vector<1024x128xf32>
    %mul3A_20 = arith.mulf %add3A_19, %mul3A : vector<1024x128xf32>
    %get3A_21 = arith.constant 0 : index
    %get3A_22 = arith.constant 0 : index
    %get3A_23 = vector.load %arg4[%get3A_21, %get3A_22] : memref<1x128xf32, #tpu.memory_space<vmem>>, vector<1x128xf32>
    %add3A_24 = vector.broadcast %get3A_23 : vector<1x128xf32> to vector<1024x128xf32>
    %add3A_25 = arith.addf %mul3A_20, %add3A_24 : vector<1024x128xf32>
    %swap3A = arith.constant 0 : index
    %swap3A_26 = arith.constant 0 : index
    %swap3A_27 = vector.load %arg5[%swap3A, %swap3A_26] : memref<1024x128xf32, #tpu.memory_space<vmem>>, vector<1024x128xf32>
    tpu.vector_store %arg5[%swap3A, %swap3A_26], %add3A_25 {strides = array<i32>} : memref<1024x128xf32, #tpu.memory_space<vmem>>, vector<1024x128xf32>,
    %reduce_max3A = arith.constant dense<0xFF800000> : vector<1024xf32>
    %reduce_max3A_28 = vector.multi_reduction <maximumf>, %add3A_25, %reduce_max3A [1] : vector<1024x128xf32> to vector<1024xf32>
    %broadcast_in_dim3A_29 = vector.shape_cast %reduce_max3A_28 : vector<1024xf32> to vector<1024x1xf32>
    %sub3A = vector.broadcast %broadcast_in_dim3A_29 : vector<1024x1xf32> to vector<1024x128xf32>
    %sub3A_30 = arith.subf %add3A_25, %sub3A : vector<1024x128xf32>
    %exp3A = math.exp %sub3A_30 : vector<1024x128xf32>
    %reduce_sum3A_31 = arith.constant dense<0.000000e+00> : vector<1024xf32>
    %reduce_sum3A_32 = vector.multi_reduction <add>, %exp3A, %reduce_sum3A_31 [1] : vector<1024x128xf32> to vector<1024xf32>
    %broadcast_in_dim3A_33 = vector.shape_cast %reduce_sum3A_32 : vector<1024xf32> to vector<1024x1xf32>
    %log3A = math.log %broadcast_in_dim3A_33 : vector<1024x1xf32>
    %add3A_34 = arith.addf %log3A, %broadcast_in_dim3A_29 : vector<1024x1xf32>
    %sub3A_35 = vector.broadcast %add3A_34 : vector<1024x1xf32> to vector<1024x128xf32>
    %sub3A_36 = arith.subf %add3A_25, %sub3A_35 : vector<1024x128xf32>
    %swap3A_37 = arith.constant 0 : index
    %swap3A_38 = arith.constant 0 : index
    %swap3A_39 = vector.load %arg6[%swap3A_37, %swap3A_38] : memref<1024x128xf32, #tpu.memory_space<vmem>>, vector<1024x128xf32>
    tpu.vector_store %arg6[%swap3A_37, %swap3A_38], %sub3A_36 {strides = array<i32>} : memref<1024x128xf32, #tpu.memory_space<vmem>>, vector<1024x128xf32>,
    return
  }
  func.func @transform_0(%arg0: i32) -> (i32, i32, i32) {
    %c0_i32 = arith.constant 0 : i32
    %c0_i32_0 = arith.constant 0 : i32
    %c0_i32_1 = arith.constant 0 : i32
    return %c0_i32, %arg0, %c0_i32_0 : i32, i32, i32
  }
  func.func @transform_1(%arg0: i32) -> (i32, i32) {
    %c0_i32 = arith.constant 0 : i32
    %c0_i32_0 = arith.constant 0 : i32
    return %arg0, %c0_i32 : i32, i32
  }
  func.func @transform_2(%arg0: i32) -> (i32, i32) {
    %c0_i32 = arith.constant 0 : i32
    %c0_i32_0 = arith.constant 0 : i32
    return %c0_i32, %arg0 : i32, i32
  }
  func.func @transform_3(%arg0: i32) -> (i32, i32) {
    %c0_i32 = arith.constant 0 : i32
    %c0_i32_0 = arith.constant 0 : i32
    %c0_i32_1 = arith.constant 0 : i32
    return %c0_i32, %c0_i32_0 : i32, i32
  }
  func.func @transform_4(%arg0: i32) -> (i32, i32) {
    %c0_i32 = arith.constant 0 : i32
    %c0_i32_0 = arith.constant 0 : i32
    return %arg0, %c0_i32 : i32, i32
  }
  func.func @transform_5(%arg0: i32) -> (i32, i32) {
    %c0_i32 = arith.constant 0 : i32
    %c0_i32_0 = arith.constant 0 : i32
    return %arg0, %c0_i32 : i32, i32
  }
}

</mosaic_0001>

<sc_bundles>
// kernel: kernel.12.cloned.1.call-start
scs
__scs_entry_jumppad:
0x0: {  	(pc) =	sbr.rel $0x88, $3  }
0x1: {  	(tag) =	ssettag $0x0;
	lr =	simm.s32 $0x1  }
0x2: {  	[smem:$0x3F9B] =	sst lr;
	_ =	strace $0xD0000000  }
0x3: {  	_ = 	snop  }
0x4: {  	_ = 	snop  }
0x5: {  	_ = 	snop  }
0x6: {  	_ = 	snop  }
0x7: {  	_ = 	snop  }
__scs_overlays_trampoline_lowered:
0x8: {  	[smem:$0x3FAA] =	sst s0  }
0x9: {  	[smem:$0x3FAB] =	sst s1  }
0xa: {  	[smem:$0x3FAC] =	sst s2  }
0xb: {  	[smem:$0x3FAD] =	sst s3  }
0xc: {  	[smem:$0x3FAE] =	sst s4  }
0xd: {  	[smem:$0x3FAF] =	sst s5  }
0xe: {  	[smem:$0x3FB0] =	sst s6  }
0xf: {  	[smem:$0x3FB1] =	sst s7  }
0x10: {  	[smem:$0x3FB2] =	sst s8  }
0x11: {  	[smem:$0x3FB3] =	sst s9;
	s0 =	simm.s32 @!p0 $0x0  }
0x12: {  	s1 =	sld [smem:$0x3F99];
	s0 =	simm.s32 @p0 $0x1  }
0x13: {  	[smem:$0x3FB4] =	sst s0;
	s0 =	simm.s32 @!p1 $0x0  }
0x14: {  	s2 =	sld [smem:$0x3F98];
	s0 =	simm.s32 @p1 $0x1  }
0x15: {  	[smem:$0x3FB5] =	sst s0;
	s0 =	simm.s32 @!p2 $0x0  }
0x16: {  	s3 =	sld [smem:$0x3FDB];
	s0 =	simm.s32 @p2 $0x1  }
0x17: {  	s4 =	simm.s32 $0x1BF5;
	[smem:$0x3FB7] =	sst s0  }
0x18: {  	s0 =	sld [smem:$0x3F9A];
	_ =	swait.ge [sflag:s4], $0x0  }
0x19: {  	s7 =	sld [smem:$0x3F9B]  }
0x1a: {  	s8 =	sadd.s32 $0xFFFFE003, lr  }
0x1b: {  	s9 =	sadd.s32 $0xFFFFFEF7, lr;
	s5 =	simm.s32 $0xFFFFFFFF;
	p2 =	slt.u32 s8, $0xFFFFF086  }
0x1c: {  	p1 =	slt.u32 s9, $0xF7A;
	s5 =	simm.s32 @!p2 $0x0  }
0x1d: {  	s5 =	simm.s32 @p1 $0x1;
	p0 =	seq.s32 s7, s2  }
0x1e: {  	s7 =	smul.u32 @!p0 $0xF7A, s2;
	p2 =	seq.s32 @!p0 s5, $0x0  }
0x1f: {  	s9 =	smul.u32 $0xF7A, s1;
	s8 =	simm.s32 @!p0 $0x1BF5;
	p2 =	por !p2, p0  }
0x20: {  	[sflag:s8] =	ssyncset.s32 @!p0 $0xFFFFF086;
	s6 =	sadd.s32 @!p0 s3, s7;
	s7 =	simm.s32 @!p0 $0x108  }
0x21: {  	s3 =	sadd.s32 s3, s9;
	s6 =	sadd.s32 @!p0 $0x88, s6;
	s7 =	simm.s32 @p2 $0x1082  }
0x22: {  	[simem:s7], [sflag:s8] =	dma.local @!p0 [hbm:s6], $0xF7A  }
0x23: {  	s9 =	sor.u32 $0xD0000000, s2;
	s6 =	simm.s32 $0x108;
	_ =	swait.ge @!p0 [sflag:s8], $0x0  }
0x24: {  	s3 =	sadd.s32 $0x88, s3;
	s6 =	simm.s32 @!p1 $0x1082;
	[sflag:s4] =	ssyncset.s32 $0xFFFFF086  }
0x25: {  	[simem:s6], [sflag:s4] =	dma.local [hbm:s3], $0xF7A  }
0x26: {  	[smem:$0x3F9B] =	sst s1;
	(tag) =	ssettag s2;
	_ =	strace s9  }
0x27: {  	s1 =	sld [smem:$0x3FAB]  }
0x28: {  	s2 =	sld [smem:$0x3FAC]  }
0x29: {  	s4 =	sld [smem:$0x3FAE]  }
0x2a: {  	p0 =	seq.s32 s5, $0x0;
	s5 =	sld [smem:$0x3FAF]  }
0x2b: {  	s6 =	sld [smem:$0x3FB0]  }
0x2c: {  	s7 =	sld [smem:$0x3FB1]  }
0x2d: {  	s3 =	simm.s32 $0x108;
	s8 =	sld [smem:$0x3FB2]  }
0x2e: {  	s3 =	simm.s32 @!p0 $0x1082;
	s9 =	sld [smem:$0x3FB3]  }
0x2f: {  	lr =	sadd.s32 s0, s3;
	s0 =	sld [smem:$0x3FAA]  }
0x30: {  	s3 =	sld [smem:$0x3FAD]  }
0x31: {  	[smem:$0x3FB6] =	sst s10  }
0x32: {  	s10 =	sld [smem:$0x3FB4];
	_ =	sdelay $0x3  }
0x33: {  	p0 =	seq.s32 s10, $0x1;
	s10 =	sld [smem:$0x3FB6];
	_ =	sdelay $0x3  }
0x34: {  	[smem:$0x3FB6] =	sst s10  }
0x35: {  	s10 =	sld [smem:$0x3FB5];
	_ =	sdelay $0x3  }
0x36: {  	p1 =	seq.s32 s10, $0x1;
	s10 =	sld [smem:$0x3FB6];
	_ =	sdelay $0x3  }
0x37: {  	[smem:$0x3FB6] =	sst s10  }
0x38: {  	s10 =	sld [smem:$0x3FB7]  }
0x39: {  	_ = 	snop;
	(pc) =	sbr.ind lr, $3  }
0x3a: {  	_ = 	snop  }
0x3b: {  	_ = 	snop  }
0x3c: {  	p2 =	seq.s32 s10, $0x1;
	s10 =	sld [smem:$0x3FB6]  }
0x3d: {  	_ =	shalt  }
0x3e: {  	_ =	shalt  }
0x3f: {  	_ =	shalt  }
0x40: {  	_ =	shalt  }
0x41: {  	_ =	shalt  }
0x42: {  	_ =	shalt  }
0x43: {  	_ =	shalt  }
0x44: {  	_ =	shalt  }
0x45: {  	_ =	shalt  }
0x46: {  	_ =	shalt  }
0x47: {  	_ =	shalt  }
0x48: {  	_ =	shalt  }
0x49: {  	_ =	shalt  }
0x4a: {  	_ =	shalt  }
0x4b: {  	_ =	shalt  }
0x4c: {  	_ =	shalt  }
0x4d: {  	_ =	shalt  }
0x4e: {  	_ =	shalt  }
0x4f: {  	_ =	shalt  }
0x50: {  	_ =	shalt  }
0x51: {  	_ =	shalt  }
0x52: {  	_ =	shalt  }
0x53: {  	_ =	shalt  }
0x54: {  	_ =	shalt  }
0x55: {  	_ =	shalt  }
0x56: {  	_ =	shalt  }
0x57: {  	_ =	shalt  }
0x58: {  	_ =	shalt  }
0x59: {  	_ =	shalt  }
0x5a: {  	_ =	shalt  }
0x5b: {  	_ =	shalt  }
0x5c: {  	_ =	shalt  }
0x5d: {  	_ =	shalt  }
0x5e: {  	_ =	shalt  }
0x5f: {  	_ =	shalt  }
0x60: {  	_ =	shalt  }
0x61: {  	_ =	shalt  }
0x62: {  	_ =	shalt  }
0x63: {  	_ =	shalt  }
0x64: {  	_ =	shalt  }
0x65: {  	_ =	shalt  }
0x66: {  	_ =	shalt  }
0x67: {  	_ =	shalt  }
0x68: {  	_ =	shalt  }
0x69: {  	_ =	shalt  }
0x6a: {  	_ =	shalt  }
0x6b: {  	_ =	shalt  }
0x6c: {  	_ =	shalt  }
0x6d: {  	_ =	shalt  }
0x6e: {  	_ =	shalt  }
0x6f: {  	_ =	shalt  }
0x70: {  	_ =	shalt  }
0x71: {  	_ =	shalt  }
0x72: {  	_ =	shalt  }
0x73: {  	_ =	shalt  }
0x74: {  	_ =	shalt  }
0x75: {  	_ =	shalt  }
0x76: {  	_ =	shalt  }
0x77: {  	_ =	shalt  }
0x78: {  	_ =	shalt  }
0x79: {  	_ =	shalt  }
0x7a: {  	_ =	shalt  }
0x7b: {  	_ =	shalt  }
0x7c: {  	_ =	shalt  }
0x7d: {  	_ =	shalt  }
0x7e: {  	_ =	shalt  }
0x7f: {  	_ =	shalt  }
0x80: {  	_ =	shalt  }
0x81: {  	_ =	shalt  }
0x82: {  	_ =	shalt  }
0x83: {  	_ =	shalt  }
0x84: {  	_ =	shalt  }
0x85: {  	_ =	shalt  }
0x86: {  	_ =	shalt  }
0x87: {  	_ =	shalt  }
.Lfunc_end0:
.L_simem_size_0:
called_computation.1_lowered:
.L_overlay_start_0:
0x88: {  	s2 =	sld [smem:$0x3FD9]  }
0x89: {  	s3 =	sld [smem:$0x3FFE];
	_ =	sdelay $0x1  }
0x8a: {  	s1 =	srdreg.scid  }
0x8b: {  	s0 =	sand.u32 $0x1, s1  }
0x8c: {  	s14 =	sshll.u32 s0, $0xA;
	s2 =	sadd.s32 s3, s2  }
0x8d: {  	s2 =	sadd.s32 s2, s14  }
0x8e: {  	[smem:$0x3FC2] =	sst s2  }
0x8f: {  	_ = 	snop  }
0x90: {  	s2 =	sld [smem:$0x3FD0];
	_ =	sdelay $0x2  }
0x91: {  	s15 =	simm.s32 $0xA;
	s4 =	simm.s32 $0x10  }
0x92: {  	[smem:s4], [sflag:s15] =	dma.local [hbm:s2], $0x1  }
0x93: {  	_ =	swait.eq [sflag:s15], $0x1  }
0x94: {  	[sflag:s15] =	ssyncset.done $0x0  }
0x95: {  	s16 =	sld [smem:$0x10];
	[sflag:s15] =	ssyncadd.s32 $0xFFFFFFFF  }
0x96: {  	s17 =	sld [smem:$0x11];
	(tm) =	ssettm $0x1  }
0x97: {  	s18 =	sld [smem:$0x3FFB];
	_ =	sdelay $0x3  }
0x98: {  	_ =	strace s18  }
0x99: {  	s4 =	sld [smem:$0x3FFC];
	_ =	sdelay $0x3  }
0x9a: {  	_ =	strace s4  }
0x9b: {  	s4 =	sld [smem:$0x3FFD];
	_ =	sdelay $0x3  }
0x9c: {  	_ =	strace s4  }
0x9d: {  	_ =	strace $0x8FFFFFFF  }
0x9e: {  	s19 =	sld [smem:$0x3FDB];
	_ =	sdelay $0x1  }
0x9f: {  	s5 =	simm.s32 $_scs_section_size  }
0xa0: {  	s6 =	simm.s32 $_size__tile_overlayer_lowered;
	s7 =	simm.s32 $_tile_overlayer_lowered  }
0xa1: {  	s22 =	simm.s32 $0x1BFF;
	s21 =	sshll.u32 s7, $0x1;
	s4 =	sadd.s32 s5, s19  }
0xa2: {  	s8 =	simm.s32 $0x0;
	s20 =	sshll.u32 s6, $0x1;
	s6 =	sadd.s32 s21, s4  }
0xa3: {  	[timem:s8], [sflag:s22] =	dma.local [hbm:s6], s20  }
0xa4: {  	_ =	swait.ge [sflag:s22], s20  }
0xa5: {  	s5 =	ssub.s32 $0x0, s20;
	[sflag:s22] =	ssyncset.done $0x0  }
0xa6: {  	[sflag:s22] =	ssyncadd.s32 s5;
	_ =	sdelay $0x1  }
0xa7: {  	s23 =	simm.s32 $0x1B8B  }
0xa8: {  	_ =	swait.ge [sflag:s23], $0x1  }
0xa9: {  	[sflag:s23] =	ssyncset.done $0x0  }
0xaa: {  	s25 =	simm.s32 $0x1B8E;
	s24 =	sld [smem:$0x3FFE];
	[sflag:s23] =	ssyncadd.s32 $0xFFFFFFFF  }
0xab: {  	s26 =	simm.s32 $execute0_lowered;
	[smem:$0x3FD2] =	sst s25  }
0xac: {  	s6 =	sshll.u32 s26, $0x1;
	_ =	strace $0x80000049;
	[dreg:$0x1] =	wrdreg $0xFFFFFFFF  }
0xad: {  	s28 =	simm.s32 $_size_execute0_lowered;
	s4 =	sadd.s32 s4, s6;
	[dreg:$0x0] =	wrdreg $0x0  }
0xae: {  	s6 =	sshll.u32 s28, $0x1;
	[dreg:$0x2] =	wrdreg s4  }
0xaf: {  	[dreg:$0x3] =	wrdreg s6  }
0xb0: {  	[dreg:$0x4] =	wrdreg $0xC0  }
0xb1: {  	_ =	task [dreg:s8], $0x5FFFF  }
0xb2: {  	[dreg:$0x1] =	wrdreg $0xFFFFFFFF  }
0xb3: {  	[dreg:$0x0] =	wrdreg $0x60  }
0xb4: {  	[dreg:$0x2] =	wrdreg s24  }
0xb5: {  	[dreg:$0x3] =	wrdreg s17  }
0xb6: {  	[dreg:$0x4] =	wrdreg s16  }
0xb7: {  	[dreg:$0x5] =	wrdreg $0xA0000  }
0xb8: {  	[dreg:$0x6] =	wrdreg $0x9  }
0xb9: {  	_ =	task.clear_ibuf [dreg:s8], $0x7FFFF;
	_ =	strace $0x90000049  }
0xba: {  	s29 =	simm.s32 $0x9;
	_ =	strace $0x8000004B  }
0xbb: {  	_ =	swait.ge [sflag:s29], $0x1  }
0xbc: {  	[sflag:s29] =	ssyncadd.s32 $0xFFFFFFFF  }
0xbd: {  	_ =	strace $0x9000004B  }
0xbe: {  	_ =	sfence  }
0xbf: {  	s30 =	sld [smem:$0x0];
	_ =	sdelay $0x2  }
0xc0: {  	s31 =	sshll.u32 s1, $0xD;
	s1 =	sshrl.u32 s1, $0x2  }
0xc1: {  	s3 =	sand.u32 $0x4000, s31;
	s1 =	sadd.s32 s1, s30  }
0xc2: {  	s0 =	sor.u32 s3, s0;
	s1 =	sshll.u32 s1, $0x11  }
0xc3: {  	s0 =	sor.u32 s1, s0  }
0xc4: {  	s0 =	sadd.s32 $0x8F2B, s0  }
0xc5: {  	[sflag:s0] =	ssyncadd.remote.s32 $0x1  }
0xc6: {  	_ =	sfence.sel $0xFFFF  }
0xc7: {  	[dreg:$0x0] =	wrdreg $0xFFFFFFFF;
	(pc) =	sbr.abs _section_cstart, $3  }
0xc8: {  	[dreg:$0x1] =	wrdreg $0xFFFFFFFF  }
0xc9: {  	_ =	task.clear_ibuf [dreg:s8], $0x2FFFF;
	_ =	strace $0x9FFFFFFF  }
0xca: {  	(tm) =	ssettm $0x7FFFFFFF  }
0xcb: {  	_ =	shalt  }
tec
execute0_lowered:
.L_overlay_start_1:
0x0: {  	(tag) =	ssettag $0x1  }
0x1: {  	s7 =	rddreg [dreg:$0x0]  }
0x2: {  	s0 =	rddreg [dreg:$0x1]  }
0x3: {  	s3 =	rddreg [dreg:$0x2];
	s1 =	srdreg.scid  }
0x4: {  	s4 =	rddreg [dreg:$0x3];
	s28 =	stileid.u32  }
0x5: {  	s2 =	simm.s32 $0x0;
	s20 =	simm.s32 $0x40;
	s22 =	simm.s32 $0x800  }
0x6: {  	s23 =	simm.s32 $0x8000;
	s24 =	simm.s32 $0x80;
	s25 =	simm.s32 $0x2  }
0x7: {  	s26 =	simm.s32 $0x0;
	s8 =	sand.u32 $0x1, s1;
	s9 =	smul.u32 $0x14000, s28  }
0x8: {  	[smem:$0x7FF] =	sst s2;
	s29 =	smul.u32 $0x50000, s28;
	s30 =	sshll.u32 s28, $0x3  }
0x9: {  	s6 =	smul.u32 $0x140000, s8;
	_ =	strace $0x8000004A;
	s10 =	ssub.s32 $0x2, s8  }
0xa: {  	p0 =	seq.s32 s8, $0x0;
	s8 =	smul.u32 $0x98, s28;
	[dreg:$0x6] =	wrdreg s22  }
0xb: {  	s14 =	sor.u32 $0x980, s30;
	s22 =	simm.s32 $0x6000;
	[dreg:$0x7] =	wrdreg s23  }
0xc: {  	s23 =	simm.s32 $0x1;
	s11 =	sshrl.u32 s10, $0x1;
	s9 =	sadd.s32 s9, s6  }
0xd: {  	s6 =	sadd.s32 $0x2800, s7;
	s16 =	ssub.s32 s10, s11;
	s14 =	smov.u32 @p0 s8  }
0xe: {  	s9 =	sshrl.u32 s9, $0x3;
	s17 =	sshll.u32 s14, $0x4;
	s31 =	sshll.u32 s14, $0x7  }
0xf: {  	s16 =	smax.u32 s16, $0x1;
	s15 =	sadd.s32 s9, s7;
	s7 =	simm.s32 $0x98  }
0x10: {  	s9 =	sshrl.u32 s29, $0x2;
	s13 =	sadd.s32 s0, s17;
	s14 =	sadd.s32 s3, s17  }
0x11: {  	[dreg:$0x5] =	wrdreg s31;
	s17 =	simm.s32 $0x2000;
	s8 =	sadd.s32 s9, s4  }
0x12: {  	s7 =	simm.s32 @!p0 $0x8;
	s15 =	sadd.s32 $0x2A800, s15;
	s9 =	sadd.s32 $0x4000, s8  }
0x13: {  	s10 =	sadd.s32 $0x8000, s8;
	s11 =	sadd.s32 $0xC000, s8;
	s18 =	sshrl.u32 s7, $0x1  }
0x14: {  	v0 =	vimm.f32 $0.0e+00;
	s12 =	sadd.s32 $0x10000, s8;
	[dreg:$0x8] =	wrdreg s18;
	s18 =	simm.s32 $0x3  }
.LBB2_1:
0x15: {  	s1 =	simm.s32 $0x0  }
0x16: {  	s28 =	sand.u32 $0xFE00, s1  }
0x17: {  	s29 =	sand.u32 $0x70, s1;
	s30 =	sshrl.u32 s28, $0x2  }
0x18: {  	s28 =	simm.s32 $0x40;
	s30 =	sor.u32 s29, s30;
	s29 =	simm.s32 $0x0  }
.LBB2_2:
0x19: {  	p0 =	sne.s32 s28, $0xFFC0  }
0x1a: {  	[tilespmem:s30+$0x2000] =	vst v0;
	s29 =	sadd.s32 $0x10, s29;
	s30 =	smov.u32 s28;
	s28 =	sadd.s32 $0x40, s28  }
.Ltmp0:
0x1b: {  	(pc) =	sbr.rel @p0 .LBB2_2-.Ltmp0, $4  }
0x1c: {  	_ = 	snop  }
0x1d: {  	s30 =	sand.u32 $0xFE00, s30  }
0x1e: {  	s31 =	sand.u32 $0x70, s29;
	s30 =	sshrl.u32 s30, $0x2  }
0x1f: {  	s30 =	sor.u32 s31, s30  }
0x20: {  	[tilespmem:s30+$0x2000] =	vst v0  }
0x21: {  	[spmem:s8] =	stream.linear.scatter [tilespmem:s17], [sflag:$0x3], $0x4000, $0x38;
	[tilespmem:$0x1E000] =	vst v63  }
0x22: {  	_ =	swait.ge [sflag:s18], $0x4000  }
0x23: {  	[sflag:s18] =	ssyncset.done $0x0  }
0x24: {  	[sflag:s18] =	ssyncadd.s32 $0xFFFFC000  }
0x25: {  	[spmem:s9] =	stream.linear.scatter [tilespmem:s17], [sflag:$0x3], $0x4000, $0x38;
	[tilespmem:$0x1E000] =	vst v63  }
0x26: {  	_ =	swait.ge [sflag:s18], $0x4000  }
0x27: {  	[sflag:s18] =	ssyncset.done $0x0  }
0x28: {  	[sflag:s18] =	ssyncadd.s32 $0xFFFFC000  }
0x29: {  	[spmem:s10] =	stream.linear.scatter [tilespmem:s17], [sflag:$0x3], $0x4000, $0x38;
	[tilespmem:$0x1E000] =	vst v63  }
0x2a: {  	_ =	swait.ge [sflag:s18], $0x4000  }
0x2b: {  	[sflag:s18] =	ssyncset.done $0x0  }
0x2c: {  	[sflag:s18] =	ssyncadd.s32 $0xFFFFC000  }
0x2d: {  	[spmem:s11] =	stream.linear.scatter [tilespmem:s17], [sflag:$0x3], $0x4000, $0x38;
	[tilespmem:$0x1E000] =	vst v63  }
0x2e: {  	_ =	swait.ge [sflag:s18], $0x4000  }
0x2f: {  	[sflag:s18] =	ssyncset.done $0x0  }
0x30: {  	[sflag:s18] =	ssyncadd.s32 $0xFFFFC000  }
0x31: {  	[spmem:s12] =	stream.linear.scatter [tilespmem:s17], [sflag:$0x3], $0x4000, $0x38;
	[tilespmem:$0x1E000] =	vst v63  }
0x32: {  	_ =	swait.ge [sflag:s18], $0x4000  }
0x33: {  	[sflag:s18] =	ssyncset.done $0x0  }
0x34: {  	s30 =	simm.s32 $0x0;
	[sflag:s18] =	ssyncadd.s32 $0xFFFFC000  }
0x35: {  	[tilespmem:s30], [sflag:$0x3] =	stream.linear.gather [hbm4b:s13+s30], $0x800, $0x38;
	[tilespmem:$0x1E000] =	vst v63  }
0x36: {  	_ =	swait.ge [sflag:s18], $0x800  }
0x37: {  	[sflag:s18] =	ssyncset.done $0x0  }
0x38: {  	s1 =	simm.s32 $0x1000;
	[sflag:s18] =	ssyncadd.s32 $0xFFFFF800  }
0x39: {  	[tilespmem:s1], [sflag:$0x3] =	stream.linear.gather [hbm4b:s14+s30], $0x800, $0x38;
	[tilespmem:$0x1E000] =	vst v63  }
0x3a: {  	_ =	swait.ge [sflag:s18], $0x800  }
0x3b: {  	[sflag:s18] =	ssyncset.done $0x0  }
0x3c: {  	[sflag:s18] =	ssyncadd.s32 $0xFFFFF800  }
0x3d: {  	[tilespmem:s17], [sflag:$0x1] =	stream.indirect.gather [hbm4b:s6+s20], $0x80, s30, s20, $0xb8;
	[tilespmem:$0x1E000] =	vst v63  }
0x3e: {  	s31 =	simm.s32 $0x4000  }
0x3f: {  	[tilespmem:s31], [sflag:$0x1] =	stream.indirect.gather [hbm4b:s6+s20], $0x80, s20, s20, $0xb8;
	[tilespmem:$0x1E000] =	vst v63  }
0x40: {  	s28 =	simm.s32 $0x100;
	s29 =	simm.s32 $0x0;
	[bflag:$0x0] =	sbarrier.arrive $0xFFFF  }
.LBB2_4:
0x41: {  	s31 =	sadd.s32 $0x10, s30  }
0x42: {  	s1 =	sand.u32 $0xE, s30;
	p0 =	sge.u32 s31, s7  }
0x43: {  	p1 =	sne.s32 @!p0 s1, $0x0  }
0x44: {  	s31 =	sshrl.u32 s29, $0x3;
	p0 =	por p1, p0  }
0x45: {  	s19 =	sshll.u32 @!p0 s31, $0xB  }
0x46: {  	s2 =	rddreg [dreg:$0x5];
	s19 =	sadd.s32 @!p0 $0x800, s19  }
0x47: {  	s2 =	sadd.s32 @!p0 s2, s19  }
0x48: {  	s2 =	sshrl.u32 @!p0 s2, $0x3  }
0x49: {  	s5 =	simm.s32 @!p0 $0x0;
	s19 =	sand.u32 @!p0 $0x800, s19;
	s21 =	sadd.s32 @!p0 s0, s2  }
0x4a: {  	[tilespmem:s19], [sflag:$0x3] =	stream.linear.gather @!p0 [hbm4b:s21+s5], $0x800, $0x38;
	[tilespmem:$0x1E000] =	vst v63  }
0x4b: {  	s21 =	simm.s32 @!p0 $0x3  }
0x4c: {  	_ =	swait.ge @!p0 [sflag:s21], $0x800  }
0x4d: {  	[sflag:s21] =	ssyncset.done @!p0 $0x0  }
0x4e: {  	s2 =	sadd.s32 @!p0 s3, s2;
	s19 =	sor.u32 @!p0 $0x1000, s19;
	[sflag:s21] =	ssyncadd.s32 @!p0 $0xFFFFF800  }
0x4f: {  	[tilespmem:s19], [sflag:$0x3] =	stream.linear.gather @!p0 [hbm4b:s2+s5], $0x800, $0x38;
	[tilespmem:$0x1E000] =	vst v63  }
0x50: {  	s31 =	sand.u32 $0x1, s31;
	_ =	swait.ge @!p0 [sflag:s21], $0x800  }
0x51: {  	p1 =	seq.s32 s31, $0x1;
	s19 =	sadd.s32 $0xFFFFFF00, s28;
	s2 =	rddreg [dreg:$0x6]  }
0x52: {  	s5 =	sand.u32 $0x700, s19;
	s2 =	simm.s32 @!p1 $0x0  }
0x53: {  	[sflag:s21] =	ssyncset.done @!p0 $0x0;
	s5 =	sor.u32 s2, s5  }
0x54: {  	[sflag:s21] =	ssyncadd.s32 @!p0 $0xFFFFF800;
	s19 =	sor.u32 $0x80, s5  }
0x55: {  	[tilespmem:s22], [sflag:$0x2] =	stream.indirect.gather [hbm4b:s6+s20], $0x80, s19, s20, $0xb8;
	[tilespmem:$0x1E000] =	vst v63  }
0x56: {  	s31 =	rddreg [dreg:$0x7];
	s5 =	sor.u32 $0xC0, s5  }
0x57: {  	[tilespmem:s31], [sflag:$0x2] =	stream.indirect.gather [hbm4b:s6+s20], $0x80, s5, s20, $0xb8;
	[tilespmem:$0x1E000] =	vst v63  }
0x58: {  	_ =	swait.ge [sflag:s23], $0x2000  }
0x59: {  	[sflag:s23] =	ssyncset.done $0x0  }
0x5a: {  	[sflag:s23] =	ssyncadd.s32 $0xFFFFE000  }
0x5b: {  	s1 =	sshll.u32 s1, $0x7;
	_ =	swait.ge [sflag:s23], $0x2000  }
0x5c: {  	s1 =	sor.u32 s1, s2;
	[sflag:s23] =	ssyncset.done $0x0  }
0x5d: {  	s30 =	sadd.s32 $0x2, s30;
	s1 =	sor.u32 $0x1000, s1;
	[sflag:s23] =	ssyncadd.s32 $0xFFFFE000  }
0x5e: {  	[spmem:s4] =	stream.indirect.scatter.add.f32 [tilespmem:s17], [sflag:$0x3], $0x80, s1, s24, $0xb8;
	[tilespmem:$0x1E000] =	vst v63  }
0x5f: {  	p0 =	sge.u32 s30, s7;
	_ =	swait.ge [sflag:s18], $0x4000  }
0x60: {  	s2 =	simm.s32 @!p0 $0x40;
	[sflag:s18] =	ssyncset.done $0x0  }
0x61: {  	s5 =	simm.s32 @!p0 $0x2000;
	s1 =	sand.u32 @!p0 $0xF00, s28;
	[sflag:s18] =	ssyncadd.s32 $0xFFFFC000  }
0x62: {  	[tilespmem:s5], [sflag:$0x1] =	stream.indirect.gather @!p0 [hbm4b:s6+s2], $0x80, s1, s2, $0xb8;
	[tilespmem:$0x1E000] =	vst v63  }
0x63: {  	s1 =	sor.u32 @!p0 $0x40, s1;
	s5 =	simm.s32 @!p0 $0x4000  }
0x64: {  	[tilespmem:s5], [sflag:$0x1] =	stream.indirect.gather @!p0 [hbm4b:s6+s2], $0x80, s1, s2, $0xb8;
	[tilespmem:$0x1E000] =	vst v63  }
0x65: {  	_ =	swait.ge [sflag:s25], $0x2000  }
0x66: {  	[sflag:s25] =	ssyncset.done $0x0  }
0x67: {  	[sflag:s25] =	ssyncadd.s32 $0xFFFFE000  }
0x68: {  	_ =	swait.ge [sflag:s25], $0x2000  }
0x69: {  	[sflag:s25] =	ssyncset.done $0x0  }
0x6a: {  	s21 =	sor.u32 $0x1000, s19;
	[sflag:s25] =	ssyncadd.s32 $0xFFFFE000  }
0x6b: {  	[spmem:s4] =	stream.indirect.scatter.add.f32 [tilespmem:s22], [sflag:$0x3], $0x80, s21, s24, $0xb8;
	[tilespmem:$0x1E000] =	vst v63  }
0x6c: {  	_ =	swait.ge [sflag:s18], $0x4000  }
0x6d: {  	s29 =	sadd.s32 $0x1, s29;
	s31 =	rddreg [dreg:$0x8]  }
0x6e: {  	p0 =	sne.s32 s31, s29  }
.Ltmp1:
0x6f: {  	_ = 	snop;
	(pc) =	sbr.rel @p0 .LBB2_4-.Ltmp1, $3  }
0x70: {  	_ =	sdelay $0x1  }
0x71: {  	[sflag:s18] =	ssyncset.done $0x0  }
0x72: {  	s28 =	sadd.s32 $0x100, s28;
	[sflag:s18] =	ssyncadd.s32 $0xFFFFC000  }
0x73: {  	s1 =	stileid.u32;
	s26 =	sadd.s32 $0x1, s26  }
0x74: {  	[bflag:$0x0] =	sbarrier.arrive $0xFFFF;
	s1 =	sshll.u32 s1, $0x6;
	p0 =	sne.s32 s26, s16  }
.Ltmp2:
0x75: {  	s2 =	sshrl.u32 s8, $0x3;
	s1 =	sor.u32 $0x1C03, s1;
	(pc) =	sbr.rel @p0 .LBB2_1-.Ltmp2, $4  }
0x76: {  	[hbm:s15], [sflag:s1] =	dma.local [spmem:s2], $0x2800  }
0x77: {  	_ =	swait.ge [sflag:s18], $0x2800  }
0x78: {  	[sflag:s18] =	ssyncset.done $0x0  }
0x79: {  	[sflag:s18] =	ssyncadd.s32 $0xFFFFD800  }
0x7a: {  	_ =	sfence.sel $0x180000  }
0x7b: {  	[bflag:$0x0] =	sbarrier.arrive $0xFFFF  }
0x7c: {  	_ =	strace $0x9000004A  }
0x7d: {  	s0 =	stileid.u32;
	[bflag:$0x2] =	sbarrier.arrive $0xFFFF  }
0x7e: {  	p0 =	sne.s32 s0, $0x0;
	s0 =	rddreg [dreg:$0x4]  }
0x7f: {  	s0 =	sadd.s32 @!p0 $0x100000, s0  }
0x80: {  	[sflag:s0] =	ssyncadd.tile.s32 @!p0 $0x1;
	_ =	shalt  }
.Lfunc_end2:
_tile_overlayer_lowered:
.L_overlay_start_2:
0x81: {  	(tag) =	ssettag $0x2  }
0x82: {  	s0 =	rddreg [dreg:$0x0];
	s2 =	stileid.u32  }
0x83: {  	s1 =	rddreg [dreg:$0x1];
	p0 =	sne.s32 s2, $0x0  }
0x84: {  	s3 =	rddreg [dreg:$0x2];
	[bflag:$0x3] =	sbarrier.arrive $0xFFFF;
	s2 =	simm.s32 @!p0 $0x1C03  }
0x85: {  	[timem:s3], [sflag:s2] =	dma.local @!p0 [hbm:s0], s1  }
0x86: {  	s0 =	simm.s32 @!p0 $0x3  }
0x87: {  	_ =	swait.ge @!p0 [sflag:s0], s1  }
0x88: {  	s1 =	ssub.s32 @!p0 $0x0, s1;
	[sflag:s0] =	ssyncset.done @!p0 $0x0  }
0x89: {  	[sflag:s0] =	ssyncadd.s32 @!p0 s1  }
0x8a: {  	[bflag:$0x3] =	sbarrier.arrive $0xFFFF  }
0x8b: {  	_ =	shalt  }

// kernel: kernel.15.cloned.1.call-start
scs
__scs_entry_jumppad:
0x0: {  	(pc) =	sbr.rel $0x88, $3  }
0x1: {  	(tag) =	ssettag $0x0;
	lr =	simm.s32 $0x1  }
0x2: {  	[smem:$0x3F9B] =	sst lr;
	_ =	strace $0xD0000000  }
0x3: {  	_ = 	snop  }
0x4: {  	_ = 	snop  }
0x5: {  	_ = 	snop  }
0x6: {  	_ = 	snop  }
0x7: {  	_ = 	snop  }
__scs_overlays_trampoline_lowered:
0x8: {  	[smem:$0x3FAA] =	sst s0  }
0x9: {  	[smem:$0x3FAB] =	sst s1  }
0xa: {  	[smem:$0x3FAC] =	sst s2  }
0xb: {  	[smem:$0x3FAD] =	sst s3  }
0xc: {  	[smem:$0x3FAE] =	sst s4  }
0xd: {  	[smem:$0x3FAF] =	sst s5  }
0xe: {  	[smem:$0x3FB0] =	sst s6  }
0xf: {  	[smem:$0x3FB1] =	sst s7  }
0x10: {  	[smem:$0x3FB2] =	sst s8  }
0x11: {  	[smem:$0x3FB3] =	sst s9;
	s0 =	simm.s32 @!p0 $0x0  }
0x12: {  	s1 =	sld [smem:$0x3F99];
	s0 =	simm.s32 @p0 $0x1  }
0x13: {  	[smem:$0x3FB4] =	sst s0;
	s0 =	simm.s32 @!p1 $0x0  }
0x14: {  	s2 =	sld [smem:$0x3F98];
	s0 =	simm.s32 @p1 $0x1  }
0x15: {  	[smem:$0x3FB5] =	sst s0;
	s0 =	simm.s32 @!p2 $0x0  }
0x16: {  	s3 =	sld [smem:$0x3FDB];
	s0 =	simm.s32 @p2 $0x1  }
0x17: {  	s4 =	simm.s32 $0x1BF5;
	[smem:$0x3FB7] =	sst s0  }
0x18: {  	s0 =	sld [smem:$0x3F9A];
	_ =	swait.ge [sflag:s4], $0x0  }
0x19: {  	s7 =	sld [smem:$0x3F9B]  }
0x1a: {  	s8 =	sadd.s32 $0xFFFFE003, lr  }
0x1b: {  	s9 =	sadd.s32 $0xFFFFFEF7, lr;
	s5 =	simm.s32 $0xFFFFFFFF;
	p2 =	slt.u32 s8, $0xFFFFF086  }
0x1c: {  	p1 =	slt.u32 s9, $0xF7A;
	s5 =	simm.s32 @!p2 $0x0  }
0x1d: {  	s5 =	simm.s32 @p1 $0x1;
	p0 =	seq.s32 s7, s2  }
0x1e: {  	s7 =	smul.u32 @!p0 $0xF7A, s2;
	p2 =	seq.s32 @!p0 s5, $0x0  }
0x1f: {  	s9 =	smul.u32 $0xF7A, s1;
	s8 =	simm.s32 @!p0 $0x1BF5;
	p2 =	por !p2, p0  }
0x20: {  	[sflag:s8] =	ssyncset.s32 @!p0 $0xFFFFF086;
	s6 =	sadd.s32 @!p0 s3, s7;
	s7 =	simm.s32 @!p0 $0x108  }
0x21: {  	s3 =	sadd.s32 s3, s9;
	s6 =	sadd.s32 @!p0 $0x88, s6;
	s7 =	simm.s32 @p2 $0x1082  }
0x22: {  	[simem:s7], [sflag:s8] =	dma.local @!p0 [hbm:s6], $0xF7A  }
0x23: {  	s9 =	sor.u32 $0xD0000000, s2;
	s6 =	simm.s32 $0x108;
	_ =	swait.ge @!p0 [sflag:s8], $0x0  }
0x24: {  	s3 =	sadd.s32 $0x88, s3;
	s6 =	simm.s32 @!p1 $0x1082;
	[sflag:s4] =	ssyncset.s32 $0xFFFFF086  }
0x25: {  	[simem:s6], [sflag:s4] =	dma.local [hbm:s3], $0xF7A  }
0x26: {  	[smem:$0x3F9B] =	sst s1;
	(tag) =	ssettag s2;
	_ =	strace s9  }
0x27: {  	s1 =	sld [smem:$0x3FAB]  }
0x28: {  	s2 =	sld [smem:$0x3FAC]  }
0x29: {  	s4 =	sld [smem:$0x3FAE]  }
0x2a: {  	p0 =	seq.s32 s5, $0x0;
	s5 =	sld [smem:$0x3FAF]  }
0x2b: {  	s6 =	sld [smem:$0x3FB0]  }
0x2c: {  	s7 =	sld [smem:$0x3FB1]  }
0x2d: {  	s3 =	simm.s32 $0x108;
	s8 =	sld [smem:$0x3FB2]  }
0x2e: {  	s3 =	simm.s32 @!p0 $0x1082;
	s9 =	sld [smem:$0x3FB3]  }
0x2f: {  	lr =	sadd.s32 s0, s3;
	s0 =	sld [smem:$0x3FAA]  }
0x30: {  	s3 =	sld [smem:$0x3FAD]  }
0x31: {  	[smem:$0x3FB6] =	sst s10  }
0x32: {  	s10 =	sld [smem:$0x3FB4];
	_ =	sdelay $0x3  }
0x33: {  	p0 =	seq.s32 s10, $0x1;
	s10 =	sld [smem:$0x3FB6];
	_ =	sdelay $0x3  }
0x34: {  	[smem:$0x3FB6] =	sst s10  }
0x35: {  	s10 =	sld [smem:$0x3FB5];
	_ =	sdelay $0x3  }
0x36: {  	p1 =	seq.s32 s10, $0x1;
	s10 =	sld [smem:$0x3FB6];
	_ =	sdelay $0x3  }
0x37: {  	[smem:$0x3FB6] =	sst s10  }
0x38: {  	s10 =	sld [smem:$0x3FB7]  }
0x39: {  	_ = 	snop;
	(pc) =	sbr.ind lr, $3  }
0x3a: {  	_ = 	snop  }
0x3b: {  	_ = 	snop  }
0x3c: {  	p2 =	seq.s32 s10, $0x1;
	s10 =	sld [smem:$0x3FB6]  }
0x3d: {  	_ =	shalt  }
0x3e: {  	_ =	shalt  }
0x3f: {  	_ =	shalt  }
0x40: {  	_ =	shalt  }
0x41: {  	_ =	shalt  }
0x42: {  	_ =	shalt  }
0x43: {  	_ =	shalt  }
0x44: {  	_ =	shalt  }
0x45: {  	_ =	shalt  }
0x46: {  	_ =	shalt  }
0x47: {  	_ =	shalt  }
0x48: {  	_ =	shalt  }
0x49: {  	_ =	shalt  }
0x4a: {  	_ =	shalt  }
0x4b: {  	_ =	shalt  }
0x4c: {  	_ =	shalt  }
0x4d: {  	_ =	shalt  }
0x4e: {  	_ =	shalt  }
0x4f: {  	_ =	shalt  }
0x50: {  	_ =	shalt  }
0x51: {  	_ =	shalt  }
0x52: {  	_ =	shalt  }
0x53: {  	_ =	shalt  }
0x54: {  	_ =	shalt  }
0x55: {  	_ =	shalt  }
0x56: {  	_ =	shalt  }
0x57: {  	_ =	shalt  }
0x58: {  	_ =	shalt  }
0x59: {  	_ =	shalt  }
0x5a: {  	_ =	shalt  }
0x5b: {  	_ =	shalt  }
0x5c: {  	_ =	shalt  }
0x5d: {  	_ =	shalt  }
0x5e: {  	_ =	shalt  }
0x5f: {  	_ =	shalt  }
0x60: {  	_ =	shalt  }
0x61: {  	_ =	shalt  }
0x62: {  	_ =	shalt  }
0x63: {  	_ =	shalt  }
0x64: {  	_ =	shalt  }
0x65: {  	_ =	shalt  }
0x66: {  	_ =	shalt  }
0x67: {  	_ =	shalt  }
0x68: {  	_ =	shalt  }
0x69: {  	_ =	shalt  }
0x6a: {  	_ =	shalt  }
0x6b: {  	_ =	shalt  }
0x6c: {  	_ =	shalt  }
0x6d: {  	_ =	shalt  }
0x6e: {  	_ =	shalt  }
0x6f: {  	_ =	shalt  }
0x70: {  	_ =	shalt  }
0x71: {  	_ =	shalt  }
0x72: {  	_ =	shalt  }
0x73: {  	_ =	shalt  }
0x74: {  	_ =	shalt  }
0x75: {  	_ =	shalt  }
0x76: {  	_ =	shalt  }
0x77: {  	_ =	shalt  }
0x78: {  	_ =	shalt  }
0x79: {  	_ =	shalt  }
0x7a: {  	_ =	shalt  }
0x7b: {  	_ =	shalt  }
0x7c: {  	_ =	shalt  }
0x7d: {  	_ =	shalt  }
0x7e: {  	_ =	shalt  }
0x7f: {  	_ =	shalt  }
0x80: {  	_ =	shalt  }
0x81: {  	_ =	shalt  }
0x82: {  	_ =	shalt  }
0x83: {  	_ =	shalt  }
0x84: {  	_ =	shalt  }
0x85: {  	_ =	shalt  }
0x86: {  	_ =	shalt  }
0x87: {  	_ =	shalt  }
.Lfunc_end0:
.L_simem_size_0:
called_computation.2_lowered:
.L_overlay_start_0:
0x88: {  	s2 =	sld [smem:$0x3FD9]  }
0x89: {  	s3 =	sld [smem:$0x3FFE];
	_ =	sdelay $0x1  }
0x8a: {  	s1 =	srdreg.scid  }
0x8b: {  	s0 =	sand.u32 $0x1, s1  }
0x8c: {  	s14 =	sshll.u32 s0, $0xA;
	s2 =	sadd.s32 s3, s2  }
0x8d: {  	s2 =	sadd.s32 s2, s14  }
0x8e: {  	[smem:$0x3FC2] =	sst s2  }
0x8f: {  	_ = 	snop  }
0x90: {  	s2 =	sld [smem:$0x3FD0];
	_ =	sdelay $0x2  }
0x91: {  	s15 =	simm.s32 $0xA;
	s4 =	simm.s32 $0x10  }
0x92: {  	[smem:s4], [sflag:s15] =	dma.local [hbm:s2], $0x1  }
0x93: {  	_ =	swait.eq [sflag:s15], $0x1  }
0x94: {  	[sflag:s15] =	ssyncset.done $0x0  }
0x95: {  	s16 =	sld [smem:$0x10];
	[sflag:s15] =	ssyncadd.s32 $0xFFFFFFFF  }
0x96: {  	s17 =	sld [smem:$0x11];
	(tm) =	ssettm $0x1  }
0x97: {  	s18 =	sld [smem:$0x3FFB];
	_ =	sdelay $0x3  }
0x98: {  	_ =	strace s18  }
0x99: {  	s4 =	sld [smem:$0x3FFC];
	_ =	sdelay $0x3  }
0x9a: {  	_ =	strace s4  }
0x9b: {  	s4 =	sld [smem:$0x3FFD];
	_ =	sdelay $0x3  }
0x9c: {  	_ =	strace s4  }
0x9d: {  	_ =	strace $0x8FFFFFFF  }
0x9e: {  	s19 =	sld [smem:$0x3FDB];
	_ =	sdelay $0x1  }
0x9f: {  	s5 =	simm.s32 $_scs_section_size  }
0xa0: {  	s6 =	simm.s32 $_size__tile_overlayer_lowered;
	s7 =	simm.s32 $_tile_overlayer_lowered  }
0xa1: {  	s22 =	simm.s32 $0x1BFF;
	s21 =	sshll.u32 s7, $0x1;
	s4 =	sadd.s32 s5, s19  }
0xa2: {  	s8 =	simm.s32 $0x0;
	s20 =	sshll.u32 s6, $0x1;
	s6 =	sadd.s32 s21, s4  }
0xa3: {  	[timem:s8], [sflag:s22] =	dma.local [hbm:s6], s20  }
0xa4: {  	_ =	swait.ge [sflag:s22], s20  }
0xa5: {  	s5 =	ssub.s32 $0x0, s20;
	[sflag:s22] =	ssyncset.done $0x0  }
0xa6: {  	[sflag:s22] =	ssyncadd.s32 s5;
	_ =	sdelay $0x1  }
0xa7: {  	s23 =	simm.s32 $0x1B8B  }
0xa8: {  	_ =	swait.ge [sflag:s23], $0x1  }
0xa9: {  	[sflag:s23] =	ssyncset.done $0x0  }
0xaa: {  	s25 =	simm.s32 $0x1B8E;
	s24 =	sld [smem:$0x3FFE];
	[sflag:s23] =	ssyncadd.s32 $0xFFFFFFFF  }
0xab: {  	s26 =	simm.s32 $execute0_lowered;
	[smem:$0x3FD2] =	sst s25  }
0xac: {  	s6 =	sshll.u32 s26, $0x1;
	_ =	strace $0x8000004C;
	[dreg:$0x1] =	wrdreg $0xFFFFFFFF  }
0xad: {  	s28 =	simm.s32 $_size_execute0_lowered;
	s4 =	sadd.s32 s4, s6;
	[dreg:$0x0] =	wrdreg $0x0  }
0xae: {  	s6 =	sshll.u32 s28, $0x1;
	[dreg:$0x2] =	wrdreg s4  }
0xaf: {  	[dreg:$0x3] =	wrdreg s6  }
0xb0: {  	[dreg:$0x4] =	wrdreg $0xC0  }
0xb1: {  	_ =	task [dreg:s8], $0x5FFFF  }
0xb2: {  	[dreg:$0x1] =	wrdreg $0xFFFFFFFF  }
0xb3: {  	[dreg:$0x0] =	wrdreg $0x60  }
0xb4: {  	[dreg:$0x2] =	wrdreg s24  }
0xb5: {  	[dreg:$0x3] =	wrdreg s17  }
0xb6: {  	[dreg:$0x4] =	wrdreg s16  }
0xb7: {  	[dreg:$0x5] =	wrdreg $0xA0000  }
0xb8: {  	[dreg:$0x6] =	wrdreg $0x9  }
0xb9: {  	_ =	task.clear_ibuf [dreg:s8], $0x7FFFF;
	_ =	strace $0x9000004C  }
0xba: {  	s29 =	simm.s32 $0x9;
	_ =	strace $0x8000004E  }
0xbb: {  	_ =	swait.ge [sflag:s29], $0x1  }
0xbc: {  	[sflag:s29] =	ssyncadd.s32 $0xFFFFFFFF  }
0xbd: {  	_ =	strace $0x9000004E  }
0xbe: {  	_ =	sfence  }
0xbf: {  	s30 =	sld [smem:$0x0];
	_ =	sdelay $0x2  }
0xc0: {  	s31 =	sshll.u32 s1, $0xD;
	s1 =	sshrl.u32 s1, $0x2  }
0xc1: {  	s3 =	sand.u32 $0x4000, s31;
	s1 =	sadd.s32 s1, s30  }
0xc2: {  	s0 =	sor.u32 s3, s0;
	s1 =	sshll.u32 s1, $0x11  }
0xc3: {  	s0 =	sor.u32 s1, s0  }
0xc4: {  	s0 =	sadd.s32 $0x8F2B, s0  }
0xc5: {  	[sflag:s0] =	ssyncadd.remote.s32 $0x1  }
0xc6: {  	_ =	sfence.sel $0xFFFF  }
0xc7: {  	[dreg:$0x0] =	wrdreg $0xFFFFFFFF;
	(pc) =	sbr.abs _section_cstart, $3  }
0xc8: {  	[dreg:$0x1] =	wrdreg $0xFFFFFFFF  }
0xc9: {  	_ =	task.clear_ibuf [dreg:s8], $0x2FFFF;
	_ =	strace $0x9FFFFFFF  }
0xca: {  	(tm) =	ssettm $0x7FFFFFFF  }
0xcb: {  	_ =	shalt  }
tec
execute0_lowered:
.L_overlay_start_1:
0x0: {  	(tag) =	ssettag $0x1  }
0x1: {  	s7 =	rddreg [dreg:$0x0]  }
0x2: {  	s0 =	rddreg [dreg:$0x1]  }
0x3: {  	s3 =	rddreg [dreg:$0x2];
	s1 =	srdreg.scid  }
0x4: {  	s4 =	rddreg [dreg:$0x3];
	s28 =	stileid.u32  }
0x5: {  	s2 =	simm.s32 $0x0;
	s20 =	simm.s32 $0x40;
	s22 =	simm.s32 $0x800  }
0x6: {  	s23 =	simm.s32 $0x8000;
	s24 =	simm.s32 $0x80;
	s25 =	simm.s32 $0x2  }
0x7: {  	s26 =	simm.s32 $0x0;
	s8 =	sand.u32 $0x1, s1;
	s9 =	smul.u32 $0x14000, s28  }
0x8: {  	[smem:$0x7FF] =	sst s2;
	s29 =	smul.u32 $0x50000, s28;
	s30 =	sshll.u32 s28, $0x3  }
0x9: {  	s6 =	smul.u32 $0x140000, s8;
	_ =	strace $0x8000004D;
	s10 =	ssub.s32 $0x2, s8  }
0xa: {  	p0 =	seq.s32 s8, $0x0;
	s8 =	smul.u32 $0x98, s28;
	[dreg:$0x6] =	wrdreg s22  }
0xb: {  	s14 =	sor.u32 $0x980, s30;
	s22 =	simm.s32 $0x6000;
	[dreg:$0x7] =	wrdreg s23  }
0xc: {  	s23 =	simm.s32 $0x1;
	s11 =	sshrl.u32 s10, $0x1;
	s9 =	sadd.s32 s9, s6  }
0xd: {  	s6 =	sadd.s32 $0x2800, s7;
	s16 =	ssub.s32 s10, s11;
	s14 =	smov.u32 @p0 s8  }
0xe: {  	s9 =	sshrl.u32 s9, $0x3;
	s17 =	sshll.u32 s14, $0x4;
	s31 =	sshll.u32 s14, $0x7  }
0xf: {  	s16 =	smax.u32 s16, $0x1;
	s15 =	sadd.s32 s9, s7;
	s7 =	simm.s32 $0x98  }
0x10: {  	s9 =	sshrl.u32 s29, $0x2;
	s13 =	sadd.s32 s0, s17;
	s14 =	sadd.s32 s3, s17  }
0x11: {  	[dreg:$0x5] =	wrdreg s31;
	s17 =	simm.s32 $0x2000;
	s8 =	sadd.s32 s9, s4  }
0x12: {  	s7 =	simm.s32 @!p0 $0x8;
	s15 =	sadd.s32 $0x2A800, s15;
	s9 =	sadd.s32 $0x4000, s8  }
0x13: {  	s10 =	sadd.s32 $0x8000, s8;
	s11 =	sadd.s32 $0xC000, s8;
	s18 =	sshrl.u32 s7, $0x1  }
0x14: {  	v0 =	vimm.f32 $0.0e+00;
	s12 =	sadd.s32 $0x10000, s8;
	[dreg:$0x8] =	wrdreg s18;
	s18 =	simm.s32 $0x3  }
.LBB2_1:
0x15: {  	s1 =	simm.s32 $0x0  }
0x16: {  	s28 =	sand.u32 $0xFE00, s1  }
0x17: {  	s29 =	sand.u32 $0x70, s1;
	s30 =	sshrl.u32 s28, $0x2  }
0x18: {  	s28 =	simm.s32 $0x40;
	s30 =	sor.u32 s29, s30;
	s29 =	simm.s32 $0x0  }
.LBB2_2:
0x19: {  	p0 =	sne.s32 s28, $0xFFC0  }
0x1a: {  	[tilespmem:s30+$0x2000] =	vst v0;
	s29 =	sadd.s32 $0x10, s29;
	s30 =	smov.u32 s28;
	s28 =	sadd.s32 $0x40, s28  }
.Ltmp0:
0x1b: {  	(pc) =	sbr.rel @p0 .LBB2_2-.Ltmp0, $4  }
0x1c: {  	_ = 	snop  }
0x1d: {  	s30 =	sand.u32 $0xFE00, s30  }
0x1e: {  	s31 =	sand.u32 $0x70, s29;
	s30 =	sshrl.u32 s30, $0x2  }
0x1f: {  	s30 =	sor.u32 s31, s30  }
0x20: {  	[tilespmem:s30+$0x2000] =	vst v0  }
0x21: {  	[spmem:s8] =	stream.linear.scatter [tilespmem:s17], [sflag:$0x3], $0x4000, $0x38;
	[tilespmem:$0x1E000] =	vst v63  }
0x22: {  	_ =	swait.ge [sflag:s18], $0x4000  }
0x23: {  	[sflag:s18] =	ssyncset.done $0x0  }
0x24: {  	[sflag:s18] =	ssyncadd.s32 $0xFFFFC000  }
0x25: {  	[spmem:s9] =	stream.linear.scatter [tilespmem:s17], [sflag:$0x3], $0x4000, $0x38;
	[tilespmem:$0x1E000] =	vst v63  }
0x26: {  	_ =	swait.ge [sflag:s18], $0x4000  }
0x27: {  	[sflag:s18] =	ssyncset.done $0x0  }
0x28: {  	[sflag:s18] =	ssyncadd.s32 $0xFFFFC000  }
0x29: {  	[spmem:s10] =	stream.linear.scatter [tilespmem:s17], [sflag:$0x3], $0x4000, $0x38;
	[tilespmem:$0x1E000] =	vst v63  }
0x2a: {  	_ =	swait.ge [sflag:s18], $0x4000  }
0x2b: {  	[sflag:s18] =	ssyncset.done $0x0  }
0x2c: {  	[sflag:s18] =	ssyncadd.s32 $0xFFFFC000  }
0x2d: {  	[spmem:s11] =	stream.linear.scatter [tilespmem:s17], [sflag:$0x3], $0x4000, $0x38;
	[tilespmem:$0x1E000] =	vst v63  }
0x2e: {  	_ =	swait.ge [sflag:s18], $0x4000  }
0x2f: {  	[sflag:s18] =	ssyncset.done $0x0  }
0x30: {  	[sflag:s18] =	ssyncadd.s32 $0xFFFFC000  }
0x31: {  	[spmem:s12] =	stream.linear.scatter [tilespmem:s17], [sflag:$0x3], $0x4000, $0x38;
	[tilespmem:$0x1E000] =	vst v63  }
0x32: {  	_ =	swait.ge [sflag:s18], $0x4000  }
0x33: {  	[sflag:s18] =	ssyncset.done $0x0  }
0x34: {  	s30 =	simm.s32 $0x0;
	[sflag:s18] =	ssyncadd.s32 $0xFFFFC000  }
0x35: {  	[tilespmem:s30], [sflag:$0x3] =	stream.linear.gather [hbm4b:s13+s30], $0x800, $0x38;
	[tilespmem:$0x1E000] =	vst v63  }
0x36: {  	_ =	swait.ge [sflag:s18], $0x800  }
0x37: {  	[sflag:s18] =	ssyncset.done $0x0  }
0x38: {  	s1 =	simm.s32 $0x1000;
	[sflag:s18] =	ssyncadd.s32 $0xFFFFF800  }
0x39: {  	[tilespmem:s1], [sflag:$0x3] =	stream.linear.gather [hbm4b:s14+s30], $0x800, $0x38;
	[tilespmem:$0x1E000] =	vst v63  }
0x3a: {  	_ =	swait.ge [sflag:s18], $0x800  }
0x3b: {  	[sflag:s18] =	ssyncset.done $0x0  }
0x3c: {  	[sflag:s18] =	ssyncadd.s32 $0xFFFFF800  }
0x3d: {  	[tilespmem:s17], [sflag:$0x1] =	stream.indirect.gather [hbm4b:s6+s20], $0x80, s30, s20, $0xb8;
	[tilespmem:$0x1E000] =	vst v63  }
0x3e: {  	s31 =	simm.s32 $0x4000  }
0x3f: {  	[tilespmem:s31], [sflag:$0x1] =	stream.indirect.gather [hbm4b:s6+s20], $0x80, s20, s20, $0xb8;
	[tilespmem:$0x1E000] =	vst v63  }
0x40: {  	s28 =	simm.s32 $0x100;
	s29 =	simm.s32 $0x0;
	[bflag:$0x0] =	sbarrier.arrive $0xFFFF  }
.LBB2_4:
0x41: {  	s31 =	sadd.s32 $0x10, s30  }
0x42: {  	s1 =	sand.u32 $0xE, s30;
	p0 =	sge.u32 s31, s7  }
0x43: {  	p1 =	sne.s32 @!p0 s1, $0x0  }
0x44: {  	s31 =	sshrl.u32 s29, $0x3;
	p0 =	por p1, p0  }
0x45: {  	s19 =	sshll.u32 @!p0 s31, $0xB  }
0x46: {  	s2 =	rddreg [dreg:$0x5];
	s19 =	sadd.s32 @!p0 $0x800, s19  }
0x47: {  	s2 =	sadd.s32 @!p0 s2, s19  }
0x48: {  	s2 =	sshrl.u32 @!p0 s2, $0x3  }
0x49: {  	s5 =	simm.s32 @!p0 $0x0;
	s19 =	sand.u32 @!p0 $0x800, s19;
	s21 =	sadd.s32 @!p0 s0, s2  }
0x4a: {  	[tilespmem:s19], [sflag:$0x3] =	stream.linear.gather @!p0 [hbm4b:s21+s5], $0x800, $0x38;
	[tilespmem:$0x1E000] =	vst v63  }
0x4b: {  	s21 =	simm.s32 @!p0 $0x3  }
0x4c: {  	_ =	swait.ge @!p0 [sflag:s21], $0x800  }
0x4d: {  	[sflag:s21] =	ssyncset.done @!p0 $0x0  }
0x4e: {  	s2 =	sadd.s32 @!p0 s3, s2;
	s19 =	sor.u32 @!p0 $0x1000, s19;
	[sflag:s21] =	ssyncadd.s32 @!p0 $0xFFFFF800  }
0x4f: {  	[tilespmem:s19], [sflag:$0x3] =	stream.linear.gather @!p0 [hbm4b:s2+s5], $0x800, $0x38;
	[tilespmem:$0x1E000] =	vst v63  }
0x50: {  	s31 =	sand.u32 $0x1, s31;
	_ =	swait.ge @!p0 [sflag:s21], $0x800  }
0x51: {  	p1 =	seq.s32 s31, $0x1;
	s19 =	sadd.s32 $0xFFFFFF00, s28;
	s2 =	rddreg [dreg:$0x6]  }
0x52: {  	s5 =	sand.u32 $0x700, s19;
	s2 =	simm.s32 @!p1 $0x0  }
0x53: {  	[sflag:s21] =	ssyncset.done @!p0 $0x0;
	s5 =	sor.u32 s2, s5  }
0x54: {  	[sflag:s21] =	ssyncadd.s32 @!p0 $0xFFFFF800;
	s19 =	sor.u32 $0x80, s5  }
0x55: {  	[tilespmem:s22], [sflag:$0x2] =	stream.indirect.gather [hbm4b:s6+s20], $0x80, s19, s20, $0xb8;
	[tilespmem:$0x1E000] =	vst v63  }
0x56: {  	s31 =	rddreg [dreg:$0x7];
	s5 =	sor.u32 $0xC0, s5  }
0x57: {  	[tilespmem:s31], [sflag:$0x2] =	stream.indirect.gather [hbm4b:s6+s20], $0x80, s5, s20, $0xb8;
	[tilespmem:$0x1E000] =	vst v63  }
0x58: {  	_ =	swait.ge [sflag:s23], $0x2000  }
0x59: {  	[sflag:s23] =	ssyncset.done $0x0  }
0x5a: {  	[sflag:s23] =	ssyncadd.s32 $0xFFFFE000  }
0x5b: {  	s1 =	sshll.u32 s1, $0x7;
	_ =	swait.ge [sflag:s23], $0x2000  }
0x5c: {  	s1 =	sor.u32 s1, s2;
	[sflag:s23] =	ssyncset.done $0x0  }
0x5d: {  	s30 =	sadd.s32 $0x2, s30;
	s1 =	sor.u32 $0x1000, s1;
	[sflag:s23] =	ssyncadd.s32 $0xFFFFE000  }
0x5e: {  	[spmem:s4] =	stream.indirect.scatter.add.f32 [tilespmem:s17], [sflag:$0x3], $0x80, s1, s24, $0xb8;
	[tilespmem:$0x1E000] =	vst v63  }
0x5f: {  	p0 =	sge.u32 s30, s7;
	_ =	swait.ge [sflag:s18], $0x4000  }
0x60: {  	s2 =	simm.s32 @!p0 $0x40;
	[sflag:s18] =	ssyncset.done $0x0  }
0x61: {  	s5 =	simm.s32 @!p0 $0x2000;
	s1 =	sand.u32 @!p0 $0xF00, s28;
	[sflag:s18] =	ssyncadd.s32 $0xFFFFC000  }
0x62: {  	[tilespmem:s5], [sflag:$0x1] =	stream.indirect.gather @!p0 [hbm4b:s6+s2], $0x80, s1, s2, $0xb8;
	[tilespmem:$0x1E000] =	vst v63  }
0x63: {  	s1 =	sor.u32 @!p0 $0x40, s1;
	s5 =	simm.s32 @!p0 $0x4000  }
0x64: {  	[tilespmem:s5], [sflag:$0x1] =	stream.indirect.gather @!p0 [hbm4b:s6+s2], $0x80, s1, s2, $0xb8;
	[tilespmem:$0x1E000] =	vst v63  }
0x65: {  	_ =	swait.ge [sflag:s25], $0x2000  }
0x66: {  	[sflag:s25] =	ssyncset.done $0x0  }
0x67: {  	[sflag:s25] =	ssyncadd.s32 $0xFFFFE000  }
0x68: {  	_ =	swait.ge [sflag:s25], $0x2000  }
0x69: {  	[sflag:s25] =	ssyncset.done $0x0  }
0x6a: {  	s21 =	sor.u32 $0x1000, s19;
	[sflag:s25] =	ssyncadd.s32 $0xFFFFE000  }
0x6b: {  	[spmem:s4] =	stream.indirect.scatter.add.f32 [tilespmem:s22], [sflag:$0x3], $0x80, s21, s24, $0xb8;
	[tilespmem:$0x1E000] =	vst v63  }
0x6c: {  	_ =	swait.ge [sflag:s18], $0x4000  }
0x6d: {  	s29 =	sadd.s32 $0x1, s29;
	s31 =	rddreg [dreg:$0x8]  }
0x6e: {  	p0 =	sne.s32 s31, s29  }
.Ltmp1:
0x6f: {  	_ = 	snop;
	(pc) =	sbr.rel @p0 .LBB2_4-.Ltmp1, $3  }
0x70: {  	_ =	sdelay $0x1  }
0x71: {  	[sflag:s18] =	ssyncset.done $0x0  }
0x72: {  	s28 =	sadd.s32 $0x100, s28;
	[sflag:s18] =	ssyncadd.s32 $0xFFFFC000  }
0x73: {  	s1 =	stileid.u32;
	s26 =	sadd.s32 $0x1, s26  }
0x74: {  	[bflag:$0x0] =	sbarrier.arrive $0xFFFF;
	s1 =	sshll.u32 s1, $0x6;
	p0 =	sne.s32 s26, s16  }
.Ltmp2:
0x75: {  	s2 =	sshrl.u32 s8, $0x3;
	s1 =	sor.u32 $0x1C03, s1;
	(pc) =	sbr.rel @p0 .LBB2_1-.Ltmp2, $4  }
0x76: {  	[hbm:s15], [sflag:s1] =	dma.local [spmem:s2], $0x2800  }
0x77: {  	_ =	swait.ge [sflag:s18], $0x2800  }
0x78: {  	[sflag:s18] =	ssyncset.done $0x0  }
0x79: {  	[sflag:s18] =	ssyncadd.s32 $0xFFFFD800  }
0x7a: {  	_ =	sfence.sel $0x180000  }
0x7b: {  	[bflag:$0x0] =	sbarrier.arrive $0xFFFF  }
0x7c: {  	_ =	strace $0x9000004D  }
0x7d: {  	s0 =	stileid.u32;
	[bflag:$0x2] =	sbarrier.arrive $0xFFFF  }
0x7e: {  	p0 =	sne.s32 s0, $0x0;
	s0 =	rddreg [dreg:$0x4]  }
0x7f: {  	s0 =	sadd.s32 @!p0 $0x100000, s0  }
0x80: {  	[sflag:s0] =	ssyncadd.tile.s32 @!p0 $0x1;
	_ =	shalt  }
.Lfunc_end2:
_tile_overlayer_lowered:
.L_overlay_start_2:
0x81: {  	(tag) =	ssettag $0x2  }
0x82: {  	s0 =	rddreg [dreg:$0x0];
	s2 =	stileid.u32  }
0x83: {  	s1 =	rddreg [dreg:$0x1];
	p0 =	sne.s32 s2, $0x0  }
0x84: {  	s3 =	rddreg [dreg:$0x2];
	[bflag:$0x3] =	sbarrier.arrive $0xFFFF;
	s2 =	simm.s32 @!p0 $0x1C03  }
0x85: {  	[timem:s3], [sflag:s2] =	dma.local @!p0 [hbm:s0], s1  }
0x86: {  	s0 =	simm.s32 @!p0 $0x3  }
0x87: {  	_ =	swait.ge @!p0 [sflag:s0], s1  }
0x88: {  	s1 =	ssub.s32 @!p0 $0x0, s1;
	[sflag:s0] =	ssyncset.done @!p0 $0x0  }
0x89: {  	[sflag:s0] =	ssyncadd.s32 @!p0 s1  }
0x8a: {  	[bflag:$0x3] =	sbarrier.arrive $0xFFFF  }
0x8b: {  	_ =	shalt  }

// kernel: kernel.9.cloned.1.call-start
scs
__scs_entry_jumppad:
0x0: {  	(pc) =	sbr.rel $0x88, $3  }
0x1: {  	(tag) =	ssettag $0x0;
	lr =	simm.s32 $0x1  }
0x2: {  	[smem:$0x3F9B] =	sst lr;
	_ =	strace $0xD0000000  }
0x3: {  	_ = 	snop  }
0x4: {  	_ = 	snop  }
0x5: {  	_ = 	snop  }
0x6: {  	_ = 	snop  }
0x7: {  	_ = 	snop  }
__scs_overlays_trampoline_lowered:
0x8: {  	[smem:$0x3FAA] =	sst s0  }
0x9: {  	[smem:$0x3FAB] =	sst s1  }
0xa: {  	[smem:$0x3FAC] =	sst s2  }
0xb: {  	[smem:$0x3FAD] =	sst s3  }
0xc: {  	[smem:$0x3FAE] =	sst s4  }
0xd: {  	[smem:$0x3FAF] =	sst s5  }
0xe: {  	[smem:$0x3FB0] =	sst s6  }
0xf: {  	[smem:$0x3FB1] =	sst s7  }
0x10: {  	[smem:$0x3FB2] =	sst s8  }
0x11: {  	[smem:$0x3FB3] =	sst s9;
	s0 =	simm.s32 @!p0 $0x0  }
0x12: {  	s1 =	sld [smem:$0x3F99];
	s0 =	simm.s32 @p0 $0x1  }
0x13: {  	[smem:$0x3FB4] =	sst s0;
	s0 =	simm.s32 @!p1 $0x0  }
0x14: {  	s2 =	sld [smem:$0x3F98];
	s0 =	simm.s32 @p1 $0x1  }
0x15: {  	[smem:$0x3FB5] =	sst s0;
	s0 =	simm.s32 @!p2 $0x0  }
0x16: {  	s3 =	sld [smem:$0x3FDB];
	s0 =	simm.s32 @p2 $0x1  }
0x17: {  	s4 =	simm.s32 $0x1BF5;
	[smem:$0x3FB7] =	sst s0  }
0x18: {  	s0 =	sld [smem:$0x3F9A];
	_ =	swait.ge [sflag:s4], $0x0  }
0x19: {  	s7 =	sld [smem:$0x3F9B]  }
0x1a: {  	s8 =	sadd.s32 $0xFFFFE003, lr  }
0x1b: {  	s9 =	sadd.s32 $0xFFFFFEF7, lr;
	s5 =	simm.s32 $0xFFFFFFFF;
	p2 =	slt.u32 s8, $0xFFFFF086  }
0x1c: {  	p1 =	slt.u32 s9, $0xF7A;
	s5 =	simm.s32 @!p2 $0x0  }
0x1d: {  	s5 =	simm.s32 @p1 $0x1;
	p0 =	seq.s32 s7, s2  }
0x1e: {  	s7 =	smul.u32 @!p0 $0xF7A, s2;
	p2 =	seq.s32 @!p0 s5, $0x0  }
0x1f: {  	s9 =	smul.u32 $0xF7A, s1;
	s8 =	simm.s32 @!p0 $0x1BF5;
	p2 =	por !p2, p0  }
0x20: {  	[sflag:s8] =	ssyncset.s32 @!p0 $0xFFFFF086;
	s6 =	sadd.s32 @!p0 s3, s7;
	s7 =	simm.s32 @!p0 $0x108  }
0x21: {  	s3 =	sadd.s32 s3, s9;
	s6 =	sadd.s32 @!p0 $0x88, s6;
	s7 =	simm.s32 @p2 $0x1082  }
0x22: {  	[simem:s7], [sflag:s8] =	dma.local @!p0 [hbm:s6], $0xF7A  }
0x23: {  	s9 =	sor.u32 $0xD0000000, s2;
	s6 =	simm.s32 $0x108;
	_ =	swait.ge @!p0 [sflag:s8], $0x0  }
0x24: {  	s3 =	sadd.s32 $0x88, s3;
	s6 =	simm.s32 @!p1 $0x1082;
	[sflag:s4] =	ssyncset.s32 $0xFFFFF086  }
0x25: {  	[simem:s6], [sflag:s4] =	dma.local [hbm:s3], $0xF7A  }
0x26: {  	[smem:$0x3F9B] =	sst s1;
	(tag) =	ssettag s2;
	_ =	strace s9  }
0x27: {  	s1 =	sld [smem:$0x3FAB]  }
0x28: {  	s2 =	sld [smem:$0x3FAC]  }
0x29: {  	s4 =	sld [smem:$0x3FAE]  }
0x2a: {  	p0 =	seq.s32 s5, $0x0;
	s5 =	sld [smem:$0x3FAF]  }
0x2b: {  	s6 =	sld [smem:$0x3FB0]  }
0x2c: {  	s7 =	sld [smem:$0x3FB1]  }
0x2d: {  	s3 =	simm.s32 $0x108;
	s8 =	sld [smem:$0x3FB2]  }
0x2e: {  	s3 =	simm.s32 @!p0 $0x1082;
	s9 =	sld [smem:$0x3FB3]  }
0x2f: {  	lr =	sadd.s32 s0, s3;
	s0 =	sld [smem:$0x3FAA]  }
0x30: {  	s3 =	sld [smem:$0x3FAD]  }
0x31: {  	[smem:$0x3FB6] =	sst s10  }
0x32: {  	s10 =	sld [smem:$0x3FB4];
	_ =	sdelay $0x3  }
0x33: {  	p0 =	seq.s32 s10, $0x1;
	s10 =	sld [smem:$0x3FB6];
	_ =	sdelay $0x3  }
0x34: {  	[smem:$0x3FB6] =	sst s10  }
0x35: {  	s10 =	sld [smem:$0x3FB5];
	_ =	sdelay $0x3  }
0x36: {  	p1 =	seq.s32 s10, $0x1;
	s10 =	sld [smem:$0x3FB6];
	_ =	sdelay $0x3  }
0x37: {  	[smem:$0x3FB6] =	sst s10  }
0x38: {  	s10 =	sld [smem:$0x3FB7]  }
0x39: {  	_ = 	snop;
	(pc) =	sbr.ind lr, $3  }
0x3a: {  	_ = 	snop  }
0x3b: {  	_ = 	snop  }
0x3c: {  	p2 =	seq.s32 s10, $0x1;
	s10 =	sld [smem:$0x3FB6]  }
0x3d: {  	_ =	shalt  }
0x3e: {  	_ =	shalt  }
0x3f: {  	_ =	shalt  }
0x40: {  	_ =	shalt  }
0x41: {  	_ =	shalt  }
0x42: {  	_ =	shalt  }
0x43: {  	_ =	shalt  }
0x44: {  	_ =	shalt  }
0x45: {  	_ =	shalt  }
0x46: {  	_ =	shalt  }
0x47: {  	_ =	shalt  }
0x48: {  	_ =	shalt  }
0x49: {  	_ =	shalt  }
0x4a: {  	_ =	shalt  }
0x4b: {  	_ =	shalt  }
0x4c: {  	_ =	shalt  }
0x4d: {  	_ =	shalt  }
0x4e: {  	_ =	shalt  }
0x4f: {  	_ =	shalt  }
0x50: {  	_ =	shalt  }
0x51: {  	_ =	shalt  }
0x52: {  	_ =	shalt  }
0x53: {  	_ =	shalt  }
0x54: {  	_ =	shalt  }
0x55: {  	_ =	shalt  }
0x56: {  	_ =	shalt  }
0x57: {  	_ =	shalt  }
0x58: {  	_ =	shalt  }
0x59: {  	_ =	shalt  }
0x5a: {  	_ =	shalt  }
0x5b: {  	_ =	shalt  }
0x5c: {  	_ =	shalt  }
0x5d: {  	_ =	shalt  }
0x5e: {  	_ =	shalt  }
0x5f: {  	_ =	shalt  }
0x60: {  	_ =	shalt  }
0x61: {  	_ =	shalt  }
0x62: {  	_ =	shalt  }
0x63: {  	_ =	shalt  }
0x64: {  	_ =	shalt  }
0x65: {  	_ =	shalt  }
0x66: {  	_ =	shalt  }
0x67: {  	_ =	shalt  }
0x68: {  	_ =	shalt  }
0x69: {  	_ =	shalt  }
0x6a: {  	_ =	shalt  }
0x6b: {  	_ =	shalt  }
0x6c: {  	_ =	shalt  }
0x6d: {  	_ =	shalt  }
0x6e: {  	_ =	shalt  }
0x6f: {  	_ =	shalt  }
0x70: {  	_ =	shalt  }
0x71: {  	_ =	shalt  }
0x72: {  	_ =	shalt  }
0x73: {  	_ =	shalt  }
0x74: {  	_ =	shalt  }
0x75: {  	_ =	shalt  }
0x76: {  	_ =	shalt  }
0x77: {  	_ =	shalt  }
0x78: {  	_ =	shalt  }
0x79: {  	_ =	shalt  }
0x7a: {  	_ =	shalt  }
0x7b: {  	_ =	shalt  }
0x7c: {  	_ =	shalt  }
0x7d: {  	_ =	shalt  }
0x7e: {  	_ =	shalt  }
0x7f: {  	_ =	shalt  }
0x80: {  	_ =	shalt  }
0x81: {  	_ =	shalt  }
0x82: {  	_ =	shalt  }
0x83: {  	_ =	shalt  }
0x84: {  	_ =	shalt  }
0x85: {  	_ =	shalt  }
0x86: {  	_ =	shalt  }
0x87: {  	_ =	shalt  }
.Lfunc_end0:
.L_simem_size_0:
called_computation_lowered:
.L_overlay_start_0:
0x88: {  	s2 =	sld [smem:$0x3FD9]  }
0x89: {  	s3 =	sld [smem:$0x3FFE];
	_ =	sdelay $0x1  }
0x8a: {  	s1 =	srdreg.scid  }
0x8b: {  	s0 =	sand.u32 $0x1, s1  }
0x8c: {  	s16 =	sshll.u32 s0, $0xA;
	s2 =	sadd.s32 s3, s2  }
0x8d: {  	s2 =	sadd.s32 s2, s16  }
0x8e: {  	[smem:$0x3FC2] =	sst s2  }
0x8f: {  	_ = 	snop  }
0x90: {  	(tm) =	ssettm $0x1  }
0x91: {  	s17 =	sld [smem:$0x3FFB];
	_ =	sdelay $0x3  }
0x92: {  	_ =	strace s17  }
0x93: {  	s2 =	sld [smem:$0x3FFC];
	_ =	sdelay $0x3  }
0x94: {  	_ =	strace s2  }
0x95: {  	s2 =	sld [smem:$0x3FFD];
	_ =	sdelay $0x3  }
0x96: {  	_ =	strace s2  }
0x97: {  	_ =	strace $0x8FFFFFFF  }
0x98: {  	s18 =	sld [smem:$0x3FDB];
	_ =	sdelay $0x1  }
0x99: {  	s19 =	simm.s32 $_scs_section_size  }
0x9a: {  	s4 =	simm.s32 $_size__tile_overlayer_lowered;
	s5 =	simm.s32 $_tile_overlayer_lowered  }
0x9b: {  	s22 =	simm.s32 $0x1BFF;
	s21 =	sshll.u32 s5, $0x1;
	s2 =	sadd.s32 s19, s18  }
0x9c: {  	s6 =	simm.s32 $0x0;
	s20 =	sshll.u32 s4, $0x1;
	s4 =	sadd.s32 s21, s2  }
0x9d: {  	[timem:s6], [sflag:s22] =	dma.local [hbm:s4], s20  }
0x9e: {  	_ =	swait.ge [sflag:s22], s20  }
0x9f: {  	s3 =	ssub.s32 $0x0, s20;
	[sflag:s22] =	ssyncset.done $0x0  }
0xa0: {  	[sflag:s22] =	ssyncadd.s32 s3;
	_ =	sdelay $0x1  }
0xa1: {  	s23 =	simm.s32 $0x1B8B  }
0xa2: {  	_ =	swait.ge [sflag:s23], $0x1  }
0xa3: {  	[sflag:s23] =	ssyncset.done $0x0  }
0xa4: {  	s25 =	simm.s32 $0x1B8E;
	s24 =	sld [smem:$0x3FFE];
	[sflag:s23] =	ssyncadd.s32 $0xFFFFFFFF  }
0xa5: {  	s26 =	simm.s32 $execute0_lowered;
	[smem:$0x3FD2] =	sst s25  }
0xa6: {  	s4 =	sshll.u32 s26, $0x1;
	_ =	strace $0x80000046;
	[dreg:$0x1] =	wrdreg $0xFFFFFFFF  }
0xa7: {  	s28 =	simm.s32 $_size_execute0_lowered;
	s2 =	sadd.s32 s2, s4;
	[dreg:$0x0] =	wrdreg $0x0  }
0xa8: {  	s4 =	sshll.u32 s28, $0x1;
	[dreg:$0x2] =	wrdreg s2  }
0xa9: {  	[dreg:$0x3] =	wrdreg s4  }
0xaa: {  	[dreg:$0x4] =	wrdreg $0xC0  }
0xab: {  	_ =	task [dreg:s6], $0x5FFFF  }
0xac: {  	[dreg:$0x1] =	wrdreg $0xFFFFFFFF  }
0xad: {  	[dreg:$0x0] =	wrdreg $0x60  }
0xae: {  	[dreg:$0x2] =	wrdreg s24  }
0xaf: {  	[dreg:$0x3] =	wrdreg $0x9  }
0xb0: {  	_ =	task.clear_ibuf [dreg:s6], $0x4FFFF;
	_ =	strace $0x90000046  }
0xb1: {  	s29 =	simm.s32 $0x9;
	_ =	strace $0x80000048  }
0xb2: {  	_ =	swait.ge [sflag:s29], $0x1  }
0xb3: {  	[sflag:s29] =	ssyncadd.s32 $0xFFFFFFFF  }
0xb4: {  	_ =	strace $0x90000048  }
0xb5: {  	_ =	sfence  }
0xb6: {  	s30 =	sld [smem:$0x0];
	_ =	sdelay $0x2  }
0xb7: {  	s31 =	sshll.u32 s1, $0xD;
	s1 =	sshrl.u32 s1, $0x2  }
0xb8: {  	s3 =	sand.u32 $0x4000, s31;
	s1 =	sadd.s32 s1, s30  }
0xb9: {  	s0 =	sor.u32 s3, s0;
	s1 =	sshll.u32 s1, $0x11  }
0xba: {  	s0 =	sor.u32 s1, s0  }
0xbb: {  	s0 =	sadd.s32 $0x8F2B, s0  }
0xbc: {  	[sflag:s0] =	ssyncadd.remote.s32 $0x1  }
0xbd: {  	_ =	sfence.sel $0xFFFF  }
0xbe: {  	[dreg:$0x0] =	wrdreg $0xFFFFFFFF;
	(pc) =	sbr.abs _section_cstart, $3  }
0xbf: {  	[dreg:$0x1] =	wrdreg $0xFFFFFFFF  }
0xc0: {  	_ =	task.clear_ibuf [dreg:s6], $0x2FFFF;
	_ =	strace $0x9FFFFFFF  }
0xc1: {  	(tm) =	ssettm $0x7FFFFFFF  }
tec
execute0_lowered:
.L_overlay_start_1:
0x0: {  	(tag) =	ssettag $0x1  }
0x1: {  	s1 =	srdreg.scid  }
0x2: {  	s0 =	stileid.u32;
	s5 =	rddreg [dreg:$0x0]  }
0x3: {  	s2 =	simm.s32 $0x0;
	s8 =	simm.s32 $0x1;
	s9 =	simm.s32 $0x2800  }
0x4: {  	s10 =	simm.s32 $0x0;
	s3 =	sand.u32 $0x1, s1;
	s29 =	sshll.u32 s0, $0x1  }
0x5: {  	s30 =	sshrl.u32 s0, $0x2;
	s1 =	rddreg [dreg:$0x1];
	s4 =	sor.u32 s3, s29  }
0x6: {  	[smem:$0x7FF] =	sst s2;
	s6 =	smul.u32 $0x14000, s30;
	s7 =	sshll.u32 s4, $0x7  }
0x7: {  	s3 =	ssub.s32 $0x2, s3;
	s4 =	smul.u32 $0x2800, s4;
	s7 =	sand.u32 $0x380, s7  }
0x8: {  	_ =	strace $0x80000047;
	s31 =	sshrl.u32 s3, $0x1;
	s6 =	sor.u32 s6, s7  }
0x9: {  	s4 =	sadd.s32 s4, s5;
	s7 =	simm.s32 $0x400;
	s6 =	sshrl.u32 s6, $0x3  }
0xa: {  	s4 =	sadd.s32 $0xC800, s4;
	s6 =	sadd.s32 s6, s5;
	s5 =	ssub.s32 s3, s31  }
0xb: {  	v0 =	vimm.f32 $0.0e+00;
	v1 =	vimm.f32 $1.000000000e+00;
	s3 =	sadd.s32 $0x2800, s6;
	s5 =	smax.u32 s5, $0x1;
	s6 =	simm.s32 $0x80  }
.LBB2_1:
0xc: {  	[tilespmem:s2], [sflag:$0x1] =	stream.strided.gather [hbm4b:s3+s6], $0x2800, s7, s6, $0x38;
	[tilespmem:$0x16800] =	vst v63  }
0xd: {  	_ =	swait.ge [sflag:s8], $0x2800  }
0xe: {  	[sflag:s8] =	ssyncset.done $0x0  }
0xf: {  	s11 =	simm.s32 $0x0;
	[sflag:s8] =	ssyncadd.s32 $0xFFFFD800  }
.LBB2_2:
0x10: {  	p0 =	sne.s32 s11, $0x4FE00  }
.Ltmp0:
0x11: {  	_ = 	snop;
	(pc) =	sbr.rel @p0 .LBB2_2-.Ltmp0, $3  }
0x12: {  	_ =	sdelay $0x1  }
0x13: {  	s12 =	sshra.s32 s11, $0x2  }
0x14: {  	s11 =	sadd.s32 $0x200, s11;
	[tilespmem:s12+$0x2800] =	vst v0  }
0x15: {  	s12 =	simm.s32 $0x0;
	s11 =	simm.s32 $0x40  }
.LBB2_4:
0x16: {  	p0 =	sne.s32 s11, $0x9FC0;
	v2 =	vld [tilespmem:s12+$0x0];
	_ =	sdelay $0x4  }
0x17: {  	v3 =	vshll.u32 v2, $0x3  }
0x18: {  	v2 =	vand.u32 $0xF, v2;
	v3 =	vand.u32 $0xFFFFFF80, v3  }
0x19: {  	v2 =	vor.u32 v2, v3  }
.Ltmp1:
0x1a: {  	(pc) =	sbr.rel @p0 .LBB2_4-.Ltmp1, $2  }
0x1b: {  	_ =	sdelay $0x2  }
0x1c: {  	s12 =	sshra.s32 s11, $0x2;
	s11 =	sadd.s32 $0x40, s11;
	[tilespmem:v2+s9+$0x0] =	vst.idx.add.f32.msk $0xffff, v1  }
0x1d: {  	v2 =	vld [tilespmem:s12+$0x0];
	_ =	sdelay $0x4  }
0x1e: {  	v3 =	vshll.u32 v2, $0x3  }
0x1f: {  	v2 =	vand.u32 $0xF, v2;
	v3 =	vand.u32 $0xFFFFFF80, v3  }
0x20: {  	v2 =	vor.u32 v2, v3;
	_ =	sdelay $0x2  }
0x21: {  	s10 =	sadd.s32 $0x1, s10  }
0x22: {  	p0 =	sne.s32 s10, s5  }
.Ltmp2:
0x23: {  	[tilespmem:v2+s9+$0x0] =	vst.idx.add.f32.msk $0xffff, v1;
	(pc) =	sbr.rel @p0 .LBB2_1-.Ltmp2, $4  }
0x24: {  	[hbm4b:s4+s2] =	stream.linear.scatter [tilespmem:s9], [sflag:$0x1], $0x14000, $0x38;
	[tilespmem:$0x16800] =	vst v63  }
0x25: {  	_ =	swait.ge [sflag:s8], $0x14000  }
0x26: {  	[sflag:s8] =	ssyncset.done $0x0  }
0x27: {  	[sflag:s8] =	ssyncadd.s32 $0xFFFEC000  }
0x28: {  	_ =	sfence.sel $0x180000  }
0x29: {  	[bflag:$0x0] =	sbarrier.arrive $0xFFFF  }
0x2a: {  	p0 =	sne.s32 s0, $0x0;
	_ =	strace $0x90000047  }
0x2b: {  	s0 =	sadd.s32 @!p0 $0x100000, s1;
	[bflag:$0x2] =	sbarrier.arrive $0xFFFF  }
0x2c: {  	[sflag:s0] =	ssyncadd.tile.s32 @!p0 $0x1;
	_ =	shalt  }
.Lfunc_end2:
_tile_overlayer_lowered:
.L_overlay_start_2:
0x2d: {  	(tag) =	ssettag $0x2  }
0x2e: {  	s0 =	rddreg [dreg:$0x0];
	s2 =	stileid.u32  }
0x2f: {  	s1 =	rddreg [dreg:$0x1];
	p0 =	sne.s32 s2, $0x0  }
0x30: {  	s3 =	rddreg [dreg:$0x2];
	[bflag:$0x3] =	sbarrier.arrive $0xFFFF;
	s2 =	simm.s32 @!p0 $0x1C01  }
0x31: {  	[timem:s3], [sflag:s2] =	dma.local @!p0 [hbm:s0], s1  }
0x32: {  	s0 =	simm.s32 @!p0 $0x1  }
0x33: {  	_ =	swait.ge @!p0 [sflag:s0], s1  }
0x34: {  	s1 =	ssub.s32 @!p0 $0x0, s1;
	[sflag:s0] =	ssyncset.done @!p0 $0x0  }
0x35: {  	[sflag:s0] =	ssyncadd.s32 @!p0 s1  }
0x36: {  	[bflag:$0x3] =	sbarrier.arrive $0xFFFF  }
0x37: {  	_ =	shalt  }

</sc_bundles>
